<compile_context>
chip_gen: v7x
topology: tpu7x:2x2x1
jax: 0.10.2.dev20260603
libtpu: 0.0.44.dev20260713+nightly
codegen_flags: <defaults>
</compile_context>

<pallas_src>
import functools

import jax
import jax.numpy as jnp
from jax import lax
from jax.experimental import pallas as pl
from jax.experimental.pallas import tpu as pltpu
from jax.experimental.pallas import tpu_sc as plsc

_N = 10000
_D = 256
_E = 160000
_EPS = 1e-5

_H = 128
_NS = 16
_K = 80
_EPT = _E // _NS
_NCH = _EPT // _K
_NP = 10240
_RPT = _NP // _NS
_ZW = 40
_CW = 128


@functools.cache
def _make_sc_features():
    mesh = plsc.VectorSubcoreMesh(core_axis_name="c", subcore_axis_name="s")
    return pl.kernel(
        _sc_features_body,
        out_type=[
            jax.ShapeDtypeStruct((_NP, _H), jnp.float32),
            jax.ShapeDtypeStruct((_NP, _H), jnp.float32),
            jax.ShapeDtypeStruct((_NP, _H), jnp.float32),
            jax.ShapeDtypeStruct((_NP, _H), jnp.float32),
        ],
        mesh=mesh,
        scratch_types=[
            pltpu.VMEM_SHARED((_NP, _H), jnp.float32),
            pltpu.VMEM((_EPT,), jnp.int32),
            pltpu.VMEM((_NCH, _K), jnp.int32),
            pltpu.VMEM((_K, _H), jnp.float32),
            pltpu.VMEM((_K, _H), jnp.float32),
            pltpu.SemaphoreType.DMA,
            pltpu.SemaphoreType.DMA,
        ],
    )


def _sc_features_body(x_lo, x_hi, src0, dst0, src1, dst1, zf,
                      s0lo, s0hi, s1lo, s1hi,
                      acc, sbuf, dbuf, g0, g1, sem0, sem1):
    c = lax.axis_index("c")
    s = lax.axis_index("s")
    rbase = s * _RPT
    nz = _RPT // _K

    for e in range(2):
        src = (src0, src1)[e]
        dst = (dst0, dst1)[e]
        out_lo, out_hi = ((s0lo, s0hi), (s1lo, s1hi))[e]

        pltpu.async_copy(src.at[s], sbuf, sem1)
        pltpu.async_copy(dst.at[s], dbuf, sem1)
        pltpu.sync_copy(zf, g0)
        for j in range(nz):
            pltpu.async_copy(g0, acc.at[pl.ds(rbase + j * _K, _K)], sem0)
        for j in range(nz):
            pltpu.make_async_copy(g0, acc.at[pl.ds(rbase, _K)], sem0).wait()
        pltpu.make_async_copy(src.at[s], sbuf, sem1).wait()
        pltpu.make_async_copy(dst.at[s], dbuf, sem1).wait()
        plsc.subcore_barrier()

        def gather(i, gb, sem):
            idx = sbuf.at[pl.ds(i * _K, _K)]

            @pl.when(c == 0)
            def _():
                pltpu.async_copy(x_lo.at[idx], gb, sem)

            @pl.when(c == 1)
            def _():
                pltpu.async_copy(x_hi.at[idx], gb, sem)

        def drain(gb, sem):
            pltpu.make_async_copy(x_lo.at[sbuf.at[pl.ds(0, _K)]], gb, sem).wait()

        gather(0, g0, sem0)

        def body(t, carry):
            i0 = 2 * t
            drain(g0, sem0)
            gather(i0 + 1, g1, sem1)
            pltpu.sync_copy(g0, acc.at[dbuf.at[i0]], add=True)
            drain(g1, sem1)
            gather(i0 + 2, g0, sem0)
            pltpu.sync_copy(g1, acc.at[dbuf.at[i0 + 1]], add=True)
            return carry

        lax.fori_loop(0, (_NCH - 1) // 2, body, 0)
        drain(g0, sem0)
        pltpu.sync_copy(g0, acc.at[dbuf.at[_NCH - 1]], add=True)
        plsc.subcore_barrier()

        bufs = (g0, g1)
        pltpu.async_copy(acc.at[pl.ds(rbase, _K)], g0, sem0)
        for j in range(nz):
            gb = bufs[j % 2]
            r0 = rbase + j * _K
            pltpu.make_async_copy(acc.at[pl.ds(r0, _K)], gb, sem0).wait()
            if j >= 2:
                pltpu.make_async_copy(gb, out_lo.at[pl.ds(rbase, _K)],
                                      sem1).wait()

            @pl.when(c == 0)
            def _():
                pltpu.async_copy(gb, out_lo.at[pl.ds(r0, _K)], sem1)

            @pl.when(c == 1)
            def _():
                pltpu.async_copy(gb, out_hi.at[pl.ds(r0, _K)], sem1)

            if j + 1 < nz:
                pltpu.async_copy(acc.at[pl.ds(rbase + (j + 1) * _K, _K)],
                                 bufs[(j + 1) % 2], sem0)
        for j in range(2):
            pltpu.make_async_copy(g0, out_lo.at[pl.ds(rbase, _K)], sem1).wait()
        plsc.subcore_barrier()


@functools.cache
def _make_sc_counts():
    mesh = plsc.VectorSubcoreMesh(core_axis_name="c", subcore_axis_name="s")
    return pl.kernel(
        _sc_counts_body,
        out_type=[
            jax.ShapeDtypeStruct((_NP, _CW), jnp.float32),
            jax.ShapeDtypeStruct((_NP, _CW), jnp.float32),
        ],
        mesh=mesh,
        scratch_types=[
            pltpu.VMEM_SHARED((_NP, _CW), jnp.float32),
            pltpu.VMEM((_NCH, _K), jnp.int32),
            pltpu.VMEM((_K, _CW), jnp.float32),
            pltpu.VMEM((_ZW, _CW), jnp.float32),
            pltpu.SemaphoreType.DMA,
        ],
    )


def _sc_counts_body(dst0, dst1, zc, ones, c0, c1, cacc, dbuf, onev, cbuf, sem):
    c = lax.axis_index("c")
    s = lax.axis_index("s")
    rbase = s * _RPT
    pltpu.sync_copy(ones, onev)
    pltpu.sync_copy(zc, cbuf)

    for j in range(_RPT // _ZW):
        pltpu.async_copy(cbuf, cacc.at[pl.ds(rbase + j * _ZW, _ZW)], sem)
    for j in range(_RPT // _ZW):
        pltpu.make_async_copy(cbuf, cacc.at[pl.ds(rbase, _ZW)], sem).wait()
    plsc.subcore_barrier()

    for e in range(2):
        dst = (dst0, dst1)[e]

        @pl.when(c == e)
        def _():
            pltpu.sync_copy(dst.at[s], dbuf)

            def body(t, carry):
                for u in range(25):
                    pltpu.async_copy(onev, cacc.at[dbuf.at[25 * t + u]], sem,
                                     add=True)
                for u in range(25):
                    pltpu.make_async_copy(onev, cacc.at[dbuf.at[25 * t]],
                                          sem).wait()
                return carry

            lax.fori_loop(0, _NCH // 25, body, 0)

    plsc.subcore_barrier()

    for e in range(2):
        cout = (c0, c1)[e]

        @pl.when(c == e)
        def _():
            def wb(j, carry):
                r0 = rbase + j * _ZW
                pltpu.sync_copy(cacc.at[pl.ds(r0, _ZW)], cbuf)
                pltpu.sync_copy(cbuf, cout.at[pl.ds(r0, _ZW)])
                return carry

            lax.fori_loop(0, _RPT // _ZW, wb, 0)


_R = 400
_G = _N // _R


def _tc_matmul_stats(o0lo, o0hi, o1lo, o1hi, c0, c1,
                     w0lo, w0hi, w1lo, w1hi, h_ref, st_ref):
    i0 = 1.0 / jnp.maximum(c0[...][:, :1], 1.0)
    i1 = 1.0 / jnp.maximum(c1[...][:, :1], 1.0)
    dn = (((1,), (1,)), ((), ()))
    h = lax.dot_general(o0lo[...] * i0, w0lo[...], dn,
                        preferred_element_type=jnp.float32)
    h += lax.dot_general(o0hi[...] * i0, w0hi[...], dn,
                         preferred_element_type=jnp.float32)
    h += lax.dot_general(o1lo[...] * i1, w1lo[...], dn,
                         preferred_element_type=jnp.float32)
    h += lax.dot_general(o1hi[...] * i1, w1hi[...], dn,
                         preferred_element_type=jnp.float32)
    h_ref[...] = h

    @pl.when(pl.program_id(0) == 0)
    def _():
        st_ref[...] = jnp.zeros_like(st_ref)

    st_ref[pl.ds(0, 1), :] += jnp.sum(h, axis=0, keepdims=True)
    st_ref[pl.ds(1, 1), :] += jnp.sum(h * h, axis=0, keepdims=True)


def _tc_norm_residual(h, x, st, gam, bet, o):
    mu = st[pl.ds(0, 1), :] / _N
    ex2 = st[pl.ds(1, 1), :] / _N
    var = ex2 - mu * mu
    scale = gam[...] * lax.rsqrt(var + _EPS)
    o[...] = (h[...] - mu) * scale + bet[...] + x[...]


def kernel(x, edge_index_e0, edge_index_e1, W_e0, W_e1, gamma, beta):
    x_lo = x[:, :_H]
    x_hi = x[:, _H:]
    src0 = edge_index_e0[0].reshape(_NS, _EPT)
    dst0 = edge_index_e0[1].reshape(_NS, _NCH, _K)
    src1 = edge_index_e1[0].reshape(_NS, _EPT)
    dst1 = edge_index_e1[1].reshape(_NS, _NCH, _K)
    zf = jnp.zeros((_K, _H), jnp.float32)
    zc = jnp.zeros((_ZW, _CW), jnp.float32)
    ones = jnp.ones((_K, _CW), jnp.float32)

    s0lo, s0hi, s1lo, s1hi = _make_sc_features()(
        x_lo, x_hi, src0, dst0, src1, dst1, zf)
    c0, c1 = _make_sc_counts()(dst0, dst1, zc, ones)


    h, st = pl.pallas_call(
        _tc_matmul_stats,
        grid=(_G,),
        in_specs=[
            pl.BlockSpec((_R, _H), lambda i: (i, 0)),
            pl.BlockSpec((_R, _H), lambda i: (i, 0)),
            pl.BlockSpec((_R, _H), lambda i: (i, 0)),
            pl.BlockSpec((_R, _H), lambda i: (i, 0)),
            pl.BlockSpec((_R, _CW), lambda i: (i, 0)),
            pl.BlockSpec((_R, _CW), lambda i: (i, 0)),
            pl.BlockSpec((_D, _H), lambda i: (0, 0)),
            pl.BlockSpec((_D, _H), lambda i: (0, 0)),
            pl.BlockSpec((_D, _H), lambda i: (0, 0)),
            pl.BlockSpec((_D, _H), lambda i: (0, 0)),
        ],
        out_specs=[
            pl.BlockSpec((_R, _D), lambda i: (i, 0)),
            pl.BlockSpec((8, _D), lambda i: (0, 0)),
        ],
        out_shape=[
            jax.ShapeDtypeStruct((_N, _D), jnp.float32),
            jax.ShapeDtypeStruct((8, _D), jnp.float32),
        ],
    )(s0lo, s0hi, s1lo, s1hi, c0, c1,
      W_e0[:, :_H], W_e0[:, _H:], W_e1[:, :_H], W_e1[:, _H:])

    out = pl.pallas_call(
        _tc_norm_residual,
        grid=(_G,),
        in_specs=[
            pl.BlockSpec((_R, _D), lambda i: (i, 0)),
            pl.BlockSpec((_R, _D), lambda i: (i, 0)),
            pl.BlockSpec((8, _D), lambda i: (0, 0)),
            pl.BlockSpec((1, _D), lambda i: (0, 0)),
            pl.BlockSpec((1, _D), lambda i: (0, 0)),
        ],
        out_specs=pl.BlockSpec((_R, _D), lambda i: (i, 0)),
        out_shape=jax.ShapeDtypeStruct((_N, _D), jnp.float32),
    )(h, x, st, gamma.reshape(1, _D), beta.reshape(1, _D))

    return out

# --- scband reference (transcript-rebuilt; emitter-appended) ---
"""Pipeline reference for scband-custom-hetero-rgcnlayer-29171417875235 (READ-ONLY COPY).

The authoritative reference and input builder live on the scoring server;
editing this copy changes nothing except your own understanding.
"""

import jax, jax.numpy as jnp
import numpy as np

N = 10000
D = 256
E = 160000
EPS = 1e-5


def setup_inputs(seed: int = 0) -> dict:
    key = jax.random.key(seed)
    k1, k2, k3, k4, k5 = jax.random.split(key, 5)
    x = jax.random.normal(k1, (N, D), dtype=jnp.float32)
    edge_index_e0 = jax.random.randint(k2, (2, E), 0, N, dtype=jnp.int32)
    edge_index_e1 = jax.random.randint(k3, (2, E), 0, N, dtype=jnp.int32)
    # learned params: per-etype linear weights (out_size, in_size), BN gamma/beta
    W_e0 = jax.random.normal(k4, (D, D), dtype=jnp.float32) * (1.0 / np.sqrt(D))
    W_e1 = jax.random.normal(k5, (D, D), dtype=jnp.float32) * (1.0 / np.sqrt(D))
    gamma = jnp.ones((D,), dtype=jnp.float32)
    beta = jnp.zeros((D,), dtype=jnp.float32)
    return {"x": x, "edge_index_e0": edge_index_e0, "edge_index_e1": edge_index_e1,
            "W_e0": W_e0, "W_e1": W_e1, "gamma": gamma, "beta": beta}


def _etype_mean(x, W, edge_index):
    # Wh = Linear(x) (no bias); dropout_rate=0 -> identity
    Wh = x @ W.T
    src = edge_index[0]
    dst = edge_index[1]
    msgs = jnp.take(Wh, src, axis=0)                       # copy_u gather
    summed = jax.ops.segment_sum(msgs, dst, num_segments=N)  # scatter-add by dst
    cnt = jax.ops.segment_sum(jnp.ones((msgs.shape[0],), dtype=jnp.float32), dst, num_segments=N)
    mean = summed / jnp.maximum(cnt, 1.0)[:, None]         # fn.mean; zero in-degree -> 0
    return mean


def reference(x, edge_index_e0, edge_index_e1, W_e0, W_e1, gamma, beta):
    # multi_update_all with cross-etype reducer 'sum'
    h = _etype_mean(x, W_e0, edge_index_e0) + _etype_mean(x, W_e1, edge_index_e1)
    # BatchNorm1d (training mode: batch statistics, biased variance)
    mu = jnp.mean(h, axis=0)
    var = jnp.mean((h - mu) ** 2, axis=0)
    h = (h - mu) / jnp.sqrt(var + EPS) * gamma + beta
    # residual: in_size == out_size -> Identity
    h = h + x
    return h

if __name__ == "__main__":
    import jax
    _d = setup_inputs()
    print(jax.jit(kernel)(*tuple(_d.values())))

</pallas_src>

<mosaic_0001>
#map = affine_map<(d0, d1) -> (0, 0)>
#map1 = affine_map<(d0, d1) -> (0, 0, 0)>
module attributes {stable_mosaic.version = 14 : i64} {
  func.func @_sc_features_body(%arg0: i32, %arg1: i32, %arg2: memref<10000x128xf32, #tpu.memory_space<hbm>>, %arg3: memref<10000x128xf32, #tpu.memory_space<hbm>>, %arg4: memref<16x10000xi32, #tpu.memory_space<hbm>>, %arg5: memref<16x125x80xi32, #tpu.memory_space<hbm>>, %arg6: memref<16x10000xi32, #tpu.memory_space<hbm>>, %arg7: memref<16x125x80xi32, #tpu.memory_space<hbm>>, %arg8: memref<80x128xf32, #tpu.memory_space<hbm>>, %arg9: memref<10240x128xf32, #tpu.memory_space<hbm>>, %arg10: memref<10240x128xf32, #tpu.memory_space<hbm>>, %arg11: memref<10240x128xf32, #tpu.memory_space<hbm>>, %arg12: memref<10240x128xf32, #tpu.memory_space<hbm>>, %arg13: memref<10240x128xf32, #tpu.memory_space<vmem_shared>>, %arg14: memref<10000xi32, #tpu.memory_space<vmem>>, %arg15: memref<125x80xi32, #tpu.memory_space<vmem>>, %arg16: memref<80x128xf32, #tpu.memory_space<vmem>>, %arg17: memref<80x128xf32, #tpu.memory_space<vmem>>, %arg18: memref<!tpu.dma_semaphore, #tpu.memory_space<semaphore_mem>>, %arg19: memref<!tpu.dma_semaphore, #tpu.memory_space<semaphore_mem>>) attributes {dimension_semantics = [#tpu.dimension_semantics<core_parallel>, #tpu.dimension_semantics<subcore_parallel>], iteration_bounds = array<i64: 2, 16>, scalar_prefetch = 0 : i64, scratch_operands = 7 : i64, tpu.core_type = #tpu.core_type<sc_vector_subcore>, window_params = [{transform_indices = #map}, {transform_indices = #map}, {transform_indices = #map}, {transform_indices = #map1}, {transform_indices = #map}, {transform_indices = #map1}, {transform_indices = #map}, {transform_indices = #map}, {transform_indices = #map}, {transform_indices = #map}, {transform_indices = #map}]} {
    %mul3A = arith.constant 640 : i32
    %mul3A_0 = arith.muli %arg1, %mul3A : i32
    %dma_start3A = arith.constant 0 : i32
    %dma_start3A_1 = tpu.memref_slice %arg4[%arg1, %dma_start3A] : memref<16x10000xi32, #tpu.memory_space<hbm>> -> memref<1x10000xi32, #tpu.memory_space<hbm>>
    %dma_start3A_2 = tpu.memref_squeeze %dma_start3A_1 : memref<1x10000xi32, #tpu.memory_space<hbm>> -> memref<10000xi32, #tpu.memory_space<hbm>>
    %dma_start3A_3 = arith.constant 0 : i32
    %dma_start3A_4 = tpu.memref_slice %arg4[%arg1, %dma_start3A_3] : memref<16x10000xi32, #tpu.memory_space<hbm>> -> memref<1x10000xi32, #tpu.memory_space<hbm>>
    %dma_start3A_5 = tpu.memref_squeeze %dma_start3A_4 : memref<1x10000xi32, #tpu.memory_space<hbm>> -> memref<10000xi32, #tpu.memory_space<hbm>>
    tpu.enqueue_dma source(%dma_start3A_5 : memref<10000xi32, #tpu.memory_space<hbm>>) target(%arg14 : memref<10000xi32, #tpu.memory_space<vmem>>) target_semaphore(%arg19 : memref<!tpu.dma_semaphore, #tpu.memory_space<semaphore_mem>>)
    %dma_start3A_6 = arith.constant 0 : i32
    %dma_start3A_7 = arith.constant 0 : i32
    %dma_start3A_8 = tpu.memref_slice %arg5[%arg1, %dma_start3A_6, %dma_start3A_7] : memref<16x125x80xi32, #tpu.memory_space<hbm>> -> memref<1x125x80xi32, #tpu.memory_space<hbm>>
    %dma_start3A_9 = tpu.memref_squeeze %dma_start3A_8 : memref<1x125x80xi32, #tpu.memory_space<hbm>> -> memref<125x80xi32, #tpu.memory_space<hbm>>
    %dma_start3A_10 = arith.constant 0 : i32
    %dma_start3A_11 = arith.constant 0 : i32
    %dma_start3A_12 = tpu.memref_slice %arg5[%arg1, %dma_start3A_10, %dma_start3A_11] : memref<16x125x80xi32, #tpu.memory_space<hbm>> -> memref<1x125x80xi32, #tpu.memory_space<hbm>>
    %dma_start3A_13 = tpu.memref_squeeze %dma_start3A_12 : memref<1x125x80xi32, #tpu.memory_space<hbm>> -> memref<125x80xi32, #tpu.memory_space<hbm>>
    tpu.enqueue_dma source(%dma_start3A_13 : memref<125x80xi32, #tpu.memory_space<hbm>>) target(%arg15 : memref<125x80xi32, #tpu.memory_space<vmem>>) target_semaphore(%arg19 : memref<!tpu.dma_semaphore, #tpu.memory_space<semaphore_mem>>)
    "tpu.region"() ({
      %run_scoped3A_670 = tpu.sem_alloc : memref<!tpu.dma_semaphore, #tpu.memory_space<semaphore_mem>>
      tpu.enqueue_dma source(%arg8 : memref<80x128xf32, #tpu.memory_space<hbm>>) target(%arg16 : memref<80x128xf32, #tpu.memory_space<vmem>>) target_semaphore(%run_scoped3A_670 : memref<!tpu.dma_semaphore, #tpu.memory_space<semaphore_mem>>)
      tpu.wait_dma2 semaphore(%run_scoped3A_670 : memref<!tpu.dma_semaphore, #tpu.memory_space<semaphore_mem>>) src(%arg8 : memref<80x128xf32, #tpu.memory_space<hbm>>) dst(%arg16 : memref<80x128xf32, #tpu.memory_space<vmem>>)
      tpu.yield
    }) : () -> ()
    %add3A = arith.constant 0 : i32
    %add3A_14 = arith.addi %mul3A_0, %add3A : i32
    %dma_start3A_15 = arith.constant 0 : i32
    %dma_start3A_16 = tpu.memref_slice %arg13[%add3A_14, %dma_start3A_15] : memref<10240x128xf32, #tpu.memory_space<vmem_shared>> -> memref<80x128xf32, #tpu.memory_space<vmem_shared>>
    %dma_start3A_17 = arith.constant 0 : i32
    %dma_start3A_18 = tpu.memref_slice %arg13[%add3A_14, %dma_start3A_17] : memref<10240x128xf32, #tpu.memory_space<vmem_shared>> -> memref<80x128xf32, #tpu.memory_space<vmem_shared>>
    tpu.enqueue_dma source(%arg16 : memref<80x128xf32, #tpu.memory_space<vmem>>) target(%dma_start3A_18 : memref<80x128xf32, #tpu.memory_space<vmem_shared>>) target_semaphore(%arg18 : memref<!tpu.dma_semaphore, #tpu.memory_space<semaphore_mem>>)
    %add3A_19 = arith.constant 80 : i32
    %add3A_20 = arith.addi %mul3A_0, %add3A_19 : i32
    %dma_start3A_21 = arith.constant 0 : i32
    %dma_start3A_22 = tpu.memref_slice %arg13[%add3A_20, %dma_start3A_21] : memref<10240x128xf32, #tpu.memory_space<vmem_shared>> -> memref<80x128xf32, #tpu.memory_space<vmem_shared>>
    %dma_start3A_23 = arith.constant 0 : i32
    %dma_start3A_24 = tpu.memref_slice %arg13[%add3A_20, %dma_start3A_23] : memref<10240x128xf32, #tpu.memory_space<vmem_shared>> -> memref<80x128xf32, #tpu.memory_space<vmem_shared>>
    tpu.enqueue_dma source(%arg16 : memref<80x128xf32, #tpu.memory_space<vmem>>) target(%dma_start3A_24 : memref<80x128xf32, #tpu.memory_space<vmem_shared>>) target_semaphore(%arg18 : memref<!tpu.dma_semaphore, #tpu.memory_space<semaphore_mem>>)
    %add3A_25 = arith.constant 160 : i32
    %add3A_26 = arith.addi %mul3A_0, %add3A_25 : i32
    %dma_start3A_27 = arith.constant 0 : i32
    %dma_start3A_28 = tpu.memref_slice %arg13[%add3A_26, %dma_start3A_27] : memref<10240x128xf32, #tpu.memory_space<vmem_shared>> -> memref<80x128xf32, #tpu.memory_space<vmem_shared>>
    %dma_start3A_29 = arith.constant 0 : i32
    %dma_start3A_30 = tpu.memref_slice %arg13[%add3A_26, %dma_start3A_29] : memref<10240x128xf32, #tpu.memory_space<vmem_shared>> -> memref<80x128xf32, #tpu.memory_space<vmem_shared>>
    tpu.enqueue_dma source(%arg16 : memref<80x128xf32, #tpu.memory_space<vmem>>) target(%dma_start3A_30 : memref<80x128xf32, #tpu.memory_space<vmem_shared>>) target_semaphore(%arg18 : memref<!tpu.dma_semaphore, #tpu.memory_space<semaphore_mem>>)
    %add3A_31 = arith.constant 240 : i32
    %add3A_32 = arith.addi %mul3A_0, %add3A_31 : i32
    %dma_start3A_33 = arith.constant 0 : i32
    %dma_start3A_34 = tpu.memref_slice %arg13[%add3A_32, %dma_start3A_33] : memref<10240x128xf32, #tpu.memory_space<vmem_shared>> -> memref<80x128xf32, #tpu.memory_space<vmem_shared>>
    %dma_start3A_35 = arith.constant 0 : i32
    %dma_start3A_36 = tpu.memref_slice %arg13[%add3A_32, %dma_start3A_35] : memref<10240x128xf32, #tpu.memory_space<vmem_shared>> -> memref<80x128xf32, #tpu.memory_space<vmem_shared>>
    tpu.enqueue_dma source(%arg16 : memref<80x128xf32, #tpu.memory_space<vmem>>) target(%dma_start3A_36 : memref<80x128xf32, #tpu.memory_space<vmem_shared>>) target_semaphore(%arg18 : memref<!tpu.dma_semaphore, #tpu.memory_space<semaphore_mem>>)
    %add3A_37 = arith.constant 320 : i32
    %add3A_38 = arith.addi %mul3A_0, %add3A_37 : i32
    %dma_start3A_39 = arith.constant 0 : i32
    %dma_start3A_40 = tpu.memref_slice %arg13[%add3A_38, %dma_start3A_39] : memref<10240x128xf32, #tpu.memory_space<vmem_shared>> -> memref<80x128xf32, #tpu.memory_space<vmem_shared>>
    %dma_start3A_41 = arith.constant 0 : i32
    %dma_start3A_42 = tpu.memref_slice %arg13[%add3A_38, %dma_start3A_41] : memref<10240x128xf32, #tpu.memory_space<vmem_shared>> -> memref<80x128xf32, #tpu.memory_space<vmem_shared>>
    tpu.enqueue_dma source(%arg16 : memref<80x128xf32, #tpu.memory_space<vmem>>) target(%dma_start3A_42 : memref<80x128xf32, #tpu.memory_space<vmem_shared>>) target_semaphore(%arg18 : memref<!tpu.dma_semaphore, #tpu.memory_space<semaphore_mem>>)
    %add3A_43 = arith.constant 400 : i32
    %add3A_44 = arith.addi %mul3A_0, %add3A_43 : i32
    %dma_start3A_45 = arith.constant 0 : i32
    %dma_start3A_46 = tpu.memref_slice %arg13[%add3A_44, %dma_start3A_45] : memref<10240x128xf32, #tpu.memory_space<vmem_shared>> -> memref<80x128xf32, #tpu.memory_space<vmem_shared>>
    %dma_start3A_47 = arith.constant 0 : i32
    %dma_start3A_48 = tpu.memref_slice %arg13[%add3A_44, %dma_start3A_47] : memref<10240x128xf32, #tpu.memory_space<vmem_shared>> -> memref<80x128xf32, #tpu.memory_space<vmem_shared>>
    tpu.enqueue_dma source(%arg16 : memref<80x128xf32, #tpu.memory_space<vmem>>) target(%dma_start3A_48 : memref<80x128xf32, #tpu.memory_space<vmem_shared>>) target_semaphore(%arg18 : memref<!tpu.dma_semaphore, #tpu.memory_space<semaphore_mem>>)
    %add3A_49 = arith.constant 480 : i32
    %add3A_50 = arith.addi %mul3A_0, %add3A_49 : i32
    %dma_start3A_51 = arith.constant 0 : i32
    %dma_start3A_52 = tpu.memref_slice %arg13[%add3A_50, %dma_start3A_51] : memref<10240x128xf32, #tpu.memory_space<vmem_shared>> -> memref<80x128xf32, #tpu.memory_space<vmem_shared>>
    %dma_start3A_53 = arith.constant 0 : i32
    %dma_start3A_54 = tpu.memref_slice %arg13[%add3A_50, %dma_start3A_53] : memref<10240x128xf32, #tpu.memory_space<vmem_shared>> -> memref<80x128xf32, #tpu.memory_space<vmem_shared>>
    tpu.enqueue_dma source(%arg16 : memref<80x128xf32, #tpu.memory_space<vmem>>) target(%dma_start3A_54 : memref<80x128xf32, #tpu.memory_space<vmem_shared>>) target_semaphore(%arg18 : memref<!tpu.dma_semaphore, #tpu.memory_space<semaphore_mem>>)
    %add3A_55 = arith.constant 560 : i32
    %add3A_56 = arith.addi %mul3A_0, %add3A_55 : i32
    %dma_start3A_57 = arith.constant 0 : i32
    %dma_start3A_58 = tpu.memref_slice %arg13[%add3A_56, %dma_start3A_57] : memref<10240x128xf32, #tpu.memory_space<vmem_shared>> -> memref<80x128xf32, #tpu.memory_space<vmem_shared>>
    %dma_start3A_59 = arith.constant 0 : i32
    %dma_start3A_60 = tpu.memref_slice %arg13[%add3A_56, %dma_start3A_59] : memref<10240x128xf32, #tpu.memory_space<vmem_shared>> -> memref<80x128xf32, #tpu.memory_space<vmem_shared>>
    tpu.enqueue_dma source(%arg16 : memref<80x128xf32, #tpu.memory_space<vmem>>) target(%dma_start3A_60 : memref<80x128xf32, #tpu.memory_space<vmem_shared>>) target_semaphore(%arg18 : memref<!tpu.dma_semaphore, #tpu.memory_space<semaphore_mem>>)
    %dma_wait3A = arith.constant 0 : i32
    %dma_wait3A_61 = tpu.memref_slice %arg13[%mul3A_0, %dma_wait3A] : memref<10240x128xf32, #tpu.memory_space<vmem_shared>> -> memref<80x128xf32, #tpu.memory_space<vmem_shared>>
    %dma_wait3A_62 = arith.constant 0 : i32
    %dma_wait3A_63 = tpu.memref_slice %arg13[%mul3A_0, %dma_wait3A_62] : memref<10240x128xf32, #tpu.memory_space<vmem_shared>> -> memref<80x128xf32, #tpu.memory_space<vmem_shared>>
    tpu.wait_dma2 semaphore(%arg18 : memref<!tpu.dma_semaphore, #tpu.memory_space<semaphore_mem>>) src(%arg16 : memref<80x128xf32, #tpu.memory_space<vmem>>) dst(%dma_wait3A_63 : memref<80x128xf32, #tpu.memory_space<vmem_shared>>)
    %dma_wait3A_64 = arith.constant 0 : i32
    %dma_wait3A_65 = tpu.memref_slice %arg13[%mul3A_0, %dma_wait3A_64] : memref<10240x128xf32, #tpu.memory_space<vmem_shared>> -> memref<80x128xf32, #tpu.memory_space<vmem_shared>>
    %dma_wait3A_66 = arith.constant 0 : i32
    %dma_wait3A_67 = tpu.memref_slice %arg13[%mul3A_0, %dma_wait3A_66] : memref<10240x128xf32, #tpu.memory_space<vmem_shared>> -> memref<80x128xf32, #tpu.memory_space<vmem_shared>>
    tpu.wait_dma2 semaphore(%arg18 : memref<!tpu.dma_semaphore, #tpu.memory_space<semaphore_mem>>) src(%arg16 : memref<80x128xf32, #tpu.memory_space<vmem>>) dst(%dma_wait3A_67 : memref<80x128xf32, #tpu.memory_space<vmem_shared>>)
    %dma_wait3A_68 = arith.constant 0 : i32
    %dma_wait3A_69 = tpu.memref_slice %arg13[%mul3A_0, %dma_wait3A_68] : memref<10240x128xf32, #tpu.memory_space<vmem_shared>> -> memref<80x128xf32, #tpu.memory_space<vmem_shared>>
    %dma_wait3A_70 = arith.constant 0 : i32
    %dma_wait3A_71 = tpu.memref_slice %arg13[%mul3A_0, %dma_wait3A_70] : memref<10240x128xf32, #tpu.memory_space<vmem_shared>> -> memref<80x128xf32, #tpu.memory_space<vmem_shared>>
    tpu.wait_dma2 semaphore(%arg18 : memref<!tpu.dma_semaphore, #tpu.memory_space<semaphore_mem>>) src(%arg16 : memref<80x128xf32, #tpu.memory_space<vmem>>) dst(%dma_wait3A_71 : memref<80x128xf32, #tpu.memory_space<vmem_shared>>)
    %dma_wait3A_72 = arith.constant 0 : i32
    %dma_wait3A_73 = tpu.memref_slice %arg13[%mul3A_0, %dma_wait3A_72] : memref<10240x128xf32, #tpu.memory_space<vmem_shared>> -> memref<80x128xf32, #tpu.memory_space<vmem_shared>>
    %dma_wait3A_74 = arith.constant 0 : i32
    %dma_wait3A_75 = tpu.memref_slice %arg13[%mul3A_0, %dma_wait3A_74] : memref<10240x128xf32, #tpu.memory_space<vmem_shared>> -> memref<80x128xf32, #tpu.memory_space<vmem_shared>>
    tpu.wait_dma2 semaphore(%arg18 : memref<!tpu.dma_semaphore, #tpu.memory_space<semaphore_mem>>) src(%arg16 : memref<80x128xf32, #tpu.memory_space<vmem>>) dst(%dma_wait3A_75 : memref<80x128xf32, #tpu.memory_space<vmem_shared>>)
    %dma_wait3A_76 = arith.constant 0 : i32
    %dma_wait3A_77 = tpu.memref_slice %arg13[%mul3A_0, %dma_wait3A_76] : memref<10240x128xf32, #tpu.memory_space<vmem_shared>> -> memref<80x128xf32, #tpu.memory_space<vmem_shared>>
    %dma_wait3A_78 = arith.constant 0 : i32
    %dma_wait3A_79 = tpu.memref_slice %arg13[%mul3A_0, %dma_wait3A_78] : memref<10240x128xf32, #tpu.memory_space<vmem_shared>> -> memref<80x128xf32, #tpu.memory_space<vmem_shared>>
    tpu.wait_dma2 semaphore(%arg18 : memref<!tpu.dma_semaphore, #tpu.memory_space<semaphore_mem>>) src(%arg16 : memref<80x128xf32, #tpu.memory_space<vmem>>) dst(%dma_wait3A_79 : memref<80x128xf32, #tpu.memory_space<vmem_shared>>)
    %dma_wait3A_80 = arith.constant 0 : i32
    %dma_wait3A_81 = tpu.memref_slice %arg13[%mul3A_0, %dma_wait3A_80] : memref<10240x128xf32, #tpu.memory_space<vmem_shared>> -> memref<80x128xf32, #tpu.memory_space<vmem_shared>>
    %dma_wait3A_82 = arith.constant 0 : i32
    %dma_wait3A_83 = tpu.memref_slice %arg13[%mul3A_0, %dma_wait3A_82] : memref<10240x128xf32, #tpu.memory_space<vmem_shared>> -> memref<80x128xf32, #tpu.memory_space<vmem_shared>>
    tpu.wait_dma2 semaphore(%arg18 : memref<!tpu.dma_semaphore, #tpu.memory_space<semaphore_mem>>) src(%arg16 : memref<80x128xf32, #tpu.memory_space<vmem>>) dst(%dma_wait3A_83 : memref<80x128xf32, #tpu.memory_space<vmem_shared>>)
    %dma_wait3A_84 = arith.constant 0 : i32
    %dma_wait3A_85 = tpu.memref_slice %arg13[%mul3A_0, %dma_wait3A_84] : memref<10240x128xf32, #tpu.memory_space<vmem_shared>> -> memref<80x128xf32, #tpu.memory_space<vmem_shared>>
    %dma_wait3A_86 = arith.constant 0 : i32
    %dma_wait3A_87 = tpu.memref_slice %arg13[%mul3A_0, %dma_wait3A_86] : memref<10240x128xf32, #tpu.memory_space<vmem_shared>> -> memref<80x128xf32, #tpu.memory_space<vmem_shared>>
    tpu.wait_dma2 semaphore(%arg18 : memref<!tpu.dma_semaphore, #tpu.memory_space<semaphore_mem>>) src(%arg16 : memref<80x128xf32, #tpu.memory_space<vmem>>) dst(%dma_wait3A_87 : memref<80x128xf32, #tpu.memory_space<vmem_shared>>)
    %dma_wait3A_88 = arith.constant 0 : i32
    %dma_wait3A_89 = tpu.memref_slice %arg13[%mul3A_0, %dma_wait3A_88] : memref<10240x128xf32, #tpu.memory_space<vmem_shared>> -> memref<80x128xf32, #tpu.memory_space<vmem_shared>>
    %dma_wait3A_90 = arith.constant 0 : i32
    %dma_wait3A_91 = tpu.memref_slice %arg13[%mul3A_0, %dma_wait3A_90] : memref<10240x128xf32, #tpu.memory_space<vmem_shared>> -> memref<80x128xf32, #tpu.memory_space<vmem_shared>>
    tpu.wait_dma2 semaphore(%arg18 : memref<!tpu.dma_semaphore, #tpu.memory_space<semaphore_mem>>) src(%arg16 : memref<80x128xf32, #tpu.memory_space<vmem>>) dst(%dma_wait3A_91 : memref<80x128xf32, #tpu.memory_space<vmem_shared>>)
    %dma_wait3A_92 = arith.constant 0 : i32
    %dma_wait3A_93 = tpu.memref_slice %arg4[%arg1, %dma_wait3A_92] : memref<16x10000xi32, #tpu.memory_space<hbm>> -> memref<1x10000xi32, #tpu.memory_space<hbm>>
    %dma_wait3A_94 = tpu.memref_squeeze %dma_wait3A_93 : memref<1x10000xi32, #tpu.memory_space<hbm>> -> memref<10000xi32, #tpu.memory_space<hbm>>
    %dma_wait3A_95 = arith.constant 0 : i32
    %dma_wait3A_96 = tpu.memref_slice %arg4[%arg1, %dma_wait3A_95] : memref<16x10000xi32, #tpu.memory_space<hbm>> -> memref<1x10000xi32, #tpu.memory_space<hbm>>
    %dma_wait3A_97 = tpu.memref_squeeze %dma_wait3A_96 : memref<1x10000xi32, #tpu.memory_space<hbm>> -> memref<10000xi32, #tpu.memory_space<hbm>>
    tpu.wait_dma2 semaphore(%arg19 : memref<!tpu.dma_semaphore, #tpu.memory_space<semaphore_mem>>) src(%dma_wait3A_97 : memref<10000xi32, #tpu.memory_space<hbm>>) dst(%arg14 : memref<10000xi32, #tpu.memory_space<vmem>>)
    %dma_wait3A_98 = arith.constant 0 : i32
    %dma_wait3A_99 = arith.constant 0 : i32
    %dma_wait3A_100 = tpu.memref_slice %arg5[%arg1, %dma_wait3A_98, %dma_wait3A_99] : memref<16x125x80xi32, #tpu.memory_space<hbm>> -> memref<1x125x80xi32, #tpu.memory_space<hbm>>
    %dma_wait3A_101 = tpu.memref_squeeze %dma_wait3A_100 : memref<1x125x80xi32, #tpu.memory_space<hbm>> -> memref<125x80xi32, #tpu.memory_space<hbm>>
    %dma_wait3A_102 = arith.constant 0 : i32
    %dma_wait3A_103 = arith.constant 0 : i32
    %dma_wait3A_104 = tpu.memref_slice %arg5[%arg1, %dma_wait3A_102, %dma_wait3A_103] : memref<16x125x80xi32, #tpu.memory_space<hbm>> -> memref<1x125x80xi32, #tpu.memory_space<hbm>>
    %dma_wait3A_105 = tpu.memref_squeeze %dma_wait3A_104 : memref<1x125x80xi32, #tpu.memory_space<hbm>> -> memref<125x80xi32, #tpu.memory_space<hbm>>
    tpu.wait_dma2 semaphore(%arg19 : memref<!tpu.dma_semaphore, #tpu.memory_space<semaphore_mem>>) src(%dma_wait3A_105 : memref<125x80xi32, #tpu.memory_space<hbm>>) dst(%arg15 : memref<125x80xi32, #tpu.memory_space<vmem>>)
    %barrier3A = arith.constant 0 : index
    tpu.barrier barrier_id(%barrier3A)
    %eq3A = arith.constant 0 : i32
    %eq3A_106 = arith.cmpi eq, %arg0, %eq3A : i32
    %convert_element_type3A = arith.extui %eq3A_106 : i1 to i32
    %cond3A = arith.constant 0 : i32
    %cond3A_107 = arith.cmpi ne, %convert_element_type3A, %cond3A : i32
    scf.if %cond3A_107 {
      %dma_start3A_670 = arith.constant 0 : i32
      %dma_start3A_671 = tpu.memref_slice %arg14[%dma_start3A_670] : memref<10000xi32, #tpu.memory_space<vmem>> -> memref<80xi32, #tpu.memory_space<vmem>>
      %dma_start3A_672 = arith.constant 0 : i32
      %dma_start3A_673 = arith.constant 0 : i32
      %dma_start3A_674 = tpu.memref_slice %arg2[%dma_start3A_672, %dma_start3A_673] : memref<10000x128xf32, #tpu.memory_space<hbm>> -> memref<10000x128xf32, #tpu.memory_space<hbm>>
      tpu.enqueue_indirect_dma source(%dma_start3A_674 : memref<10000x128xf32, #tpu.memory_space<hbm>>) target(%arg16 : memref<80x128xf32, #tpu.memory_space<vmem>>) offsets(%dma_start3A_671 : memref<80xi32, #tpu.memory_space<vmem>>) semaphore(%arg18 : memref<!tpu.dma_semaphore, #tpu.memory_space<semaphore_mem>>)
    } else {
    }
    %eq3A_108 = arith.constant 1 : i32
    %eq3A_109 = arith.cmpi eq, %arg0, %eq3A_108 : i32
    %convert_element_type3A_110 = arith.extui %eq3A_109 : i1 to i32
    %cond3A_111 = arith.constant 0 : i32
    %cond3A_112 = arith.cmpi ne, %convert_element_type3A_110, %cond3A_111 : i32
    scf.if %cond3A_112 {
      %dma_start3A_670 = arith.constant 0 : i32
      %dma_start3A_671 = tpu.memref_slice %arg14[%dma_start3A_670] : memref<10000xi32, #tpu.memory_space<vmem>> -> memref<80xi32, #tpu.memory_space<vmem>>
      %dma_start3A_672 = arith.constant 0 : i32
      %dma_start3A_673 = arith.constant 0 : i32
      %dma_start3A_674 = tpu.memref_slice %arg3[%dma_start3A_672, %dma_start3A_673] : memref<10000x128xf32, #tpu.memory_space<hbm>> -> memref<10000x128xf32, #tpu.memory_space<hbm>>
      tpu.enqueue_indirect_dma source(%dma_start3A_674 : memref<10000x128xf32, #tpu.memory_space<hbm>>) target(%arg16 : memref<80x128xf32, #tpu.memory_space<vmem>>) offsets(%dma_start3A_671 : memref<80xi32, #tpu.memory_space<vmem>>) semaphore(%arg18 : memref<!tpu.dma_semaphore, #tpu.memory_space<semaphore_mem>>)
    } else {
    }
    %scan3A = arith.constant 0 : i32
    %scan3A_113 = arith.constant 0 : i32
    %scan3A_114 = arith.constant 62 : i32
    %scan3A_115 = arith.addi %scan3A_113, %scan3A_114 : i32
    %scan3A_116 = arith.constant 1 : i32
    scf.for %scan3A_670 = %scan3A_113 to %scan3A_115 step %scan3A_116  : i32 {
      %mul3A_671 = arith.constant 2 : i32
      %mul3A_672 = arith.muli %mul3A_671, %scan3A_670 : i32
      %dma_wait3A_673 = arith.constant 0 : i32
      %dma_wait3A_674 = tpu.memref_slice %arg14[%dma_wait3A_673] : memref<10000xi32, #tpu.memory_space<vmem>> -> memref<80xi32, #tpu.memory_space<vmem>>
      %dma_wait3A_675 = arith.constant 0 : i32
      %dma_wait3A_676 = arith.constant 0 : i32
      %dma_wait3A_677 = tpu.memref_slice %arg2[%dma_wait3A_675, %dma_wait3A_676] : memref<10000x128xf32, #tpu.memory_space<hbm>> -> memref<10000x128xf32, #tpu.memory_space<hbm>>
      tpu.wait_indirect_dma semaphore(%arg18 : memref<!tpu.dma_semaphore, #tpu.memory_space<semaphore_mem>>) src(%dma_wait3A_677 : memref<10000x128xf32, #tpu.memory_space<hbm>>) dst(%arg16 : memref<80x128xf32, #tpu.memory_space<vmem>>)
      %add3A_678 = arith.constant 1 : i32
      %add3A_679 = arith.addi %mul3A_672, %add3A_678 : i32
      %mul3A_680 = arith.constant 80 : i32
      %mul3A_681 = arith.muli %add3A_679, %mul3A_680 : i32
      %eq3A_682 = arith.constant 0 : i32
      %eq3A_683 = arith.cmpi eq, %arg0, %eq3A_682 : i32
      %convert_element_type3A_684 = arith.extui %eq3A_683 : i1 to i32
      %cond3A_685 = arith.constant 0 : i32
      %cond3A_686 = arith.cmpi ne, %convert_element_type3A_684, %cond3A_685 : i32
      scf.if %cond3A_686 {
        %dma_start3A_713 = tpu.memref_slice %arg14[%mul3A_681] : memref<10000xi32, #tpu.memory_space<vmem>> -> memref<80xi32, #tpu.memory_space<vmem>>
        %dma_start3A_714 = arith.constant 0 : i32
        %dma_start3A_715 = arith.constant 0 : i32
        %dma_start3A_716 = tpu.memref_slice %arg2[%dma_start3A_714, %dma_start3A_715] : memref<10000x128xf32, #tpu.memory_space<hbm>> -> memref<10000x128xf32, #tpu.memory_space<hbm>>
        tpu.enqueue_indirect_dma source(%dma_start3A_716 : memref<10000x128xf32, #tpu.memory_space<hbm>>) target(%arg17 : memref<80x128xf32, #tpu.memory_space<vmem>>) offsets(%dma_start3A_713 : memref<80xi32, #tpu.memory_space<vmem>>) semaphore(%arg19 : memref<!tpu.dma_semaphore, #tpu.memory_space<semaphore_mem>>)
      } else {
      }
      %eq3A_687 = arith.constant 1 : i32
      %eq3A_688 = arith.cmpi eq, %arg0, %eq3A_687 : i32
      %convert_element_type3A_689 = arith.extui %eq3A_688 : i1 to i32
      %cond3A_690 = arith.constant 0 : i32
      %cond3A_691 = arith.cmpi ne, %convert_element_type3A_689, %cond3A_690 : i32
      scf.if %cond3A_691 {
        %dma_start3A_713 = tpu.memref_slice %arg14[%mul3A_681] : memref<10000xi32, #tpu.memory_space<vmem>> -> memref<80xi32, #tpu.memory_space<vmem>>
        %dma_start3A_714 = arith.constant 0 : i32
        %dma_start3A_715 = arith.constant 0 : i32
        %dma_start3A_716 = tpu.memref_slice %arg3[%dma_start3A_714, %dma_start3A_715] : memref<10000x128xf32, #tpu.memory_space<hbm>> -> memref<10000x128xf32, #tpu.memory_space<hbm>>
        tpu.enqueue_indirect_dma source(%dma_start3A_716 : memref<10000x128xf32, #tpu.memory_space<hbm>>) target(%arg17 : memref<80x128xf32, #tpu.memory_space<vmem>>) offsets(%dma_start3A_713 : memref<80xi32, #tpu.memory_space<vmem>>) semaphore(%arg19 : memref<!tpu.dma_semaphore, #tpu.memory_space<semaphore_mem>>)
      } else {
      }
      "tpu.region"() ({
        %run_scoped3A_713 = tpu.sem_alloc : memref<!tpu.dma_semaphore, #tpu.memory_space<semaphore_mem>>
        %dma_start3A_714 = arith.constant 0 : i32
        %dma_start3A_715 = tpu.memref_slice %arg15[%mul3A_672, %dma_start3A_714] : memref<125x80xi32, #tpu.memory_space<vmem>> -> memref<1x80xi32, #tpu.memory_space<vmem>>
        %dma_start3A_716 = tpu.memref_squeeze %dma_start3A_715 : memref<1x80xi32, #tpu.memory_space<vmem>> -> memref<80xi32, #tpu.memory_space<vmem>>
        %dma_start3A_717 = arith.constant 0 : i32
        %dma_start3A_718 = arith.constant 0 : i32
        %dma_start3A_719 = tpu.memref_slice %arg13[%dma_start3A_717, %dma_start3A_718] : memref<10240x128xf32, #tpu.memory_space<vmem_shared>> -> memref<10240x128xf32, #tpu.memory_space<vmem_shared>>
        tpu.enqueue_indirect_dma source(%arg16 : memref<80x128xf32, #tpu.memory_space<vmem>>) target(%dma_start3A_719 : memref<10240x128xf32, #tpu.memory_space<vmem_shared>>) offsets(%dma_start3A_716 : memref<80xi32, #tpu.memory_space<vmem>>) semaphore(%run_scoped3A_713 : memref<!tpu.dma_semaphore, #tpu.memory_space<semaphore_mem>>) {add = true}
        %dma_wait3A_720 = arith.constant 0 : i32
        %dma_wait3A_721 = tpu.memref_slice %arg15[%mul3A_672, %dma_wait3A_720] : memref<125x80xi32, #tpu.memory_space<vmem>> -> memref<1x80xi32, #tpu.memory_space<vmem>>
        %dma_wait3A_722 = tpu.memref_squeeze %dma_wait3A_721 : memref<1x80xi32, #tpu.memory_space<vmem>> -> memref<80xi32, #tpu.memory_space<vmem>>
        %dma_wait3A_723 = arith.constant 0 : i32
        %dma_wait3A_724 = arith.constant 0 : i32
        %dma_wait3A_725 = tpu.memref_slice %arg13[%dma_wait3A_723, %dma_wait3A_724] : memref<10240x128xf32, #tpu.memory_space<vmem_shared>> -> memref<10240x128xf32, #tpu.memory_space<vmem_shared>>
        tpu.wait_indirect_dma semaphore(%run_scoped3A_713 : memref<!tpu.dma_semaphore, #tpu.memory_space<semaphore_mem>>) src(%arg16 : memref<80x128xf32, #tpu.memory_space<vmem>>) dst(%dma_wait3A_725 : memref<10240x128xf32, #tpu.memory_space<vmem_shared>>)
        tpu.yield
      }) : () -> ()
      %dma_wait3A_692 = arith.constant 0 : i32
      %dma_wait3A_693 = tpu.memref_slice %arg14[%dma_wait3A_692] : memref<10000xi32, #tpu.memory_space<vmem>> -> memref<80xi32, #tpu.memory_space<vmem>>
      %dma_wait3A_694 = arith.constant 0 : i32
      %dma_wait3A_695 = arith.constant 0 : i32
      %dma_wait3A_696 = tpu.memref_slice %arg2[%dma_wait3A_694, %dma_wait3A_695] : memref<10000x128xf32, #tpu.memory_space<hbm>> -> memref<10000x128xf32, #tpu.memory_space<hbm>>
      tpu.wait_indirect_dma semaphore(%arg19 : memref<!tpu.dma_semaphore, #tpu.memory_space<semaphore_mem>>) src(%dma_wait3A_696 : memref<10000x128xf32, #tpu.memory_space<hbm>>) dst(%arg17 : memref<80x128xf32, #tpu.memory_space<vmem>>)
      %add3A_697 = arith.constant 2 : i32
      %add3A_698 = arith.addi %mul3A_672, %add3A_697 : i32
      %mul3A_699 = arith.constant 80 : i32
      %mul3A_700 = arith.muli %add3A_698, %mul3A_699 : i32
      %eq3A_701 = arith.constant 0 : i32
      %eq3A_702 = arith.cmpi eq, %arg0, %eq3A_701 : i32
      %convert_element_type3A_703 = arith.extui %eq3A_702 : i1 to i32
      %cond3A_704 = arith.constant 0 : i32
      %cond3A_705 = arith.cmpi ne, %convert_element_type3A_703, %cond3A_704 : i32
      scf.if %cond3A_705 {
        %dma_start3A_713 = tpu.memref_slice %arg14[%mul3A_700] : memref<10000xi32, #tpu.memory_space<vmem>> -> memref<80xi32, #tpu.memory_space<vmem>>
        %dma_start3A_714 = arith.constant 0 : i32
        %dma_start3A_715 = arith.constant 0 : i32
        %dma_start3A_716 = tpu.memref_slice %arg2[%dma_start3A_714, %dma_start3A_715] : memref<10000x128xf32, #tpu.memory_space<hbm>> -> memref<10000x128xf32, #tpu.memory_space<hbm>>
        tpu.enqueue_indirect_dma source(%dma_start3A_716 : memref<10000x128xf32, #tpu.memory_space<hbm>>) target(%arg16 : memref<80x128xf32, #tpu.memory_space<vmem>>) offsets(%dma_start3A_713 : memref<80xi32, #tpu.memory_space<vmem>>) semaphore(%arg18 : memref<!tpu.dma_semaphore, #tpu.memory_space<semaphore_mem>>)
      } else {
      }
      %eq3A_706 = arith.constant 1 : i32
      %eq3A_707 = arith.cmpi eq, %arg0, %eq3A_706 : i32
      %convert_element_type3A_708 = arith.extui %eq3A_707 : i1 to i32
      %cond3A_709 = arith.constant 0 : i32
      %cond3A_710 = arith.cmpi ne, %convert_element_type3A_708, %cond3A_709 : i32
      scf.if %cond3A_710 {
        %dma_start3A_713 = tpu.memref_slice %arg14[%mul3A_700] : memref<10000xi32, #tpu.memory_space<vmem>> -> memref<80xi32, #tpu.memory_space<vmem>>
        %dma_start3A_714 = arith.constant 0 : i32
        %dma_start3A_715 = arith.constant 0 : i32
        %dma_start3A_716 = tpu.memref_slice %arg3[%dma_start3A_714, %dma_start3A_715] : memref<10000x128xf32, #tpu.memory_space<hbm>> -> memref<10000x128xf32, #tpu.memory_space<hbm>>
        tpu.enqueue_indirect_dma source(%dma_start3A_716 : memref<10000x128xf32, #tpu.memory_space<hbm>>) target(%arg16 : memref<80x128xf32, #tpu.memory_space<vmem>>) offsets(%dma_start3A_713 : memref<80xi32, #tpu.memory_space<vmem>>) semaphore(%arg18 : memref<!tpu.dma_semaphore, #tpu.memory_space<semaphore_mem>>)
      } else {
      }
      %add3A_711 = arith.constant 1 : i32
      %add3A_712 = arith.addi %mul3A_672, %add3A_711 : i32
      "tpu.region"() ({
        %run_scoped3A_713 = tpu.sem_alloc : memref<!tpu.dma_semaphore, #tpu.memory_space<semaphore_mem>>
        %dma_start3A_714 = arith.constant 0 : i32
        %dma_start3A_715 = tpu.memref_slice %arg15[%add3A_712, %dma_start3A_714] : memref<125x80xi32, #tpu.memory_space<vmem>> -> memref<1x80xi32, #tpu.memory_space<vmem>>
        %dma_start3A_716 = tpu.memref_squeeze %dma_start3A_715 : memref<1x80xi32, #tpu.memory_space<vmem>> -> memref<80xi32, #tpu.memory_space<vmem>>
        %dma_start3A_717 = arith.constant 0 : i32
        %dma_start3A_718 = arith.constant 0 : i32
        %dma_start3A_719 = tpu.memref_slice %arg13[%dma_start3A_717, %dma_start3A_718] : memref<10240x128xf32, #tpu.memory_space<vmem_shared>> -> memref<10240x128xf32, #tpu.memory_space<vmem_shared>>
        tpu.enqueue_indirect_dma source(%arg17 : memref<80x128xf32, #tpu.memory_space<vmem>>) target(%dma_start3A_719 : memref<10240x128xf32, #tpu.memory_space<vmem_shared>>) offsets(%dma_start3A_716 : memref<80xi32, #tpu.memory_space<vmem>>) semaphore(%run_scoped3A_713 : memref<!tpu.dma_semaphore, #tpu.memory_space<semaphore_mem>>) {add = true}
        %dma_wait3A_720 = arith.constant 0 : i32
        %dma_wait3A_721 = tpu.memref_slice %arg15[%add3A_712, %dma_wait3A_720] : memref<125x80xi32, #tpu.memory_space<vmem>> -> memref<1x80xi32, #tpu.memory_space<vmem>>
        %dma_wait3A_722 = tpu.memref_squeeze %dma_wait3A_721 : memref<1x80xi32, #tpu.memory_space<vmem>> -> memref<80xi32, #tpu.memory_space<vmem>>
        %dma_wait3A_723 = arith.constant 0 : i32
        %dma_wait3A_724 = arith.constant 0 : i32
        %dma_wait3A_725 = tpu.memref_slice %arg13[%dma_wait3A_723, %dma_wait3A_724] : memref<10240x128xf32, #tpu.memory_space<vmem_shared>> -> memref<10240x128xf32, #tpu.memory_space<vmem_shared>>
        tpu.wait_indirect_dma semaphore(%run_scoped3A_713 : memref<!tpu.dma_semaphore, #tpu.memory_space<semaphore_mem>>) src(%arg17 : memref<80x128xf32, #tpu.memory_space<vmem>>) dst(%dma_wait3A_725 : memref<10240x128xf32, #tpu.memory_space<vmem_shared>>)
        tpu.yield
      }) : () -> ()
    }
    %scan3A_117 = arith.constant 62 : i32
    %dma_wait3A_118 = arith.constant 0 : i32
    %dma_wait3A_119 = tpu.memref_slice %arg14[%dma_wait3A_118] : memref<10000xi32, #tpu.memory_space<vmem>> -> memref<80xi32, #tpu.memory_space<vmem>>
    %dma_wait3A_120 = arith.constant 0 : i32
    %dma_wait3A_121 = arith.constant 0 : i32
    %dma_wait3A_122 = tpu.memref_slice %arg2[%dma_wait3A_120, %dma_wait3A_121] : memref<10000x128xf32, #tpu.memory_space<hbm>> -> memref<10000x128xf32, #tpu.memory_space<hbm>>
    tpu.wait_indirect_dma semaphore(%arg18 : memref<!tpu.dma_semaphore, #tpu.memory_space<semaphore_mem>>) src(%dma_wait3A_122 : memref<10000x128xf32, #tpu.memory_space<hbm>>) dst(%arg16 : memref<80x128xf32, #tpu.memory_space<vmem>>)
    %run_scoped3A = arith.constant 124 : i32
    "tpu.region"() ({
      %run_scoped3A_670 = tpu.sem_alloc : memref<!tpu.dma_semaphore, #tpu.memory_space<semaphore_mem>>
      %dma_start3A_671 = arith.constant 0 : i32
      %dma_start3A_672 = tpu.memref_slice %arg15[%run_scoped3A, %dma_start3A_671] : memref<125x80xi32, #tpu.memory_space<vmem>> -> memref<1x80xi32, #tpu.memory_space<vmem>>
      %dma_start3A_673 = tpu.memref_squeeze %dma_start3A_672 : memref<1x80xi32, #tpu.memory_space<vmem>> -> memref<80xi32, #tpu.memory_space<vmem>>
      %dma_start3A_674 = arith.constant 0 : i32
      %dma_start3A_675 = arith.constant 0 : i32
      %dma_start3A_676 = tpu.memref_slice %arg13[%dma_start3A_674, %dma_start3A_675] : memref<10240x128xf32, #tpu.memory_space<vmem_shared>> -> memref<10240x128xf32, #tpu.memory_space<vmem_shared>>
      tpu.enqueue_indirect_dma source(%arg16 : memref<80x128xf32, #tpu.memory_space<vmem>>) target(%dma_start3A_676 : memref<10240x128xf32, #tpu.memory_space<vmem_shared>>) offsets(%dma_start3A_673 : memref<80xi32, #tpu.memory_space<vmem>>) semaphore(%run_scoped3A_670 : memref<!tpu.dma_semaphore, #tpu.memory_space<semaphore_mem>>) {add = true}
      %dma_wait3A_677 = arith.constant 0 : i32
      %dma_wait3A_678 = tpu.memref_slice %arg15[%run_scoped3A, %dma_wait3A_677] : memref<125x80xi32, #tpu.memory_space<vmem>> -> memref<1x80xi32, #tpu.memory_space<vmem>>
      %dma_wait3A_679 = tpu.memref_squeeze %dma_wait3A_678 : memref<1x80xi32, #tpu.memory_space<vmem>> -> memref<80xi32, #tpu.memory_space<vmem>>
      %dma_wait3A_680 = arith.constant 0 : i32
      %dma_wait3A_681 = arith.constant 0 : i32
      %dma_wait3A_682 = tpu.memref_slice %arg13[%dma_wait3A_680, %dma_wait3A_681] : memref<10240x128xf32, #tpu.memory_space<vmem_shared>> -> memref<10240x128xf32, #tpu.memory_space<vmem_shared>>
      tpu.wait_indirect_dma semaphore(%run_scoped3A_670 : memref<!tpu.dma_semaphore, #tpu.memory_space<semaphore_mem>>) src(%arg16 : memref<80x128xf32, #tpu.memory_space<vmem>>) dst(%dma_wait3A_682 : memref<10240x128xf32, #tpu.memory_space<vmem_shared>>)
      tpu.yield
    }) : () -> ()
    %barrier3A_123 = arith.constant 0 : index
    tpu.barrier barrier_id(%barrier3A_123)
    %dma_start3A_124 = arith.constant 0 : i32
    %dma_start3A_125 = tpu.memref_slice %arg13[%mul3A_0, %dma_start3A_124] : memref<10240x128xf32, #tpu.memory_space<vmem_shared>> -> memref<80x128xf32, #tpu.memory_space<vmem_shared>>
    %dma_start3A_126 = arith.constant 0 : i32
    %dma_start3A_127 = tpu.memref_slice %arg13[%mul3A_0, %dma_start3A_126] : memref<10240x128xf32, #tpu.memory_space<vmem_shared>> -> memref<80x128xf32, #tpu.memory_space<vmem_shared>>
    tpu.enqueue_dma source(%dma_start3A_127 : memref<80x128xf32, #tpu.memory_space<vmem_shared>>) target(%arg16 : memref<80x128xf32, #tpu.memory_space<vmem>>) target_semaphore(%arg18 : memref<!tpu.dma_semaphore, #tpu.memory_space<semaphore_mem>>)
    %add3A_128 = arith.constant 0 : i32
    %add3A_129 = arith.addi %mul3A_0, %add3A_128 : i32
    %dma_wait3A_130 = arith.constant 0 : i32
    %dma_wait3A_131 = tpu.memref_slice %arg13[%add3A_129, %dma_wait3A_130] : memref<10240x128xf32, #tpu.memory_space<vmem_shared>> -> memref<80x128xf32, #tpu.memory_space<vmem_shared>>
    %dma_wait3A_132 = arith.constant 0 : i32
    %dma_wait3A_133 = tpu.memref_slice %arg13[%add3A_129, %dma_wait3A_132] : memref<10240x128xf32, #tpu.memory_space<vmem_shared>> -> memref<80x128xf32, #tpu.memory_space<vmem_shared>>
    tpu.wait_dma2 semaphore(%arg18 : memref<!tpu.dma_semaphore, #tpu.memory_space<semaphore_mem>>) src(%dma_wait3A_133 : memref<80x128xf32, #tpu.memory_space<vmem_shared>>) dst(%arg16 : memref<80x128xf32, #tpu.memory_space<vmem>>)
    %eq3A_134 = arith.constant 0 : i32
    %eq3A_135 = arith.cmpi eq, %arg0, %eq3A_134 : i32
    %convert_element_type3A_136 = arith.extui %eq3A_135 : i1 to i32
    %cond3A_137 = arith.constant 0 : i32
    %cond3A_138 = arith.cmpi ne, %convert_element_type3A_136, %cond3A_137 : i32
    scf.if %cond3A_138 {
      %dma_start3A_670 = arith.constant 0 : i32
      %dma_start3A_671 = tpu.memref_slice %arg9[%add3A_129, %dma_start3A_670] : memref<10240x128xf32, #tpu.memory_space<hbm>> -> memref<80x128xf32, #tpu.memory_space<hbm>>
      %dma_start3A_672 = arith.constant 0 : i32
      %dma_start3A_673 = tpu.memref_slice %arg9[%add3A_129, %dma_start3A_672] : memref<10240x128xf32, #tpu.memory_space<hbm>> -> memref<80x128xf32, #tpu.memory_space<hbm>>
      tpu.enqueue_dma source(%arg16 : memref<80x128xf32, #tpu.memory_space<vmem>>) target(%dma_start3A_673 : memref<80x128xf32, #tpu.memory_space<hbm>>) target_semaphore(%arg19 : memref<!tpu.dma_semaphore, #tpu.memory_space<semaphore_mem>>)
    } else {
    }
    %eq3A_139 = arith.constant 1 : i32
    %eq3A_140 = arith.cmpi eq, %arg0, %eq3A_139 : i32
    %convert_element_type3A_141 = arith.extui %eq3A_140 : i1 to i32
    %cond3A_142 = arith.constant 0 : i32
    %cond3A_143 = arith.cmpi ne, %convert_element_type3A_141, %cond3A_142 : i32
    scf.if %cond3A_143 {
      %dma_start3A_670 = arith.constant 0 : i32
      %dma_start3A_671 = tpu.memref_slice %arg10[%add3A_129, %dma_start3A_670] : memref<10240x128xf32, #tpu.memory_space<hbm>> -> memref<80x128xf32, #tpu.memory_space<hbm>>
      %dma_start3A_672 = arith.constant 0 : i32
      %dma_start3A_673 = tpu.memref_slice %arg10[%add3A_129, %dma_start3A_672] : memref<10240x128xf32, #tpu.memory_space<hbm>> -> memref<80x128xf32, #tpu.memory_space<hbm>>
      tpu.enqueue_dma source(%arg16 : memref<80x128xf32, #tpu.memory_space<vmem>>) target(%dma_start3A_673 : memref<80x128xf32, #tpu.memory_space<hbm>>) target_semaphore(%arg19 : memref<!tpu.dma_semaphore, #tpu.memory_space<semaphore_mem>>)
    } else {
    }
    %add3A_144 = arith.constant 80 : i32
    %add3A_145 = arith.addi %mul3A_0, %add3A_144 : i32
    %dma_start3A_146 = arith.constant 0 : i32
    %dma_start3A_147 = tpu.memref_slice %arg13[%add3A_145, %dma_start3A_146] : memref<10240x128xf32, #tpu.memory_space<vmem_shared>> -> memref<80x128xf32, #tpu.memory_space<vmem_shared>>
    %dma_start3A_148 = arith.constant 0 : i32
    %dma_start3A_149 = tpu.memref_slice %arg13[%add3A_145, %dma_start3A_148] : memref<10240x128xf32, #tpu.memory_space<vmem_shared>> -> memref<80x128xf32, #tpu.memory_space<vmem_shared>>
    tpu.enqueue_dma source(%dma_start3A_149 : memref<80x128xf32, #tpu.memory_space<vmem_shared>>) target(%arg17 : memref<80x128xf32, #tpu.memory_space<vmem>>) target_semaphore(%arg18 : memref<!tpu.dma_semaphore, #tpu.memory_space<semaphore_mem>>)
    %add3A_150 = arith.constant 80 : i32
    %add3A_151 = arith.addi %mul3A_0, %add3A_150 : i32
    %dma_wait3A_152 = arith.constant 0 : i32
    %dma_wait3A_153 = tpu.memref_slice %arg13[%add3A_151, %dma_wait3A_152] : memref<10240x128xf32, #tpu.memory_space<vmem_shared>> -> memref<80x128xf32, #tpu.memory_space<vmem_shared>>
    %dma_wait3A_154 = arith.constant 0 : i32
    %dma_wait3A_155 = tpu.memref_slice %arg13[%add3A_151, %dma_wait3A_154] : memref<10240x128xf32, #tpu.memory_space<vmem_shared>> -> memref<80x128xf32, #tpu.memory_space<vmem_shared>>
    tpu.wait_dma2 semaphore(%arg18 : memref<!tpu.dma_semaphore, #tpu.memory_space<semaphore_mem>>) src(%dma_wait3A_155 : memref<80x128xf32, #tpu.memory_space<vmem_shared>>) dst(%arg17 : memref<80x128xf32, #tpu.memory_space<vmem>>)
    %eq3A_156 = arith.constant 0 : i32
    %eq3A_157 = arith.cmpi eq, %arg0, %eq3A_156 : i32
    %convert_element_type3A_158 = arith.extui %eq3A_157 : i1 to i32
    %cond3A_159 = arith.constant 0 : i32
    %cond3A_160 = arith.cmpi ne, %convert_element_type3A_158, %cond3A_159 : i32
    scf.if %cond3A_160 {
      %dma_start3A_670 = arith.constant 0 : i32
      %dma_start3A_671 = tpu.memref_slice %arg9[%add3A_151, %dma_start3A_670] : memref<10240x128xf32, #tpu.memory_space<hbm>> -> memref<80x128xf32, #tpu.memory_space<hbm>>
      %dma_start3A_672 = arith.constant 0 : i32
      %dma_start3A_673 = tpu.memref_slice %arg9[%add3A_151, %dma_start3A_672] : memref<10240x128xf32, #tpu.memory_space<hbm>> -> memref<80x128xf32, #tpu.memory_space<hbm>>
      tpu.enqueue_dma source(%arg17 : memref<80x128xf32, #tpu.memory_space<vmem>>) target(%dma_start3A_673 : memref<80x128xf32, #tpu.memory_space<hbm>>) target_semaphore(%arg19 : memref<!tpu.dma_semaphore, #tpu.memory_space<semaphore_mem>>)
    } else {
    }
    %eq3A_161 = arith.constant 1 : i32
    %eq3A_162 = arith.cmpi eq, %arg0, %eq3A_161 : i32
    %convert_element_type3A_163 = arith.extui %eq3A_162 : i1 to i32
    %cond3A_164 = arith.constant 0 : i32
    %cond3A_165 = arith.cmpi ne, %convert_element_type3A_163, %cond3A_164 : i32
    scf.if %cond3A_165 {
      %dma_start3A_670 = arith.constant 0 : i32
      %dma_start3A_671 = tpu.memref_slice %arg10[%add3A_151, %dma_start3A_670] : memref<10240x128xf32, #tpu.memory_space<hbm>> -> memref<80x128xf32, #tpu.memory_space<hbm>>
      %dma_start3A_672 = arith.constant 0 : i32
      %dma_start3A_673 = tpu.memref_slice %arg10[%add3A_151, %dma_start3A_672] : memref<10240x128xf32, #tpu.memory_space<hbm>> -> memref<80x128xf32, #tpu.memory_space<hbm>>
      tpu.enqueue_dma source(%arg17 : memref<80x128xf32, #tpu.memory_space<vmem>>) target(%dma_start3A_673 : memref<80x128xf32, #tpu.memory_space<hbm>>) target_semaphore(%arg19 : memref<!tpu.dma_semaphore, #tpu.memory_space<semaphore_mem>>)
    } else {
    }
    %add3A_166 = arith.constant 160 : i32
    %add3A_167 = arith.addi %mul3A_0, %add3A_166 : i32
    %dma_start3A_168 = arith.constant 0 : i32
    %dma_start3A_169 = tpu.memref_slice %arg13[%add3A_167, %dma_start3A_168] : memref<10240x128xf32, #tpu.memory_space<vmem_shared>> -> memref<80x128xf32, #tpu.memory_space<vmem_shared>>
    %dma_start3A_170 = arith.constant 0 : i32
    %dma_start3A_171 = tpu.memref_slice %arg13[%add3A_167, %dma_start3A_170] : memref<10240x128xf32, #tpu.memory_space<vmem_shared>> -> memref<80x128xf32, #tpu.memory_space<vmem_shared>>
    tpu.enqueue_dma source(%dma_start3A_171 : memref<80x128xf32, #tpu.memory_space<vmem_shared>>) target(%arg16 : memref<80x128xf32, #tpu.memory_space<vmem>>) target_semaphore(%arg18 : memref<!tpu.dma_semaphore, #tpu.memory_space<semaphore_mem>>)
    %add3A_172 = arith.constant 160 : i32
    %add3A_173 = arith.addi %mul3A_0, %add3A_172 : i32
    %dma_wait3A_174 = arith.constant 0 : i32
    %dma_wait3A_175 = tpu.memref_slice %arg13[%add3A_173, %dma_wait3A_174] : memref<10240x128xf32, #tpu.memory_space<vmem_shared>> -> memref<80x128xf32, #tpu.memory_space<vmem_shared>>
    %dma_wait3A_176 = arith.constant 0 : i32
    %dma_wait3A_177 = tpu.memref_slice %arg13[%add3A_173, %dma_wait3A_176] : memref<10240x128xf32, #tpu.memory_space<vmem_shared>> -> memref<80x128xf32, #tpu.memory_space<vmem_shared>>
    tpu.wait_dma2 semaphore(%arg18 : memref<!tpu.dma_semaphore, #tpu.memory_space<semaphore_mem>>) src(%dma_wait3A_177 : memref<80x128xf32, #tpu.memory_space<vmem_shared>>) dst(%arg16 : memref<80x128xf32, #tpu.memory_space<vmem>>)
    %dma_wait3A_178 = arith.constant 0 : i32
    %dma_wait3A_179 = tpu.memref_slice %arg9[%mul3A_0, %dma_wait3A_178] : memref<10240x128xf32, #tpu.memory_space<hbm>> -> memref<80x128xf32, #tpu.memory_space<hbm>>
    %dma_wait3A_180 = arith.constant 0 : i32
    %dma_wait3A_181 = tpu.memref_slice %arg9[%mul3A_0, %dma_wait3A_180] : memref<10240x128xf32, #tpu.memory_space<hbm>> -> memref<80x128xf32, #tpu.memory_space<hbm>>
    tpu.wait_dma2 semaphore(%arg19 : memref<!tpu.dma_semaphore, #tpu.memory_space<semaphore_mem>>) src(%arg16 : memref<80x128xf32, #tpu.memory_space<vmem>>) dst(%dma_wait3A_181 : memref<80x128xf32, #tpu.memory_space<hbm>>)
    %eq3A_182 = arith.constant 0 : i32
    %eq3A_183 = arith.cmpi eq, %arg0, %eq3A_182 : i32
    %convert_element_type3A_184 = arith.extui %eq3A_183 : i1 to i32
    %cond3A_185 = arith.constant 0 : i32
    %cond3A_186 = arith.cmpi ne, %convert_element_type3A_184, %cond3A_185 : i32
    scf.if %cond3A_186 {
      %dma_start3A_670 = arith.constant 0 : i32
      %dma_start3A_671 = tpu.memref_slice %arg9[%add3A_173, %dma_start3A_670] : memref<10240x128xf32, #tpu.memory_space<hbm>> -> memref<80x128xf32, #tpu.memory_space<hbm>>
      %dma_start3A_672 = arith.constant 0 : i32
      %dma_start3A_673 = tpu.memref_slice %arg9[%add3A_173, %dma_start3A_672] : memref<10240x128xf32, #tpu.memory_space<hbm>> -> memref<80x128xf32, #tpu.memory_space<hbm>>
      tpu.enqueue_dma source(%arg16 : memref<80x128xf32, #tpu.memory_space<vmem>>) target(%dma_start3A_673 : memref<80x128xf32, #tpu.memory_space<hbm>>) target_semaphore(%arg19 : memref<!tpu.dma_semaphore, #tpu.memory_space<semaphore_mem>>)
    } else {
    }
    %eq3A_187 = arith.constant 1 : i32
    %eq3A_188 = arith.cmpi eq, %arg0, %eq3A_187 : i32
    %convert_element_type3A_189 = arith.extui %eq3A_188 : i1 to i32
    %cond3A_190 = arith.constant 0 : i32
    %cond3A_191 = arith.cmpi ne, %convert_element_type3A_189, %cond3A_190 : i32
    scf.if %cond3A_191 {
      %dma_start3A_670 = arith.constant 0 : i32
      %dma_start3A_671 = tpu.memref_slice %arg10[%add3A_173, %dma_start3A_670] : memref<10240x128xf32, #tpu.memory_space<hbm>> -> memref<80x128xf32, #tpu.memory_space<hbm>>
      %dma_start3A_672 = arith.constant 0 : i32
      %dma_start3A_673 = tpu.memref_slice %arg10[%add3A_173, %dma_start3A_672] : memref<10240x128xf32, #tpu.memory_space<hbm>> -> memref<80x128xf32, #tpu.memory_space<hbm>>
      tpu.enqueue_dma source(%arg16 : memref<80x128xf32, #tpu.memory_space<vmem>>) target(%dma_start3A_673 : memref<80x128xf32, #tpu.memory_space<hbm>>) target_semaphore(%arg19 : memref<!tpu.dma_semaphore, #tpu.memory_space<semaphore_mem>>)
    } else {
    }
    %add3A_192 = arith.constant 240 : i32
    %add3A_193 = arith.addi %mul3A_0, %add3A_192 : i32
    %dma_start3A_194 = arith.constant 0 : i32
    %dma_start3A_195 = tpu.memref_slice %arg13[%add3A_193, %dma_start3A_194] : memref<10240x128xf32, #tpu.memory_space<vmem_shared>> -> memref<80x128xf32, #tpu.memory_space<vmem_shared>>
    %dma_start3A_196 = arith.constant 0 : i32
    %dma_start3A_197 = tpu.memref_slice %arg13[%add3A_193, %dma_start3A_196] : memref<10240x128xf32, #tpu.memory_space<vmem_shared>> -> memref<80x128xf32, #tpu.memory_space<vmem_shared>>
    tpu.enqueue_dma source(%dma_start3A_197 : memref<80x128xf32, #tpu.memory_space<vmem_shared>>) target(%arg17 : memref<80x128xf32, #tpu.memory_space<vmem>>) target_semaphore(%arg18 : memref<!tpu.dma_semaphore, #tpu.memory_space<semaphore_mem>>)
    %add3A_198 = arith.constant 240 : i32
    %add3A_199 = arith.addi %mul3A_0, %add3A_198 : i32
    %dma_wait3A_200 = arith.constant 0 : i32
    %dma_wait3A_201 = tpu.memref_slice %arg13[%add3A_199, %dma_wait3A_200] : memref<10240x128xf32, #tpu.memory_space<vmem_shared>> -> memref<80x128xf32, #tpu.memory_space<vmem_shared>>
    %dma_wait3A_202 = arith.constant 0 : i32
    %dma_wait3A_203 = tpu.memref_slice %arg13[%add3A_199, %dma_wait3A_202] : memref<10240x128xf32, #tpu.memory_space<vmem_shared>> -> memref<80x128xf32, #tpu.memory_space<vmem_shared>>
    tpu.wait_dma2 semaphore(%arg18 : memref<!tpu.dma_semaphore, #tpu.memory_space<semaphore_mem>>) src(%dma_wait3A_203 : memref<80x128xf32, #tpu.memory_space<vmem_shared>>) dst(%arg17 : memref<80x128xf32, #tpu.memory_space<vmem>>)
    %dma_wait3A_204 = arith.constant 0 : i32
    %dma_wait3A_205 = tpu.memref_slice %arg9[%mul3A_0, %dma_wait3A_204] : memref<10240x128xf32, #tpu.memory_space<hbm>> -> memref<80x128xf32, #tpu.memory_space<hbm>>
    %dma_wait3A_206 = arith.constant 0 : i32
    %dma_wait3A_207 = tpu.memref_slice %arg9[%mul3A_0, %dma_wait3A_206] : memref<10240x128xf32, #tpu.memory_space<hbm>> -> memref<80x128xf32, #tpu.memory_space<hbm>>
    tpu.wait_dma2 semaphore(%arg19 : memref<!tpu.dma_semaphore, #tpu.memory_space<semaphore_mem>>) src(%arg17 : memref<80x128xf32, #tpu.memory_space<vmem>>) dst(%dma_wait3A_207 : memref<80x128xf32, #tpu.memory_space<hbm>>)
    %eq3A_208 = arith.constant 0 : i32
    %eq3A_209 = arith.cmpi eq, %arg0, %eq3A_208 : i32
    %convert_element_type3A_210 = arith.extui %eq3A_209 : i1 to i32
    %cond3A_211 = arith.constant 0 : i32
    %cond3A_212 = arith.cmpi ne, %convert_element_type3A_210, %cond3A_211 : i32
    scf.if %cond3A_212 {
      %dma_start3A_670 = arith.constant 0 : i32
      %dma_start3A_671 = tpu.memref_slice %arg9[%add3A_199, %dma_start3A_670] : memref<10240x128xf32, #tpu.memory_space<hbm>> -> memref<80x128xf32, #tpu.memory_space<hbm>>
      %dma_start3A_672 = arith.constant 0 : i32
      %dma_start3A_673 = tpu.memref_slice %arg9[%add3A_199, %dma_start3A_672] : memref<10240x128xf32, #tpu.memory_space<hbm>> -> memref<80x128xf32, #tpu.memory_space<hbm>>
      tpu.enqueue_dma source(%arg17 : memref<80x128xf32, #tpu.memory_space<vmem>>) target(%dma_start3A_673 : memref<80x128xf32, #tpu.memory_space<hbm>>) target_semaphore(%arg19 : memref<!tpu.dma_semaphore, #tpu.memory_space<semaphore_mem>>)
    } else {
    }
    %eq3A_213 = arith.constant 1 : i32
    %eq3A_214 = arith.cmpi eq, %arg0, %eq3A_213 : i32
    %convert_element_type3A_215 = arith.extui %eq3A_214 : i1 to i32
    %cond3A_216 = arith.constant 0 : i32
    %cond3A_217 = arith.cmpi ne, %convert_element_type3A_215, %cond3A_216 : i32
    scf.if %cond3A_217 {
      %dma_start3A_670 = arith.constant 0 : i32
      %dma_start3A_671 = tpu.memref_slice %arg10[%add3A_199, %dma_start3A_670] : memref<10240x128xf32, #tpu.memory_space<hbm>> -> memref<80x128xf32, #tpu.memory_space<hbm>>
      %dma_start3A_672 = arith.constant 0 : i32
      %dma_start3A_673 = tpu.memref_slice %arg10[%add3A_199, %dma_start3A_672] : memref<10240x128xf32, #tpu.memory_space<hbm>> -> memref<80x128xf32, #tpu.memory_space<hbm>>
      tpu.enqueue_dma source(%arg17 : memref<80x128xf32, #tpu.memory_space<vmem>>) target(%dma_start3A_673 : memref<80x128xf32, #tpu.memory_space<hbm>>) target_semaphore(%arg19 : memref<!tpu.dma_semaphore, #tpu.memory_space<semaphore_mem>>)
    } else {
    }
    %add3A_218 = arith.constant 320 : i32
    %add3A_219 = arith.addi %mul3A_0, %add3A_218 : i32
    %dma_start3A_220 = arith.constant 0 : i32
    %dma_start3A_221 = tpu.memref_slice %arg13[%add3A_219, %dma_start3A_220] : memref<10240x128xf32, #tpu.memory_space<vmem_shared>> -> memref<80x128xf32, #tpu.memory_space<vmem_shared>>
    %dma_start3A_222 = arith.constant 0 : i32
    %dma_start3A_223 = tpu.memref_slice %arg13[%add3A_219, %dma_start3A_222] : memref<10240x128xf32, #tpu.memory_space<vmem_shared>> -> memref<80x128xf32, #tpu.memory_space<vmem_shared>>
    tpu.enqueue_dma source(%dma_start3A_223 : memref<80x128xf32, #tpu.memory_space<vmem_shared>>) target(%arg16 : memref<80x128xf32, #tpu.memory_space<vmem>>) target_semaphore(%arg18 : memref<!tpu.dma_semaphore, #tpu.memory_space<semaphore_mem>>)
    %add3A_224 = arith.constant 320 : i32
    %add3A_225 = arith.addi %mul3A_0, %add3A_224 : i32
    %dma_wait3A_226 = arith.constant 0 : i32
    %dma_wait3A_227 = tpu.memref_slice %arg13[%add3A_225, %dma_wait3A_226] : memref<10240x128xf32, #tpu.memory_space<vmem_shared>> -> memref<80x128xf32, #tpu.memory_space<vmem_shared>>
    %dma_wait3A_228 = arith.constant 0 : i32
    %dma_wait3A_229 = tpu.memref_slice %arg13[%add3A_225, %dma_wait3A_228] : memref<10240x128xf32, #tpu.memory_space<vmem_shared>> -> memref<80x128xf32, #tpu.memory_space<vmem_shared>>
    tpu.wait_dma2 semaphore(%arg18 : memref<!tpu.dma_semaphore, #tpu.memory_space<semaphore_mem>>) src(%dma_wait3A_229 : memref<80x128xf32, #tpu.memory_space<vmem_shared>>) dst(%arg16 : memref<80x128xf32, #tpu.memory_space<vmem>>)
    %dma_wait3A_230 = arith.constant 0 : i32
    %dma_wait3A_231 = tpu.memref_slice %arg9[%mul3A_0, %dma_wait3A_230] : memref<10240x128xf32, #tpu.memory_space<hbm>> -> memref<80x128xf32, #tpu.memory_space<hbm>>
    %dma_wait3A_232 = arith.constant 0 : i32
    %dma_wait3A_233 = tpu.memref_slice %arg9[%mul3A_0, %dma_wait3A_232] : memref<10240x128xf32, #tpu.memory_space<hbm>> -> memref<80x128xf32, #tpu.memory_space<hbm>>
    tpu.wait_dma2 semaphore(%arg19 : memref<!tpu.dma_semaphore, #tpu.memory_space<semaphore_mem>>) src(%arg16 : memref<80x128xf32, #tpu.memory_space<vmem>>) dst(%dma_wait3A_233 : memref<80x128xf32, #tpu.memory_space<hbm>>)
    %eq3A_234 = arith.constant 0 : i32
    %eq3A_235 = arith.cmpi eq, %arg0, %eq3A_234 : i32
    %convert_element_type3A_236 = arith.extui %eq3A_235 : i1 to i32
    %cond3A_237 = arith.constant 0 : i32
    %cond3A_238 = arith.cmpi ne, %convert_element_type3A_236, %cond3A_237 : i32
    scf.if %cond3A_238 {
      %dma_start3A_670 = arith.constant 0 : i32
      %dma_start3A_671 = tpu.memref_slice %arg9[%add3A_225, %dma_start3A_670] : memref<10240x128xf32, #tpu.memory_space<hbm>> -> memref<80x128xf32, #tpu.memory_space<hbm>>
      %dma_start3A_672 = arith.constant 0 : i32
      %dma_start3A_673 = tpu.memref_slice %arg9[%add3A_225, %dma_start3A_672] : memref<10240x128xf32, #tpu.memory_space<hbm>> -> memref<80x128xf32, #tpu.memory_space<hbm>>
      tpu.enqueue_dma source(%arg16 : memref<80x128xf32, #tpu.memory_space<vmem>>) target(%dma_start3A_673 : memref<80x128xf32, #tpu.memory_space<hbm>>) target_semaphore(%arg19 : memref<!tpu.dma_semaphore, #tpu.memory_space<semaphore_mem>>)
    } else {
    }
    %eq3A_239 = arith.constant 1 : i32
    %eq3A_240 = arith.cmpi eq, %arg0, %eq3A_239 : i32
    %convert_element_type3A_241 = arith.extui %eq3A_240 : i1 to i32
    %cond3A_242 = arith.constant 0 : i32
    %cond3A_243 = arith.cmpi ne, %convert_element_type3A_241, %cond3A_242 : i32
    scf.if %cond3A_243 {
      %dma_start3A_670 = arith.constant 0 : i32
      %dma_start3A_671 = tpu.memref_slice %arg10[%add3A_225, %dma_start3A_670] : memref<10240x128xf32, #tpu.memory_space<hbm>> -> memref<80x128xf32, #tpu.memory_space<hbm>>
      %dma_start3A_672 = arith.constant 0 : i32
      %dma_start3A_673 = tpu.memref_slice %arg10[%add3A_225, %dma_start3A_672] : memref<10240x128xf32, #tpu.memory_space<hbm>> -> memref<80x128xf32, #tpu.memory_space<hbm>>
      tpu.enqueue_dma source(%arg16 : memref<80x128xf32, #tpu.memory_space<vmem>>) target(%dma_start3A_673 : memref<80x128xf32, #tpu.memory_space<hbm>>) target_semaphore(%arg19 : memref<!tpu.dma_semaphore, #tpu.memory_space<semaphore_mem>>)
    } else {
    }
    %add3A_244 = arith.constant 400 : i32
    %add3A_245 = arith.addi %mul3A_0, %add3A_244 : i32
    %dma_start3A_246 = arith.constant 0 : i32
    %dma_start3A_247 = tpu.memref_slice %arg13[%add3A_245, %dma_start3A_246] : memref<10240x128xf32, #tpu.memory_space<vmem_shared>> -> memref<80x128xf32, #tpu.memory_space<vmem_shared>>
    %dma_start3A_248 = arith.constant 0 : i32
    %dma_start3A_249 = tpu.memref_slice %arg13[%add3A_245, %dma_start3A_248] : memref<10240x128xf32, #tpu.memory_space<vmem_shared>> -> memref<80x128xf32, #tpu.memory_space<vmem_shared>>
    tpu.enqueue_dma source(%dma_start3A_249 : memref<80x128xf32, #tpu.memory_space<vmem_shared>>) target(%arg17 : memref<80x128xf32, #tpu.memory_space<vmem>>) target_semaphore(%arg18 : memref<!tpu.dma_semaphore, #tpu.memory_space<semaphore_mem>>)
    %add3A_250 = arith.constant 400 : i32
    %add3A_251 = arith.addi %mul3A_0, %add3A_250 : i32
    %dma_wait3A_252 = arith.constant 0 : i32
    %dma_wait3A_253 = tpu.memref_slice %arg13[%add3A_251, %dma_wait3A_252] : memref<10240x128xf32, #tpu.memory_space<vmem_shared>> -> memref<80x128xf32, #tpu.memory_space<vmem_shared>>
    %dma_wait3A_254 = arith.constant 0 : i32
    %dma_wait3A_255 = tpu.memref_slice %arg13[%add3A_251, %dma_wait3A_254] : memref<10240x128xf32, #tpu.memory_space<vmem_shared>> -> memref<80x128xf32, #tpu.memory_space<vmem_shared>>
    tpu.wait_dma2 semaphore(%arg18 : memref<!tpu.dma_semaphore, #tpu.memory_space<semaphore_mem>>) src(%dma_wait3A_255 : memref<80x128xf32, #tpu.memory_space<vmem_shared>>) dst(%arg17 : memref<80x128xf32, #tpu.memory_space<vmem>>)
    %dma_wait3A_256 = arith.constant 0 : i32
    %dma_wait3A_257 = tpu.memref_slice %arg9[%mul3A_0, %dma_wait3A_256] : memref<10240x128xf32, #tpu.memory_space<hbm>> -> memref<80x128xf32, #tpu.memory_space<hbm>>
    %dma_wait3A_258 = arith.constant 0 : i32
    %dma_wait3A_259 = tpu.memref_slice %arg9[%mul3A_0, %dma_wait3A_258] : memref<10240x128xf32, #tpu.memory_space<hbm>> -> memref<80x128xf32, #tpu.memory_space<hbm>>
    tpu.wait_dma2 semaphore(%arg19 : memref<!tpu.dma_semaphore, #tpu.memory_space<semaphore_mem>>) src(%arg17 : memref<80x128xf32, #tpu.memory_space<vmem>>) dst(%dma_wait3A_259 : memref<80x128xf32, #tpu.memory_space<hbm>>)
    %eq3A_260 = arith.constant 0 : i32
    %eq3A_261 = arith.cmpi eq, %arg0, %eq3A_260 : i32
    %convert_element_type3A_262 = arith.extui %eq3A_261 : i1 to i32
    %cond3A_263 = arith.constant 0 : i32
    %cond3A_264 = arith.cmpi ne, %convert_element_type3A_262, %cond3A_263 : i32
    scf.if %cond3A_264 {
      %dma_start3A_670 = arith.constant 0 : i32
      %dma_start3A_671 = tpu.memref_slice %arg9[%add3A_251, %dma_start3A_670] : memref<10240x128xf32, #tpu.memory_space<hbm>> -> memref<80x128xf32, #tpu.memory_space<hbm>>
      %dma_start3A_672 = arith.constant 0 : i32
      %dma_start3A_673 = tpu.memref_slice %arg9[%add3A_251, %dma_start3A_672] : memref<10240x128xf32, #tpu.memory_space<hbm>> -> memref<80x128xf32, #tpu.memory_space<hbm>>
      tpu.enqueue_dma source(%arg17 : memref<80x128xf32, #tpu.memory_space<vmem>>) target(%dma_start3A_673 : memref<80x128xf32, #tpu.memory_space<hbm>>) target_semaphore(%arg19 : memref<!tpu.dma_semaphore, #tpu.memory_space<semaphore_mem>>)
    } else {
    }
    %eq3A_265 = arith.constant 1 : i32
    %eq3A_266 = arith.cmpi eq, %arg0, %eq3A_265 : i32
    %convert_element_type3A_267 = arith.extui %eq3A_266 : i1 to i32
    %cond3A_268 = arith.constant 0 : i32
    %cond3A_269 = arith.cmpi ne, %convert_element_type3A_267, %cond3A_268 : i32
    scf.if %cond3A_269 {
      %dma_start3A_670 = arith.constant 0 : i32
      %dma_start3A_671 = tpu.memref_slice %arg10[%add3A_251, %dma_start3A_670] : memref<10240x128xf32, #tpu.memory_space<hbm>> -> memref<80x128xf32, #tpu.memory_space<hbm>>
      %dma_start3A_672 = arith.constant 0 : i32
      %dma_start3A_673 = tpu.memref_slice %arg10[%add3A_251, %dma_start3A_672] : memref<10240x128xf32, #tpu.memory_space<hbm>> -> memref<80x128xf32, #tpu.memory_space<hbm>>
      tpu.enqueue_dma source(%arg17 : memref<80x128xf32, #tpu.memory_space<vmem>>) target(%dma_start3A_673 : memref<80x128xf32, #tpu.memory_space<hbm>>) target_semaphore(%arg19 : memref<!tpu.dma_semaphore, #tpu.memory_space<semaphore_mem>>)
    } else {
    }
    %add3A_270 = arith.constant 480 : i32
    %add3A_271 = arith.addi %mul3A_0, %add3A_270 : i32
    %dma_start3A_272 = arith.constant 0 : i32
    %dma_start3A_273 = tpu.memref_slice %arg13[%add3A_271, %dma_start3A_272] : memref<10240x128xf32, #tpu.memory_space<vmem_shared>> -> memref<80x128xf32, #tpu.memory_space<vmem_shared>>
    %dma_start3A_274 = arith.constant 0 : i32
    %dma_start3A_275 = tpu.memref_slice %arg13[%add3A_271, %dma_start3A_274] : memref<10240x128xf32, #tpu.memory_space<vmem_shared>> -> memref<80x128xf32, #tpu.memory_space<vmem_shared>>
    tpu.enqueue_dma source(%dma_start3A_275 : memref<80x128xf32, #tpu.memory_space<vmem_shared>>) target(%arg16 : memref<80x128xf32, #tpu.memory_space<vmem>>) target_semaphore(%arg18 : memref<!tpu.dma_semaphore, #tpu.memory_space<semaphore_mem>>)
    %add3A_276 = arith.constant 480 : i32
    %add3A_277 = arith.addi %mul3A_0, %add3A_276 : i32
    %dma_wait3A_278 = arith.constant 0 : i32
    %dma_wait3A_279 = tpu.memref_slice %arg13[%add3A_277, %dma_wait3A_278] : memref<10240x128xf32, #tpu.memory_space<vmem_shared>> -> memref<80x128xf32, #tpu.memory_space<vmem_shared>>
    %dma_wait3A_280 = arith.constant 0 : i32
    %dma_wait3A_281 = tpu.memref_slice %arg13[%add3A_277, %dma_wait3A_280] : memref<10240x128xf32, #tpu.memory_space<vmem_shared>> -> memref<80x128xf32, #tpu.memory_space<vmem_shared>>
    tpu.wait_dma2 semaphore(%arg18 : memref<!tpu.dma_semaphore, #tpu.memory_space<semaphore_mem>>) src(%dma_wait3A_281 : memref<80x128xf32, #tpu.memory_space<vmem_shared>>) dst(%arg16 : memref<80x128xf32, #tpu.memory_space<vmem>>)
    %dma_wait3A_282 = arith.constant 0 : i32
    %dma_wait3A_283 = tpu.memref_slice %arg9[%mul3A_0, %dma_wait3A_282] : memref<10240x128xf32, #tpu.memory_space<hbm>> -> memref<80x128xf32, #tpu.memory_space<hbm>>
    %dma_wait3A_284 = arith.constant 0 : i32
    %dma_wait3A_285 = tpu.memref_slice %arg9[%mul3A_0, %dma_wait3A_284] : memref<10240x128xf32, #tpu.memory_space<hbm>> -> memref<80x128xf32, #tpu.memory_space<hbm>>
    tpu.wait_dma2 semaphore(%arg19 : memref<!tpu.dma_semaphore, #tpu.memory_space<semaphore_mem>>) src(%arg16 : memref<80x128xf32, #tpu.memory_space<vmem>>) dst(%dma_wait3A_285 : memref<80x128xf32, #tpu.memory_space<hbm>>)
    %eq3A_286 = arith.constant 0 : i32
    %eq3A_287 = arith.cmpi eq, %arg0, %eq3A_286 : i32
    %convert_element_type3A_288 = arith.extui %eq3A_287 : i1 to i32
    %cond3A_289 = arith.constant 0 : i32
    %cond3A_290 = arith.cmpi ne, %convert_element_type3A_288, %cond3A_289 : i32
    scf.if %cond3A_290 {
      %dma_start3A_670 = arith.constant 0 : i32
      %dma_start3A_671 = tpu.memref_slice %arg9[%add3A_277, %dma_start3A_670] : memref<10240x128xf32, #tpu.memory_space<hbm>> -> memref<80x128xf32, #tpu.memory_space<hbm>>
      %dma_start3A_672 = arith.constant 0 : i32
      %dma_start3A_673 = tpu.memref_slice %arg9[%add3A_277, %dma_start3A_672] : memref<10240x128xf32, #tpu.memory_space<hbm>> -> memref<80x128xf32, #tpu.memory_space<hbm>>
      tpu.enqueue_dma source(%arg16 : memref<80x128xf32, #tpu.memory_space<vmem>>) target(%dma_start3A_673 : memref<80x128xf32, #tpu.memory_space<hbm>>) target_semaphore(%arg19 : memref<!tpu.dma_semaphore, #tpu.memory_space<semaphore_mem>>)
    } else {
    }
    %eq3A_291 = arith.constant 1 : i32
    %eq3A_292 = arith.cmpi eq, %arg0, %eq3A_291 : i32
    %convert_element_type3A_293 = arith.extui %eq3A_292 : i1 to i32
    %cond3A_294 = arith.constant 0 : i32
    %cond3A_295 = arith.cmpi ne, %convert_element_type3A_293, %cond3A_294 : i32
    scf.if %cond3A_295 {
      %dma_start3A_670 = arith.constant 0 : i32
      %dma_start3A_671 = tpu.memref_slice %arg10[%add3A_277, %dma_start3A_670] : memref<10240x128xf32, #tpu.memory_space<hbm>> -> memref<80x128xf32, #tpu.memory_space<hbm>>
      %dma_start3A_672 = arith.constant 0 : i32
      %dma_start3A_673 = tpu.memref_slice %arg10[%add3A_277, %dma_start3A_672] : memref<10240x128xf32, #tpu.memory_space<hbm>> -> memref<80x128xf32, #tpu.memory_space<hbm>>
      tpu.enqueue_dma source(%arg16 : memref<80x128xf32, #tpu.memory_space<vmem>>) target(%dma_start3A_673 : memref<80x128xf32, #tpu.memory_space<hbm>>) target_semaphore(%arg19 : memref<!tpu.dma_semaphore, #tpu.memory_space<semaphore_mem>>)
    } else {
    }
    %add3A_296 = arith.constant 560 : i32
    %add3A_297 = arith.addi %mul3A_0, %add3A_296 : i32
    %dma_start3A_298 = arith.constant 0 : i32
    %dma_start3A_299 = tpu.memref_slice %arg13[%add3A_297, %dma_start3A_298] : memref<10240x128xf32, #tpu.memory_space<vmem_shared>> -> memref<80x128xf32, #tpu.memory_space<vmem_shared>>
    %dma_start3A_300 = arith.constant 0 : i32
    %dma_start3A_301 = tpu.memref_slice %arg13[%add3A_297, %dma_start3A_300] : memref<10240x128xf32, #tpu.memory_space<vmem_shared>> -> memref<80x128xf32, #tpu.memory_space<vmem_shared>>
    tpu.enqueue_dma source(%dma_start3A_301 : memref<80x128xf32, #tpu.memory_space<vmem_shared>>) target(%arg17 : memref<80x128xf32, #tpu.memory_space<vmem>>) target_semaphore(%arg18 : memref<!tpu.dma_semaphore, #tpu.memory_space<semaphore_mem>>)
    %add3A_302 = arith.constant 560 : i32
    %add3A_303 = arith.addi %mul3A_0, %add3A_302 : i32
    %dma_wait3A_304 = arith.constant 0 : i32
    %dma_wait3A_305 = tpu.memref_slice %arg13[%add3A_303, %dma_wait3A_304] : memref<10240x128xf32, #tpu.memory_space<vmem_shared>> -> memref<80x128xf32, #tpu.memory_space<vmem_shared>>
    %dma_wait3A_306 = arith.constant 0 : i32
    %dma_wait3A_307 = tpu.memref_slice %arg13[%add3A_303, %dma_wait3A_306] : memref<10240x128xf32, #tpu.memory_space<vmem_shared>> -> memref<80x128xf32, #tpu.memory_space<vmem_shared>>
    tpu.wait_dma2 semaphore(%arg18 : memref<!tpu.dma_semaphore, #tpu.memory_space<semaphore_mem>>) src(%dma_wait3A_307 : memref<80x128xf32, #tpu.memory_space<vmem_shared>>) dst(%arg17 : memref<80x128xf32, #tpu.memory_space<vmem>>)
    %dma_wait3A_308 = arith.constant 0 : i32
    %dma_wait3A_309 = tpu.memref_slice %arg9[%mul3A_0, %dma_wait3A_308] : memref<10240x128xf32, #tpu.memory_space<hbm>> -> memref<80x128xf32, #tpu.memory_space<hbm>>
    %dma_wait3A_310 = arith.constant 0 : i32
    %dma_wait3A_311 = tpu.memref_slice %arg9[%mul3A_0, %dma_wait3A_310] : memref<10240x128xf32, #tpu.memory_space<hbm>> -> memref<80x128xf32, #tpu.memory_space<hbm>>
    tpu.wait_dma2 semaphore(%arg19 : memref<!tpu.dma_semaphore, #tpu.memory_space<semaphore_mem>>) src(%arg17 : memref<80x128xf32, #tpu.memory_space<vmem>>) dst(%dma_wait3A_311 : memref<80x128xf32, #tpu.memory_space<hbm>>)
    %eq3A_312 = arith.constant 0 : i32
    %eq3A_313 = arith.cmpi eq, %arg0, %eq3A_312 : i32
    %convert_element_type3A_314 = arith.extui %eq3A_313 : i1 to i32
    %cond3A_315 = arith.constant 0 : i32
    %cond3A_316 = arith.cmpi ne, %convert_element_type3A_314, %cond3A_315 : i32
    scf.if %cond3A_316 {
      %dma_start3A_670 = arith.constant 0 : i32
      %dma_start3A_671 = tpu.memref_slice %arg9[%add3A_303, %dma_start3A_670] : memref<10240x128xf32, #tpu.memory_space<hbm>> -> memref<80x128xf32, #tpu.memory_space<hbm>>
      %dma_start3A_672 = arith.constant 0 : i32
      %dma_start3A_673 = tpu.memref_slice %arg9[%add3A_303, %dma_start3A_672] : memref<10240x128xf32, #tpu.memory_space<hbm>> -> memref<80x128xf32, #tpu.memory_space<hbm>>
      tpu.enqueue_dma source(%arg17 : memref<80x128xf32, #tpu.memory_space<vmem>>) target(%dma_start3A_673 : memref<80x128xf32, #tpu.memory_space<hbm>>) target_semaphore(%arg19 : memref<!tpu.dma_semaphore, #tpu.memory_space<semaphore_mem>>)
    } else {
    }
    %eq3A_317 = arith.constant 1 : i32
    %eq3A_318 = arith.cmpi eq, %arg0, %eq3A_317 : i32
    %convert_element_type3A_319 = arith.extui %eq3A_318 : i1 to i32
    %cond3A_320 = arith.constant 0 : i32
    %cond3A_321 = arith.cmpi ne, %convert_element_type3A_319, %cond3A_320 : i32
    scf.if %cond3A_321 {
      %dma_start3A_670 = arith.constant 0 : i32
      %dma_start3A_671 = tpu.memref_slice %arg10[%add3A_303, %dma_start3A_670] : memref<10240x128xf32, #tpu.memory_space<hbm>> -> memref<80x128xf32, #tpu.memory_space<hbm>>
      %dma_start3A_672 = arith.constant 0 : i32
      %dma_start3A_673 = tpu.memref_slice %arg10[%add3A_303, %dma_start3A_672] : memref<10240x128xf32, #tpu.memory_space<hbm>> -> memref<80x128xf32, #tpu.memory_space<hbm>>
      tpu.enqueue_dma source(%arg17 : memref<80x128xf32, #tpu.memory_space<vmem>>) target(%dma_start3A_673 : memref<80x128xf32, #tpu.memory_space<hbm>>) target_semaphore(%arg19 : memref<!tpu.dma_semaphore, #tpu.memory_space<semaphore_mem>>)
    } else {
    }
    %dma_wait3A_322 = arith.constant 0 : i32
    %dma_wait3A_323 = tpu.memref_slice %arg9[%mul3A_0, %dma_wait3A_322] : memref<10240x128xf32, #tpu.memory_space<hbm>> -> memref<80x128xf32, #tpu.memory_space<hbm>>
    %dma_wait3A_324 = arith.constant 0 : i32
    %dma_wait3A_325 = tpu.memref_slice %arg9[%mul3A_0, %dma_wait3A_324] : memref<10240x128xf32, #tpu.memory_space<hbm>> -> memref<80x128xf32, #tpu.memory_space<hbm>>
    tpu.wait_dma2 semaphore(%arg19 : memref<!tpu.dma_semaphore, #tpu.memory_space<semaphore_mem>>) src(%arg16 : memref<80x128xf32, #tpu.memory_space<vmem>>) dst(%dma_wait3A_325 : memref<80x128xf32, #tpu.memory_space<hbm>>)
    %dma_wait3A_326 = arith.constant 0 : i32
    %dma_wait3A_327 = tpu.memref_slice %arg9[%mul3A_0, %dma_wait3A_326] : memref<10240x128xf32, #tpu.memory_space<hbm>> -> memref<80x128xf32, #tpu.memory_space<hbm>>
    %dma_wait3A_328 = arith.constant 0 : i32
    %dma_wait3A_329 = tpu.memref_slice %arg9[%mul3A_0, %dma_wait3A_328] : memref<10240x128xf32, #tpu.memory_space<hbm>> -> memref<80x128xf32, #tpu.memory_space<hbm>>
    tpu.wait_dma2 semaphore(%arg19 : memref<!tpu.dma_semaphore, #tpu.memory_space<semaphore_mem>>) src(%arg16 : memref<80x128xf32, #tpu.memory_space<vmem>>) dst(%dma_wait3A_329 : memref<80x128xf32, #tpu.memory_space<hbm>>)
    %barrier3A_330 = arith.constant 0 : index
    tpu.barrier barrier_id(%barrier3A_330)
    %dma_start3A_331 = arith.constant 0 : i32
    %dma_start3A_332 = tpu.memref_slice %arg6[%arg1, %dma_start3A_331] : memref<16x10000xi32, #tpu.memory_space<hbm>> -> memref<1x10000xi32, #tpu.memory_space<hbm>>
    %dma_start3A_333 = tpu.memref_squeeze %dma_start3A_332 : memref<1x10000xi32, #tpu.memory_space<hbm>> -> memref<10000xi32, #tpu.memory_space<hbm>>
    %dma_start3A_334 = arith.constant 0 : i32
    %dma_start3A_335 = tpu.memref_slice %arg6[%arg1, %dma_start3A_334] : memref<16x10000xi32, #tpu.memory_space<hbm>> -> memref<1x10000xi32, #tpu.memory_space<hbm>>
    %dma_start3A_336 = tpu.memref_squeeze %dma_start3A_335 : memref<1x10000xi32, #tpu.memory_space<hbm>> -> memref<10000xi32, #tpu.memory_space<hbm>>
    tpu.enqueue_dma source(%dma_start3A_336 : memref<10000xi32, #tpu.memory_space<hbm>>) target(%arg14 : memref<10000xi32, #tpu.memory_space<vmem>>) target_semaphore(%arg19 : memref<!tpu.dma_semaphore, #tpu.memory_space<semaphore_mem>>)
    %dma_start3A_337 = arith.constant 0 : i32
    %dma_start3A_338 = arith.constant 0 : i32
    %dma_start3A_339 = tpu.memref_slice %arg7[%arg1, %dma_start3A_337, %dma_start3A_338] : memref<16x125x80xi32, #tpu.memory_space<hbm>> -> memref<1x125x80xi32, #tpu.memory_space<hbm>>
    %dma_start3A_340 = tpu.memref_squeeze %dma_start3A_339 : memref<1x125x80xi32, #tpu.memory_space<hbm>> -> memref<125x80xi32, #tpu.memory_space<hbm>>
    %dma_start3A_341 = arith.constant 0 : i32
    %dma_start3A_342 = arith.constant 0 : i32
    %dma_start3A_343 = tpu.memref_slice %arg7[%arg1, %dma_start3A_341, %dma_start3A_342] : memref<16x125x80xi32, #tpu.memory_space<hbm>> -> memref<1x125x80xi32, #tpu.memory_space<hbm>>
    %dma_start3A_344 = tpu.memref_squeeze %dma_start3A_343 : memref<1x125x80xi32, #tpu.memory_space<hbm>> -> memref<125x80xi32, #tpu.memory_space<hbm>>
    tpu.enqueue_dma source(%dma_start3A_344 : memref<125x80xi32, #tpu.memory_space<hbm>>) target(%arg15 : memref<125x80xi32, #tpu.memory_space<vmem>>) target_semaphore(%arg19 : memref<!tpu.dma_semaphore, #tpu.memory_space<semaphore_mem>>)
    "tpu.region"() ({
      %run_scoped3A_670 = tpu.sem_alloc : memref<!tpu.dma_semaphore, #tpu.memory_space<semaphore_mem>>
      tpu.enqueue_dma source(%arg8 : memref<80x128xf32, #tpu.memory_space<hbm>>) target(%arg16 : memref<80x128xf32, #tpu.memory_space<vmem>>) target_semaphore(%run_scoped3A_670 : memref<!tpu.dma_semaphore, #tpu.memory_space<semaphore_mem>>)
      tpu.wait_dma2 semaphore(%run_scoped3A_670 : memref<!tpu.dma_semaphore, #tpu.memory_space<semaphore_mem>>) src(%arg8 : memref<80x128xf32, #tpu.memory_space<hbm>>) dst(%arg16 : memref<80x128xf32, #tpu.memory_space<vmem>>)
      tpu.yield
    }) : () -> ()
    %add3A_345 = arith.constant 0 : i32
    %add3A_346 = arith.addi %mul3A_0, %add3A_345 : i32
    %dma_start3A_347 = arith.constant 0 : i32
    %dma_start3A_348 = tpu.memref_slice %arg13[%add3A_346, %dma_start3A_347] : memref<10240x128xf32, #tpu.memory_space<vmem_shared>> -> memref<80x128xf32, #tpu.memory_space<vmem_shared>>
    %dma_start3A_349 = arith.constant 0 : i32
    %dma_start3A_350 = tpu.memref_slice %arg13[%add3A_346, %dma_start3A_349] : memref<10240x128xf32, #tpu.memory_space<vmem_shared>> -> memref<80x128xf32, #tpu.memory_space<vmem_shared>>
    tpu.enqueue_dma source(%arg16 : memref<80x128xf32, #tpu.memory_space<vmem>>) target(%dma_start3A_350 : memref<80x128xf32, #tpu.memory_space<vmem_shared>>) target_semaphore(%arg18 : memref<!tpu.dma_semaphore, #tpu.memory_space<semaphore_mem>>)
    %add3A_351 = arith.constant 80 : i32
    %add3A_352 = arith.addi %mul3A_0, %add3A_351 : i32
    %dma_start3A_353 = arith.constant 0 : i32
    %dma_start3A_354 = tpu.memref_slice %arg13[%add3A_352, %dma_start3A_353] : memref<10240x128xf32, #tpu.memory_space<vmem_shared>> -> memref<80x128xf32, #tpu.memory_space<vmem_shared>>
    %dma_start3A_355 = arith.constant 0 : i32
    %dma_start3A_356 = tpu.memref_slice %arg13[%add3A_352, %dma_start3A_355] : memref<10240x128xf32, #tpu.memory_space<vmem_shared>> -> memref<80x128xf32, #tpu.memory_space<vmem_shared>>
    tpu.enqueue_dma source(%arg16 : memref<80x128xf32, #tpu.memory_space<vmem>>) target(%dma_start3A_356 : memref<80x128xf32, #tpu.memory_space<vmem_shared>>) target_semaphore(%arg18 : memref<!tpu.dma_semaphore, #tpu.memory_space<semaphore_mem>>)
    %add3A_357 = arith.constant 160 : i32
    %add3A_358 = arith.addi %mul3A_0, %add3A_357 : i32
    %dma_start3A_359 = arith.constant 0 : i32
    %dma_start3A_360 = tpu.memref_slice %arg13[%add3A_358, %dma_start3A_359] : memref<10240x128xf32, #tpu.memory_space<vmem_shared>> -> memref<80x128xf32, #tpu.memory_space<vmem_shared>>
    %dma_start3A_361 = arith.constant 0 : i32
    %dma_start3A_362 = tpu.memref_slice %arg13[%add3A_358, %dma_start3A_361] : memref<10240x128xf32, #tpu.memory_space<vmem_shared>> -> memref<80x128xf32, #tpu.memory_space<vmem_shared>>
    tpu.enqueue_dma source(%arg16 : memref<80x128xf32, #tpu.memory_space<vmem>>) target(%dma_start3A_362 : memref<80x128xf32, #tpu.memory_space<vmem_shared>>) target_semaphore(%arg18 : memref<!tpu.dma_semaphore, #tpu.memory_space<semaphore_mem>>)
    %add3A_363 = arith.constant 240 : i32
    %add3A_364 = arith.addi %mul3A_0, %add3A_363 : i32
    %dma_start3A_365 = arith.constant 0 : i32
    %dma_start3A_366 = tpu.memref_slice %arg13[%add3A_364, %dma_start3A_365] : memref<10240x128xf32, #tpu.memory_space<vmem_shared>> -> memref<80x128xf32, #tpu.memory_space<vmem_shared>>
    %dma_start3A_367 = arith.constant 0 : i32
    %dma_start3A_368 = tpu.memref_slice %arg13[%add3A_364, %dma_start3A_367] : memref<10240x128xf32, #tpu.memory_space<vmem_shared>> -> memref<80x128xf32, #tpu.memory_space<vmem_shared>>
    tpu.enqueue_dma source(%arg16 : memref<80x128xf32, #tpu.memory_space<vmem>>) target(%dma_start3A_368 : memref<80x128xf32, #tpu.memory_space<vmem_shared>>) target_semaphore(%arg18 : memref<!tpu.dma_semaphore, #tpu.memory_space<semaphore_mem>>)
    %add3A_369 = arith.constant 320 : i32
    %add3A_370 = arith.addi %mul3A_0, %add3A_369 : i32
    %dma_start3A_371 = arith.constant 0 : i32
    %dma_start3A_372 = tpu.memref_slice %arg13[%add3A_370, %dma_start3A_371] : memref<10240x128xf32, #tpu.memory_space<vmem_shared>> -> memref<80x128xf32, #tpu.memory_space<vmem_shared>>
    %dma_start3A_373 = arith.constant 0 : i32
    %dma_start3A_374 = tpu.memref_slice %arg13[%add3A_370, %dma_start3A_373] : memref<10240x128xf32, #tpu.memory_space<vmem_shared>> -> memref<80x128xf32, #tpu.memory_space<vmem_shared>>
    tpu.enqueue_dma source(%arg16 : memref<80x128xf32, #tpu.memory_space<vmem>>) target(%dma_start3A_374 : memref<80x128xf32, #tpu.memory_space<vmem_shared>>) target_semaphore(%arg18 : memref<!tpu.dma_semaphore, #tpu.memory_space<semaphore_mem>>)
    %add3A_375 = arith.constant 400 : i32
    %add3A_376 = arith.addi %mul3A_0, %add3A_375 : i32
    %dma_start3A_377 = arith.constant 0 : i32
    %dma_start3A_378 = tpu.memref_slice %arg13[%add3A_376, %dma_start3A_377] : memref<10240x128xf32, #tpu.memory_space<vmem_shared>> -> memref<80x128xf32, #tpu.memory_space<vmem_shared>>
    %dma_start3A_379 = arith.constant 0 : i32
    %dma_start3A_380 = tpu.memref_slice %arg13[%add3A_376, %dma_start3A_379] : memref<10240x128xf32, #tpu.memory_space<vmem_shared>> -> memref<80x128xf32, #tpu.memory_space<vmem_shared>>
    tpu.enqueue_dma source(%arg16 : memref<80x128xf32, #tpu.memory_space<vmem>>) target(%dma_start3A_380 : memref<80x128xf32, #tpu.memory_space<vmem_shared>>) target_semaphore(%arg18 : memref<!tpu.dma_semaphore, #tpu.memory_space<semaphore_mem>>)
    %add3A_381 = arith.constant 480 : i32
    %add3A_382 = arith.addi %mul3A_0, %add3A_381 : i32
    %dma_start3A_383 = arith.constant 0 : i32
    %dma_start3A_384 = tpu.memref_slice %arg13[%add3A_382, %dma_start3A_383] : memref<10240x128xf32, #tpu.memory_space<vmem_shared>> -> memref<80x128xf32, #tpu.memory_space<vmem_shared>>
    %dma_start3A_385 = arith.constant 0 : i32
    %dma_start3A_386 = tpu.memref_slice %arg13[%add3A_382, %dma_start3A_385] : memref<10240x128xf32, #tpu.memory_space<vmem_shared>> -> memref<80x128xf32, #tpu.memory_space<vmem_shared>>
    tpu.enqueue_dma source(%arg16 : memref<80x128xf32, #tpu.memory_space<vmem>>) target(%dma_start3A_386 : memref<80x128xf32, #tpu.memory_space<vmem_shared>>) target_semaphore(%arg18 : memref<!tpu.dma_semaphore, #tpu.memory_space<semaphore_mem>>)
    %add3A_387 = arith.constant 560 : i32
    %add3A_388 = arith.addi %mul3A_0, %add3A_387 : i32
    %dma_start3A_389 = arith.constant 0 : i32
    %dma_start3A_390 = tpu.memref_slice %arg13[%add3A_388, %dma_start3A_389] : memref<10240x128xf32, #tpu.memory_space<vmem_shared>> -> memref<80x128xf32, #tpu.memory_space<vmem_shared>>
    %dma_start3A_391 = arith.constant 0 : i32
    %dma_start3A_392 = tpu.memref_slice %arg13[%add3A_388, %dma_start3A_391] : memref<10240x128xf32, #tpu.memory_space<vmem_shared>> -> memref<80x128xf32, #tpu.memory_space<vmem_shared>>
    tpu.enqueue_dma source(%arg16 : memref<80x128xf32, #tpu.memory_space<vmem>>) target(%dma_start3A_392 : memref<80x128xf32, #tpu.memory_space<vmem_shared>>) target_semaphore(%arg18 : memref<!tpu.dma_semaphore, #tpu.memory_space<semaphore_mem>>)
    %dma_wait3A_393 = arith.constant 0 : i32
    %dma_wait3A_394 = tpu.memref_slice %arg13[%mul3A_0, %dma_wait3A_393] : memref<10240x128xf32, #tpu.memory_space<vmem_shared>> -> memref<80x128xf32, #tpu.memory_space<vmem_shared>>
    %dma_wait3A_395 = arith.constant 0 : i32
    %dma_wait3A_396 = tpu.memref_slice %arg13[%mul3A_0, %dma_wait3A_395] : memref<10240x128xf32, #tpu.memory_space<vmem_shared>> -> memref<80x128xf32, #tpu.memory_space<vmem_shared>>
    tpu.wait_dma2 semaphore(%arg18 : memref<!tpu.dma_semaphore, #tpu.memory_space<semaphore_mem>>) src(%arg16 : memref<80x128xf32, #tpu.memory_space<vmem>>) dst(%dma_wait3A_396 : memref<80x128xf32, #tpu.memory_space<vmem_shared>>)
    %dma_wait3A_397 = arith.constant 0 : i32
    %dma_wait3A_398 = tpu.memref_slice %arg13[%mul3A_0, %dma_wait3A_397] : memref<10240x128xf32, #tpu.memory_space<vmem_shared>> -> memref<80x128xf32, #tpu.memory_space<vmem_shared>>
    %dma_wait3A_399 = arith.constant 0 : i32
    %dma_wait3A_400 = tpu.memref_slice %arg13[%mul3A_0, %dma_wait3A_399] : memref<10240x128xf32, #tpu.memory_space<vmem_shared>> -> memref<80x128xf32, #tpu.memory_space<vmem_shared>>
    tpu.wait_dma2 semaphore(%arg18 : memref<!tpu.dma_semaphore, #tpu.memory_space<semaphore_mem>>) src(%arg16 : memref<80x128xf32, #tpu.memory_space<vmem>>) dst(%dma_wait3A_400 : memref<80x128xf32, #tpu.memory_space<vmem_shared>>)
    %dma_wait3A_401 = arith.constant 0 : i32
    %dma_wait3A_402 = tpu.memref_slice %arg13[%mul3A_0, %dma_wait3A_401] : memref<10240x128xf32, #tpu.memory_space<vmem_shared>> -> memref<80x128xf32, #tpu.memory_space<vmem_shared>>
    %dma_wait3A_403 = arith.constant 0 : i32
    %dma_wait3A_404 = tpu.memref_slice %arg13[%mul3A_0, %dma_wait3A_403] : memref<10240x128xf32, #tpu.memory_space<vmem_shared>> -> memref<80x128xf32, #tpu.memory_space<vmem_shared>>
    tpu.wait_dma2 semaphore(%arg18 : memref<!tpu.dma_semaphore, #tpu.memory_space<semaphore_mem>>) src(%arg16 : memref<80x128xf32, #tpu.memory_space<vmem>>) dst(%dma_wait3A_404 : memref<80x128xf32, #tpu.memory_space<vmem_shared>>)
    %dma_wait3A_405 = arith.constant 0 : i32
    %dma_wait3A_406 = tpu.memref_slice %arg13[%mul3A_0, %dma_wait3A_405] : memref<10240x128xf32, #tpu.memory_space<vmem_shared>> -> memref<80x128xf32, #tpu.memory_space<vmem_shared>>
    %dma_wait3A_407 = arith.constant 0 : i32
    %dma_wait3A_408 = tpu.memref_slice %arg13[%mul3A_0, %dma_wait3A_407] : memref<10240x128xf32, #tpu.memory_space<vmem_shared>> -> memref<80x128xf32, #tpu.memory_space<vmem_shared>>
    tpu.wait_dma2 semaphore(%arg18 : memref<!tpu.dma_semaphore, #tpu.memory_space<semaphore_mem>>) src(%arg16 : memref<80x128xf32, #tpu.memory_space<vmem>>) dst(%dma_wait3A_408 : memref<80x128xf32, #tpu.memory_space<vmem_shared>>)
    %dma_wait3A_409 = arith.constant 0 : i32
    %dma_wait3A_410 = tpu.memref_slice %arg13[%mul3A_0, %dma_wait3A_409] : memref<10240x128xf32, #tpu.memory_space<vmem_shared>> -> memref<80x128xf32, #tpu.memory_space<vmem_shared>>
    %dma_wait3A_411 = arith.constant 0 : i32
    %dma_wait3A_412 = tpu.memref_slice %arg13[%mul3A_0, %dma_wait3A_411] : memref<10240x128xf32, #tpu.memory_space<vmem_shared>> -> memref<80x128xf32, #tpu.memory_space<vmem_shared>>
    tpu.wait_dma2 semaphore(%arg18 : memref<!tpu.dma_semaphore, #tpu.memory_space<semaphore_mem>>) src(%arg16 : memref<80x128xf32, #tpu.memory_space<vmem>>) dst(%dma_wait3A_412 : memref<80x128xf32, #tpu.memory_space<vmem_shared>>)
    %dma_wait3A_413 = arith.constant 0 : i32
    %dma_wait3A_414 = tpu.memref_slice %arg13[%mul3A_0, %dma_wait3A_413] : memref<10240x128xf32, #tpu.memory_space<vmem_shared>> -> memref<80x128xf32, #tpu.memory_space<vmem_shared>>
    %dma_wait3A_415 = arith.constant 0 : i32
    %dma_wait3A_416 = tpu.memref_slice %arg13[%mul3A_0, %dma_wait3A_415] : memref<10240x128xf32, #tpu.memory_space<vmem_shared>> -> memref<80x128xf32, #tpu.memory_space<vmem_shared>>
    tpu.wait_dma2 semaphore(%arg18 : memref<!tpu.dma_semaphore, #tpu.memory_space<semaphore_mem>>) src(%arg16 : memref<80x128xf32, #tpu.memory_space<vmem>>) dst(%dma_wait3A_416 : memref<80x128xf32, #tpu.memory_space<vmem_shared>>)
    %dma_wait3A_417 = arith.constant 0 : i32
    %dma_wait3A_418 = tpu.memref_slice %arg13[%mul3A_0, %dma_wait3A_417] : memref<10240x128xf32, #tpu.memory_space<vmem_shared>> -> memref<80x128xf32, #tpu.memory_space<vmem_shared>>
    %dma_wait3A_419 = arith.constant 0 : i32
    %dma_wait3A_420 = tpu.memref_slice %arg13[%mul3A_0, %dma_wait3A_419] : memref<10240x128xf32, #tpu.memory_space<vmem_shared>> -> memref<80x128xf32, #tpu.memory_space<vmem_shared>>
    tpu.wait_dma2 semaphore(%arg18 : memref<!tpu.dma_semaphore, #tpu.memory_space<semaphore_mem>>) src(%arg16 : memref<80x128xf32, #tpu.memory_space<vmem>>) dst(%dma_wait3A_420 : memref<80x128xf32, #tpu.memory_space<vmem_shared>>)
    %dma_wait3A_421 = arith.constant 0 : i32
    %dma_wait3A_422 = tpu.memref_slice %arg13[%mul3A_0, %dma_wait3A_421] : memref<10240x128xf32, #tpu.memory_space<vmem_shared>> -> memref<80x128xf32, #tpu.memory_space<vmem_shared>>
    %dma_wait3A_423 = arith.constant 0 : i32
    %dma_wait3A_424 = tpu.memref_slice %arg13[%mul3A_0, %dma_wait3A_423] : memref<10240x128xf32, #tpu.memory_space<vmem_shared>> -> memref<80x128xf32, #tpu.memory_space<vmem_shared>>
    tpu.wait_dma2 semaphore(%arg18 : memref<!tpu.dma_semaphore, #tpu.memory_space<semaphore_mem>>) src(%arg16 : memref<80x128xf32, #tpu.memory_space<vmem>>) dst(%dma_wait3A_424 : memref<80x128xf32, #tpu.memory_space<vmem_shared>>)
    %dma_wait3A_425 = arith.constant 0 : i32
    %dma_wait3A_426 = tpu.memref_slice %arg6[%arg1, %dma_wait3A_425] : memref<16x10000xi32, #tpu.memory_space<hbm>> -> memref<1x10000xi32, #tpu.memory_space<hbm>>
    %dma_wait3A_427 = tpu.memref_squeeze %dma_wait3A_426 : memref<1x10000xi32, #tpu.memory_space<hbm>> -> memref<10000xi32, #tpu.memory_space<hbm>>
    %dma_wait3A_428 = arith.constant 0 : i32
    %dma_wait3A_429 = tpu.memref_slice %arg6[%arg1, %dma_wait3A_428] : memref<16x10000xi32, #tpu.memory_space<hbm>> -> memref<1x10000xi32, #tpu.memory_space<hbm>>
    %dma_wait3A_430 = tpu.memref_squeeze %dma_wait3A_429 : memref<1x10000xi32, #tpu.memory_space<hbm>> -> memref<10000xi32, #tpu.memory_space<hbm>>
    tpu.wait_dma2 semaphore(%arg19 : memref<!tpu.dma_semaphore, #tpu.memory_space<semaphore_mem>>) src(%dma_wait3A_430 : memref<10000xi32, #tpu.memory_space<hbm>>) dst(%arg14 : memref<10000xi32, #tpu.memory_space<vmem>>)
    %dma_wait3A_431 = arith.constant 0 : i32
    %dma_wait3A_432 = arith.constant 0 : i32
    %dma_wait3A_433 = tpu.memref_slice %arg7[%arg1, %dma_wait3A_431, %dma_wait3A_432] : memref<16x125x80xi32, #tpu.memory_space<hbm>> -> memref<1x125x80xi32, #tpu.memory_space<hbm>>
    %dma_wait3A_434 = tpu.memref_squeeze %dma_wait3A_433 : memref<1x125x80xi32, #tpu.memory_space<hbm>> -> memref<125x80xi32, #tpu.memory_space<hbm>>
    %dma_wait3A_435 = arith.constant 0 : i32
    %dma_wait3A_436 = arith.constant 0 : i32
    %dma_wait3A_437 = tpu.memref_slice %arg7[%arg1, %dma_wait3A_435, %dma_wait3A_436] : memref<16x125x80xi32, #tpu.memory_space<hbm>> -> memref<1x125x80xi32, #tpu.memory_space<hbm>>
    %dma_wait3A_438 = tpu.memref_squeeze %dma_wait3A_437 : memref<1x125x80xi32, #tpu.memory_space<hbm>> -> memref<125x80xi32, #tpu.memory_space<hbm>>
    tpu.wait_dma2 semaphore(%arg19 : memref<!tpu.dma_semaphore, #tpu.memory_space<semaphore_mem>>) src(%dma_wait3A_438 : memref<125x80xi32, #tpu.memory_space<hbm>>) dst(%arg15 : memref<125x80xi32, #tpu.memory_space<vmem>>)
    %barrier3A_439 = arith.constant 0 : index
    tpu.barrier barrier_id(%barrier3A_439)
    %eq3A_440 = arith.constant 0 : i32
    %eq3A_441 = arith.cmpi eq, %arg0, %eq3A_440 : i32
    %convert_element_type3A_442 = arith.extui %eq3A_441 : i1 to i32
    %cond3A_443 = arith.constant 0 : i32
    %cond3A_444 = arith.cmpi ne, %convert_element_type3A_442, %cond3A_443 : i32
    scf.if %cond3A_444 {
      %dma_start3A_670 = arith.constant 0 : i32
      %dma_start3A_671 = tpu.memref_slice %arg14[%dma_start3A_670] : memref<10000xi32, #tpu.memory_space<vmem>> -> memref<80xi32, #tpu.memory_space<vmem>>
      %dma_start3A_672 = arith.constant 0 : i32
      %dma_start3A_673 = arith.constant 0 : i32
      %dma_start3A_674 = tpu.memref_slice %arg2[%dma_start3A_672, %dma_start3A_673] : memref<10000x128xf32, #tpu.memory_space<hbm>> -> memref<10000x128xf32, #tpu.memory_space<hbm>>
      tpu.enqueue_indirect_dma source(%dma_start3A_674 : memref<10000x128xf32, #tpu.memory_space<hbm>>) target(%arg16 : memref<80x128xf32, #tpu.memory_space<vmem>>) offsets(%dma_start3A_671 : memref<80xi32, #tpu.memory_space<vmem>>) semaphore(%arg18 : memref<!tpu.dma_semaphore, #tpu.memory_space<semaphore_mem>>)
    } else {
    }
    %eq3A_445 = arith.constant 1 : i32
    %eq3A_446 = arith.cmpi eq, %arg0, %eq3A_445 : i32
    %convert_element_type3A_447 = arith.extui %eq3A_446 : i1 to i32
    %cond3A_448 = arith.constant 0 : i32
    %cond3A_449 = arith.cmpi ne, %convert_element_type3A_447, %cond3A_448 : i32
    scf.if %cond3A_449 {
      %dma_start3A_670 = arith.constant 0 : i32
      %dma_start3A_671 = tpu.memref_slice %arg14[%dma_start3A_670] : memref<10000xi32, #tpu.memory_space<vmem>> -> memref<80xi32, #tpu.memory_space<vmem>>
      %dma_start3A_672 = arith.constant 0 : i32
      %dma_start3A_673 = arith.constant 0 : i32
      %dma_start3A_674 = tpu.memref_slice %arg3[%dma_start3A_672, %dma_start3A_673] : memref<10000x128xf32, #tpu.memory_space<hbm>> -> memref<10000x128xf32, #tpu.memory_space<hbm>>
      tpu.enqueue_indirect_dma source(%dma_start3A_674 : memref<10000x128xf32, #tpu.memory_space<hbm>>) target(%arg16 : memref<80x128xf32, #tpu.memory_space<vmem>>) offsets(%dma_start3A_671 : memref<80xi32, #tpu.memory_space<vmem>>) semaphore(%arg18 : memref<!tpu.dma_semaphore, #tpu.memory_space<semaphore_mem>>)
    } else {
    }
    %scan3A_450 = arith.constant 0 : i32
    %scan3A_451 = arith.constant 0 : i32
    %scan3A_452 = arith.constant 62 : i32
    %scan3A_453 = arith.addi %scan3A_451, %scan3A_452 : i32
    %scan3A_454 = arith.constant 1 : i32
    scf.for %scan3A_670 = %scan3A_451 to %scan3A_453 step %scan3A_454  : i32 {
      %mul3A_671 = arith.constant 2 : i32
      %mul3A_672 = arith.muli %mul3A_671, %scan3A_670 : i32
      %dma_wait3A_673 = arith.constant 0 : i32
      %dma_wait3A_674 = tpu.memref_slice %arg14[%dma_wait3A_673] : memref<10000xi32, #tpu.memory_space<vmem>> -> memref<80xi32, #tpu.memory_space<vmem>>
      %dma_wait3A_675 = arith.constant 0 : i32
      %dma_wait3A_676 = arith.constant 0 : i32
      %dma_wait3A_677 = tpu.memref_slice %arg2[%dma_wait3A_675, %dma_wait3A_676] : memref<10000x128xf32, #tpu.memory_space<hbm>> -> memref<10000x128xf32, #tpu.memory_space<hbm>>
      tpu.wait_indirect_dma semaphore(%arg18 : memref<!tpu.dma_semaphore, #tpu.memory_space<semaphore_mem>>) src(%dma_wait3A_677 : memref<10000x128xf32, #tpu.memory_space<hbm>>) dst(%arg16 : memref<80x128xf32, #tpu.memory_space<vmem>>)
      %add3A_678 = arith.constant 1 : i32
      %add3A_679 = arith.addi %mul3A_672, %add3A_678 : i32
      %mul3A_680 = arith.constant 80 : i32
      %mul3A_681 = arith.muli %add3A_679, %mul3A_680 : i32
      %eq3A_682 = arith.constant 0 : i32
      %eq3A_683 = arith.cmpi eq, %arg0, %eq3A_682 : i32
      %convert_element_type3A_684 = arith.extui %eq3A_683 : i1 to i32
      %cond3A_685 = arith.constant 0 : i32
      %cond3A_686 = arith.cmpi ne, %convert_element_type3A_684, %cond3A_685 : i32
      scf.if %cond3A_686 {
        %dma_start3A_713 = tpu.memref_slice %arg14[%mul3A_681] : memref<10000xi32, #tpu.memory_space<vmem>> -> memref<80xi32, #tpu.memory_space<vmem>>
        %dma_start3A_714 = arith.constant 0 : i32
        %dma_start3A_715 = arith.constant 0 : i32
        %dma_start3A_716 = tpu.memref_slice %arg2[%dma_start3A_714, %dma_start3A_715] : memref<10000x128xf32, #tpu.memory_space<hbm>> -> memref<10000x128xf32, #tpu.memory_space<hbm>>
        tpu.enqueue_indirect_dma source(%dma_start3A_716 : memref<10000x128xf32, #tpu.memory_space<hbm>>) target(%arg17 : memref<80x128xf32, #tpu.memory_space<vmem>>) offsets(%dma_start3A_713 : memref<80xi32, #tpu.memory_space<vmem>>) semaphore(%arg19 : memref<!tpu.dma_semaphore, #tpu.memory_space<semaphore_mem>>)
      } else {
      }
      %eq3A_687 = arith.constant 1 : i32
      %eq3A_688 = arith.cmpi eq, %arg0, %eq3A_687 : i32
      %convert_element_type3A_689 = arith.extui %eq3A_688 : i1 to i32
      %cond3A_690 = arith.constant 0 : i32
      %cond3A_691 = arith.cmpi ne, %convert_element_type3A_689, %cond3A_690 : i32
      scf.if %cond3A_691 {
        %dma_start3A_713 = tpu.memref_slice %arg14[%mul3A_681] : memref<10000xi32, #tpu.memory_space<vmem>> -> memref<80xi32, #tpu.memory_space<vmem>>
        %dma_start3A_714 = arith.constant 0 : i32
        %dma_start3A_715 = arith.constant 0 : i32
        %dma_start3A_716 = tpu.memref_slice %arg3[%dma_start3A_714, %dma_start3A_715] : memref<10000x128xf32, #tpu.memory_space<hbm>> -> memref<10000x128xf32, #tpu.memory_space<hbm>>
        tpu.enqueue_indirect_dma source(%dma_start3A_716 : memref<10000x128xf32, #tpu.memory_space<hbm>>) target(%arg17 : memref<80x128xf32, #tpu.memory_space<vmem>>) offsets(%dma_start3A_713 : memref<80xi32, #tpu.memory_space<vmem>>) semaphore(%arg19 : memref<!tpu.dma_semaphore, #tpu.memory_space<semaphore_mem>>)
      } else {
      }
      "tpu.region"() ({
        %run_scoped3A_713 = tpu.sem_alloc : memref<!tpu.dma_semaphore, #tpu.memory_space<semaphore_mem>>
        %dma_start3A_714 = arith.constant 0 : i32
        %dma_start3A_715 = tpu.memref_slice %arg15[%mul3A_672, %dma_start3A_714] : memref<125x80xi32, #tpu.memory_space<vmem>> -> memref<1x80xi32, #tpu.memory_space<vmem>>
        %dma_start3A_716 = tpu.memref_squeeze %dma_start3A_715 : memref<1x80xi32, #tpu.memory_space<vmem>> -> memref<80xi32, #tpu.memory_space<vmem>>
        %dma_start3A_717 = arith.constant 0 : i32
        %dma_start3A_718 = arith.constant 0 : i32
        %dma_start3A_719 = tpu.memref_slice %arg13[%dma_start3A_717, %dma_start3A_718] : memref<10240x128xf32, #tpu.memory_space<vmem_shared>> -> memref<10240x128xf32, #tpu.memory_space<vmem_shared>>
        tpu.enqueue_indirect_dma source(%arg16 : memref<80x128xf32, #tpu.memory_space<vmem>>) target(%dma_start3A_719 : memref<10240x128xf32, #tpu.memory_space<vmem_shared>>) offsets(%dma_start3A_716 : memref<80xi32, #tpu.memory_space<vmem>>) semaphore(%run_scoped3A_713 : memref<!tpu.dma_semaphore, #tpu.memory_space<semaphore_mem>>) {add = true}
        %dma_wait3A_720 = arith.constant 0 : i32
        %dma_wait3A_721 = tpu.memref_slice %arg15[%mul3A_672, %dma_wait3A_720] : memref<125x80xi32, #tpu.memory_space<vmem>> -> memref<1x80xi32, #tpu.memory_space<vmem>>
        %dma_wait3A_722 = tpu.memref_squeeze %dma_wait3A_721 : memref<1x80xi32, #tpu.memory_space<vmem>> -> memref<80xi32, #tpu.memory_space<vmem>>
        %dma_wait3A_723 = arith.constant 0 : i32
        %dma_wait3A_724 = arith.constant 0 : i32
        %dma_wait3A_725 = tpu.memref_slice %arg13[%dma_wait3A_723, %dma_wait3A_724] : memref<10240x128xf32, #tpu.memory_space<vmem_shared>> -> memref<10240x128xf32, #tpu.memory_space<vmem_shared>>
        tpu.wait_indirect_dma semaphore(%run_scoped3A_713 : memref<!tpu.dma_semaphore, #tpu.memory_space<semaphore_mem>>) src(%arg16 : memref<80x128xf32, #tpu.memory_space<vmem>>) dst(%dma_wait3A_725 : memref<10240x128xf32, #tpu.memory_space<vmem_shared>>)
        tpu.yield
      }) : () -> ()
      %dma_wait3A_692 = arith.constant 0 : i32
      %dma_wait3A_693 = tpu.memref_slice %arg14[%dma_wait3A_692] : memref<10000xi32, #tpu.memory_space<vmem>> -> memref<80xi32, #tpu.memory_space<vmem>>
      %dma_wait3A_694 = arith.constant 0 : i32
      %dma_wait3A_695 = arith.constant 0 : i32
      %dma_wait3A_696 = tpu.memref_slice %arg2[%dma_wait3A_694, %dma_wait3A_695] : memref<10000x128xf32, #tpu.memory_space<hbm>> -> memref<10000x128xf32, #tpu.memory_space<hbm>>
      tpu.wait_indirect_dma semaphore(%arg19 : memref<!tpu.dma_semaphore, #tpu.memory_space<semaphore_mem>>) src(%dma_wait3A_696 : memref<10000x128xf32, #tpu.memory_space<hbm>>) dst(%arg17 : memref<80x128xf32, #tpu.memory_space<vmem>>)
      %add3A_697 = arith.constant 2 : i32
      %add3A_698 = arith.addi %mul3A_672, %add3A_697 : i32
      %mul3A_699 = arith.constant 80 : i32
      %mul3A_700 = arith.muli %add3A_698, %mul3A_699 : i32
      %eq3A_701 = arith.constant 0 : i32
      %eq3A_702 = arith.cmpi eq, %arg0, %eq3A_701 : i32
      %convert_element_type3A_703 = arith.extui %eq3A_702 : i1 to i32
      %cond3A_704 = arith.constant 0 : i32
      %cond3A_705 = arith.cmpi ne, %convert_element_type3A_703, %cond3A_704 : i32
      scf.if %cond3A_705 {
        %dma_start3A_713 = tpu.memref_slice %arg14[%mul3A_700] : memref<10000xi32, #tpu.memory_space<vmem>> -> memref<80xi32, #tpu.memory_space<vmem>>
        %dma_start3A_714 = arith.constant 0 : i32
        %dma_start3A_715 = arith.constant 0 : i32
        %dma_start3A_716 = tpu.memref_slice %arg2[%dma_start3A_714, %dma_start3A_715] : memref<10000x128xf32, #tpu.memory_space<hbm>> -> memref<10000x128xf32, #tpu.memory_space<hbm>>
        tpu.enqueue_indirect_dma source(%dma_start3A_716 : memref<10000x128xf32, #tpu.memory_space<hbm>>) target(%arg16 : memref<80x128xf32, #tpu.memory_space<vmem>>) offsets(%dma_start3A_713 : memref<80xi32, #tpu.memory_space<vmem>>) semaphore(%arg18 : memref<!tpu.dma_semaphore, #tpu.memory_space<semaphore_mem>>)
      } else {
      }
      %eq3A_706 = arith.constant 1 : i32
      %eq3A_707 = arith.cmpi eq, %arg0, %eq3A_706 : i32
      %convert_element_type3A_708 = arith.extui %eq3A_707 : i1 to i32
      %cond3A_709 = arith.constant 0 : i32
      %cond3A_710 = arith.cmpi ne, %convert_element_type3A_708, %cond3A_709 : i32
      scf.if %cond3A_710 {
        %dma_start3A_713 = tpu.memref_slice %arg14[%mul3A_700] : memref<10000xi32, #tpu.memory_space<vmem>> -> memref<80xi32, #tpu.memory_space<vmem>>
        %dma_start3A_714 = arith.constant 0 : i32
        %dma_start3A_715 = arith.constant 0 : i32
        %dma_start3A_716 = tpu.memref_slice %arg3[%dma_start3A_714, %dma_start3A_715] : memref<10000x128xf32, #tpu.memory_space<hbm>> -> memref<10000x128xf32, #tpu.memory_space<hbm>>
        tpu.enqueue_indirect_dma source(%dma_start3A_716 : memref<10000x128xf32, #tpu.memory_space<hbm>>) target(%arg16 : memref<80x128xf32, #tpu.memory_space<vmem>>) offsets(%dma_start3A_713 : memref<80xi32, #tpu.memory_space<vmem>>) semaphore(%arg18 : memref<!tpu.dma_semaphore, #tpu.memory_space<semaphore_mem>>)
      } else {
      }
      %add3A_711 = arith.constant 1 : i32
      %add3A_712 = arith.addi %mul3A_672, %add3A_711 : i32
      "tpu.region"() ({
        %run_scoped3A_713 = tpu.sem_alloc : memref<!tpu.dma_semaphore, #tpu.memory_space<semaphore_mem>>
        %dma_start3A_714 = arith.constant 0 : i32
        %dma_start3A_715 = tpu.memref_slice %arg15[%add3A_712, %dma_start3A_714] : memref<125x80xi32, #tpu.memory_space<vmem>> -> memref<1x80xi32, #tpu.memory_space<vmem>>
        %dma_start3A_716 = tpu.memref_squeeze %dma_start3A_715 : memref<1x80xi32, #tpu.memory_space<vmem>> -> memref<80xi32, #tpu.memory_space<vmem>>
        %dma_start3A_717 = arith.constant 0 : i32
        %dma_start3A_718 = arith.constant 0 : i32
        %dma_start3A_719 = tpu.memref_slice %arg13[%dma_start3A_717, %dma_start3A_718] : memref<10240x128xf32, #tpu.memory_space<vmem_shared>> -> memref<10240x128xf32, #tpu.memory_space<vmem_shared>>
        tpu.enqueue_indirect_dma source(%arg17 : memref<80x128xf32, #tpu.memory_space<vmem>>) target(%dma_start3A_719 : memref<10240x128xf32, #tpu.memory_space<vmem_shared>>) offsets(%dma_start3A_716 : memref<80xi32, #tpu.memory_space<vmem>>) semaphore(%run_scoped3A_713 : memref<!tpu.dma_semaphore, #tpu.memory_space<semaphore_mem>>) {add = true}
        %dma_wait3A_720 = arith.constant 0 : i32
        %dma_wait3A_721 = tpu.memref_slice %arg15[%add3A_712, %dma_wait3A_720] : memref<125x80xi32, #tpu.memory_space<vmem>> -> memref<1x80xi32, #tpu.memory_space<vmem>>
        %dma_wait3A_722 = tpu.memref_squeeze %dma_wait3A_721 : memref<1x80xi32, #tpu.memory_space<vmem>> -> memref<80xi32, #tpu.memory_space<vmem>>
        %dma_wait3A_723 = arith.constant 0 : i32
        %dma_wait3A_724 = arith.constant 0 : i32
        %dma_wait3A_725 = tpu.memref_slice %arg13[%dma_wait3A_723, %dma_wait3A_724] : memref<10240x128xf32, #tpu.memory_space<vmem_shared>> -> memref<10240x128xf32, #tpu.memory_space<vmem_shared>>
        tpu.wait_indirect_dma semaphore(%run_scoped3A_713 : memref<!tpu.dma_semaphore, #tpu.memory_space<semaphore_mem>>) src(%arg17 : memref<80x128xf32, #tpu.memory_space<vmem>>) dst(%dma_wait3A_725 : memref<10240x128xf32, #tpu.memory_space<vmem_shared>>)
        tpu.yield
      }) : () -> ()
    }
    %scan3A_455 = arith.constant 62 : i32
    %dma_wait3A_456 = arith.constant 0 : i32
    %dma_wait3A_457 = tpu.memref_slice %arg14[%dma_wait3A_456] : memref<10000xi32, #tpu.memory_space<vmem>> -> memref<80xi32, #tpu.memory_space<vmem>>
    %dma_wait3A_458 = arith.constant 0 : i32
    %dma_wait3A_459 = arith.constant 0 : i32
    %dma_wait3A_460 = tpu.memref_slice %arg2[%dma_wait3A_458, %dma_wait3A_459] : memref<10000x128xf32, #tpu.memory_space<hbm>> -> memref<10000x128xf32, #tpu.memory_space<hbm>>
    tpu.wait_indirect_dma semaphore(%arg18 : memref<!tpu.dma_semaphore, #tpu.memory_space<semaphore_mem>>) src(%dma_wait3A_460 : memref<10000x128xf32, #tpu.memory_space<hbm>>) dst(%arg16 : memref<80x128xf32, #tpu.memory_space<vmem>>)
    %run_scoped3A_461 = arith.constant 124 : i32
    "tpu.region"() ({
      %run_scoped3A_670 = tpu.sem_alloc : memref<!tpu.dma_semaphore, #tpu.memory_space<semaphore_mem>>
      %dma_start3A_671 = arith.constant 0 : i32
      %dma_start3A_672 = tpu.memref_slice %arg15[%run_scoped3A_461, %dma_start3A_671] : memref<125x80xi32, #tpu.memory_space<vmem>> -> memref<1x80xi32, #tpu.memory_space<vmem>>
      %dma_start3A_673 = tpu.memref_squeeze %dma_start3A_672 : memref<1x80xi32, #tpu.memory_space<vmem>> -> memref<80xi32, #tpu.memory_space<vmem>>
      %dma_start3A_674 = arith.constant 0 : i32
      %dma_start3A_675 = arith.constant 0 : i32
      %dma_start3A_676 = tpu.memref_slice %arg13[%dma_start3A_674, %dma_start3A_675] : memref<10240x128xf32, #tpu.memory_space<vmem_shared>> -> memref<10240x128xf32, #tpu.memory_space<vmem_shared>>
      tpu.enqueue_indirect_dma source(%arg16 : memref<80x128xf32, #tpu.memory_space<vmem>>) target(%dma_start3A_676 : memref<10240x128xf32, #tpu.memory_space<vmem_shared>>) offsets(%dma_start3A_673 : memref<80xi32, #tpu.memory_space<vmem>>) semaphore(%run_scoped3A_670 : memref<!tpu.dma_semaphore, #tpu.memory_space<semaphore_mem>>) {add = true}
      %dma_wait3A_677 = arith.constant 0 : i32
      %dma_wait3A_678 = tpu.memref_slice %arg15[%run_scoped3A_461, %dma_wait3A_677] : memref<125x80xi32, #tpu.memory_space<vmem>> -> memref<1x80xi32, #tpu.memory_space<vmem>>
      %dma_wait3A_679 = tpu.memref_squeeze %dma_wait3A_678 : memref<1x80xi32, #tpu.memory_space<vmem>> -> memref<80xi32, #tpu.memory_space<vmem>>
      %dma_wait3A_680 = arith.constant 0 : i32
      %dma_wait3A_681 = arith.constant 0 : i32
      %dma_wait3A_682 = tpu.memref_slice %arg13[%dma_wait3A_680, %dma_wait3A_681] : memref<10240x128xf32, #tpu.memory_space<vmem_shared>> -> memref<10240x128xf32, #tpu.memory_space<vmem_shared>>
      tpu.wait_indirect_dma semaphore(%run_scoped3A_670 : memref<!tpu.dma_semaphore, #tpu.memory_space<semaphore_mem>>) src(%arg16 : memref<80x128xf32, #tpu.memory_space<vmem>>) dst(%dma_wait3A_682 : memref<10240x128xf32, #tpu.memory_space<vmem_shared>>)
      tpu.yield
    }) : () -> ()
    %barrier3A_462 = arith.constant 0 : index
    tpu.barrier barrier_id(%barrier3A_462)
    %dma_start3A_463 = arith.constant 0 : i32
    %dma_start3A_464 = tpu.memref_slice %arg13[%mul3A_0, %dma_start3A_463] : memref<10240x128xf32, #tpu.memory_space<vmem_shared>> -> memref<80x128xf32, #tpu.memory_space<vmem_shared>>
    %dma_start3A_465 = arith.constant 0 : i32
    %dma_start3A_466 = tpu.memref_slice %arg13[%mul3A_0, %dma_start3A_465] : memref<10240x128xf32, #tpu.memory_space<vmem_shared>> -> memref<80x128xf32, #tpu.memory_space<vmem_shared>>
    tpu.enqueue_dma source(%dma_start3A_466 : memref<80x128xf32, #tpu.memory_space<vmem_shared>>) target(%arg16 : memref<80x128xf32, #tpu.memory_space<vmem>>) target_semaphore(%arg18 : memref<!tpu.dma_semaphore, #tpu.memory_space<semaphore_mem>>)
    %add3A_467 = arith.constant 0 : i32
    %add3A_468 = arith.addi %mul3A_0, %add3A_467 : i32
    %dma_wait3A_469 = arith.constant 0 : i32
    %dma_wait3A_470 = tpu.memref_slice %arg13[%add3A_468, %dma_wait3A_469] : memref<10240x128xf32, #tpu.memory_space<vmem_shared>> -> memref<80x128xf32, #tpu.memory_space<vmem_shared>>
    %dma_wait3A_471 = arith.constant 0 : i32
    %dma_wait3A_472 = tpu.memref_slice %arg13[%add3A_468, %dma_wait3A_471] : memref<10240x128xf32, #tpu.memory_space<vmem_shared>> -> memref<80x128xf32, #tpu.memory_space<vmem_shared>>
    tpu.wait_dma2 semaphore(%arg18 : memref<!tpu.dma_semaphore, #tpu.memory_space<semaphore_mem>>) src(%dma_wait3A_472 : memref<80x128xf32, #tpu.memory_space<vmem_shared>>) dst(%arg16 : memref<80x128xf32, #tpu.memory_space<vmem>>)
    %eq3A_473 = arith.constant 0 : i32
    %eq3A_474 = arith.cmpi eq, %arg0, %eq3A_473 : i32
    %convert_element_type3A_475 = arith.extui %eq3A_474 : i1 to i32
    %cond3A_476 = arith.constant 0 : i32
    %cond3A_477 = arith.cmpi ne, %convert_element_type3A_475, %cond3A_476 : i32
    scf.if %cond3A_477 {
      %dma_start3A_670 = arith.constant 0 : i32
      %dma_start3A_671 = tpu.memref_slice %arg11[%add3A_468, %dma_start3A_670] : memref<10240x128xf32, #tpu.memory_space<hbm>> -> memref<80x128xf32, #tpu.memory_space<hbm>>
      %dma_start3A_672 = arith.constant 0 : i32
      %dma_start3A_673 = tpu.memref_slice %arg11[%add3A_468, %dma_start3A_672] : memref<10240x128xf32, #tpu.memory_space<hbm>> -> memref<80x128xf32, #tpu.memory_space<hbm>>
      tpu.enqueue_dma source(%arg16 : memref<80x128xf32, #tpu.memory_space<vmem>>) target(%dma_start3A_673 : memref<80x128xf32, #tpu.memory_space<hbm>>) target_semaphore(%arg19 : memref<!tpu.dma_semaphore, #tpu.memory_space<semaphore_mem>>)
    } else {
    }
    %eq3A_478 = arith.constant 1 : i32
    %eq3A_479 = arith.cmpi eq, %arg0, %eq3A_478 : i32
    %convert_element_type3A_480 = arith.extui %eq3A_479 : i1 to i32
    %cond3A_481 = arith.constant 0 : i32
    %cond3A_482 = arith.cmpi ne, %convert_element_type3A_480, %cond3A_481 : i32
    scf.if %cond3A_482 {
      %dma_start3A_670 = arith.constant 0 : i32
      %dma_start3A_671 = tpu.memref_slice %arg12[%add3A_468, %dma_start3A_670] : memref<10240x128xf32, #tpu.memory_space<hbm>> -> memref<80x128xf32, #tpu.memory_space<hbm>>
      %dma_start3A_672 = arith.constant 0 : i32
      %dma_start3A_673 = tpu.memref_slice %arg12[%add3A_468, %dma_start3A_672] : memref<10240x128xf32, #tpu.memory_space<hbm>> -> memref<80x128xf32, #tpu.memory_space<hbm>>
      tpu.enqueue_dma source(%arg16 : memref<80x128xf32, #tpu.memory_space<vmem>>) target(%dma_start3A_673 : memref<80x128xf32, #tpu.memory_space<hbm>>) target_semaphore(%arg19 : memref<!tpu.dma_semaphore, #tpu.memory_space<semaphore_mem>>)
    } else {
    }
    %add3A_483 = arith.constant 80 : i32
    %add3A_484 = arith.addi %mul3A_0, %add3A_483 : i32
    %dma_start3A_485 = arith.constant 0 : i32
    %dma_start3A_486 = tpu.memref_slice %arg13[%add3A_484, %dma_start3A_485] : memref<10240x128xf32, #tpu.memory_space<vmem_shared>> -> memref<80x128xf32, #tpu.memory_space<vmem_shared>>
    %dma_start3A_487 = arith.constant 0 : i32
    %dma_start3A_488 = tpu.memref_slice %arg13[%add3A_484, %dma_start3A_487] : memref<10240x128xf32, #tpu.memory_space<vmem_shared>> -> memref<80x128xf32, #tpu.memory_space<vmem_shared>>
    tpu.enqueue_dma source(%dma_start3A_488 : memref<80x128xf32, #tpu.memory_space<vmem_shared>>) target(%arg17 : memref<80x128xf32, #tpu.memory_space<vmem>>) target_semaphore(%arg18 : memref<!tpu.dma_semaphore, #tpu.memory_space<semaphore_mem>>)
    %add3A_489 = arith.constant 80 : i32
    %add3A_490 = arith.addi %mul3A_0, %add3A_489 : i32
    %dma_wait3A_491 = arith.constant 0 : i32
    %dma_wait3A_492 = tpu.memref_slice %arg13[%add3A_490, %dma_wait3A_491] : memref<10240x128xf32, #tpu.memory_space<vmem_shared>> -> memref<80x128xf32, #tpu.memory_space<vmem_shared>>
    %dma_wait3A_493 = arith.constant 0 : i32
    %dma_wait3A_494 = tpu.memref_slice %arg13[%add3A_490, %dma_wait3A_493] : memref<10240x128xf32, #tpu.memory_space<vmem_shared>> -> memref<80x128xf32, #tpu.memory_space<vmem_shared>>
    tpu.wait_dma2 semaphore(%arg18 : memref<!tpu.dma_semaphore, #tpu.memory_space<semaphore_mem>>) src(%dma_wait3A_494 : memref<80x128xf32, #tpu.memory_space<vmem_shared>>) dst(%arg17 : memref<80x128xf32, #tpu.memory_space<vmem>>)
    %eq3A_495 = arith.constant 0 : i32
    %eq3A_496 = arith.cmpi eq, %arg0, %eq3A_495 : i32
    %convert_element_type3A_497 = arith.extui %eq3A_496 : i1 to i32
    %cond3A_498 = arith.constant 0 : i32
    %cond3A_499 = arith.cmpi ne, %convert_element_type3A_497, %cond3A_498 : i32
    scf.if %cond3A_499 {
      %dma_start3A_670 = arith.constant 0 : i32
      %dma_start3A_671 = tpu.memref_slice %arg11[%add3A_490, %dma_start3A_670] : memref<10240x128xf32, #tpu.memory_space<hbm>> -> memref<80x128xf32, #tpu.memory_space<hbm>>
      %dma_start3A_672 = arith.constant 0 : i32
      %dma_start3A_673 = tpu.memref_slice %arg11[%add3A_490, %dma_start3A_672] : memref<10240x128xf32, #tpu.memory_space<hbm>> -> memref<80x128xf32, #tpu.memory_space<hbm>>
      tpu.enqueue_dma source(%arg17 : memref<80x128xf32, #tpu.memory_space<vmem>>) target(%dma_start3A_673 : memref<80x128xf32, #tpu.memory_space<hbm>>) target_semaphore(%arg19 : memref<!tpu.dma_semaphore, #tpu.memory_space<semaphore_mem>>)
    } else {
    }
    %eq3A_500 = arith.constant 1 : i32
    %eq3A_501 = arith.cmpi eq, %arg0, %eq3A_500 : i32
    %convert_element_type3A_502 = arith.extui %eq3A_501 : i1 to i32
    %cond3A_503 = arith.constant 0 : i32
    %cond3A_504 = arith.cmpi ne, %convert_element_type3A_502, %cond3A_503 : i32
    scf.if %cond3A_504 {
      %dma_start3A_670 = arith.constant 0 : i32
      %dma_start3A_671 = tpu.memref_slice %arg12[%add3A_490, %dma_start3A_670] : memref<10240x128xf32, #tpu.memory_space<hbm>> -> memref<80x128xf32, #tpu.memory_space<hbm>>
      %dma_start3A_672 = arith.constant 0 : i32
      %dma_start3A_673 = tpu.memref_slice %arg12[%add3A_490, %dma_start3A_672] : memref<10240x128xf32, #tpu.memory_space<hbm>> -> memref<80x128xf32, #tpu.memory_space<hbm>>
      tpu.enqueue_dma source(%arg17 : memref<80x128xf32, #tpu.memory_space<vmem>>) target(%dma_start3A_673 : memref<80x128xf32, #tpu.memory_space<hbm>>) target_semaphore(%arg19 : memref<!tpu.dma_semaphore, #tpu.memory_space<semaphore_mem>>)
    } else {
    }
    %add3A_505 = arith.constant 160 : i32
    %add3A_506 = arith.addi %mul3A_0, %add3A_505 : i32
    %dma_start3A_507 = arith.constant 0 : i32
    %dma_start3A_508 = tpu.memref_slice %arg13[%add3A_506, %dma_start3A_507] : memref<10240x128xf32, #tpu.memory_space<vmem_shared>> -> memref<80x128xf32, #tpu.memory_space<vmem_shared>>
    %dma_start3A_509 = arith.constant 0 : i32
    %dma_start3A_510 = tpu.memref_slice %arg13[%add3A_506, %dma_start3A_509] : memref<10240x128xf32, #tpu.memory_space<vmem_shared>> -> memref<80x128xf32, #tpu.memory_space<vmem_shared>>
    tpu.enqueue_dma source(%dma_start3A_510 : memref<80x128xf32, #tpu.memory_space<vmem_shared>>) target(%arg16 : memref<80x128xf32, #tpu.memory_space<vmem>>) target_semaphore(%arg18 : memref<!tpu.dma_semaphore, #tpu.memory_space<semaphore_mem>>)
    %add3A_511 = arith.constant 160 : i32
    %add3A_512 = arith.addi %mul3A_0, %add3A_511 : i32
    %dma_wait3A_513 = arith.constant 0 : i32
    %dma_wait3A_514 = tpu.memref_slice %arg13[%add3A_512, %dma_wait3A_513] : memref<10240x128xf32, #tpu.memory_space<vmem_shared>> -> memref<80x128xf32, #tpu.memory_space<vmem_shared>>
    %dma_wait3A_515 = arith.constant 0 : i32
    %dma_wait3A_516 = tpu.memref_slice %arg13[%add3A_512, %dma_wait3A_515] : memref<10240x128xf32, #tpu.memory_space<vmem_shared>> -> memref<80x128xf32, #tpu.memory_space<vmem_shared>>
    tpu.wait_dma2 semaphore(%arg18 : memref<!tpu.dma_semaphore, #tpu.memory_space<semaphore_mem>>) src(%dma_wait3A_516 : memref<80x128xf32, #tpu.memory_space<vmem_shared>>) dst(%arg16 : memref<80x128xf32, #tpu.memory_space<vmem>>)
    %dma_wait3A_517 = arith.constant 0 : i32
    %dma_wait3A_518 = tpu.memref_slice %arg11[%mul3A_0, %dma_wait3A_517] : memref<10240x128xf32, #tpu.memory_space<hbm>> -> memref<80x128xf32, #tpu.memory_space<hbm>>
    %dma_wait3A_519 = arith.constant 0 : i32
    %dma_wait3A_520 = tpu.memref_slice %arg11[%mul3A_0, %dma_wait3A_519] : memref<10240x128xf32, #tpu.memory_space<hbm>> -> memref<80x128xf32, #tpu.memory_space<hbm>>
    tpu.wait_dma2 semaphore(%arg19 : memref<!tpu.dma_semaphore, #tpu.memory_space<semaphore_mem>>) src(%arg16 : memref<80x128xf32, #tpu.memory_space<vmem>>) dst(%dma_wait3A_520 : memref<80x128xf32, #tpu.memory_space<hbm>>)
    %eq3A_521 = arith.constant 0 : i32
    %eq3A_522 = arith.cmpi eq, %arg0, %eq3A_521 : i32
    %convert_element_type3A_523 = arith.extui %eq3A_522 : i1 to i32
    %cond3A_524 = arith.constant 0 : i32
    %cond3A_525 = arith.cmpi ne, %convert_element_type3A_523, %cond3A_524 : i32
    scf.if %cond3A_525 {
      %dma_start3A_670 = arith.constant 0 : i32
      %dma_start3A_671 = tpu.memref_slice %arg11[%add3A_512, %dma_start3A_670] : memref<10240x128xf32, #tpu.memory_space<hbm>> -> memref<80x128xf32, #tpu.memory_space<hbm>>
      %dma_start3A_672 = arith.constant 0 : i32
      %dma_start3A_673 = tpu.memref_slice %arg11[%add3A_512, %dma_start3A_672] : memref<10240x128xf32, #tpu.memory_space<hbm>> -> memref<80x128xf32, #tpu.memory_space<hbm>>
      tpu.enqueue_dma source(%arg16 : memref<80x128xf32, #tpu.memory_space<vmem>>) target(%dma_start3A_673 : memref<80x128xf32, #tpu.memory_space<hbm>>) target_semaphore(%arg19 : memref<!tpu.dma_semaphore, #tpu.memory_space<semaphore_mem>>)
    } else {
    }
    %eq3A_526 = arith.constant 1 : i32
    %eq3A_527 = arith.cmpi eq, %arg0, %eq3A_526 : i32
    %convert_element_type3A_528 = arith.extui %eq3A_527 : i1 to i32
    %cond3A_529 = arith.constant 0 : i32
    %cond3A_530 = arith.cmpi ne, %convert_element_type3A_528, %cond3A_529 : i32
    scf.if %cond3A_530 {
      %dma_start3A_670 = arith.constant 0 : i32
      %dma_start3A_671 = tpu.memref_slice %arg12[%add3A_512, %dma_start3A_670] : memref<10240x128xf32, #tpu.memory_space<hbm>> -> memref<80x128xf32, #tpu.memory_space<hbm>>
      %dma_start3A_672 = arith.constant 0 : i32
      %dma_start3A_673 = tpu.memref_slice %arg12[%add3A_512, %dma_start3A_672] : memref<10240x128xf32, #tpu.memory_space<hbm>> -> memref<80x128xf32, #tpu.memory_space<hbm>>
      tpu.enqueue_dma source(%arg16 : memref<80x128xf32, #tpu.memory_space<vmem>>) target(%dma_start3A_673 : memref<80x128xf32, #tpu.memory_space<hbm>>) target_semaphore(%arg19 : memref<!tpu.dma_semaphore, #tpu.memory_space<semaphore_mem>>)
    } else {
    }
    %add3A_531 = arith.constant 240 : i32
    %add3A_532 = arith.addi %mul3A_0, %add3A_531 : i32
    %dma_start3A_533 = arith.constant 0 : i32
    %dma_start3A_534 = tpu.memref_slice %arg13[%add3A_532, %dma_start3A_533] : memref<10240x128xf32, #tpu.memory_space<vmem_shared>> -> memref<80x128xf32, #tpu.memory_space<vmem_shared>>
    %dma_start3A_535 = arith.constant 0 : i32
    %dma_start3A_536 = tpu.memref_slice %arg13[%add3A_532, %dma_start3A_535] : memref<10240x128xf32, #tpu.memory_space<vmem_shared>> -> memref<80x128xf32, #tpu.memory_space<vmem_shared>>
    tpu.enqueue_dma source(%dma_start3A_536 : memref<80x128xf32, #tpu.memory_space<vmem_shared>>) target(%arg17 : memref<80x128xf32, #tpu.memory_space<vmem>>) target_semaphore(%arg18 : memref<!tpu.dma_semaphore, #tpu.memory_space<semaphore_mem>>)
    %add3A_537 = arith.constant 240 : i32
    %add3A_538 = arith.addi %mul3A_0, %add3A_537 : i32
    %dma_wait3A_539 = arith.constant 0 : i32
    %dma_wait3A_540 = tpu.memref_slice %arg13[%add3A_538, %dma_wait3A_539] : memref<10240x128xf32, #tpu.memory_space<vmem_shared>> -> memref<80x128xf32, #tpu.memory_space<vmem_shared>>
    %dma_wait3A_541 = arith.constant 0 : i32
    %dma_wait3A_542 = tpu.memref_slice %arg13[%add3A_538, %dma_wait3A_541] : memref<10240x128xf32, #tpu.memory_space<vmem_shared>> -> memref<80x128xf32, #tpu.memory_space<vmem_shared>>
    tpu.wait_dma2 semaphore(%arg18 : memref<!tpu.dma_semaphore, #tpu.memory_space<semaphore_mem>>) src(%dma_wait3A_542 : memref<80x128xf32, #tpu.memory_space<vmem_shared>>) dst(%arg17 : memref<80x128xf32, #tpu.memory_space<vmem>>)
    %dma_wait3A_543 = arith.constant 0 : i32
    %dma_wait3A_544 = tpu.memref_slice %arg11[%mul3A_0, %dma_wait3A_543] : memref<10240x128xf32, #tpu.memory_space<hbm>> -> memref<80x128xf32, #tpu.memory_space<hbm>>
    %dma_wait3A_545 = arith.constant 0 : i32
    %dma_wait3A_546 = tpu.memref_slice %arg11[%mul3A_0, %dma_wait3A_545] : memref<10240x128xf32, #tpu.memory_space<hbm>> -> memref<80x128xf32, #tpu.memory_space<hbm>>
    tpu.wait_dma2 semaphore(%arg19 : memref<!tpu.dma_semaphore, #tpu.memory_space<semaphore_mem>>) src(%arg17 : memref<80x128xf32, #tpu.memory_space<vmem>>) dst(%dma_wait3A_546 : memref<80x128xf32, #tpu.memory_space<hbm>>)
    %eq3A_547 = arith.constant 0 : i32
    %eq3A_548 = arith.cmpi eq, %arg0, %eq3A_547 : i32
    %convert_element_type3A_549 = arith.extui %eq3A_548 : i1 to i32
    %cond3A_550 = arith.constant 0 : i32
    %cond3A_551 = arith.cmpi ne, %convert_element_type3A_549, %cond3A_550 : i32
    scf.if %cond3A_551 {
      %dma_start3A_670 = arith.constant 0 : i32
      %dma_start3A_671 = tpu.memref_slice %arg11[%add3A_538, %dma_start3A_670] : memref<10240x128xf32, #tpu.memory_space<hbm>> -> memref<80x128xf32, #tpu.memory_space<hbm>>
      %dma_start3A_672 = arith.constant 0 : i32
      %dma_start3A_673 = tpu.memref_slice %arg11[%add3A_538, %dma_start3A_672] : memref<10240x128xf32, #tpu.memory_space<hbm>> -> memref<80x128xf32, #tpu.memory_space<hbm>>
      tpu.enqueue_dma source(%arg17 : memref<80x128xf32, #tpu.memory_space<vmem>>) target(%dma_start3A_673 : memref<80x128xf32, #tpu.memory_space<hbm>>) target_semaphore(%arg19 : memref<!tpu.dma_semaphore, #tpu.memory_space<semaphore_mem>>)
    } else {
    }
    %eq3A_552 = arith.constant 1 : i32
    %eq3A_553 = arith.cmpi eq, %arg0, %eq3A_552 : i32
    %convert_element_type3A_554 = arith.extui %eq3A_553 : i1 to i32
    %cond3A_555 = arith.constant 0 : i32
    %cond3A_556 = arith.cmpi ne, %convert_element_type3A_554, %cond3A_555 : i32
    scf.if %cond3A_556 {
      %dma_start3A_670 = arith.constant 0 : i32
      %dma_start3A_671 = tpu.memref_slice %arg12[%add3A_538, %dma_start3A_670] : memref<10240x128xf32, #tpu.memory_space<hbm>> -> memref<80x128xf32, #tpu.memory_space<hbm>>
      %dma_start3A_672 = arith.constant 0 : i32
      %dma_start3A_673 = tpu.memref_slice %arg12[%add3A_538, %dma_start3A_672] : memref<10240x128xf32, #tpu.memory_space<hbm>> -> memref<80x128xf32, #tpu.memory_space<hbm>>
      tpu.enqueue_dma source(%arg17 : memref<80x128xf32, #tpu.memory_space<vmem>>) target(%dma_start3A_673 : memref<80x128xf32, #tpu.memory_space<hbm>>) target_semaphore(%arg19 : memref<!tpu.dma_semaphore, #tpu.memory_space<semaphore_mem>>)
    } else {
    }
    %add3A_557 = arith.constant 320 : i32
    %add3A_558 = arith.addi %mul3A_0, %add3A_557 : i32
    %dma_start3A_559 = arith.constant 0 : i32
    %dma_start3A_560 = tpu.memref_slice %arg13[%add3A_558, %dma_start3A_559] : memref<10240x128xf32, #tpu.memory_space<vmem_shared>> -> memref<80x128xf32, #tpu.memory_space<vmem_shared>>
    %dma_start3A_561 = arith.constant 0 : i32
    %dma_start3A_562 = tpu.memref_slice %arg13[%add3A_558, %dma_start3A_561] : memref<10240x128xf32, #tpu.memory_space<vmem_shared>> -> memref<80x128xf32, #tpu.memory_space<vmem_shared>>
    tpu.enqueue_dma source(%dma_start3A_562 : memref<80x128xf32, #tpu.memory_space<vmem_shared>>) target(%arg16 : memref<80x128xf32, #tpu.memory_space<vmem>>) target_semaphore(%arg18 : memref<!tpu.dma_semaphore, #tpu.memory_space<semaphore_mem>>)
    %add3A_563 = arith.constant 320 : i32
    %add3A_564 = arith.addi %mul3A_0, %add3A_563 : i32
    %dma_wait3A_565 = arith.constant 0 : i32
    %dma_wait3A_566 = tpu.memref_slice %arg13[%add3A_564, %dma_wait3A_565] : memref<10240x128xf32, #tpu.memory_space<vmem_shared>> -> memref<80x128xf32, #tpu.memory_space<vmem_shared>>
    %dma_wait3A_567 = arith.constant 0 : i32
    %dma_wait3A_568 = tpu.memref_slice %arg13[%add3A_564, %dma_wait3A_567] : memref<10240x128xf32, #tpu.memory_space<vmem_shared>> -> memref<80x128xf32, #tpu.memory_space<vmem_shared>>
    tpu.wait_dma2 semaphore(%arg18 : memref<!tpu.dma_semaphore, #tpu.memory_space<semaphore_mem>>) src(%dma_wait3A_568 : memref<80x128xf32, #tpu.memory_space<vmem_shared>>) dst(%arg16 : memref<80x128xf32, #tpu.memory_space<vmem>>)
    %dma_wait3A_569 = arith.constant 0 : i32
    %dma_wait3A_570 = tpu.memref_slice %arg11[%mul3A_0, %dma_wait3A_569] : memref<10240x128xf32, #tpu.memory_space<hbm>> -> memref<80x128xf32, #tpu.memory_space<hbm>>
    %dma_wait3A_571 = arith.constant 0 : i32
    %dma_wait3A_572 = tpu.memref_slice %arg11[%mul3A_0, %dma_wait3A_571] : memref<10240x128xf32, #tpu.memory_space<hbm>> -> memref<80x128xf32, #tpu.memory_space<hbm>>
    tpu.wait_dma2 semaphore(%arg19 : memref<!tpu.dma_semaphore, #tpu.memory_space<semaphore_mem>>) src(%arg16 : memref<80x128xf32, #tpu.memory_space<vmem>>) dst(%dma_wait3A_572 : memref<80x128xf32, #tpu.memory_space<hbm>>)
    %eq3A_573 = arith.constant 0 : i32
    %eq3A_574 = arith.cmpi eq, %arg0, %eq3A_573 : i32
    %convert_element_type3A_575 = arith.extui %eq3A_574 : i1 to i32
    %cond3A_576 = arith.constant 0 : i32
    %cond3A_577 = arith.cmpi ne, %convert_element_type3A_575, %cond3A_576 : i32
    scf.if %cond3A_577 {
      %dma_start3A_670 = arith.constant 0 : i32
      %dma_start3A_671 = tpu.memref_slice %arg11[%add3A_564, %dma_start3A_670] : memref<10240x128xf32, #tpu.memory_space<hbm>> -> memref<80x128xf32, #tpu.memory_space<hbm>>
      %dma_start3A_672 = arith.constant 0 : i32
      %dma_start3A_673 = tpu.memref_slice %arg11[%add3A_564, %dma_start3A_672] : memref<10240x128xf32, #tpu.memory_space<hbm>> -> memref<80x128xf32, #tpu.memory_space<hbm>>
      tpu.enqueue_dma source(%arg16 : memref<80x128xf32, #tpu.memory_space<vmem>>) target(%dma_start3A_673 : memref<80x128xf32, #tpu.memory_space<hbm>>) target_semaphore(%arg19 : memref<!tpu.dma_semaphore, #tpu.memory_space<semaphore_mem>>)
    } else {
    }
    %eq3A_578 = arith.constant 1 : i32
    %eq3A_579 = arith.cmpi eq, %arg0, %eq3A_578 : i32
    %convert_element_type3A_580 = arith.extui %eq3A_579 : i1 to i32
    %cond3A_581 = arith.constant 0 : i32
    %cond3A_582 = arith.cmpi ne, %convert_element_type3A_580, %cond3A_581 : i32
    scf.if %cond3A_582 {
      %dma_start3A_670 = arith.constant 0 : i32
      %dma_start3A_671 = tpu.memref_slice %arg12[%add3A_564, %dma_start3A_670] : memref<10240x128xf32, #tpu.memory_space<hbm>> -> memref<80x128xf32, #tpu.memory_space<hbm>>
      %dma_start3A_672 = arith.constant 0 : i32
      %dma_start3A_673 = tpu.memref_slice %arg12[%add3A_564, %dma_start3A_672] : memref<10240x128xf32, #tpu.memory_space<hbm>> -> memref<80x128xf32, #tpu.memory_space<hbm>>
      tpu.enqueue_dma source(%arg16 : memref<80x128xf32, #tpu.memory_space<vmem>>) target(%dma_start3A_673 : memref<80x128xf32, #tpu.memory_space<hbm>>) target_semaphore(%arg19 : memref<!tpu.dma_semaphore, #tpu.memory_space<semaphore_mem>>)
    } else {
    }
    %add3A_583 = arith.constant 400 : i32
    %add3A_584 = arith.addi %mul3A_0, %add3A_583 : i32
    %dma_start3A_585 = arith.constant 0 : i32
    %dma_start3A_586 = tpu.memref_slice %arg13[%add3A_584, %dma_start3A_585] : memref<10240x128xf32, #tpu.memory_space<vmem_shared>> -> memref<80x128xf32, #tpu.memory_space<vmem_shared>>
    %dma_start3A_587 = arith.constant 0 : i32
    %dma_start3A_588 = tpu.memref_slice %arg13[%add3A_584, %dma_start3A_587] : memref<10240x128xf32, #tpu.memory_space<vmem_shared>> -> memref<80x128xf32, #tpu.memory_space<vmem_shared>>
    tpu.enqueue_dma source(%dma_start3A_588 : memref<80x128xf32, #tpu.memory_space<vmem_shared>>) target(%arg17 : memref<80x128xf32, #tpu.memory_space<vmem>>) target_semaphore(%arg18 : memref<!tpu.dma_semaphore, #tpu.memory_space<semaphore_mem>>)
    %add3A_589 = arith.constant 400 : i32
    %add3A_590 = arith.addi %mul3A_0, %add3A_589 : i32
    %dma_wait3A_591 = arith.constant 0 : i32
    %dma_wait3A_592 = tpu.memref_slice %arg13[%add3A_590, %dma_wait3A_591] : memref<10240x128xf32, #tpu.memory_space<vmem_shared>> -> memref<80x128xf32, #tpu.memory_space<vmem_shared>>
    %dma_wait3A_593 = arith.constant 0 : i32
    %dma_wait3A_594 = tpu.memref_slice %arg13[%add3A_590, %dma_wait3A_593] : memref<10240x128xf32, #tpu.memory_space<vmem_shared>> -> memref<80x128xf32, #tpu.memory_space<vmem_shared>>
    tpu.wait_dma2 semaphore(%arg18 : memref<!tpu.dma_semaphore, #tpu.memory_space<semaphore_mem>>) src(%dma_wait3A_594 : memref<80x128xf32, #tpu.memory_space<vmem_shared>>) dst(%arg17 : memref<80x128xf32, #tpu.memory_space<vmem>>)
    %dma_wait3A_595 = arith.constant 0 : i32
    %dma_wait3A_596 = tpu.memref_slice %arg11[%mul3A_0, %dma_wait3A_595] : memref<10240x128xf32, #tpu.memory_space<hbm>> -> memref<80x128xf32, #tpu.memory_space<hbm>>
    %dma_wait3A_597 = arith.constant 0 : i32
    %dma_wait3A_598 = tpu.memref_slice %arg11[%mul3A_0, %dma_wait3A_597] : memref<10240x128xf32, #tpu.memory_space<hbm>> -> memref<80x128xf32, #tpu.memory_space<hbm>>
    tpu.wait_dma2 semaphore(%arg19 : memref<!tpu.dma_semaphore, #tpu.memory_space<semaphore_mem>>) src(%arg17 : memref<80x128xf32, #tpu.memory_space<vmem>>) dst(%dma_wait3A_598 : memref<80x128xf32, #tpu.memory_space<hbm>>)
    %eq3A_599 = arith.constant 0 : i32
    %eq3A_600 = arith.cmpi eq, %arg0, %eq3A_599 : i32
    %convert_element_type3A_601 = arith.extui %eq3A_600 : i1 to i32
    %cond3A_602 = arith.constant 0 : i32
    %cond3A_603 = arith.cmpi ne, %convert_element_type3A_601, %cond3A_602 : i32
    scf.if %cond3A_603 {
      %dma_start3A_670 = arith.constant 0 : i32
      %dma_start3A_671 = tpu.memref_slice %arg11[%add3A_590, %dma_start3A_670] : memref<10240x128xf32, #tpu.memory_space<hbm>> -> memref<80x128xf32, #tpu.memory_space<hbm>>
      %dma_start3A_672 = arith.constant 0 : i32
      %dma_start3A_673 = tpu.memref_slice %arg11[%add3A_590, %dma_start3A_672] : memref<10240x128xf32, #tpu.memory_space<hbm>> -> memref<80x128xf32, #tpu.memory_space<hbm>>
      tpu.enqueue_dma source(%arg17 : memref<80x128xf32, #tpu.memory_space<vmem>>) target(%dma_start3A_673 : memref<80x128xf32, #tpu.memory_space<hbm>>) target_semaphore(%arg19 : memref<!tpu.dma_semaphore, #tpu.memory_space<semaphore_mem>>)
    } else {
    }
    %eq3A_604 = arith.constant 1 : i32
    %eq3A_605 = arith.cmpi eq, %arg0, %eq3A_604 : i32
    %convert_element_type3A_606 = arith.extui %eq3A_605 : i1 to i32
    %cond3A_607 = arith.constant 0 : i32
    %cond3A_608 = arith.cmpi ne, %convert_element_type3A_606, %cond3A_607 : i32
    scf.if %cond3A_608 {
      %dma_start3A_670 = arith.constant 0 : i32
      %dma_start3A_671 = tpu.memref_slice %arg12[%add3A_590, %dma_start3A_670] : memref<10240x128xf32, #tpu.memory_space<hbm>> -> memref<80x128xf32, #tpu.memory_space<hbm>>
      %dma_start3A_672 = arith.constant 0 : i32
      %dma_start3A_673 = tpu.memref_slice %arg12[%add3A_590, %dma_start3A_672] : memref<10240x128xf32, #tpu.memory_space<hbm>> -> memref<80x128xf32, #tpu.memory_space<hbm>>
      tpu.enqueue_dma source(%arg17 : memref<80x128xf32, #tpu.memory_space<vmem>>) target(%dma_start3A_673 : memref<80x128xf32, #tpu.memory_space<hbm>>) target_semaphore(%arg19 : memref<!tpu.dma_semaphore, #tpu.memory_space<semaphore_mem>>)
    } else {
    }
    %add3A_609 = arith.constant 480 : i32
    %add3A_610 = arith.addi %mul3A_0, %add3A_609 : i32
    %dma_start3A_611 = arith.constant 0 : i32
    %dma_start3A_612 = tpu.memref_slice %arg13[%add3A_610, %dma_start3A_611] : memref<10240x128xf32, #tpu.memory_space<vmem_shared>> -> memref<80x128xf32, #tpu.memory_space<vmem_shared>>
    %dma_start3A_613 = arith.constant 0 : i32
    %dma_start3A_614 = tpu.memref_slice %arg13[%add3A_610, %dma_start3A_613] : memref<10240x128xf32, #tpu.memory_space<vmem_shared>> -> memref<80x128xf32, #tpu.memory_space<vmem_shared>>
    tpu.enqueue_dma source(%dma_start3A_614 : memref<80x128xf32, #tpu.memory_space<vmem_shared>>) target(%arg16 : memref<80x128xf32, #tpu.memory_space<vmem>>) target_semaphore(%arg18 : memref<!tpu.dma_semaphore, #tpu.memory_space<semaphore_mem>>)
    %add3A_615 = arith.constant 480 : i32
    %add3A_616 = arith.addi %mul3A_0, %add3A_615 : i32
    %dma_wait3A_617 = arith.constant 0 : i32
    %dma_wait3A_618 = tpu.memref_slice %arg13[%add3A_616, %dma_wait3A_617] : memref<10240x128xf32, #tpu.memory_space<vmem_shared>> -> memref<80x128xf32, #tpu.memory_space<vmem_shared>>
    %dma_wait3A_619 = arith.constant 0 : i32
    %dma_wait3A_620 = tpu.memref_slice %arg13[%add3A_616, %dma_wait3A_619] : memref<10240x128xf32, #tpu.memory_space<vmem_shared>> -> memref<80x128xf32, #tpu.memory_space<vmem_shared>>
    tpu.wait_dma2 semaphore(%arg18 : memref<!tpu.dma_semaphore, #tpu.memory_space<semaphore_mem>>) src(%dma_wait3A_620 : memref<80x128xf32, #tpu.memory_space<vmem_shared>>) dst(%arg16 : memref<80x128xf32, #tpu.memory_space<vmem>>)
    %dma_wait3A_621 = arith.constant 0 : i32
    %dma_wait3A_622 = tpu.memref_slice %arg11[%mul3A_0, %dma_wait3A_621] : memref<10240x128xf32, #tpu.memory_space<hbm>> -> memref<80x128xf32, #tpu.memory_space<hbm>>
    %dma_wait3A_623 = arith.constant 0 : i32
    %dma_wait3A_624 = tpu.memref_slice %arg11[%mul3A_0, %dma_wait3A_623] : memref<10240x128xf32, #tpu.memory_space<hbm>> -> memref<80x128xf32, #tpu.memory_space<hbm>>
    tpu.wait_dma2 semaphore(%arg19 : memref<!tpu.dma_semaphore, #tpu.memory_space<semaphore_mem>>) src(%arg16 : memref<80x128xf32, #tpu.memory_space<vmem>>) dst(%dma_wait3A_624 : memref<80x128xf32, #tpu.memory_space<hbm>>)
    %eq3A_625 = arith.constant 0 : i32
    %eq3A_626 = arith.cmpi eq, %arg0, %eq3A_625 : i32
    %convert_element_type3A_627 = arith.extui %eq3A_626 : i1 to i32
    %cond3A_628 = arith.constant 0 : i32
    %cond3A_629 = arith.cmpi ne, %convert_element_type3A_627, %cond3A_628 : i32
    scf.if %cond3A_629 {
      %dma_start3A_670 = arith.constant 0 : i32
      %dma_start3A_671 = tpu.memref_slice %arg11[%add3A_616, %dma_start3A_670] : memref<10240x128xf32, #tpu.memory_space<hbm>> -> memref<80x128xf32, #tpu.memory_space<hbm>>
      %dma_start3A_672 = arith.constant 0 : i32
      %dma_start3A_673 = tpu.memref_slice %arg11[%add3A_616, %dma_start3A_672] : memref<10240x128xf32, #tpu.memory_space<hbm>> -> memref<80x128xf32, #tpu.memory_space<hbm>>
      tpu.enqueue_dma source(%arg16 : memref<80x128xf32, #tpu.memory_space<vmem>>) target(%dma_start3A_673 : memref<80x128xf32, #tpu.memory_space<hbm>>) target_semaphore(%arg19 : memref<!tpu.dma_semaphore, #tpu.memory_space<semaphore_mem>>)
    } else {
    }
    %eq3A_630 = arith.constant 1 : i32
    %eq3A_631 = arith.cmpi eq, %arg0, %eq3A_630 : i32
    %convert_element_type3A_632 = arith.extui %eq3A_631 : i1 to i32
    %cond3A_633 = arith.constant 0 : i32
    %cond3A_634 = arith.cmpi ne, %convert_element_type3A_632, %cond3A_633 : i32
    scf.if %cond3A_634 {
      %dma_start3A_670 = arith.constant 0 : i32
      %dma_start3A_671 = tpu.memref_slice %arg12[%add3A_616, %dma_start3A_670] : memref<10240x128xf32, #tpu.memory_space<hbm>> -> memref<80x128xf32, #tpu.memory_space<hbm>>
      %dma_start3A_672 = arith.constant 0 : i32
      %dma_start3A_673 = tpu.memref_slice %arg12[%add3A_616, %dma_start3A_672] : memref<10240x128xf32, #tpu.memory_space<hbm>> -> memref<80x128xf32, #tpu.memory_space<hbm>>
      tpu.enqueue_dma source(%arg16 : memref<80x128xf32, #tpu.memory_space<vmem>>) target(%dma_start3A_673 : memref<80x128xf32, #tpu.memory_space<hbm>>) target_semaphore(%arg19 : memref<!tpu.dma_semaphore, #tpu.memory_space<semaphore_mem>>)
    } else {
    }
    %add3A_635 = arith.constant 560 : i32
    %add3A_636 = arith.addi %mul3A_0, %add3A_635 : i32
    %dma_start3A_637 = arith.constant 0 : i32
    %dma_start3A_638 = tpu.memref_slice %arg13[%add3A_636, %dma_start3A_637] : memref<10240x128xf32, #tpu.memory_space<vmem_shared>> -> memref<80x128xf32, #tpu.memory_space<vmem_shared>>
    %dma_start3A_639 = arith.constant 0 : i32
    %dma_start3A_640 = tpu.memref_slice %arg13[%add3A_636, %dma_start3A_639] : memref<10240x128xf32, #tpu.memory_space<vmem_shared>> -> memref<80x128xf32, #tpu.memory_space<vmem_shared>>
    tpu.enqueue_dma source(%dma_start3A_640 : memref<80x128xf32, #tpu.memory_space<vmem_shared>>) target(%arg17 : memref<80x128xf32, #tpu.memory_space<vmem>>) target_semaphore(%arg18 : memref<!tpu.dma_semaphore, #tpu.memory_space<semaphore_mem>>)
    %add3A_641 = arith.constant 560 : i32
    %add3A_642 = arith.addi %mul3A_0, %add3A_641 : i32
    %dma_wait3A_643 = arith.constant 0 : i32
    %dma_wait3A_644 = tpu.memref_slice %arg13[%add3A_642, %dma_wait3A_643] : memref<10240x128xf32, #tpu.memory_space<vmem_shared>> -> memref<80x128xf32, #tpu.memory_space<vmem_shared>>
    %dma_wait3A_645 = arith.constant 0 : i32
    %dma_wait3A_646 = tpu.memref_slice %arg13[%add3A_642, %dma_wait3A_645] : memref<10240x128xf32, #tpu.memory_space<vmem_shared>> -> memref<80x128xf32, #tpu.memory_space<vmem_shared>>
    tpu.wait_dma2 semaphore(%arg18 : memref<!tpu.dma_semaphore, #tpu.memory_space<semaphore_mem>>) src(%dma_wait3A_646 : memref<80x128xf32, #tpu.memory_space<vmem_shared>>) dst(%arg17 : memref<80x128xf32, #tpu.memory_space<vmem>>)
    %dma_wait3A_647 = arith.constant 0 : i32
    %dma_wait3A_648 = tpu.memref_slice %arg11[%mul3A_0, %dma_wait3A_647] : memref<10240x128xf32, #tpu.memory_space<hbm>> -> memref<80x128xf32, #tpu.memory_space<hbm>>
    %dma_wait3A_649 = arith.constant 0 : i32
    %dma_wait3A_650 = tpu.memref_slice %arg11[%mul3A_0, %dma_wait3A_649] : memref<10240x128xf32, #tpu.memory_space<hbm>> -> memref<80x128xf32, #tpu.memory_space<hbm>>
    tpu.wait_dma2 semaphore(%arg19 : memref<!tpu.dma_semaphore, #tpu.memory_space<semaphore_mem>>) src(%arg17 : memref<80x128xf32, #tpu.memory_space<vmem>>) dst(%dma_wait3A_650 : memref<80x128xf32, #tpu.memory_space<hbm>>)
    %eq3A_651 = arith.constant 0 : i32
    %eq3A_652 = arith.cmpi eq, %arg0, %eq3A_651 : i32
    %convert_element_type3A_653 = arith.extui %eq3A_652 : i1 to i32
    %cond3A_654 = arith.constant 0 : i32
    %cond3A_655 = arith.cmpi ne, %convert_element_type3A_653, %cond3A_654 : i32
    scf.if %cond3A_655 {
      %dma_start3A_670 = arith.constant 0 : i32
      %dma_start3A_671 = tpu.memref_slice %arg11[%add3A_642, %dma_start3A_670] : memref<10240x128xf32, #tpu.memory_space<hbm>> -> memref<80x128xf32, #tpu.memory_space<hbm>>
      %dma_start3A_672 = arith.constant 0 : i32
      %dma_start3A_673 = tpu.memref_slice %arg11[%add3A_642, %dma_start3A_672] : memref<10240x128xf32, #tpu.memory_space<hbm>> -> memref<80x128xf32, #tpu.memory_space<hbm>>
      tpu.enqueue_dma source(%arg17 : memref<80x128xf32, #tpu.memory_space<vmem>>) target(%dma_start3A_673 : memref<80x128xf32, #tpu.memory_space<hbm>>) target_semaphore(%arg19 : memref<!tpu.dma_semaphore, #tpu.memory_space<semaphore_mem>>)
    } else {
    }
    %eq3A_656 = arith.constant 1 : i32
    %eq3A_657 = arith.cmpi eq, %arg0, %eq3A_656 : i32
    %convert_element_type3A_658 = arith.extui %eq3A_657 : i1 to i32
    %cond3A_659 = arith.constant 0 : i32
    %cond3A_660 = arith.cmpi ne, %convert_element_type3A_658, %cond3A_659 : i32
    scf.if %cond3A_660 {
      %dma_start3A_670 = arith.constant 0 : i32
      %dma_start3A_671 = tpu.memref_slice %arg12[%add3A_642, %dma_start3A_670] : memref<10240x128xf32, #tpu.memory_space<hbm>> -> memref<80x128xf32, #tpu.memory_space<hbm>>
      %dma_start3A_672 = arith.constant 0 : i32
      %dma_start3A_673 = tpu.memref_slice %arg12[%add3A_642, %dma_start3A_672] : memref<10240x128xf32, #tpu.memory_space<hbm>> -> memref<80x128xf32, #tpu.memory_space<hbm>>
      tpu.enqueue_dma source(%arg17 : memref<80x128xf32, #tpu.memory_space<vmem>>) target(%dma_start3A_673 : memref<80x128xf32, #tpu.memory_space<hbm>>) target_semaphore(%arg19 : memref<!tpu.dma_semaphore, #tpu.memory_space<semaphore_mem>>)
    } else {
    }
    %dma_wait3A_661 = arith.constant 0 : i32
    %dma_wait3A_662 = tpu.memref_slice %arg11[%mul3A_0, %dma_wait3A_661] : memref<10240x128xf32, #tpu.memory_space<hbm>> -> memref<80x128xf32, #tpu.memory_space<hbm>>
    %dma_wait3A_663 = arith.constant 0 : i32
    %dma_wait3A_664 = tpu.memref_slice %arg11[%mul3A_0, %dma_wait3A_663] : memref<10240x128xf32, #tpu.memory_space<hbm>> -> memref<80x128xf32, #tpu.memory_space<hbm>>
    tpu.wait_dma2 semaphore(%arg19 : memref<!tpu.dma_semaphore, #tpu.memory_space<semaphore_mem>>) src(%arg16 : memref<80x128xf32, #tpu.memory_space<vmem>>) dst(%dma_wait3A_664 : memref<80x128xf32, #tpu.memory_space<hbm>>)
    %dma_wait3A_665 = arith.constant 0 : i32
    %dma_wait3A_666 = tpu.memref_slice %arg11[%mul3A_0, %dma_wait3A_665] : memref<10240x128xf32, #tpu.memory_space<hbm>> -> memref<80x128xf32, #tpu.memory_space<hbm>>
    %dma_wait3A_667 = arith.constant 0 : i32
    %dma_wait3A_668 = tpu.memref_slice %arg11[%mul3A_0, %dma_wait3A_667] : memref<10240x128xf32, #tpu.memory_space<hbm>> -> memref<80x128xf32, #tpu.memory_space<hbm>>
    tpu.wait_dma2 semaphore(%arg19 : memref<!tpu.dma_semaphore, #tpu.memory_space<semaphore_mem>>) src(%arg16 : memref<80x128xf32, #tpu.memory_space<vmem>>) dst(%dma_wait3A_668 : memref<80x128xf32, #tpu.memory_space<hbm>>)
    %barrier3A_669 = arith.constant 0 : index
    tpu.barrier barrier_id(%barrier3A_669)
    return
  }
}

#map = affine_map<(d0, d1) -> (0, 0, 0)>
#map1 = affine_map<(d0, d1) -> (0, 0)>
module attributes {stable_mosaic.version = 14 : i64} {
  func.func @_sc_counts_body(%arg0: i32, %arg1: i32, %arg2: memref<16x125x80xi32, #tpu.memory_space<hbm>>, %arg3: memref<16x125x80xi32, #tpu.memory_space<hbm>>, %arg4: memref<40x128xf32, #tpu.memory_space<hbm>>, %arg5: memref<80x128xf32, #tpu.memory_space<hbm>>, %arg6: memref<10240x128xf32, #tpu.memory_space<hbm>>, %arg7: memref<10240x128xf32, #tpu.memory_space<hbm>>, %arg8: memref<10240x128xf32, #tpu.memory_space<vmem_shared>>, %arg9: memref<125x80xi32, #tpu.memory_space<vmem>>, %arg10: memref<80x128xf32, #tpu.memory_space<vmem>>, %arg11: memref<40x128xf32, #tpu.memory_space<vmem>>, %arg12: memref<!tpu.dma_semaphore, #tpu.memory_space<semaphore_mem>>) attributes {dimension_semantics = [#tpu.dimension_semantics<core_parallel>, #tpu.dimension_semantics<subcore_parallel>], iteration_bounds = array<i64: 2, 16>, scalar_prefetch = 0 : i64, scratch_operands = 5 : i64, tpu.core_type = #tpu.core_type<sc_vector_subcore>, window_params = [{transform_indices = #map}, {transform_indices = #map}, {transform_indices = #map1}, {transform_indices = #map1}, {transform_indices = #map1}, {transform_indices = #map1}]} {
    %mul3A = arith.constant 640 : i32
    %mul3A_0 = arith.muli %arg1, %mul3A : i32
    "tpu.region"() ({
      %run_scoped3A = tpu.sem_alloc : memref<!tpu.dma_semaphore, #tpu.memory_space<semaphore_mem>>
      tpu.enqueue_dma source(%arg5 : memref<80x128xf32, #tpu.memory_space<hbm>>) target(%arg10 : memref<80x128xf32, #tpu.memory_space<vmem>>) target_semaphore(%run_scoped3A : memref<!tpu.dma_semaphore, #tpu.memory_space<semaphore_mem>>)
      tpu.wait_dma2 semaphore(%run_scoped3A : memref<!tpu.dma_semaphore, #tpu.memory_space<semaphore_mem>>) src(%arg5 : memref<80x128xf32, #tpu.memory_space<hbm>>) dst(%arg10 : memref<80x128xf32, #tpu.memory_space<vmem>>)
      tpu.yield
    }) : () -> ()
    "tpu.region"() ({
      %run_scoped3A = tpu.sem_alloc : memref<!tpu.dma_semaphore, #tpu.memory_space<semaphore_mem>>
      tpu.enqueue_dma source(%arg4 : memref<40x128xf32, #tpu.memory_space<hbm>>) target(%arg11 : memref<40x128xf32, #tpu.memory_space<vmem>>) target_semaphore(%run_scoped3A : memref<!tpu.dma_semaphore, #tpu.memory_space<semaphore_mem>>)
      tpu.wait_dma2 semaphore(%run_scoped3A : memref<!tpu.dma_semaphore, #tpu.memory_space<semaphore_mem>>) src(%arg4 : memref<40x128xf32, #tpu.memory_space<hbm>>) dst(%arg11 : memref<40x128xf32, #tpu.memory_space<vmem>>)
      tpu.yield
    }) : () -> ()
    %add3A = arith.constant 0 : i32
    %add3A_1 = arith.addi %mul3A_0, %add3A : i32
    %dma_start3A = arith.constant 0 : i32
    %dma_start3A_2 = tpu.memref_slice %arg8[%add3A_1, %dma_start3A] : memref<10240x128xf32, #tpu.memory_space<vmem_shared>> -> memref<40x128xf32, #tpu.memory_space<vmem_shared>>
    %dma_start3A_3 = arith.constant 0 : i32
    %dma_start3A_4 = tpu.memref_slice %arg8[%add3A_1, %dma_start3A_3] : memref<10240x128xf32, #tpu.memory_space<vmem_shared>> -> memref<40x128xf32, #tpu.memory_space<vmem_shared>>
    tpu.enqueue_dma source(%arg11 : memref<40x128xf32, #tpu.memory_space<vmem>>) target(%dma_start3A_4 : memref<40x128xf32, #tpu.memory_space<vmem_shared>>) target_semaphore(%arg12 : memref<!tpu.dma_semaphore, #tpu.memory_space<semaphore_mem>>)
    %add3A_5 = arith.constant 40 : i32
    %add3A_6 = arith.addi %mul3A_0, %add3A_5 : i32
    %dma_start3A_7 = arith.constant 0 : i32
    %dma_start3A_8 = tpu.memref_slice %arg8[%add3A_6, %dma_start3A_7] : memref<10240x128xf32, #tpu.memory_space<vmem_shared>> -> memref<40x128xf32, #tpu.memory_space<vmem_shared>>
    %dma_start3A_9 = arith.constant 0 : i32
    %dma_start3A_10 = tpu.memref_slice %arg8[%add3A_6, %dma_start3A_9] : memref<10240x128xf32, #tpu.memory_space<vmem_shared>> -> memref<40x128xf32, #tpu.memory_space<vmem_shared>>
    tpu.enqueue_dma source(%arg11 : memref<40x128xf32, #tpu.memory_space<vmem>>) target(%dma_start3A_10 : memref<40x128xf32, #tpu.memory_space<vmem_shared>>) target_semaphore(%arg12 : memref<!tpu.dma_semaphore, #tpu.memory_space<semaphore_mem>>)
    %add3A_11 = arith.constant 80 : i32
    %add3A_12 = arith.addi %mul3A_0, %add3A_11 : i32
    %dma_start3A_13 = arith.constant 0 : i32
    %dma_start3A_14 = tpu.memref_slice %arg8[%add3A_12, %dma_start3A_13] : memref<10240x128xf32, #tpu.memory_space<vmem_shared>> -> memref<40x128xf32, #tpu.memory_space<vmem_shared>>
    %dma_start3A_15 = arith.constant 0 : i32
    %dma_start3A_16 = tpu.memref_slice %arg8[%add3A_12, %dma_start3A_15] : memref<10240x128xf32, #tpu.memory_space<vmem_shared>> -> memref<40x128xf32, #tpu.memory_space<vmem_shared>>
    tpu.enqueue_dma source(%arg11 : memref<40x128xf32, #tpu.memory_space<vmem>>) target(%dma_start3A_16 : memref<40x128xf32, #tpu.memory_space<vmem_shared>>) target_semaphore(%arg12 : memref<!tpu.dma_semaphore, #tpu.memory_space<semaphore_mem>>)
    %add3A_17 = arith.constant 120 : i32
    %add3A_18 = arith.addi %mul3A_0, %add3A_17 : i32
    %dma_start3A_19 = arith.constant 0 : i32
    %dma_start3A_20 = tpu.memref_slice %arg8[%add3A_18, %dma_start3A_19] : memref<10240x128xf32, #tpu.memory_space<vmem_shared>> -> memref<40x128xf32, #tpu.memory_space<vmem_shared>>
    %dma_start3A_21 = arith.constant 0 : i32
    %dma_start3A_22 = tpu.memref_slice %arg8[%add3A_18, %dma_start3A_21] : memref<10240x128xf32, #tpu.memory_space<vmem_shared>> -> memref<40x128xf32, #tpu.memory_space<vmem_shared>>
    tpu.enqueue_dma source(%arg11 : memref<40x128xf32, #tpu.memory_space<vmem>>) target(%dma_start3A_22 : memref<40x128xf32, #tpu.memory_space<vmem_shared>>) target_semaphore(%arg12 : memref<!tpu.dma_semaphore, #tpu.memory_space<semaphore_mem>>)
    %add3A_23 = arith.constant 160 : i32
    %add3A_24 = arith.addi %mul3A_0, %add3A_23 : i32
    %dma_start3A_25 = arith.constant 0 : i32
    %dma_start3A_26 = tpu.memref_slice %arg8[%add3A_24, %dma_start3A_25] : memref<10240x128xf32, #tpu.memory_space<vmem_shared>> -> memref<40x128xf32, #tpu.memory_space<vmem_shared>>
    %dma_start3A_27 = arith.constant 0 : i32
    %dma_start3A_28 = tpu.memref_slice %arg8[%add3A_24, %dma_start3A_27] : memref<10240x128xf32, #tpu.memory_space<vmem_shared>> -> memref<40x128xf32, #tpu.memory_space<vmem_shared>>
    tpu.enqueue_dma source(%arg11 : memref<40x128xf32, #tpu.memory_space<vmem>>) target(%dma_start3A_28 : memref<40x128xf32, #tpu.memory_space<vmem_shared>>) target_semaphore(%arg12 : memref<!tpu.dma_semaphore, #tpu.memory_space<semaphore_mem>>)
    %add3A_29 = arith.constant 200 : i32
    %add3A_30 = arith.addi %mul3A_0, %add3A_29 : i32
    %dma_start3A_31 = arith.constant 0 : i32
    %dma_start3A_32 = tpu.memref_slice %arg8[%add3A_30, %dma_start3A_31] : memref<10240x128xf32, #tpu.memory_space<vmem_shared>> -> memref<40x128xf32, #tpu.memory_space<vmem_shared>>
    %dma_start3A_33 = arith.constant 0 : i32
    %dma_start3A_34 = tpu.memref_slice %arg8[%add3A_30, %dma_start3A_33] : memref<10240x128xf32, #tpu.memory_space<vmem_shared>> -> memref<40x128xf32, #tpu.memory_space<vmem_shared>>
    tpu.enqueue_dma source(%arg11 : memref<40x128xf32, #tpu.memory_space<vmem>>) target(%dma_start3A_34 : memref<40x128xf32, #tpu.memory_space<vmem_shared>>) target_semaphore(%arg12 : memref<!tpu.dma_semaphore, #tpu.memory_space<semaphore_mem>>)
    %add3A_35 = arith.constant 240 : i32
    %add3A_36 = arith.addi %mul3A_0, %add3A_35 : i32
    %dma_start3A_37 = arith.constant 0 : i32
    %dma_start3A_38 = tpu.memref_slice %arg8[%add3A_36, %dma_start3A_37] : memref<10240x128xf32, #tpu.memory_space<vmem_shared>> -> memref<40x128xf32, #tpu.memory_space<vmem_shared>>
    %dma_start3A_39 = arith.constant 0 : i32
    %dma_start3A_40 = tpu.memref_slice %arg8[%add3A_36, %dma_start3A_39] : memref<10240x128xf32, #tpu.memory_space<vmem_shared>> -> memref<40x128xf32, #tpu.memory_space<vmem_shared>>
    tpu.enqueue_dma source(%arg11 : memref<40x128xf32, #tpu.memory_space<vmem>>) target(%dma_start3A_40 : memref<40x128xf32, #tpu.memory_space<vmem_shared>>) target_semaphore(%arg12 : memref<!tpu.dma_semaphore, #tpu.memory_space<semaphore_mem>>)
    %add3A_41 = arith.constant 280 : i32
    %add3A_42 = arith.addi %mul3A_0, %add3A_41 : i32
    %dma_start3A_43 = arith.constant 0 : i32
    %dma_start3A_44 = tpu.memref_slice %arg8[%add3A_42, %dma_start3A_43] : memref<10240x128xf32, #tpu.memory_space<vmem_shared>> -> memref<40x128xf32, #tpu.memory_space<vmem_shared>>
    %dma_start3A_45 = arith.constant 0 : i32
    %dma_start3A_46 = tpu.memref_slice %arg8[%add3A_42, %dma_start3A_45] : memref<10240x128xf32, #tpu.memory_space<vmem_shared>> -> memref<40x128xf32, #tpu.memory_space<vmem_shared>>
    tpu.enqueue_dma source(%arg11 : memref<40x128xf32, #tpu.memory_space<vmem>>) target(%dma_start3A_46 : memref<40x128xf32, #tpu.memory_space<vmem_shared>>) target_semaphore(%arg12 : memref<!tpu.dma_semaphore, #tpu.memory_space<semaphore_mem>>)
    %add3A_47 = arith.constant 320 : i32
    %add3A_48 = arith.addi %mul3A_0, %add3A_47 : i32
    %dma_start3A_49 = arith.constant 0 : i32
    %dma_start3A_50 = tpu.memref_slice %arg8[%add3A_48, %dma_start3A_49] : memref<10240x128xf32, #tpu.memory_space<vmem_shared>> -> memref<40x128xf32, #tpu.memory_space<vmem_shared>>
    %dma_start3A_51 = arith.constant 0 : i32
    %dma_start3A_52 = tpu.memref_slice %arg8[%add3A_48, %dma_start3A_51] : memref<10240x128xf32, #tpu.memory_space<vmem_shared>> -> memref<40x128xf32, #tpu.memory_space<vmem_shared>>
    tpu.enqueue_dma source(%arg11 : memref<40x128xf32, #tpu.memory_space<vmem>>) target(%dma_start3A_52 : memref<40x128xf32, #tpu.memory_space<vmem_shared>>) target_semaphore(%arg12 : memref<!tpu.dma_semaphore, #tpu.memory_space<semaphore_mem>>)
    %add3A_53 = arith.constant 360 : i32
    %add3A_54 = arith.addi %mul3A_0, %add3A_53 : i32
    %dma_start3A_55 = arith.constant 0 : i32
    %dma_start3A_56 = tpu.memref_slice %arg8[%add3A_54, %dma_start3A_55] : memref<10240x128xf32, #tpu.memory_space<vmem_shared>> -> memref<40x128xf32, #tpu.memory_space<vmem_shared>>
    %dma_start3A_57 = arith.constant 0 : i32
    %dma_start3A_58 = tpu.memref_slice %arg8[%add3A_54, %dma_start3A_57] : memref<10240x128xf32, #tpu.memory_space<vmem_shared>> -> memref<40x128xf32, #tpu.memory_space<vmem_shared>>
    tpu.enqueue_dma source(%arg11 : memref<40x128xf32, #tpu.memory_space<vmem>>) target(%dma_start3A_58 : memref<40x128xf32, #tpu.memory_space<vmem_shared>>) target_semaphore(%arg12 : memref<!tpu.dma_semaphore, #tpu.memory_space<semaphore_mem>>)
    %add3A_59 = arith.constant 400 : i32
    %add3A_60 = arith.addi %mul3A_0, %add3A_59 : i32
    %dma_start3A_61 = arith.constant 0 : i32
    %dma_start3A_62 = tpu.memref_slice %arg8[%add3A_60, %dma_start3A_61] : memref<10240x128xf32, #tpu.memory_space<vmem_shared>> -> memref<40x128xf32, #tpu.memory_space<vmem_shared>>
    %dma_start3A_63 = arith.constant 0 : i32
    %dma_start3A_64 = tpu.memref_slice %arg8[%add3A_60, %dma_start3A_63] : memref<10240x128xf32, #tpu.memory_space<vmem_shared>> -> memref<40x128xf32, #tpu.memory_space<vmem_shared>>
    tpu.enqueue_dma source(%arg11 : memref<40x128xf32, #tpu.memory_space<vmem>>) target(%dma_start3A_64 : memref<40x128xf32, #tpu.memory_space<vmem_shared>>) target_semaphore(%arg12 : memref<!tpu.dma_semaphore, #tpu.memory_space<semaphore_mem>>)
    %add3A_65 = arith.constant 440 : i32
    %add3A_66 = arith.addi %mul3A_0, %add3A_65 : i32
    %dma_start3A_67 = arith.constant 0 : i32
    %dma_start3A_68 = tpu.memref_slice %arg8[%add3A_66, %dma_start3A_67] : memref<10240x128xf32, #tpu.memory_space<vmem_shared>> -> memref<40x128xf32, #tpu.memory_space<vmem_shared>>
    %dma_start3A_69 = arith.constant 0 : i32
    %dma_start3A_70 = tpu.memref_slice %arg8[%add3A_66, %dma_start3A_69] : memref<10240x128xf32, #tpu.memory_space<vmem_shared>> -> memref<40x128xf32, #tpu.memory_space<vmem_shared>>
    tpu.enqueue_dma source(%arg11 : memref<40x128xf32, #tpu.memory_space<vmem>>) target(%dma_start3A_70 : memref<40x128xf32, #tpu.memory_space<vmem_shared>>) target_semaphore(%arg12 : memref<!tpu.dma_semaphore, #tpu.memory_space<semaphore_mem>>)
    %add3A_71 = arith.constant 480 : i32
    %add3A_72 = arith.addi %mul3A_0, %add3A_71 : i32
    %dma_start3A_73 = arith.constant 0 : i32
    %dma_start3A_74 = tpu.memref_slice %arg8[%add3A_72, %dma_start3A_73] : memref<10240x128xf32, #tpu.memory_space<vmem_shared>> -> memref<40x128xf32, #tpu.memory_space<vmem_shared>>
    %dma_start3A_75 = arith.constant 0 : i32
    %dma_start3A_76 = tpu.memref_slice %arg8[%add3A_72, %dma_start3A_75] : memref<10240x128xf32, #tpu.memory_space<vmem_shared>> -> memref<40x128xf32, #tpu.memory_space<vmem_shared>>
    tpu.enqueue_dma source(%arg11 : memref<40x128xf32, #tpu.memory_space<vmem>>) target(%dma_start3A_76 : memref<40x128xf32, #tpu.memory_space<vmem_shared>>) target_semaphore(%arg12 : memref<!tpu.dma_semaphore, #tpu.memory_space<semaphore_mem>>)
    %add3A_77 = arith.constant 520 : i32
    %add3A_78 = arith.addi %mul3A_0, %add3A_77 : i32
    %dma_start3A_79 = arith.constant 0 : i32
    %dma_start3A_80 = tpu.memref_slice %arg8[%add3A_78, %dma_start3A_79] : memref<10240x128xf32, #tpu.memory_space<vmem_shared>> -> memref<40x128xf32, #tpu.memory_space<vmem_shared>>
    %dma_start3A_81 = arith.constant 0 : i32
    %dma_start3A_82 = tpu.memref_slice %arg8[%add3A_78, %dma_start3A_81] : memref<10240x128xf32, #tpu.memory_space<vmem_shared>> -> memref<40x128xf32, #tpu.memory_space<vmem_shared>>
    tpu.enqueue_dma source(%arg11 : memref<40x128xf32, #tpu.memory_space<vmem>>) target(%dma_start3A_82 : memref<40x128xf32, #tpu.memory_space<vmem_shared>>) target_semaphore(%arg12 : memref<!tpu.dma_semaphore, #tpu.memory_space<semaphore_mem>>)
    %add3A_83 = arith.constant 560 : i32
    %add3A_84 = arith.addi %mul3A_0, %add3A_83 : i32
    %dma_start3A_85 = arith.constant 0 : i32
    %dma_start3A_86 = tpu.memref_slice %arg8[%add3A_84, %dma_start3A_85] : memref<10240x128xf32, #tpu.memory_space<vmem_shared>> -> memref<40x128xf32, #tpu.memory_space<vmem_shared>>
    %dma_start3A_87 = arith.constant 0 : i32
    %dma_start3A_88 = tpu.memref_slice %arg8[%add3A_84, %dma_start3A_87] : memref<10240x128xf32, #tpu.memory_space<vmem_shared>> -> memref<40x128xf32, #tpu.memory_space<vmem_shared>>
    tpu.enqueue_dma source(%arg11 : memref<40x128xf32, #tpu.memory_space<vmem>>) target(%dma_start3A_88 : memref<40x128xf32, #tpu.memory_space<vmem_shared>>) target_semaphore(%arg12 : memref<!tpu.dma_semaphore, #tpu.memory_space<semaphore_mem>>)
    %add3A_89 = arith.constant 600 : i32
    %add3A_90 = arith.addi %mul3A_0, %add3A_89 : i32
    %dma_start3A_91 = arith.constant 0 : i32
    %dma_start3A_92 = tpu.memref_slice %arg8[%add3A_90, %dma_start3A_91] : memref<10240x128xf32, #tpu.memory_space<vmem_shared>> -> memref<40x128xf32, #tpu.memory_space<vmem_shared>>
    %dma_start3A_93 = arith.constant 0 : i32
    %dma_start3A_94 = tpu.memref_slice %arg8[%add3A_90, %dma_start3A_93] : memref<10240x128xf32, #tpu.memory_space<vmem_shared>> -> memref<40x128xf32, #tpu.memory_space<vmem_shared>>
    tpu.enqueue_dma source(%arg11 : memref<40x128xf32, #tpu.memory_space<vmem>>) target(%dma_start3A_94 : memref<40x128xf32, #tpu.memory_space<vmem_shared>>) target_semaphore(%arg12 : memref<!tpu.dma_semaphore, #tpu.memory_space<semaphore_mem>>)
    %dma_wait3A = arith.constant 0 : i32
    %dma_wait3A_95 = tpu.memref_slice %arg8[%mul3A_0, %dma_wait3A] : memref<10240x128xf32, #tpu.memory_space<vmem_shared>> -> memref<40x128xf32, #tpu.memory_space<vmem_shared>>
    %dma_wait3A_96 = arith.constant 0 : i32
    %dma_wait3A_97 = tpu.memref_slice %arg8[%mul3A_0, %dma_wait3A_96] : memref<10240x128xf32, #tpu.memory_space<vmem_shared>> -> memref<40x128xf32, #tpu.memory_space<vmem_shared>>
    tpu.wait_dma2 semaphore(%arg12 : memref<!tpu.dma_semaphore, #tpu.memory_space<semaphore_mem>>) src(%arg11 : memref<40x128xf32, #tpu.memory_space<vmem>>) dst(%dma_wait3A_97 : memref<40x128xf32, #tpu.memory_space<vmem_shared>>)
    %dma_wait3A_98 = arith.constant 0 : i32
    %dma_wait3A_99 = tpu.memref_slice %arg8[%mul3A_0, %dma_wait3A_98] : memref<10240x128xf32, #tpu.memory_space<vmem_shared>> -> memref<40x128xf32, #tpu.memory_space<vmem_shared>>
    %dma_wait3A_100 = arith.constant 0 : i32
    %dma_wait3A_101 = tpu.memref_slice %arg8[%mul3A_0, %dma_wait3A_100] : memref<10240x128xf32, #tpu.memory_space<vmem_shared>> -> memref<40x128xf32, #tpu.memory_space<vmem_shared>>
    tpu.wait_dma2 semaphore(%arg12 : memref<!tpu.dma_semaphore, #tpu.memory_space<semaphore_mem>>) src(%arg11 : memref<40x128xf32, #tpu.memory_space<vmem>>) dst(%dma_wait3A_101 : memref<40x128xf32, #tpu.memory_space<vmem_shared>>)
    %dma_wait3A_102 = arith.constant 0 : i32
    %dma_wait3A_103 = tpu.memref_slice %arg8[%mul3A_0, %dma_wait3A_102] : memref<10240x128xf32, #tpu.memory_space<vmem_shared>> -> memref<40x128xf32, #tpu.memory_space<vmem_shared>>
    %dma_wait3A_104 = arith.constant 0 : i32
    %dma_wait3A_105 = tpu.memref_slice %arg8[%mul3A_0, %dma_wait3A_104] : memref<10240x128xf32, #tpu.memory_space<vmem_shared>> -> memref<40x128xf32, #tpu.memory_space<vmem_shared>>
    tpu.wait_dma2 semaphore(%arg12 : memref<!tpu.dma_semaphore, #tpu.memory_space<semaphore_mem>>) src(%arg11 : memref<40x128xf32, #tpu.memory_space<vmem>>) dst(%dma_wait3A_105 : memref<40x128xf32, #tpu.memory_space<vmem_shared>>)
    %dma_wait3A_106 = arith.constant 0 : i32
    %dma_wait3A_107 = tpu.memref_slice %arg8[%mul3A_0, %dma_wait3A_106] : memref<10240x128xf32, #tpu.memory_space<vmem_shared>> -> memref<40x128xf32, #tpu.memory_space<vmem_shared>>
    %dma_wait3A_108 = arith.constant 0 : i32
    %dma_wait3A_109 = tpu.memref_slice %arg8[%mul3A_0, %dma_wait3A_108] : memref<10240x128xf32, #tpu.memory_space<vmem_shared>> -> memref<40x128xf32, #tpu.memory_space<vmem_shared>>
    tpu.wait_dma2 semaphore(%arg12 : memref<!tpu.dma_semaphore, #tpu.memory_space<semaphore_mem>>) src(%arg11 : memref<40x128xf32, #tpu.memory_space<vmem>>) dst(%dma_wait3A_109 : memref<40x128xf32, #tpu.memory_space<vmem_shared>>)
    %dma_wait3A_110 = arith.constant 0 : i32
    %dma_wait3A_111 = tpu.memref_slice %arg8[%mul3A_0, %dma_wait3A_110] : memref<10240x128xf32, #tpu.memory_space<vmem_shared>> -> memref<40x128xf32, #tpu.memory_space<vmem_shared>>
    %dma_wait3A_112 = arith.constant 0 : i32
    %dma_wait3A_113 = tpu.memref_slice %arg8[%mul3A_0, %dma_wait3A_112] : memref<10240x128xf32, #tpu.memory_space<vmem_shared>> -> memref<40x128xf32, #tpu.memory_space<vmem_shared>>
    tpu.wait_dma2 semaphore(%arg12 : memref<!tpu.dma_semaphore, #tpu.memory_space<semaphore_mem>>) src(%arg11 : memref<40x128xf32, #tpu.memory_space<vmem>>) dst(%dma_wait3A_113 : memref<40x128xf32, #tpu.memory_space<vmem_shared>>)
    %dma_wait3A_114 = arith.constant 0 : i32
    %dma_wait3A_115 = tpu.memref_slice %arg8[%mul3A_0, %dma_wait3A_114] : memref<10240x128xf32, #tpu.memory_space<vmem_shared>> -> memref<40x128xf32, #tpu.memory_space<vmem_shared>>
    %dma_wait3A_116 = arith.constant 0 : i32
    %dma_wait3A_117 = tpu.memref_slice %arg8[%mul3A_0, %dma_wait3A_116] : memref<10240x128xf32, #tpu.memory_space<vmem_shared>> -> memref<40x128xf32, #tpu.memory_space<vmem_shared>>
    tpu.wait_dma2 semaphore(%arg12 : memref<!tpu.dma_semaphore, #tpu.memory_space<semaphore_mem>>) src(%arg11 : memref<40x128xf32, #tpu.memory_space<vmem>>) dst(%dma_wait3A_117 : memref<40x128xf32, #tpu.memory_space<vmem_shared>>)
    %dma_wait3A_118 = arith.constant 0 : i32
    %dma_wait3A_119 = tpu.memref_slice %arg8[%mul3A_0, %dma_wait3A_118] : memref<10240x128xf32, #tpu.memory_space<vmem_shared>> -> memref<40x128xf32, #tpu.memory_space<vmem_shared>>
    %dma_wait3A_120 = arith.constant 0 : i32
    %dma_wait3A_121 = tpu.memref_slice %arg8[%mul3A_0, %dma_wait3A_120] : memref<10240x128xf32, #tpu.memory_space<vmem_shared>> -> memref<40x128xf32, #tpu.memory_space<vmem_shared>>
    tpu.wait_dma2 semaphore(%arg12 : memref<!tpu.dma_semaphore, #tpu.memory_space<semaphore_mem>>) src(%arg11 : memref<40x128xf32, #tpu.memory_space<vmem>>) dst(%dma_wait3A_121 : memref<40x128xf32, #tpu.memory_space<vmem_shared>>)
    %dma_wait3A_122 = arith.constant 0 : i32
    %dma_wait3A_123 = tpu.memref_slice %arg8[%mul3A_0, %dma_wait3A_122] : memref<10240x128xf32, #tpu.memory_space<vmem_shared>> -> memref<40x128xf32, #tpu.memory_space<vmem_shared>>
    %dma_wait3A_124 = arith.constant 0 : i32
    %dma_wait3A_125 = tpu.memref_slice %arg8[%mul3A_0, %dma_wait3A_124] : memref<10240x128xf32, #tpu.memory_space<vmem_shared>> -> memref<40x128xf32, #tpu.memory_space<vmem_shared>>
    tpu.wait_dma2 semaphore(%arg12 : memref<!tpu.dma_semaphore, #tpu.memory_space<semaphore_mem>>) src(%arg11 : memref<40x128xf32, #tpu.memory_space<vmem>>) dst(%dma_wait3A_125 : memref<40x128xf32, #tpu.memory_space<vmem_shared>>)
    %dma_wait3A_126 = arith.constant 0 : i32
    %dma_wait3A_127 = tpu.memref_slice %arg8[%mul3A_0, %dma_wait3A_126] : memref<10240x128xf32, #tpu.memory_space<vmem_shared>> -> memref<40x128xf32, #tpu.memory_space<vmem_shared>>
    %dma_wait3A_128 = arith.constant 0 : i32
    %dma_wait3A_129 = tpu.memref_slice %arg8[%mul3A_0, %dma_wait3A_128] : memref<10240x128xf32, #tpu.memory_space<vmem_shared>> -> memref<40x128xf32, #tpu.memory_space<vmem_shared>>
    tpu.wait_dma2 semaphore(%arg12 : memref<!tpu.dma_semaphore, #tpu.memory_space<semaphore_mem>>) src(%arg11 : memref<40x128xf32, #tpu.memory_space<vmem>>) dst(%dma_wait3A_129 : memref<40x128xf32, #tpu.memory_space<vmem_shared>>)
    %dma_wait3A_130 = arith.constant 0 : i32
    %dma_wait3A_131 = tpu.memref_slice %arg8[%mul3A_0, %dma_wait3A_130] : memref<10240x128xf32, #tpu.memory_space<vmem_shared>> -> memref<40x128xf32, #tpu.memory_space<vmem_shared>>
    %dma_wait3A_132 = arith.constant 0 : i32
    %dma_wait3A_133 = tpu.memref_slice %arg8[%mul3A_0, %dma_wait3A_132] : memref<10240x128xf32, #tpu.memory_space<vmem_shared>> -> memref<40x128xf32, #tpu.memory_space<vmem_shared>>
    tpu.wait_dma2 semaphore(%arg12 : memref<!tpu.dma_semaphore, #tpu.memory_space<semaphore_mem>>) src(%arg11 : memref<40x128xf32, #tpu.memory_space<vmem>>) dst(%dma_wait3A_133 : memref<40x128xf32, #tpu.memory_space<vmem_shared>>)
    %dma_wait3A_134 = arith.constant 0 : i32
    %dma_wait3A_135 = tpu.memref_slice %arg8[%mul3A_0, %dma_wait3A_134] : memref<10240x128xf32, #tpu.memory_space<vmem_shared>> -> memref<40x128xf32, #tpu.memory_space<vmem_shared>>
    %dma_wait3A_136 = arith.constant 0 : i32
    %dma_wait3A_137 = tpu.memref_slice %arg8[%mul3A_0, %dma_wait3A_136] : memref<10240x128xf32, #tpu.memory_space<vmem_shared>> -> memref<40x128xf32, #tpu.memory_space<vmem_shared>>
    tpu.wait_dma2 semaphore(%arg12 : memref<!tpu.dma_semaphore, #tpu.memory_space<semaphore_mem>>) src(%arg11 : memref<40x128xf32, #tpu.memory_space<vmem>>) dst(%dma_wait3A_137 : memref<40x128xf32, #tpu.memory_space<vmem_shared>>)
    %dma_wait3A_138 = arith.constant 0 : i32
    %dma_wait3A_139 = tpu.memref_slice %arg8[%mul3A_0, %dma_wait3A_138] : memref<10240x128xf32, #tpu.memory_space<vmem_shared>> -> memref<40x128xf32, #tpu.memory_space<vmem_shared>>
    %dma_wait3A_140 = arith.constant 0 : i32
    %dma_wait3A_141 = tpu.memref_slice %arg8[%mul3A_0, %dma_wait3A_140] : memref<10240x128xf32, #tpu.memory_space<vmem_shared>> -> memref<40x128xf32, #tpu.memory_space<vmem_shared>>
    tpu.wait_dma2 semaphore(%arg12 : memref<!tpu.dma_semaphore, #tpu.memory_space<semaphore_mem>>) src(%arg11 : memref<40x128xf32, #tpu.memory_space<vmem>>) dst(%dma_wait3A_141 : memref<40x128xf32, #tpu.memory_space<vmem_shared>>)
    %dma_wait3A_142 = arith.constant 0 : i32
    %dma_wait3A_143 = tpu.memref_slice %arg8[%mul3A_0, %dma_wait3A_142] : memref<10240x128xf32, #tpu.memory_space<vmem_shared>> -> memref<40x128xf32, #tpu.memory_space<vmem_shared>>
    %dma_wait3A_144 = arith.constant 0 : i32
    %dma_wait3A_145 = tpu.memref_slice %arg8[%mul3A_0, %dma_wait3A_144] : memref<10240x128xf32, #tpu.memory_space<vmem_shared>> -> memref<40x128xf32, #tpu.memory_space<vmem_shared>>
    tpu.wait_dma2 semaphore(%arg12 : memref<!tpu.dma_semaphore, #tpu.memory_space<semaphore_mem>>) src(%arg11 : memref<40x128xf32, #tpu.memory_space<vmem>>) dst(%dma_wait3A_145 : memref<40x128xf32, #tpu.memory_space<vmem_shared>>)
    %dma_wait3A_146 = arith.constant 0 : i32
    %dma_wait3A_147 = tpu.memref_slice %arg8[%mul3A_0, %dma_wait3A_146] : memref<10240x128xf32, #tpu.memory_space<vmem_shared>> -> memref<40x128xf32, #tpu.memory_space<vmem_shared>>
    %dma_wait3A_148 = arith.constant 0 : i32
    %dma_wait3A_149 = tpu.memref_slice %arg8[%mul3A_0, %dma_wait3A_148] : memref<10240x128xf32, #tpu.memory_space<vmem_shared>> -> memref<40x128xf32, #tpu.memory_space<vmem_shared>>
    tpu.wait_dma2 semaphore(%arg12 : memref<!tpu.dma_semaphore, #tpu.memory_space<semaphore_mem>>) src(%arg11 : memref<40x128xf32, #tpu.memory_space<vmem>>) dst(%dma_wait3A_149 : memref<40x128xf32, #tpu.memory_space<vmem_shared>>)
    %dma_wait3A_150 = arith.constant 0 : i32
    %dma_wait3A_151 = tpu.memref_slice %arg8[%mul3A_0, %dma_wait3A_150] : memref<10240x128xf32, #tpu.memory_space<vmem_shared>> -> memref<40x128xf32, #tpu.memory_space<vmem_shared>>
    %dma_wait3A_152 = arith.constant 0 : i32
    %dma_wait3A_153 = tpu.memref_slice %arg8[%mul3A_0, %dma_wait3A_152] : memref<10240x128xf32, #tpu.memory_space<vmem_shared>> -> memref<40x128xf32, #tpu.memory_space<vmem_shared>>
    tpu.wait_dma2 semaphore(%arg12 : memref<!tpu.dma_semaphore, #tpu.memory_space<semaphore_mem>>) src(%arg11 : memref<40x128xf32, #tpu.memory_space<vmem>>) dst(%dma_wait3A_153 : memref<40x128xf32, #tpu.memory_space<vmem_shared>>)
    %dma_wait3A_154 = arith.constant 0 : i32
    %dma_wait3A_155 = tpu.memref_slice %arg8[%mul3A_0, %dma_wait3A_154] : memref<10240x128xf32, #tpu.memory_space<vmem_shared>> -> memref<40x128xf32, #tpu.memory_space<vmem_shared>>
    %dma_wait3A_156 = arith.constant 0 : i32
    %dma_wait3A_157 = tpu.memref_slice %arg8[%mul3A_0, %dma_wait3A_156] : memref<10240x128xf32, #tpu.memory_space<vmem_shared>> -> memref<40x128xf32, #tpu.memory_space<vmem_shared>>
    tpu.wait_dma2 semaphore(%arg12 : memref<!tpu.dma_semaphore, #tpu.memory_space<semaphore_mem>>) src(%arg11 : memref<40x128xf32, #tpu.memory_space<vmem>>) dst(%dma_wait3A_157 : memref<40x128xf32, #tpu.memory_space<vmem_shared>>)
    %barrier3A = arith.constant 0 : index
    tpu.barrier barrier_id(%barrier3A)
    %eq3A = arith.constant 0 : i32
    %eq3A_158 = arith.cmpi eq, %arg0, %eq3A : i32
    %convert_element_type3A = arith.extui %eq3A_158 : i1 to i32
    %cond3A = arith.constant 0 : i32
    %cond3A_159 = arith.cmpi ne, %convert_element_type3A, %cond3A : i32
    scf.if %cond3A_159 {
      "tpu.region"() ({
        %run_scoped3A = tpu.sem_alloc : memref<!tpu.dma_semaphore, #tpu.memory_space<semaphore_mem>>
        %dma_start3A_181 = arith.constant 0 : i32
        %dma_start3A_182 = arith.constant 0 : i32
        %dma_start3A_183 = tpu.memref_slice %arg2[%arg1, %dma_start3A_181, %dma_start3A_182] : memref<16x125x80xi32, #tpu.memory_space<hbm>> -> memref<1x125x80xi32, #tpu.memory_space<hbm>>
        %dma_start3A_184 = tpu.memref_squeeze %dma_start3A_183 : memref<1x125x80xi32, #tpu.memory_space<hbm>> -> memref<125x80xi32, #tpu.memory_space<hbm>>
        %dma_start3A_185 = arith.constant 0 : i32
        %dma_start3A_186 = arith.constant 0 : i32
        %dma_start3A_187 = tpu.memref_slice %arg2[%arg1, %dma_start3A_185, %dma_start3A_186] : memref<16x125x80xi32, #tpu.memory_space<hbm>> -> memref<1x125x80xi32, #tpu.memory_space<hbm>>
        %dma_start3A_188 = tpu.memref_squeeze %dma_start3A_187 : memref<1x125x80xi32, #tpu.memory_space<hbm>> -> memref<125x80xi32, #tpu.memory_space<hbm>>
        tpu.enqueue_dma source(%dma_start3A_188 : memref<125x80xi32, #tpu.memory_space<hbm>>) target(%arg9 : memref<125x80xi32, #tpu.memory_space<vmem>>) target_semaphore(%run_scoped3A : memref<!tpu.dma_semaphore, #tpu.memory_space<semaphore_mem>>)
        %dma_wait3A_189 = arith.constant 0 : i32
        %dma_wait3A_190 = arith.constant 0 : i32
        %dma_wait3A_191 = tpu.memref_slice %arg2[%arg1, %dma_wait3A_189, %dma_wait3A_190] : memref<16x125x80xi32, #tpu.memory_space<hbm>> -> memref<1x125x80xi32, #tpu.memory_space<hbm>>
        %dma_wait3A_192 = tpu.memref_squeeze %dma_wait3A_191 : memref<1x125x80xi32, #tpu.memory_space<hbm>> -> memref<125x80xi32, #tpu.memory_space<hbm>>
        %dma_wait3A_193 = arith.constant 0 : i32
        %dma_wait3A_194 = arith.constant 0 : i32
        %dma_wait3A_195 = tpu.memref_slice %arg2[%arg1, %dma_wait3A_193, %dma_wait3A_194] : memref<16x125x80xi32, #tpu.memory_space<hbm>> -> memref<1x125x80xi32, #tpu.memory_space<hbm>>
        %dma_wait3A_196 = tpu.memref_squeeze %dma_wait3A_195 : memref<1x125x80xi32, #tpu.memory_space<hbm>> -> memref<125x80xi32, #tpu.memory_space<hbm>>
        tpu.wait_dma2 semaphore(%run_scoped3A : memref<!tpu.dma_semaphore, #tpu.memory_space<semaphore_mem>>) src(%dma_wait3A_196 : memref<125x80xi32, #tpu.memory_space<hbm>>) dst(%arg9 : memref<125x80xi32, #tpu.memory_space<vmem>>)
        tpu.yield
      }) : () -> ()
      %scan3A = arith.constant 0 : i32
      %scan3A_176 = arith.constant 0 : i32
      %scan3A_177 = arith.constant 5 : i32
      %scan3A_178 = arith.addi %scan3A_176, %scan3A_177 : i32
      %scan3A_179 = arith.constant 1 : i32
      scf.for %scan3A_181 = %scan3A_176 to %scan3A_178 step %scan3A_179  : i32 {
        %mul3A_182 = arith.constant 25 : i32
        %mul3A_183 = arith.muli %mul3A_182, %scan3A_181 : i32
        %add3A_184 = arith.constant 0 : i32
        %add3A_185 = arith.addi %mul3A_183, %add3A_184 : i32
        %dma_start3A_186 = arith.constant 0 : i32
        %dma_start3A_187 = tpu.memref_slice %arg9[%add3A_185, %dma_start3A_186] : memref<125x80xi32, #tpu.memory_space<vmem>> -> memref<1x80xi32, #tpu.memory_space<vmem>>
        %dma_start3A_188 = tpu.memref_squeeze %dma_start3A_187 : memref<1x80xi32, #tpu.memory_space<vmem>> -> memref<80xi32, #tpu.memory_space<vmem>>
        %dma_start3A_189 = arith.constant 0 : i32
        %dma_start3A_190 = arith.constant 0 : i32
        %dma_start3A_191 = tpu.memref_slice %arg8[%dma_start3A_189, %dma_start3A_190] : memref<10240x128xf32, #tpu.memory_space<vmem_shared>> -> memref<10240x128xf32, #tpu.memory_space<vmem_shared>>
        tpu.enqueue_indirect_dma source(%arg10 : memref<80x128xf32, #tpu.memory_space<vmem>>) target(%dma_start3A_191 : memref<10240x128xf32, #tpu.memory_space<vmem_shared>>) offsets(%dma_start3A_188 : memref<80xi32, #tpu.memory_space<vmem>>) semaphore(%arg12 : memref<!tpu.dma_semaphore, #tpu.memory_space<semaphore_mem>>) {add = true}
        %mul3A_192 = arith.constant 25 : i32
        %mul3A_193 = arith.muli %mul3A_192, %scan3A_181 : i32
        %add3A_194 = arith.constant 1 : i32
        %add3A_195 = arith.addi %mul3A_193, %add3A_194 : i32
        %dma_start3A_196 = arith.constant 0 : i32
        %dma_start3A_197 = tpu.memref_slice %arg9[%add3A_195, %dma_start3A_196] : memref<125x80xi32, #tpu.memory_space<vmem>> -> memref<1x80xi32, #tpu.memory_space<vmem>>
        %dma_start3A_198 = tpu.memref_squeeze %dma_start3A_197 : memref<1x80xi32, #tpu.memory_space<vmem>> -> memref<80xi32, #tpu.memory_space<vmem>>
        %dma_start3A_199 = arith.constant 0 : i32
        %dma_start3A_200 = arith.constant 0 : i32
        %dma_start3A_201 = tpu.memref_slice %arg8[%dma_start3A_199, %dma_start3A_200] : memref<10240x128xf32, #tpu.memory_space<vmem_shared>> -> memref<10240x128xf32, #tpu.memory_space<vmem_shared>>
        tpu.enqueue_indirect_dma source(%arg10 : memref<80x128xf32, #tpu.memory_space<vmem>>) target(%dma_start3A_201 : memref<10240x128xf32, #tpu.memory_space<vmem_shared>>) offsets(%dma_start3A_198 : memref<80xi32, #tpu.memory_space<vmem>>) semaphore(%arg12 : memref<!tpu.dma_semaphore, #tpu.memory_space<semaphore_mem>>) {add = true}
        %mul3A_202 = arith.constant 25 : i32
        %mul3A_203 = arith.muli %mul3A_202, %scan3A_181 : i32
        %add3A_204 = arith.constant 2 : i32
        %add3A_205 = arith.addi %mul3A_203, %add3A_204 : i32
        %dma_start3A_206 = arith.constant 0 : i32
        %dma_start3A_207 = tpu.memref_slice %arg9[%add3A_205, %dma_start3A_206] : memref<125x80xi32, #tpu.memory_space<vmem>> -> memref<1x80xi32, #tpu.memory_space<vmem>>
        %dma_start3A_208 = tpu.memref_squeeze %dma_start3A_207 : memref<1x80xi32, #tpu.memory_space<vmem>> -> memref<80xi32, #tpu.memory_space<vmem>>
        %dma_start3A_209 = arith.constant 0 : i32
        %dma_start3A_210 = arith.constant 0 : i32
        %dma_start3A_211 = tpu.memref_slice %arg8[%dma_start3A_209, %dma_start3A_210] : memref<10240x128xf32, #tpu.memory_space<vmem_shared>> -> memref<10240x128xf32, #tpu.memory_space<vmem_shared>>
        tpu.enqueue_indirect_dma source(%arg10 : memref<80x128xf32, #tpu.memory_space<vmem>>) target(%dma_start3A_211 : memref<10240x128xf32, #tpu.memory_space<vmem_shared>>) offsets(%dma_start3A_208 : memref<80xi32, #tpu.memory_space<vmem>>) semaphore(%arg12 : memref<!tpu.dma_semaphore, #tpu.memory_space<semaphore_mem>>) {add = true}
        %mul3A_212 = arith.constant 25 : i32
        %mul3A_213 = arith.muli %mul3A_212, %scan3A_181 : i32
        %add3A_214 = arith.constant 3 : i32
        %add3A_215 = arith.addi %mul3A_213, %add3A_214 : i32
        %dma_start3A_216 = arith.constant 0 : i32
        %dma_start3A_217 = tpu.memref_slice %arg9[%add3A_215, %dma_start3A_216] : memref<125x80xi32, #tpu.memory_space<vmem>> -> memref<1x80xi32, #tpu.memory_space<vmem>>
        %dma_start3A_218 = tpu.memref_squeeze %dma_start3A_217 : memref<1x80xi32, #tpu.memory_space<vmem>> -> memref<80xi32, #tpu.memory_space<vmem>>
        %dma_start3A_219 = arith.constant 0 : i32
        %dma_start3A_220 = arith.constant 0 : i32
        %dma_start3A_221 = tpu.memref_slice %arg8[%dma_start3A_219, %dma_start3A_220] : memref<10240x128xf32, #tpu.memory_space<vmem_shared>> -> memref<10240x128xf32, #tpu.memory_space<vmem_shared>>
        tpu.enqueue_indirect_dma source(%arg10 : memref<80x128xf32, #tpu.memory_space<vmem>>) target(%dma_start3A_221 : memref<10240x128xf32, #tpu.memory_space<vmem_shared>>) offsets(%dma_start3A_218 : memref<80xi32, #tpu.memory_space<vmem>>) semaphore(%arg12 : memref<!tpu.dma_semaphore, #tpu.memory_space<semaphore_mem>>) {add = true}
        %mul3A_222 = arith.constant 25 : i32
        %mul3A_223 = arith.muli %mul3A_222, %scan3A_181 : i32
        %add3A_224 = arith.constant 4 : i32
        %add3A_225 = arith.addi %mul3A_223, %add3A_224 : i32
        %dma_start3A_226 = arith.constant 0 : i32
        %dma_start3A_227 = tpu.memref_slice %arg9[%add3A_225, %dma_start3A_226] : memref<125x80xi32, #tpu.memory_space<vmem>> -> memref<1x80xi32, #tpu.memory_space<vmem>>
        %dma_start3A_228 = tpu.memref_squeeze %dma_start3A_227 : memref<1x80xi32, #tpu.memory_space<vmem>> -> memref<80xi32, #tpu.memory_space<vmem>>
        %dma_start3A_229 = arith.constant 0 : i32
        %dma_start3A_230 = arith.constant 0 : i32
        %dma_start3A_231 = tpu.memref_slice %arg8[%dma_start3A_229, %dma_start3A_230] : memref<10240x128xf32, #tpu.memory_space<vmem_shared>> -> memref<10240x128xf32, #tpu.memory_space<vmem_shared>>
        tpu.enqueue_indirect_dma source(%arg10 : memref<80x128xf32, #tpu.memory_space<vmem>>) target(%dma_start3A_231 : memref<10240x128xf32, #tpu.memory_space<vmem_shared>>) offsets(%dma_start3A_228 : memref<80xi32, #tpu.memory_space<vmem>>) semaphore(%arg12 : memref<!tpu.dma_semaphore, #tpu.memory_space<semaphore_mem>>) {add = true}
        %mul3A_232 = arith.constant 25 : i32
        %mul3A_233 = arith.muli %mul3A_232, %scan3A_181 : i32
        %add3A_234 = arith.constant 5 : i32
        %add3A_235 = arith.addi %mul3A_233, %add3A_234 : i32
        %dma_start3A_236 = arith.constant 0 : i32
        %dma_start3A_237 = tpu.memref_slice %arg9[%add3A_235, %dma_start3A_236] : memref<125x80xi32, #tpu.memory_space<vmem>> -> memref<1x80xi32, #tpu.memory_space<vmem>>
        %dma_start3A_238 = tpu.memref_squeeze %dma_start3A_237 : memref<1x80xi32, #tpu.memory_space<vmem>> -> memref<80xi32, #tpu.memory_space<vmem>>
        %dma_start3A_239 = arith.constant 0 : i32
        %dma_start3A_240 = arith.constant 0 : i32
        %dma_start3A_241 = tpu.memref_slice %arg8[%dma_start3A_239, %dma_start3A_240] : memref<10240x128xf32, #tpu.memory_space<vmem_shared>> -> memref<10240x128xf32, #tpu.memory_space<vmem_shared>>
        tpu.enqueue_indirect_dma source(%arg10 : memref<80x128xf32, #tpu.memory_space<vmem>>) target(%dma_start3A_241 : memref<10240x128xf32, #tpu.memory_space<vmem_shared>>) offsets(%dma_start3A_238 : memref<80xi32, #tpu.memory_space<vmem>>) semaphore(%arg12 : memref<!tpu.dma_semaphore, #tpu.memory_space<semaphore_mem>>) {add = true}
        %mul3A_242 = arith.constant 25 : i32
        %mul3A_243 = arith.muli %mul3A_242, %scan3A_181 : i32
        %add3A_244 = arith.constant 6 : i32
        %add3A_245 = arith.addi %mul3A_243, %add3A_244 : i32
        %dma_start3A_246 = arith.constant 0 : i32
        %dma_start3A_247 = tpu.memref_slice %arg9[%add3A_245, %dma_start3A_246] : memref<125x80xi32, #tpu.memory_space<vmem>> -> memref<1x80xi32, #tpu.memory_space<vmem>>
        %dma_start3A_248 = tpu.memref_squeeze %dma_start3A_247 : memref<1x80xi32, #tpu.memory_space<vmem>> -> memref<80xi32, #tpu.memory_space<vmem>>
        %dma_start3A_249 = arith.constant 0 : i32
        %dma_start3A_250 = arith.constant 0 : i32
        %dma_start3A_251 = tpu.memref_slice %arg8[%dma_start3A_249, %dma_start3A_250] : memref<10240x128xf32, #tpu.memory_space<vmem_shared>> -> memref<10240x128xf32, #tpu.memory_space<vmem_shared>>
        tpu.enqueue_indirect_dma source(%arg10 : memref<80x128xf32, #tpu.memory_space<vmem>>) target(%dma_start3A_251 : memref<10240x128xf32, #tpu.memory_space<vmem_shared>>) offsets(%dma_start3A_248 : memref<80xi32, #tpu.memory_space<vmem>>) semaphore(%arg12 : memref<!tpu.dma_semaphore, #tpu.memory_space<semaphore_mem>>) {add = true}
        %mul3A_252 = arith.constant 25 : i32
        %mul3A_253 = arith.muli %mul3A_252, %scan3A_181 : i32
        %add3A_254 = arith.constant 7 : i32
        %add3A_255 = arith.addi %mul3A_253, %add3A_254 : i32
        %dma_start3A_256 = arith.constant 0 : i32
        %dma_start3A_257 = tpu.memref_slice %arg9[%add3A_255, %dma_start3A_256] : memref<125x80xi32, #tpu.memory_space<vmem>> -> memref<1x80xi32, #tpu.memory_space<vmem>>
        %dma_start3A_258 = tpu.memref_squeeze %dma_start3A_257 : memref<1x80xi32, #tpu.memory_space<vmem>> -> memref<80xi32, #tpu.memory_space<vmem>>
        %dma_start3A_259 = arith.constant 0 : i32
        %dma_start3A_260 = arith.constant 0 : i32
        %dma_start3A_261 = tpu.memref_slice %arg8[%dma_start3A_259, %dma_start3A_260] : memref<10240x128xf32, #tpu.memory_space<vmem_shared>> -> memref<10240x128xf32, #tpu.memory_space<vmem_shared>>
        tpu.enqueue_indirect_dma source(%arg10 : memref<80x128xf32, #tpu.memory_space<vmem>>) target(%dma_start3A_261 : memref<10240x128xf32, #tpu.memory_space<vmem_shared>>) offsets(%dma_start3A_258 : memref<80xi32, #tpu.memory_space<vmem>>) semaphore(%arg12 : memref<!tpu.dma_semaphore, #tpu.memory_space<semaphore_mem>>) {add = true}
        %mul3A_262 = arith.constant 25 : i32
        %mul3A_263 = arith.muli %mul3A_262, %scan3A_181 : i32
        %add3A_264 = arith.constant 8 : i32
        %add3A_265 = arith.addi %mul3A_263, %add3A_264 : i32
        %dma_start3A_266 = arith.constant 0 : i32
        %dma_start3A_267 = tpu.memref_slice %arg9[%add3A_265, %dma_start3A_266] : memref<125x80xi32, #tpu.memory_space<vmem>> -> memref<1x80xi32, #tpu.memory_space<vmem>>
        %dma_start3A_268 = tpu.memref_squeeze %dma_start3A_267 : memref<1x80xi32, #tpu.memory_space<vmem>> -> memref<80xi32, #tpu.memory_space<vmem>>
        %dma_start3A_269 = arith.constant 0 : i32
        %dma_start3A_270 = arith.constant 0 : i32
        %dma_start3A_271 = tpu.memref_slice %arg8[%dma_start3A_269, %dma_start3A_270] : memref<10240x128xf32, #tpu.memory_space<vmem_shared>> -> memref<10240x128xf32, #tpu.memory_space<vmem_shared>>
        tpu.enqueue_indirect_dma source(%arg10 : memref<80x128xf32, #tpu.memory_space<vmem>>) target(%dma_start3A_271 : memref<10240x128xf32, #tpu.memory_space<vmem_shared>>) offsets(%dma_start3A_268 : memref<80xi32, #tpu.memory_space<vmem>>) semaphore(%arg12 : memref<!tpu.dma_semaphore, #tpu.memory_space<semaphore_mem>>) {add = true}
        %mul3A_272 = arith.constant 25 : i32
        %mul3A_273 = arith.muli %mul3A_272, %scan3A_181 : i32
        %add3A_274 = arith.constant 9 : i32
        %add3A_275 = arith.addi %mul3A_273, %add3A_274 : i32
        %dma_start3A_276 = arith.constant 0 : i32
        %dma_start3A_277 = tpu.memref_slice %arg9[%add3A_275, %dma_start3A_276] : memref<125x80xi32, #tpu.memory_space<vmem>> -> memref<1x80xi32, #tpu.memory_space<vmem>>
        %dma_start3A_278 = tpu.memref_squeeze %dma_start3A_277 : memref<1x80xi32, #tpu.memory_space<vmem>> -> memref<80xi32, #tpu.memory_space<vmem>>
        %dma_start3A_279 = arith.constant 0 : i32
        %dma_start3A_280 = arith.constant 0 : i32
        %dma_start3A_281 = tpu.memref_slice %arg8[%dma_start3A_279, %dma_start3A_280] : memref<10240x128xf32, #tpu.memory_space<vmem_shared>> -> memref<10240x128xf32, #tpu.memory_space<vmem_shared>>
        tpu.enqueue_indirect_dma source(%arg10 : memref<80x128xf32, #tpu.memory_space<vmem>>) target(%dma_start3A_281 : memref<10240x128xf32, #tpu.memory_space<vmem_shared>>) offsets(%dma_start3A_278 : memref<80xi32, #tpu.memory_space<vmem>>) semaphore(%arg12 : memref<!tpu.dma_semaphore, #tpu.memory_space<semaphore_mem>>) {add = true}
        %mul3A_282 = arith.constant 25 : i32
        %mul3A_283 = arith.muli %mul3A_282, %scan3A_181 : i32
        %add3A_284 = arith.constant 10 : i32
        %add3A_285 = arith.addi %mul3A_283, %add3A_284 : i32
        %dma_start3A_286 = arith.constant 0 : i32
        %dma_start3A_287 = tpu.memref_slice %arg9[%add3A_285, %dma_start3A_286] : memref<125x80xi32, #tpu.memory_space<vmem>> -> memref<1x80xi32, #tpu.memory_space<vmem>>
        %dma_start3A_288 = tpu.memref_squeeze %dma_start3A_287 : memref<1x80xi32, #tpu.memory_space<vmem>> -> memref<80xi32, #tpu.memory_space<vmem>>
        %dma_start3A_289 = arith.constant 0 : i32
        %dma_start3A_290 = arith.constant 0 : i32
        %dma_start3A_291 = tpu.memref_slice %arg8[%dma_start3A_289, %dma_start3A_290] : memref<10240x128xf32, #tpu.memory_space<vmem_shared>> -> memref<10240x128xf32, #tpu.memory_space<vmem_shared>>
        tpu.enqueue_indirect_dma source(%arg10 : memref<80x128xf32, #tpu.memory_space<vmem>>) target(%dma_start3A_291 : memref<10240x128xf32, #tpu.memory_space<vmem_shared>>) offsets(%dma_start3A_288 : memref<80xi32, #tpu.memory_space<vmem>>) semaphore(%arg12 : memref<!tpu.dma_semaphore, #tpu.memory_space<semaphore_mem>>) {add = true}
        %mul3A_292 = arith.constant 25 : i32
        %mul3A_293 = arith.muli %mul3A_292, %scan3A_181 : i32
        %add3A_294 = arith.constant 11 : i32
        %add3A_295 = arith.addi %mul3A_293, %add3A_294 : i32
        %dma_start3A_296 = arith.constant 0 : i32
        %dma_start3A_297 = tpu.memref_slice %arg9[%add3A_295, %dma_start3A_296] : memref<125x80xi32, #tpu.memory_space<vmem>> -> memref<1x80xi32, #tpu.memory_space<vmem>>
        %dma_start3A_298 = tpu.memref_squeeze %dma_start3A_297 : memref<1x80xi32, #tpu.memory_space<vmem>> -> memref<80xi32, #tpu.memory_space<vmem>>
        %dma_start3A_299 = arith.constant 0 : i32
        %dma_start3A_300 = arith.constant 0 : i32
        %dma_start3A_301 = tpu.memref_slice %arg8[%dma_start3A_299, %dma_start3A_300] : memref<10240x128xf32, #tpu.memory_space<vmem_shared>> -> memref<10240x128xf32, #tpu.memory_space<vmem_shared>>
        tpu.enqueue_indirect_dma source(%arg10 : memref<80x128xf32, #tpu.memory_space<vmem>>) target(%dma_start3A_301 : memref<10240x128xf32, #tpu.memory_space<vmem_shared>>) offsets(%dma_start3A_298 : memref<80xi32, #tpu.memory_space<vmem>>) semaphore(%arg12 : memref<!tpu.dma_semaphore, #tpu.memory_space<semaphore_mem>>) {add = true}
        %mul3A_302 = arith.constant 25 : i32
        %mul3A_303 = arith.muli %mul3A_302, %scan3A_181 : i32
        %add3A_304 = arith.constant 12 : i32
        %add3A_305 = arith.addi %mul3A_303, %add3A_304 : i32
        %dma_start3A_306 = arith.constant 0 : i32
        %dma_start3A_307 = tpu.memref_slice %arg9[%add3A_305, %dma_start3A_306] : memref<125x80xi32, #tpu.memory_space<vmem>> -> memref<1x80xi32, #tpu.memory_space<vmem>>
        %dma_start3A_308 = tpu.memref_squeeze %dma_start3A_307 : memref<1x80xi32, #tpu.memory_space<vmem>> -> memref<80xi32, #tpu.memory_space<vmem>>
        %dma_start3A_309 = arith.constant 0 : i32
        %dma_start3A_310 = arith.constant 0 : i32
        %dma_start3A_311 = tpu.memref_slice %arg8[%dma_start3A_309, %dma_start3A_310] : memref<10240x128xf32, #tpu.memory_space<vmem_shared>> -> memref<10240x128xf32, #tpu.memory_space<vmem_shared>>
        tpu.enqueue_indirect_dma source(%arg10 : memref<80x128xf32, #tpu.memory_space<vmem>>) target(%dma_start3A_311 : memref<10240x128xf32, #tpu.memory_space<vmem_shared>>) offsets(%dma_start3A_308 : memref<80xi32, #tpu.memory_space<vmem>>) semaphore(%arg12 : memref<!tpu.dma_semaphore, #tpu.memory_space<semaphore_mem>>) {add = true}
        %mul3A_312 = arith.constant 25 : i32
        %mul3A_313 = arith.muli %mul3A_312, %scan3A_181 : i32
        %add3A_314 = arith.constant 13 : i32
        %add3A_315 = arith.addi %mul3A_313, %add3A_314 : i32
        %dma_start3A_316 = arith.constant 0 : i32
        %dma_start3A_317 = tpu.memref_slice %arg9[%add3A_315, %dma_start3A_316] : memref<125x80xi32, #tpu.memory_space<vmem>> -> memref<1x80xi32, #tpu.memory_space<vmem>>
        %dma_start3A_318 = tpu.memref_squeeze %dma_start3A_317 : memref<1x80xi32, #tpu.memory_space<vmem>> -> memref<80xi32, #tpu.memory_space<vmem>>
        %dma_start3A_319 = arith.constant 0 : i32
        %dma_start3A_320 = arith.constant 0 : i32
        %dma_start3A_321 = tpu.memref_slice %arg8[%dma_start3A_319, %dma_start3A_320] : memref<10240x128xf32, #tpu.memory_space<vmem_shared>> -> memref<10240x128xf32, #tpu.memory_space<vmem_shared>>
        tpu.enqueue_indirect_dma source(%arg10 : memref<80x128xf32, #tpu.memory_space<vmem>>) target(%dma_start3A_321 : memref<10240x128xf32, #tpu.memory_space<vmem_shared>>) offsets(%dma_start3A_318 : memref<80xi32, #tpu.memory_space<vmem>>) semaphore(%arg12 : memref<!tpu.dma_semaphore, #tpu.memory_space<semaphore_mem>>) {add = true}
        %mul3A_322 = arith.constant 25 : i32
        %mul3A_323 = arith.muli %mul3A_322, %scan3A_181 : i32
        %add3A_324 = arith.constant 14 : i32
        %add3A_325 = arith.addi %mul3A_323, %add3A_324 : i32
        %dma_start3A_326 = arith.constant 0 : i32
        %dma_start3A_327 = tpu.memref_slice %arg9[%add3A_325, %dma_start3A_326] : memref<125x80xi32, #tpu.memory_space<vmem>> -> memref<1x80xi32, #tpu.memory_space<vmem>>
        %dma_start3A_328 = tpu.memref_squeeze %dma_start3A_327 : memref<1x80xi32, #tpu.memory_space<vmem>> -> memref<80xi32, #tpu.memory_space<vmem>>
        %dma_start3A_329 = arith.constant 0 : i32
        %dma_start3A_330 = arith.constant 0 : i32
        %dma_start3A_331 = tpu.memref_slice %arg8[%dma_start3A_329, %dma_start3A_330] : memref<10240x128xf32, #tpu.memory_space<vmem_shared>> -> memref<10240x128xf32, #tpu.memory_space<vmem_shared>>
        tpu.enqueue_indirect_dma source(%arg10 : memref<80x128xf32, #tpu.memory_space<vmem>>) target(%dma_start3A_331 : memref<10240x128xf32, #tpu.memory_space<vmem_shared>>) offsets(%dma_start3A_328 : memref<80xi32, #tpu.memory_space<vmem>>) semaphore(%arg12 : memref<!tpu.dma_semaphore, #tpu.memory_space<semaphore_mem>>) {add = true}
        %mul3A_332 = arith.constant 25 : i32
        %mul3A_333 = arith.muli %mul3A_332, %scan3A_181 : i32
        %add3A_334 = arith.constant 15 : i32
        %add3A_335 = arith.addi %mul3A_333, %add3A_334 : i32
        %dma_start3A_336 = arith.constant 0 : i32
        %dma_start3A_337 = tpu.memref_slice %arg9[%add3A_335, %dma_start3A_336] : memref<125x80xi32, #tpu.memory_space<vmem>> -> memref<1x80xi32, #tpu.memory_space<vmem>>
        %dma_start3A_338 = tpu.memref_squeeze %dma_start3A_337 : memref<1x80xi32, #tpu.memory_space<vmem>> -> memref<80xi32, #tpu.memory_space<vmem>>
        %dma_start3A_339 = arith.constant 0 : i32
        %dma_start3A_340 = arith.constant 0 : i32
        %dma_start3A_341 = tpu.memref_slice %arg8[%dma_start3A_339, %dma_start3A_340] : memref<10240x128xf32, #tpu.memory_space<vmem_shared>> -> memref<10240x128xf32, #tpu.memory_space<vmem_shared>>
        tpu.enqueue_indirect_dma source(%arg10 : memref<80x128xf32, #tpu.memory_space<vmem>>) target(%dma_start3A_341 : memref<10240x128xf32, #tpu.memory_space<vmem_shared>>) offsets(%dma_start3A_338 : memref<80xi32, #tpu.memory_space<vmem>>) semaphore(%arg12 : memref<!tpu.dma_semaphore, #tpu.memory_space<semaphore_mem>>) {add = true}
        %mul3A_342 = arith.constant 25 : i32
        %mul3A_343 = arith.muli %mul3A_342, %scan3A_181 : i32
        %add3A_344 = arith.constant 16 : i32
        %add3A_345 = arith.addi %mul3A_343, %add3A_344 : i32
        %dma_start3A_346 = arith.constant 0 : i32
        %dma_start3A_347 = tpu.memref_slice %arg9[%add3A_345, %dma_start3A_346] : memref<125x80xi32, #tpu.memory_space<vmem>> -> memref<1x80xi32, #tpu.memory_space<vmem>>
        %dma_start3A_348 = tpu.memref_squeeze %dma_start3A_347 : memref<1x80xi32, #tpu.memory_space<vmem>> -> memref<80xi32, #tpu.memory_space<vmem>>
        %dma_start3A_349 = arith.constant 0 : i32
        %dma_start3A_350 = arith.constant 0 : i32
        %dma_start3A_351 = tpu.memref_slice %arg8[%dma_start3A_349, %dma_start3A_350] : memref<10240x128xf32, #tpu.memory_space<vmem_shared>> -> memref<10240x128xf32, #tpu.memory_space<vmem_shared>>
        tpu.enqueue_indirect_dma source(%arg10 : memref<80x128xf32, #tpu.memory_space<vmem>>) target(%dma_start3A_351 : memref<10240x128xf32, #tpu.memory_space<vmem_shared>>) offsets(%dma_start3A_348 : memref<80xi32, #tpu.memory_space<vmem>>) semaphore(%arg12 : memref<!tpu.dma_semaphore, #tpu.memory_space<semaphore_mem>>) {add = true}
        %mul3A_352 = arith.constant 25 : i32
        %mul3A_353 = arith.muli %mul3A_352, %scan3A_181 : i32
        %add3A_354 = arith.constant 17 : i32
        %add3A_355 = arith.addi %mul3A_353, %add3A_354 : i32
        %dma_start3A_356 = arith.constant 0 : i32
        %dma_start3A_357 = tpu.memref_slice %arg9[%add3A_355, %dma_start3A_356] : memref<125x80xi32, #tpu.memory_space<vmem>> -> memref<1x80xi32, #tpu.memory_space<vmem>>
        %dma_start3A_358 = tpu.memref_squeeze %dma_start3A_357 : memref<1x80xi32, #tpu.memory_space<vmem>> -> memref<80xi32, #tpu.memory_space<vmem>>
        %dma_start3A_359 = arith.constant 0 : i32
        %dma_start3A_360 = arith.constant 0 : i32
        %dma_start3A_361 = tpu.memref_slice %arg8[%dma_start3A_359, %dma_start3A_360] : memref<10240x128xf32, #tpu.memory_space<vmem_shared>> -> memref<10240x128xf32, #tpu.memory_space<vmem_shared>>
        tpu.enqueue_indirect_dma source(%arg10 : memref<80x128xf32, #tpu.memory_space<vmem>>) target(%dma_start3A_361 : memref<10240x128xf32, #tpu.memory_space<vmem_shared>>) offsets(%dma_start3A_358 : memref<80xi32, #tpu.memory_space<vmem>>) semaphore(%arg12 : memref<!tpu.dma_semaphore, #tpu.memory_space<semaphore_mem>>) {add = true}
        %mul3A_362 = arith.constant 25 : i32
        %mul3A_363 = arith.muli %mul3A_362, %scan3A_181 : i32
        %add3A_364 = arith.constant 18 : i32
        %add3A_365 = arith.addi %mul3A_363, %add3A_364 : i32
        %dma_start3A_366 = arith.constant 0 : i32
        %dma_start3A_367 = tpu.memref_slice %arg9[%add3A_365, %dma_start3A_366] : memref<125x80xi32, #tpu.memory_space<vmem>> -> memref<1x80xi32, #tpu.memory_space<vmem>>
        %dma_start3A_368 = tpu.memref_squeeze %dma_start3A_367 : memref<1x80xi32, #tpu.memory_space<vmem>> -> memref<80xi32, #tpu.memory_space<vmem>>
        %dma_start3A_369 = arith.constant 0 : i32
        %dma_start3A_370 = arith.constant 0 : i32
        %dma_start3A_371 = tpu.memref_slice %arg8[%dma_start3A_369, %dma_start3A_370] : memref<10240x128xf32, #tpu.memory_space<vmem_shared>> -> memref<10240x128xf32, #tpu.memory_space<vmem_shared>>
        tpu.enqueue_indirect_dma source(%arg10 : memref<80x128xf32, #tpu.memory_space<vmem>>) target(%dma_start3A_371 : memref<10240x128xf32, #tpu.memory_space<vmem_shared>>) offsets(%dma_start3A_368 : memref<80xi32, #tpu.memory_space<vmem>>) semaphore(%arg12 : memref<!tpu.dma_semaphore, #tpu.memory_space<semaphore_mem>>) {add = true}
        %mul3A_372 = arith.constant 25 : i32
        %mul3A_373 = arith.muli %mul3A_372, %scan3A_181 : i32
        %add3A_374 = arith.constant 19 : i32
        %add3A_375 = arith.addi %mul3A_373, %add3A_374 : i32
        %dma_start3A_376 = arith.constant 0 : i32
        %dma_start3A_377 = tpu.memref_slice %arg9[%add3A_375, %dma_start3A_376] : memref<125x80xi32, #tpu.memory_space<vmem>> -> memref<1x80xi32, #tpu.memory_space<vmem>>
        %dma_start3A_378 = tpu.memref_squeeze %dma_start3A_377 : memref<1x80xi32, #tpu.memory_space<vmem>> -> memref<80xi32, #tpu.memory_space<vmem>>
        %dma_start3A_379 = arith.constant 0 : i32
        %dma_start3A_380 = arith.constant 0 : i32
        %dma_start3A_381 = tpu.memref_slice %arg8[%dma_start3A_379, %dma_start3A_380] : memref<10240x128xf32, #tpu.memory_space<vmem_shared>> -> memref<10240x128xf32, #tpu.memory_space<vmem_shared>>
        tpu.enqueue_indirect_dma source(%arg10 : memref<80x128xf32, #tpu.memory_space<vmem>>) target(%dma_start3A_381 : memref<10240x128xf32, #tpu.memory_space<vmem_shared>>) offsets(%dma_start3A_378 : memref<80xi32, #tpu.memory_space<vmem>>) semaphore(%arg12 : memref<!tpu.dma_semaphore, #tpu.memory_space<semaphore_mem>>) {add = true}
        %mul3A_382 = arith.constant 25 : i32
        %mul3A_383 = arith.muli %mul3A_382, %scan3A_181 : i32
        %add3A_384 = arith.constant 20 : i32
        %add3A_385 = arith.addi %mul3A_383, %add3A_384 : i32
        %dma_start3A_386 = arith.constant 0 : i32
        %dma_start3A_387 = tpu.memref_slice %arg9[%add3A_385, %dma_start3A_386] : memref<125x80xi32, #tpu.memory_space<vmem>> -> memref<1x80xi32, #tpu.memory_space<vmem>>
        %dma_start3A_388 = tpu.memref_squeeze %dma_start3A_387 : memref<1x80xi32, #tpu.memory_space<vmem>> -> memref<80xi32, #tpu.memory_space<vmem>>
        %dma_start3A_389 = arith.constant 0 : i32
        %dma_start3A_390 = arith.constant 0 : i32
        %dma_start3A_391 = tpu.memref_slice %arg8[%dma_start3A_389, %dma_start3A_390] : memref<10240x128xf32, #tpu.memory_space<vmem_shared>> -> memref<10240x128xf32, #tpu.memory_space<vmem_shared>>
        tpu.enqueue_indirect_dma source(%arg10 : memref<80x128xf32, #tpu.memory_space<vmem>>) target(%dma_start3A_391 : memref<10240x128xf32, #tpu.memory_space<vmem_shared>>) offsets(%dma_start3A_388 : memref<80xi32, #tpu.memory_space<vmem>>) semaphore(%arg12 : memref<!tpu.dma_semaphore, #tpu.memory_space<semaphore_mem>>) {add = true}
        %mul3A_392 = arith.constant 25 : i32
        %mul3A_393 = arith.muli %mul3A_392, %scan3A_181 : i32
        %add3A_394 = arith.constant 21 : i32
        %add3A_395 = arith.addi %mul3A_393, %add3A_394 : i32
        %dma_start3A_396 = arith.constant 0 : i32
        %dma_start3A_397 = tpu.memref_slice %arg9[%add3A_395, %dma_start3A_396] : memref<125x80xi32, #tpu.memory_space<vmem>> -> memref<1x80xi32, #tpu.memory_space<vmem>>
        %dma_start3A_398 = tpu.memref_squeeze %dma_start3A_397 : memref<1x80xi32, #tpu.memory_space<vmem>> -> memref<80xi32, #tpu.memory_space<vmem>>
        %dma_start3A_399 = arith.constant 0 : i32
        %dma_start3A_400 = arith.constant 0 : i32
        %dma_start3A_401 = tpu.memref_slice %arg8[%dma_start3A_399, %dma_start3A_400] : memref<10240x128xf32, #tpu.memory_space<vmem_shared>> -> memref<10240x128xf32, #tpu.memory_space<vmem_shared>>
        tpu.enqueue_indirect_dma source(%arg10 : memref<80x128xf32, #tpu.memory_space<vmem>>) target(%dma_start3A_401 : memref<10240x128xf32, #tpu.memory_space<vmem_shared>>) offsets(%dma_start3A_398 : memref<80xi32, #tpu.memory_space<vmem>>) semaphore(%arg12 : memref<!tpu.dma_semaphore, #tpu.memory_space<semaphore_mem>>) {add = true}
        %mul3A_402 = arith.constant 25 : i32
        %mul3A_403 = arith.muli %mul3A_402, %scan3A_181 : i32
        %add3A_404 = arith.constant 22 : i32
        %add3A_405 = arith.addi %mul3A_403, %add3A_404 : i32
        %dma_start3A_406 = arith.constant 0 : i32
        %dma_start3A_407 = tpu.memref_slice %arg9[%add3A_405, %dma_start3A_406] : memref<125x80xi32, #tpu.memory_space<vmem>> -> memref<1x80xi32, #tpu.memory_space<vmem>>
        %dma_start3A_408 = tpu.memref_squeeze %dma_start3A_407 : memref<1x80xi32, #tpu.memory_space<vmem>> -> memref<80xi32, #tpu.memory_space<vmem>>
        %dma_start3A_409 = arith.constant 0 : i32
        %dma_start3A_410 = arith.constant 0 : i32
        %dma_start3A_411 = tpu.memref_slice %arg8[%dma_start3A_409, %dma_start3A_410] : memref<10240x128xf32, #tpu.memory_space<vmem_shared>> -> memref<10240x128xf32, #tpu.memory_space<vmem_shared>>
        tpu.enqueue_indirect_dma source(%arg10 : memref<80x128xf32, #tpu.memory_space<vmem>>) target(%dma_start3A_411 : memref<10240x128xf32, #tpu.memory_space<vmem_shared>>) offsets(%dma_start3A_408 : memref<80xi32, #tpu.memory_space<vmem>>) semaphore(%arg12 : memref<!tpu.dma_semaphore, #tpu.memory_space<semaphore_mem>>) {add = true}
        %mul3A_412 = arith.constant 25 : i32
        %mul3A_413 = arith.muli %mul3A_412, %scan3A_181 : i32
        %add3A_414 = arith.constant 23 : i32
        %add3A_415 = arith.addi %mul3A_413, %add3A_414 : i32
        %dma_start3A_416 = arith.constant 0 : i32
        %dma_start3A_417 = tpu.memref_slice %arg9[%add3A_415, %dma_start3A_416] : memref<125x80xi32, #tpu.memory_space<vmem>> -> memref<1x80xi32, #tpu.memory_space<vmem>>
        %dma_start3A_418 = tpu.memref_squeeze %dma_start3A_417 : memref<1x80xi32, #tpu.memory_space<vmem>> -> memref<80xi32, #tpu.memory_space<vmem>>
        %dma_start3A_419 = arith.constant 0 : i32
        %dma_start3A_420 = arith.constant 0 : i32
        %dma_start3A_421 = tpu.memref_slice %arg8[%dma_start3A_419, %dma_start3A_420] : memref<10240x128xf32, #tpu.memory_space<vmem_shared>> -> memref<10240x128xf32, #tpu.memory_space<vmem_shared>>
        tpu.enqueue_indirect_dma source(%arg10 : memref<80x128xf32, #tpu.memory_space<vmem>>) target(%dma_start3A_421 : memref<10240x128xf32, #tpu.memory_space<vmem_shared>>) offsets(%dma_start3A_418 : memref<80xi32, #tpu.memory_space<vmem>>) semaphore(%arg12 : memref<!tpu.dma_semaphore, #tpu.memory_space<semaphore_mem>>) {add = true}
        %mul3A_422 = arith.constant 25 : i32
        %mul3A_423 = arith.muli %mul3A_422, %scan3A_181 : i32
        %add3A_424 = arith.constant 24 : i32
        %add3A_425 = arith.addi %mul3A_423, %add3A_424 : i32
        %dma_start3A_426 = arith.constant 0 : i32
        %dma_start3A_427 = tpu.memref_slice %arg9[%add3A_425, %dma_start3A_426] : memref<125x80xi32, #tpu.memory_space<vmem>> -> memref<1x80xi32, #tpu.memory_space<vmem>>
        %dma_start3A_428 = tpu.memref_squeeze %dma_start3A_427 : memref<1x80xi32, #tpu.memory_space<vmem>> -> memref<80xi32, #tpu.memory_space<vmem>>
        %dma_start3A_429 = arith.constant 0 : i32
        %dma_start3A_430 = arith.constant 0 : i32
        %dma_start3A_431 = tpu.memref_slice %arg8[%dma_start3A_429, %dma_start3A_430] : memref<10240x128xf32, #tpu.memory_space<vmem_shared>> -> memref<10240x128xf32, #tpu.memory_space<vmem_shared>>
        tpu.enqueue_indirect_dma source(%arg10 : memref<80x128xf32, #tpu.memory_space<vmem>>) target(%dma_start3A_431 : memref<10240x128xf32, #tpu.memory_space<vmem_shared>>) offsets(%dma_start3A_428 : memref<80xi32, #tpu.memory_space<vmem>>) semaphore(%arg12 : memref<!tpu.dma_semaphore, #tpu.memory_space<semaphore_mem>>) {add = true}
        %mul3A_432 = arith.constant 25 : i32
        %mul3A_433 = arith.muli %mul3A_432, %scan3A_181 : i32
        %dma_wait3A_434 = arith.constant 0 : i32
        %dma_wait3A_435 = tpu.memref_slice %arg9[%mul3A_433, %dma_wait3A_434] : memref<125x80xi32, #tpu.memory_space<vmem>> -> memref<1x80xi32, #tpu.memory_space<vmem>>
        %dma_wait3A_436 = tpu.memref_squeeze %dma_wait3A_435 : memref<1x80xi32, #tpu.memory_space<vmem>> -> memref<80xi32, #tpu.memory_space<vmem>>
        %dma_wait3A_437 = arith.constant 0 : i32
        %dma_wait3A_438 = arith.constant 0 : i32
        %dma_wait3A_439 = tpu.memref_slice %arg8[%dma_wait3A_437, %dma_wait3A_438] : memref<10240x128xf32, #tpu.memory_space<vmem_shared>> -> memref<10240x128xf32, #tpu.memory_space<vmem_shared>>
        tpu.wait_indirect_dma semaphore(%arg12 : memref<!tpu.dma_semaphore, #tpu.memory_space<semaphore_mem>>) src(%arg10 : memref<80x128xf32, #tpu.memory_space<vmem>>) dst(%dma_wait3A_439 : memref<10240x128xf32, #tpu.memory_space<vmem_shared>>)
        %mul3A_440 = arith.constant 25 : i32
        %mul3A_441 = arith.muli %mul3A_440, %scan3A_181 : i32
        %dma_wait3A_442 = arith.constant 0 : i32
        %dma_wait3A_443 = tpu.memref_slice %arg9[%mul3A_441, %dma_wait3A_442] : memref<125x80xi32, #tpu.memory_space<vmem>> -> memref<1x80xi32, #tpu.memory_space<vmem>>
        %dma_wait3A_444 = tpu.memref_squeeze %dma_wait3A_443 : memref<1x80xi32, #tpu.memory_space<vmem>> -> memref<80xi32, #tpu.memory_space<vmem>>
        %dma_wait3A_445 = arith.constant 0 : i32
        %dma_wait3A_446 = arith.constant 0 : i32
        %dma_wait3A_447 = tpu.memref_slice %arg8[%dma_wait3A_445, %dma_wait3A_446] : memref<10240x128xf32, #tpu.memory_space<vmem_shared>> -> memref<10240x128xf32, #tpu.memory_space<vmem_shared>>
        tpu.wait_indirect_dma semaphore(%arg12 : memref<!tpu.dma_semaphore, #tpu.memory_space<semaphore_mem>>) src(%arg10 : memref<80x128xf32, #tpu.memory_space<vmem>>) dst(%dma_wait3A_447 : memref<10240x128xf32, #tpu.memory_space<vmem_shared>>)
        %mul3A_448 = arith.constant 25 : i32
        %mul3A_449 = arith.muli %mul3A_448, %scan3A_181 : i32
        %dma_wait3A_450 = arith.constant 0 : i32
        %dma_wait3A_451 = tpu.memref_slice %arg9[%mul3A_449, %dma_wait3A_450] : memref<125x80xi32, #tpu.memory_space<vmem>> -> memref<1x80xi32, #tpu.memory_space<vmem>>
        %dma_wait3A_452 = tpu.memref_squeeze %dma_wait3A_451 : memref<1x80xi32, #tpu.memory_space<vmem>> -> memref<80xi32, #tpu.memory_space<vmem>>
        %dma_wait3A_453 = arith.constant 0 : i32
        %dma_wait3A_454 = arith.constant 0 : i32
        %dma_wait3A_455 = tpu.memref_slice %arg8[%dma_wait3A_453, %dma_wait3A_454] : memref<10240x128xf32, #tpu.memory_space<vmem_shared>> -> memref<10240x128xf32, #tpu.memory_space<vmem_shared>>
        tpu.wait_indirect_dma semaphore(%arg12 : memref<!tpu.dma_semaphore, #tpu.memory_space<semaphore_mem>>) src(%arg10 : memref<80x128xf32, #tpu.memory_space<vmem>>) dst(%dma_wait3A_455 : memref<10240x128xf32, #tpu.memory_space<vmem_shared>>)
        %mul3A_456 = arith.constant 25 : i32
        %mul3A_457 = arith.muli %mul3A_456, %scan3A_181 : i32
        %dma_wait3A_458 = arith.constant 0 : i32
        %dma_wait3A_459 = tpu.memref_slice %arg9[%mul3A_457, %dma_wait3A_458] : memref<125x80xi32, #tpu.memory_space<vmem>> -> memref<1x80xi32, #tpu.memory_space<vmem>>
        %dma_wait3A_460 = tpu.memref_squeeze %dma_wait3A_459 : memref<1x80xi32, #tpu.memory_space<vmem>> -> memref<80xi32, #tpu.memory_space<vmem>>
        %dma_wait3A_461 = arith.constant 0 : i32
        %dma_wait3A_462 = arith.constant 0 : i32
        %dma_wait3A_463 = tpu.memref_slice %arg8[%dma_wait3A_461, %dma_wait3A_462] : memref<10240x128xf32, #tpu.memory_space<vmem_shared>> -> memref<10240x128xf32, #tpu.memory_space<vmem_shared>>
        tpu.wait_indirect_dma semaphore(%arg12 : memref<!tpu.dma_semaphore, #tpu.memory_space<semaphore_mem>>) src(%arg10 : memref<80x128xf32, #tpu.memory_space<vmem>>) dst(%dma_wait3A_463 : memref<10240x128xf32, #tpu.memory_space<vmem_shared>>)
        %mul3A_464 = arith.constant 25 : i32
        %mul3A_465 = arith.muli %mul3A_464, %scan3A_181 : i32
        %dma_wait3A_466 = arith.constant 0 : i32
        %dma_wait3A_467 = tpu.memref_slice %arg9[%mul3A_465, %dma_wait3A_466] : memref<125x80xi32, #tpu.memory_space<vmem>> -> memref<1x80xi32, #tpu.memory_space<vmem>>
        %dma_wait3A_468 = tpu.memref_squeeze %dma_wait3A_467 : memref<1x80xi32, #tpu.memory_space<vmem>> -> memref<80xi32, #tpu.memory_space<vmem>>
        %dma_wait3A_469 = arith.constant 0 : i32
        %dma_wait3A_470 = arith.constant 0 : i32
        %dma_wait3A_471 = tpu.memref_slice %arg8[%dma_wait3A_469, %dma_wait3A_470] : memref<10240x128xf32, #tpu.memory_space<vmem_shared>> -> memref<10240x128xf32, #tpu.memory_space<vmem_shared>>
        tpu.wait_indirect_dma semaphore(%arg12 : memref<!tpu.dma_semaphore, #tpu.memory_space<semaphore_mem>>) src(%arg10 : memref<80x128xf32, #tpu.memory_space<vmem>>) dst(%dma_wait3A_471 : memref<10240x128xf32, #tpu.memory_space<vmem_shared>>)
        %mul3A_472 = arith.constant 25 : i32
        %mul3A_473 = arith.muli %mul3A_472, %scan3A_181 : i32
        %dma_wait3A_474 = arith.constant 0 : i32
        %dma_wait3A_475 = tpu.memref_slice %arg9[%mul3A_473, %dma_wait3A_474] : memref<125x80xi32, #tpu.memory_space<vmem>> -> memref<1x80xi32, #tpu.memory_space<vmem>>
        %dma_wait3A_476 = tpu.memref_squeeze %dma_wait3A_475 : memref<1x80xi32, #tpu.memory_space<vmem>> -> memref<80xi32, #tpu.memory_space<vmem>>
        %dma_wait3A_477 = arith.constant 0 : i32
        %dma_wait3A_478 = arith.constant 0 : i32
        %dma_wait3A_479 = tpu.memref_slice %arg8[%dma_wait3A_477, %dma_wait3A_478] : memref<10240x128xf32, #tpu.memory_space<vmem_shared>> -> memref<10240x128xf32, #tpu.memory_space<vmem_shared>>
        tpu.wait_indirect_dma semaphore(%arg12 : memref<!tpu.dma_semaphore, #tpu.memory_space<semaphore_mem>>) src(%arg10 : memref<80x128xf32, #tpu.memory_space<vmem>>) dst(%dma_wait3A_479 : memref<10240x128xf32, #tpu.memory_space<vmem_shared>>)
        %mul3A_480 = arith.constant 25 : i32
        %mul3A_481 = arith.muli %mul3A_480, %scan3A_181 : i32
        %dma_wait3A_482 = arith.constant 0 : i32
        %dma_wait3A_483 = tpu.memref_slice %arg9[%mul3A_481, %dma_wait3A_482] : memref<125x80xi32, #tpu.memory_space<vmem>> -> memref<1x80xi32, #tpu.memory_space<vmem>>
        %dma_wait3A_484 = tpu.memref_squeeze %dma_wait3A_483 : memref<1x80xi32, #tpu.memory_space<vmem>> -> memref<80xi32, #tpu.memory_space<vmem>>
        %dma_wait3A_485 = arith.constant 0 : i32
        %dma_wait3A_486 = arith.constant 0 : i32
        %dma_wait3A_487 = tpu.memref_slice %arg8[%dma_wait3A_485, %dma_wait3A_486] : memref<10240x128xf32, #tpu.memory_space<vmem_shared>> -> memref<10240x128xf32, #tpu.memory_space<vmem_shared>>
        tpu.wait_indirect_dma semaphore(%arg12 : memref<!tpu.dma_semaphore, #tpu.memory_space<semaphore_mem>>) src(%arg10 : memref<80x128xf32, #tpu.memory_space<vmem>>) dst(%dma_wait3A_487 : memref<10240x128xf32, #tpu.memory_space<vmem_shared>>)
        %mul3A_488 = arith.constant 25 : i32
        %mul3A_489 = arith.muli %mul3A_488, %scan3A_181 : i32
        %dma_wait3A_490 = arith.constant 0 : i32
        %dma_wait3A_491 = tpu.memref_slice %arg9[%mul3A_489, %dma_wait3A_490] : memref<125x80xi32, #tpu.memory_space<vmem>> -> memref<1x80xi32, #tpu.memory_space<vmem>>
        %dma_wait3A_492 = tpu.memref_squeeze %dma_wait3A_491 : memref<1x80xi32, #tpu.memory_space<vmem>> -> memref<80xi32, #tpu.memory_space<vmem>>
        %dma_wait3A_493 = arith.constant 0 : i32
        %dma_wait3A_494 = arith.constant 0 : i32
        %dma_wait3A_495 = tpu.memref_slice %arg8[%dma_wait3A_493, %dma_wait3A_494] : memref<10240x128xf32, #tpu.memory_space<vmem_shared>> -> memref<10240x128xf32, #tpu.memory_space<vmem_shared>>
        tpu.wait_indirect_dma semaphore(%arg12 : memref<!tpu.dma_semaphore, #tpu.memory_space<semaphore_mem>>) src(%arg10 : memref<80x128xf32, #tpu.memory_space<vmem>>) dst(%dma_wait3A_495 : memref<10240x128xf32, #tpu.memory_space<vmem_shared>>)
        %mul3A_496 = arith.constant 25 : i32
        %mul3A_497 = arith.muli %mul3A_496, %scan3A_181 : i32
        %dma_wait3A_498 = arith.constant 0 : i32
        %dma_wait3A_499 = tpu.memref_slice %arg9[%mul3A_497, %dma_wait3A_498] : memref<125x80xi32, #tpu.memory_space<vmem>> -> memref<1x80xi32, #tpu.memory_space<vmem>>
        %dma_wait3A_500 = tpu.memref_squeeze %dma_wait3A_499 : memref<1x80xi32, #tpu.memory_space<vmem>> -> memref<80xi32, #tpu.memory_space<vmem>>
        %dma_wait3A_501 = arith.constant 0 : i32
        %dma_wait3A_502 = arith.constant 0 : i32
        %dma_wait3A_503 = tpu.memref_slice %arg8[%dma_wait3A_501, %dma_wait3A_502] : memref<10240x128xf32, #tpu.memory_space<vmem_shared>> -> memref<10240x128xf32, #tpu.memory_space<vmem_shared>>
        tpu.wait_indirect_dma semaphore(%arg12 : memref<!tpu.dma_semaphore, #tpu.memory_space<semaphore_mem>>) src(%arg10 : memref<80x128xf32, #tpu.memory_space<vmem>>) dst(%dma_wait3A_503 : memref<10240x128xf32, #tpu.memory_space<vmem_shared>>)
        %mul3A_504 = arith.constant 25 : i32
        %mul3A_505 = arith.muli %mul3A_504, %scan3A_181 : i32
        %dma_wait3A_506 = arith.constant 0 : i32
        %dma_wait3A_507 = tpu.memref_slice %arg9[%mul3A_505, %dma_wait3A_506] : memref<125x80xi32, #tpu.memory_space<vmem>> -> memref<1x80xi32, #tpu.memory_space<vmem>>
        %dma_wait3A_508 = tpu.memref_squeeze %dma_wait3A_507 : memref<1x80xi32, #tpu.memory_space<vmem>> -> memref<80xi32, #tpu.memory_space<vmem>>
        %dma_wait3A_509 = arith.constant 0 : i32
        %dma_wait3A_510 = arith.constant 0 : i32
        %dma_wait3A_511 = tpu.memref_slice %arg8[%dma_wait3A_509, %dma_wait3A_510] : memref<10240x128xf32, #tpu.memory_space<vmem_shared>> -> memref<10240x128xf32, #tpu.memory_space<vmem_shared>>
        tpu.wait_indirect_dma semaphore(%arg12 : memref<!tpu.dma_semaphore, #tpu.memory_space<semaphore_mem>>) src(%arg10 : memref<80x128xf32, #tpu.memory_space<vmem>>) dst(%dma_wait3A_511 : memref<10240x128xf32, #tpu.memory_space<vmem_shared>>)
        %mul3A_512 = arith.constant 25 : i32
        %mul3A_513 = arith.muli %mul3A_512, %scan3A_181 : i32
        %dma_wait3A_514 = arith.constant 0 : i32
        %dma_wait3A_515 = tpu.memref_slice %arg9[%mul3A_513, %dma_wait3A_514] : memref<125x80xi32, #tpu.memory_space<vmem>> -> memref<1x80xi32, #tpu.memory_space<vmem>>
        %dma_wait3A_516 = tpu.memref_squeeze %dma_wait3A_515 : memref<1x80xi32, #tpu.memory_space<vmem>> -> memref<80xi32, #tpu.memory_space<vmem>>
        %dma_wait3A_517 = arith.constant 0 : i32
        %dma_wait3A_518 = arith.constant 0 : i32
        %dma_wait3A_519 = tpu.memref_slice %arg8[%dma_wait3A_517, %dma_wait3A_518] : memref<10240x128xf32, #tpu.memory_space<vmem_shared>> -> memref<10240x128xf32, #tpu.memory_space<vmem_shared>>
        tpu.wait_indirect_dma semaphore(%arg12 : memref<!tpu.dma_semaphore, #tpu.memory_space<semaphore_mem>>) src(%arg10 : memref<80x128xf32, #tpu.memory_space<vmem>>) dst(%dma_wait3A_519 : memref<10240x128xf32, #tpu.memory_space<vmem_shared>>)
        %mul3A_520 = arith.constant 25 : i32
        %mul3A_521 = arith.muli %mul3A_520, %scan3A_181 : i32
        %dma_wait3A_522 = arith.constant 0 : i32
        %dma_wait3A_523 = tpu.memref_slice %arg9[%mul3A_521, %dma_wait3A_522] : memref<125x80xi32, #tpu.memory_space<vmem>> -> memref<1x80xi32, #tpu.memory_space<vmem>>
        %dma_wait3A_524 = tpu.memref_squeeze %dma_wait3A_523 : memref<1x80xi32, #tpu.memory_space<vmem>> -> memref<80xi32, #tpu.memory_space<vmem>>
        %dma_wait3A_525 = arith.constant 0 : i32
        %dma_wait3A_526 = arith.constant 0 : i32
        %dma_wait3A_527 = tpu.memref_slice %arg8[%dma_wait3A_525, %dma_wait3A_526] : memref<10240x128xf32, #tpu.memory_space<vmem_shared>> -> memref<10240x128xf32, #tpu.memory_space<vmem_shared>>
        tpu.wait_indirect_dma semaphore(%arg12 : memref<!tpu.dma_semaphore, #tpu.memory_space<semaphore_mem>>) src(%arg10 : memref<80x128xf32, #tpu.memory_space<vmem>>) dst(%dma_wait3A_527 : memref<10240x128xf32, #tpu.memory_space<vmem_shared>>)
        %mul3A_528 = arith.constant 25 : i32
        %mul3A_529 = arith.muli %mul3A_528, %scan3A_181 : i32
        %dma_wait3A_530 = arith.constant 0 : i32
        %dma_wait3A_531 = tpu.memref_slice %arg9[%mul3A_529, %dma_wait3A_530] : memref<125x80xi32, #tpu.memory_space<vmem>> -> memref<1x80xi32, #tpu.memory_space<vmem>>
        %dma_wait3A_532 = tpu.memref_squeeze %dma_wait3A_531 : memref<1x80xi32, #tpu.memory_space<vmem>> -> memref<80xi32, #tpu.memory_space<vmem>>
        %dma_wait3A_533 = arith.constant 0 : i32
        %dma_wait3A_534 = arith.constant 0 : i32
        %dma_wait3A_535 = tpu.memref_slice %arg8[%dma_wait3A_533, %dma_wait3A_534] : memref<10240x128xf32, #tpu.memory_space<vmem_shared>> -> memref<10240x128xf32, #tpu.memory_space<vmem_shared>>
        tpu.wait_indirect_dma semaphore(%arg12 : memref<!tpu.dma_semaphore, #tpu.memory_space<semaphore_mem>>) src(%arg10 : memref<80x128xf32, #tpu.memory_space<vmem>>) dst(%dma_wait3A_535 : memref<10240x128xf32, #tpu.memory_space<vmem_shared>>)
        %mul3A_536 = arith.constant 25 : i32
        %mul3A_537 = arith.muli %mul3A_536, %scan3A_181 : i32
        %dma_wait3A_538 = arith.constant 0 : i32
        %dma_wait3A_539 = tpu.memref_slice %arg9[%mul3A_537, %dma_wait3A_538] : memref<125x80xi32, #tpu.memory_space<vmem>> -> memref<1x80xi32, #tpu.memory_space<vmem>>
        %dma_wait3A_540 = tpu.memref_squeeze %dma_wait3A_539 : memref<1x80xi32, #tpu.memory_space<vmem>> -> memref<80xi32, #tpu.memory_space<vmem>>
        %dma_wait3A_541 = arith.constant 0 : i32
        %dma_wait3A_542 = arith.constant 0 : i32
        %dma_wait3A_543 = tpu.memref_slice %arg8[%dma_wait3A_541, %dma_wait3A_542] : memref<10240x128xf32, #tpu.memory_space<vmem_shared>> -> memref<10240x128xf32, #tpu.memory_space<vmem_shared>>
        tpu.wait_indirect_dma semaphore(%arg12 : memref<!tpu.dma_semaphore, #tpu.memory_space<semaphore_mem>>) src(%arg10 : memref<80x128xf32, #tpu.memory_space<vmem>>) dst(%dma_wait3A_543 : memref<10240x128xf32, #tpu.memory_space<vmem_shared>>)
        %mul3A_544 = arith.constant 25 : i32
        %mul3A_545 = arith.muli %mul3A_544, %scan3A_181 : i32
        %dma_wait3A_546 = arith.constant 0 : i32
        %dma_wait3A_547 = tpu.memref_slice %arg9[%mul3A_545, %dma_wait3A_546] : memref<125x80xi32, #tpu.memory_space<vmem>> -> memref<1x80xi32, #tpu.memory_space<vmem>>
        %dma_wait3A_548 = tpu.memref_squeeze %dma_wait3A_547 : memref<1x80xi32, #tpu.memory_space<vmem>> -> memref<80xi32, #tpu.memory_space<vmem>>
        %dma_wait3A_549 = arith.constant 0 : i32
        %dma_wait3A_550 = arith.constant 0 : i32
        %dma_wait3A_551 = tpu.memref_slice %arg8[%dma_wait3A_549, %dma_wait3A_550] : memref<10240x128xf32, #tpu.memory_space<vmem_shared>> -> memref<10240x128xf32, #tpu.memory_space<vmem_shared>>
        tpu.wait_indirect_dma semaphore(%arg12 : memref<!tpu.dma_semaphore, #tpu.memory_space<semaphore_mem>>) src(%arg10 : memref<80x128xf32, #tpu.memory_space<vmem>>) dst(%dma_wait3A_551 : memref<10240x128xf32, #tpu.memory_space<vmem_shared>>)
        %mul3A_552 = arith.constant 25 : i32
        %mul3A_553 = arith.muli %mul3A_552, %scan3A_181 : i32
        %dma_wait3A_554 = arith.constant 0 : i32
        %dma_wait3A_555 = tpu.memref_slice %arg9[%mul3A_553, %dma_wait3A_554] : memref<125x80xi32, #tpu.memory_space<vmem>> -> memref<1x80xi32, #tpu.memory_space<vmem>>
        %dma_wait3A_556 = tpu.memref_squeeze %dma_wait3A_555 : memref<1x80xi32, #tpu.memory_space<vmem>> -> memref<80xi32, #tpu.memory_space<vmem>>
        %dma_wait3A_557 = arith.constant 0 : i32
        %dma_wait3A_558 = arith.constant 0 : i32
        %dma_wait3A_559 = tpu.memref_slice %arg8[%dma_wait3A_557, %dma_wait3A_558] : memref<10240x128xf32, #tpu.memory_space<vmem_shared>> -> memref<10240x128xf32, #tpu.memory_space<vmem_shared>>
        tpu.wait_indirect_dma semaphore(%arg12 : memref<!tpu.dma_semaphore, #tpu.memory_space<semaphore_mem>>) src(%arg10 : memref<80x128xf32, #tpu.memory_space<vmem>>) dst(%dma_wait3A_559 : memref<10240x128xf32, #tpu.memory_space<vmem_shared>>)
        %mul3A_560 = arith.constant 25 : i32
        %mul3A_561 = arith.muli %mul3A_560, %scan3A_181 : i32
        %dma_wait3A_562 = arith.constant 0 : i32
        %dma_wait3A_563 = tpu.memref_slice %arg9[%mul3A_561, %dma_wait3A_562] : memref<125x80xi32, #tpu.memory_space<vmem>> -> memref<1x80xi32, #tpu.memory_space<vmem>>
        %dma_wait3A_564 = tpu.memref_squeeze %dma_wait3A_563 : memref<1x80xi32, #tpu.memory_space<vmem>> -> memref<80xi32, #tpu.memory_space<vmem>>
        %dma_wait3A_565 = arith.constant 0 : i32
        %dma_wait3A_566 = arith.constant 0 : i32
        %dma_wait3A_567 = tpu.memref_slice %arg8[%dma_wait3A_565, %dma_wait3A_566] : memref<10240x128xf32, #tpu.memory_space<vmem_shared>> -> memref<10240x128xf32, #tpu.memory_space<vmem_shared>>
        tpu.wait_indirect_dma semaphore(%arg12 : memref<!tpu.dma_semaphore, #tpu.memory_space<semaphore_mem>>) src(%arg10 : memref<80x128xf32, #tpu.memory_space<vmem>>) dst(%dma_wait3A_567 : memref<10240x128xf32, #tpu.memory_space<vmem_shared>>)
        %mul3A_568 = arith.constant 25 : i32
        %mul3A_569 = arith.muli %mul3A_568, %scan3A_181 : i32
        %dma_wait3A_570 = arith.constant 0 : i32
        %dma_wait3A_571 = tpu.memref_slice %arg9[%mul3A_569, %dma_wait3A_570] : memref<125x80xi32, #tpu.memory_space<vmem>> -> memref<1x80xi32, #tpu.memory_space<vmem>>
        %dma_wait3A_572 = tpu.memref_squeeze %dma_wait3A_571 : memref<1x80xi32, #tpu.memory_space<vmem>> -> memref<80xi32, #tpu.memory_space<vmem>>
        %dma_wait3A_573 = arith.constant 0 : i32
        %dma_wait3A_574 = arith.constant 0 : i32
        %dma_wait3A_575 = tpu.memref_slice %arg8[%dma_wait3A_573, %dma_wait3A_574] : memref<10240x128xf32, #tpu.memory_space<vmem_shared>> -> memref<10240x128xf32, #tpu.memory_space<vmem_shared>>
        tpu.wait_indirect_dma semaphore(%arg12 : memref<!tpu.dma_semaphore, #tpu.memory_space<semaphore_mem>>) src(%arg10 : memref<80x128xf32, #tpu.memory_space<vmem>>) dst(%dma_wait3A_575 : memref<10240x128xf32, #tpu.memory_space<vmem_shared>>)
        %mul3A_576 = arith.constant 25 : i32
        %mul3A_577 = arith.muli %mul3A_576, %scan3A_181 : i32
        %dma_wait3A_578 = arith.constant 0 : i32
        %dma_wait3A_579 = tpu.memref_slice %arg9[%mul3A_577, %dma_wait3A_578] : memref<125x80xi32, #tpu.memory_space<vmem>> -> memref<1x80xi32, #tpu.memory_space<vmem>>
        %dma_wait3A_580 = tpu.memref_squeeze %dma_wait3A_579 : memref<1x80xi32, #tpu.memory_space<vmem>> -> memref<80xi32, #tpu.memory_space<vmem>>
        %dma_wait3A_581 = arith.constant 0 : i32
        %dma_wait3A_582 = arith.constant 0 : i32
        %dma_wait3A_583 = tpu.memref_slice %arg8[%dma_wait3A_581, %dma_wait3A_582] : memref<10240x128xf32, #tpu.memory_space<vmem_shared>> -> memref<10240x128xf32, #tpu.memory_space<vmem_shared>>
        tpu.wait_indirect_dma semaphore(%arg12 : memref<!tpu.dma_semaphore, #tpu.memory_space<semaphore_mem>>) src(%arg10 : memref<80x128xf32, #tpu.memory_space<vmem>>) dst(%dma_wait3A_583 : memref<10240x128xf32, #tpu.memory_space<vmem_shared>>)
        %mul3A_584 = arith.constant 25 : i32
        %mul3A_585 = arith.muli %mul3A_584, %scan3A_181 : i32
        %dma_wait3A_586 = arith.constant 0 : i32
        %dma_wait3A_587 = tpu.memref_slice %arg9[%mul3A_585, %dma_wait3A_586] : memref<125x80xi32, #tpu.memory_space<vmem>> -> memref<1x80xi32, #tpu.memory_space<vmem>>
        %dma_wait3A_588 = tpu.memref_squeeze %dma_wait3A_587 : memref<1x80xi32, #tpu.memory_space<vmem>> -> memref<80xi32, #tpu.memory_space<vmem>>
        %dma_wait3A_589 = arith.constant 0 : i32
        %dma_wait3A_590 = arith.constant 0 : i32
        %dma_wait3A_591 = tpu.memref_slice %arg8[%dma_wait3A_589, %dma_wait3A_590] : memref<10240x128xf32, #tpu.memory_space<vmem_shared>> -> memref<10240x128xf32, #tpu.memory_space<vmem_shared>>
        tpu.wait_indirect_dma semaphore(%arg12 : memref<!tpu.dma_semaphore, #tpu.memory_space<semaphore_mem>>) src(%arg10 : memref<80x128xf32, #tpu.memory_space<vmem>>) dst(%dma_wait3A_591 : memref<10240x128xf32, #tpu.memory_space<vmem_shared>>)
        %mul3A_592 = arith.constant 25 : i32
        %mul3A_593 = arith.muli %mul3A_592, %scan3A_181 : i32
        %dma_wait3A_594 = arith.constant 0 : i32
        %dma_wait3A_595 = tpu.memref_slice %arg9[%mul3A_593, %dma_wait3A_594] : memref<125x80xi32, #tpu.memory_space<vmem>> -> memref<1x80xi32, #tpu.memory_space<vmem>>
        %dma_wait3A_596 = tpu.memref_squeeze %dma_wait3A_595 : memref<1x80xi32, #tpu.memory_space<vmem>> -> memref<80xi32, #tpu.memory_space<vmem>>
        %dma_wait3A_597 = arith.constant 0 : i32
        %dma_wait3A_598 = arith.constant 0 : i32
        %dma_wait3A_599 = tpu.memref_slice %arg8[%dma_wait3A_597, %dma_wait3A_598] : memref<10240x128xf32, #tpu.memory_space<vmem_shared>> -> memref<10240x128xf32, #tpu.memory_space<vmem_shared>>
        tpu.wait_indirect_dma semaphore(%arg12 : memref<!tpu.dma_semaphore, #tpu.memory_space<semaphore_mem>>) src(%arg10 : memref<80x128xf32, #tpu.memory_space<vmem>>) dst(%dma_wait3A_599 : memref<10240x128xf32, #tpu.memory_space<vmem_shared>>)
        %mul3A_600 = arith.constant 25 : i32
        %mul3A_601 = arith.muli %mul3A_600, %scan3A_181 : i32
        %dma_wait3A_602 = arith.constant 0 : i32
        %dma_wait3A_603 = tpu.memref_slice %arg9[%mul3A_601, %dma_wait3A_602] : memref<125x80xi32, #tpu.memory_space<vmem>> -> memref<1x80xi32, #tpu.memory_space<vmem>>
        %dma_wait3A_604 = tpu.memref_squeeze %dma_wait3A_603 : memref<1x80xi32, #tpu.memory_space<vmem>> -> memref<80xi32, #tpu.memory_space<vmem>>
        %dma_wait3A_605 = arith.constant 0 : i32
        %dma_wait3A_606 = arith.constant 0 : i32
        %dma_wait3A_607 = tpu.memref_slice %arg8[%dma_wait3A_605, %dma_wait3A_606] : memref<10240x128xf32, #tpu.memory_space<vmem_shared>> -> memref<10240x128xf32, #tpu.memory_space<vmem_shared>>
        tpu.wait_indirect_dma semaphore(%arg12 : memref<!tpu.dma_semaphore, #tpu.memory_space<semaphore_mem>>) src(%arg10 : memref<80x128xf32, #tpu.memory_space<vmem>>) dst(%dma_wait3A_607 : memref<10240x128xf32, #tpu.memory_space<vmem_shared>>)
        %mul3A_608 = arith.constant 25 : i32
        %mul3A_609 = arith.muli %mul3A_608, %scan3A_181 : i32
        %dma_wait3A_610 = arith.constant 0 : i32
        %dma_wait3A_611 = tpu.memref_slice %arg9[%mul3A_609, %dma_wait3A_610] : memref<125x80xi32, #tpu.memory_space<vmem>> -> memref<1x80xi32, #tpu.memory_space<vmem>>
        %dma_wait3A_612 = tpu.memref_squeeze %dma_wait3A_611 : memref<1x80xi32, #tpu.memory_space<vmem>> -> memref<80xi32, #tpu.memory_space<vmem>>
        %dma_wait3A_613 = arith.constant 0 : i32
        %dma_wait3A_614 = arith.constant 0 : i32
        %dma_wait3A_615 = tpu.memref_slice %arg8[%dma_wait3A_613, %dma_wait3A_614] : memref<10240x128xf32, #tpu.memory_space<vmem_shared>> -> memref<10240x128xf32, #tpu.memory_space<vmem_shared>>
        tpu.wait_indirect_dma semaphore(%arg12 : memref<!tpu.dma_semaphore, #tpu.memory_space<semaphore_mem>>) src(%arg10 : memref<80x128xf32, #tpu.memory_space<vmem>>) dst(%dma_wait3A_615 : memref<10240x128xf32, #tpu.memory_space<vmem_shared>>)
        %mul3A_616 = arith.constant 25 : i32
        %mul3A_617 = arith.muli %mul3A_616, %scan3A_181 : i32
        %dma_wait3A_618 = arith.constant 0 : i32
        %dma_wait3A_619 = tpu.memref_slice %arg9[%mul3A_617, %dma_wait3A_618] : memref<125x80xi32, #tpu.memory_space<vmem>> -> memref<1x80xi32, #tpu.memory_space<vmem>>
        %dma_wait3A_620 = tpu.memref_squeeze %dma_wait3A_619 : memref<1x80xi32, #tpu.memory_space<vmem>> -> memref<80xi32, #tpu.memory_space<vmem>>
        %dma_wait3A_621 = arith.constant 0 : i32
        %dma_wait3A_622 = arith.constant 0 : i32
        %dma_wait3A_623 = tpu.memref_slice %arg8[%dma_wait3A_621, %dma_wait3A_622] : memref<10240x128xf32, #tpu.memory_space<vmem_shared>> -> memref<10240x128xf32, #tpu.memory_space<vmem_shared>>
        tpu.wait_indirect_dma semaphore(%arg12 : memref<!tpu.dma_semaphore, #tpu.memory_space<semaphore_mem>>) src(%arg10 : memref<80x128xf32, #tpu.memory_space<vmem>>) dst(%dma_wait3A_623 : memref<10240x128xf32, #tpu.memory_space<vmem_shared>>)
        %mul3A_624 = arith.constant 25 : i32
        %mul3A_625 = arith.muli %mul3A_624, %scan3A_181 : i32
        %dma_wait3A_626 = arith.constant 0 : i32
        %dma_wait3A_627 = tpu.memref_slice %arg9[%mul3A_625, %dma_wait3A_626] : memref<125x80xi32, #tpu.memory_space<vmem>> -> memref<1x80xi32, #tpu.memory_space<vmem>>
        %dma_wait3A_628 = tpu.memref_squeeze %dma_wait3A_627 : memref<1x80xi32, #tpu.memory_space<vmem>> -> memref<80xi32, #tpu.memory_space<vmem>>
        %dma_wait3A_629 = arith.constant 0 : i32
        %dma_wait3A_630 = arith.constant 0 : i32
        %dma_wait3A_631 = tpu.memref_slice %arg8[%dma_wait3A_629, %dma_wait3A_630] : memref<10240x128xf32, #tpu.memory_space<vmem_shared>> -> memref<10240x128xf32, #tpu.memory_space<vmem_shared>>
        tpu.wait_indirect_dma semaphore(%arg12 : memref<!tpu.dma_semaphore, #tpu.memory_space<semaphore_mem>>) src(%arg10 : memref<80x128xf32, #tpu.memory_space<vmem>>) dst(%dma_wait3A_631 : memref<10240x128xf32, #tpu.memory_space<vmem_shared>>)
      }
      %scan3A_180 = arith.constant 5 : i32
    } else {
    }
    %eq3A_160 = arith.constant 1 : i32
    %eq3A_161 = arith.cmpi eq, %arg0, %eq3A_160 : i32
    %convert_element_type3A_162 = arith.extui %eq3A_161 : i1 to i32
    %cond3A_163 = arith.constant 0 : i32
    %cond3A_164 = arith.cmpi ne, %convert_element_type3A_162, %cond3A_163 : i32
    scf.if %cond3A_164 {
      "tpu.region"() ({
        %run_scoped3A = tpu.sem_alloc : memref<!tpu.dma_semaphore, #tpu.memory_space<semaphore_mem>>
        %dma_start3A_181 = arith.constant 0 : i32
        %dma_start3A_182 = arith.constant 0 : i32
        %dma_start3A_183 = tpu.memref_slice %arg3[%arg1, %dma_start3A_181, %dma_start3A_182] : memref<16x125x80xi32, #tpu.memory_space<hbm>> -> memref<1x125x80xi32, #tpu.memory_space<hbm>>
        %dma_start3A_184 = tpu.memref_squeeze %dma_start3A_183 : memref<1x125x80xi32, #tpu.memory_space<hbm>> -> memref<125x80xi32, #tpu.memory_space<hbm>>
        %dma_start3A_185 = arith.constant 0 : i32
        %dma_start3A_186 = arith.constant 0 : i32
        %dma_start3A_187 = tpu.memref_slice %arg3[%arg1, %dma_start3A_185, %dma_start3A_186] : memref<16x125x80xi32, #tpu.memory_space<hbm>> -> memref<1x125x80xi32, #tpu.memory_space<hbm>>
        %dma_start3A_188 = tpu.memref_squeeze %dma_start3A_187 : memref<1x125x80xi32, #tpu.memory_space<hbm>> -> memref<125x80xi32, #tpu.memory_space<hbm>>
        tpu.enqueue_dma source(%dma_start3A_188 : memref<125x80xi32, #tpu.memory_space<hbm>>) target(%arg9 : memref<125x80xi32, #tpu.memory_space<vmem>>) target_semaphore(%run_scoped3A : memref<!tpu.dma_semaphore, #tpu.memory_space<semaphore_mem>>)
        %dma_wait3A_189 = arith.constant 0 : i32
        %dma_wait3A_190 = arith.constant 0 : i32
        %dma_wait3A_191 = tpu.memref_slice %arg3[%arg1, %dma_wait3A_189, %dma_wait3A_190] : memref<16x125x80xi32, #tpu.memory_space<hbm>> -> memref<1x125x80xi32, #tpu.memory_space<hbm>>
        %dma_wait3A_192 = tpu.memref_squeeze %dma_wait3A_191 : memref<1x125x80xi32, #tpu.memory_space<hbm>> -> memref<125x80xi32, #tpu.memory_space<hbm>>
        %dma_wait3A_193 = arith.constant 0 : i32
        %dma_wait3A_194 = arith.constant 0 : i32
        %dma_wait3A_195 = tpu.memref_slice %arg3[%arg1, %dma_wait3A_193, %dma_wait3A_194] : memref<16x125x80xi32, #tpu.memory_space<hbm>> -> memref<1x125x80xi32, #tpu.memory_space<hbm>>
        %dma_wait3A_196 = tpu.memref_squeeze %dma_wait3A_195 : memref<1x125x80xi32, #tpu.memory_space<hbm>> -> memref<125x80xi32, #tpu.memory_space<hbm>>
        tpu.wait_dma2 semaphore(%run_scoped3A : memref<!tpu.dma_semaphore, #tpu.memory_space<semaphore_mem>>) src(%dma_wait3A_196 : memref<125x80xi32, #tpu.memory_space<hbm>>) dst(%arg9 : memref<125x80xi32, #tpu.memory_space<vmem>>)
        tpu.yield
      }) : () -> ()
      %scan3A = arith.constant 0 : i32
      %scan3A_176 = arith.constant 0 : i32
      %scan3A_177 = arith.constant 5 : i32
      %scan3A_178 = arith.addi %scan3A_176, %scan3A_177 : i32
      %scan3A_179 = arith.constant 1 : i32
      scf.for %scan3A_181 = %scan3A_176 to %scan3A_178 step %scan3A_179  : i32 {
        %mul3A_182 = arith.constant 25 : i32
        %mul3A_183 = arith.muli %mul3A_182, %scan3A_181 : i32
        %add3A_184 = arith.constant 0 : i32
        %add3A_185 = arith.addi %mul3A_183, %add3A_184 : i32
        %dma_start3A_186 = arith.constant 0 : i32
        %dma_start3A_187 = tpu.memref_slice %arg9[%add3A_185, %dma_start3A_186] : memref<125x80xi32, #tpu.memory_space<vmem>> -> memref<1x80xi32, #tpu.memory_space<vmem>>
        %dma_start3A_188 = tpu.memref_squeeze %dma_start3A_187 : memref<1x80xi32, #tpu.memory_space<vmem>> -> memref<80xi32, #tpu.memory_space<vmem>>
        %dma_start3A_189 = arith.constant 0 : i32
        %dma_start3A_190 = arith.constant 0 : i32
        %dma_start3A_191 = tpu.memref_slice %arg8[%dma_start3A_189, %dma_start3A_190] : memref<10240x128xf32, #tpu.memory_space<vmem_shared>> -> memref<10240x128xf32, #tpu.memory_space<vmem_shared>>
        tpu.enqueue_indirect_dma source(%arg10 : memref<80x128xf32, #tpu.memory_space<vmem>>) target(%dma_start3A_191 : memref<10240x128xf32, #tpu.memory_space<vmem_shared>>) offsets(%dma_start3A_188 : memref<80xi32, #tpu.memory_space<vmem>>) semaphore(%arg12 : memref<!tpu.dma_semaphore, #tpu.memory_space<semaphore_mem>>) {add = true}
        %mul3A_192 = arith.constant 25 : i32
        %mul3A_193 = arith.muli %mul3A_192, %scan3A_181 : i32
        %add3A_194 = arith.constant 1 : i32
        %add3A_195 = arith.addi %mul3A_193, %add3A_194 : i32
        %dma_start3A_196 = arith.constant 0 : i32
        %dma_start3A_197 = tpu.memref_slice %arg9[%add3A_195, %dma_start3A_196] : memref<125x80xi32, #tpu.memory_space<vmem>> -> memref<1x80xi32, #tpu.memory_space<vmem>>
        %dma_start3A_198 = tpu.memref_squeeze %dma_start3A_197 : memref<1x80xi32, #tpu.memory_space<vmem>> -> memref<80xi32, #tpu.memory_space<vmem>>
        %dma_start3A_199 = arith.constant 0 : i32
        %dma_start3A_200 = arith.constant 0 : i32
        %dma_start3A_201 = tpu.memref_slice %arg8[%dma_start3A_199, %dma_start3A_200] : memref<10240x128xf32, #tpu.memory_space<vmem_shared>> -> memref<10240x128xf32, #tpu.memory_space<vmem_shared>>
        tpu.enqueue_indirect_dma source(%arg10 : memref<80x128xf32, #tpu.memory_space<vmem>>) target(%dma_start3A_201 : memref<10240x128xf32, #tpu.memory_space<vmem_shared>>) offsets(%dma_start3A_198 : memref<80xi32, #tpu.memory_space<vmem>>) semaphore(%arg12 : memref<!tpu.dma_semaphore, #tpu.memory_space<semaphore_mem>>) {add = true}
        %mul3A_202 = arith.constant 25 : i32
        %mul3A_203 = arith.muli %mul3A_202, %scan3A_181 : i32
        %add3A_204 = arith.constant 2 : i32
        %add3A_205 = arith.addi %mul3A_203, %add3A_204 : i32
        %dma_start3A_206 = arith.constant 0 : i32
        %dma_start3A_207 = tpu.memref_slice %arg9[%add3A_205, %dma_start3A_206] : memref<125x80xi32, #tpu.memory_space<vmem>> -> memref<1x80xi32, #tpu.memory_space<vmem>>
        %dma_start3A_208 = tpu.memref_squeeze %dma_start3A_207 : memref<1x80xi32, #tpu.memory_space<vmem>> -> memref<80xi32, #tpu.memory_space<vmem>>
        %dma_start3A_209 = arith.constant 0 : i32
        %dma_start3A_210 = arith.constant 0 : i32
        %dma_start3A_211 = tpu.memref_slice %arg8[%dma_start3A_209, %dma_start3A_210] : memref<10240x128xf32, #tpu.memory_space<vmem_shared>> -> memref<10240x128xf32, #tpu.memory_space<vmem_shared>>
        tpu.enqueue_indirect_dma source(%arg10 : memref<80x128xf32, #tpu.memory_space<vmem>>) target(%dma_start3A_211 : memref<10240x128xf32, #tpu.memory_space<vmem_shared>>) offsets(%dma_start3A_208 : memref<80xi32, #tpu.memory_space<vmem>>) semaphore(%arg12 : memref<!tpu.dma_semaphore, #tpu.memory_space<semaphore_mem>>) {add = true}
        %mul3A_212 = arith.constant 25 : i32
        %mul3A_213 = arith.muli %mul3A_212, %scan3A_181 : i32
        %add3A_214 = arith.constant 3 : i32
        %add3A_215 = arith.addi %mul3A_213, %add3A_214 : i32
        %dma_start3A_216 = arith.constant 0 : i32
        %dma_start3A_217 = tpu.memref_slice %arg9[%add3A_215, %dma_start3A_216] : memref<125x80xi32, #tpu.memory_space<vmem>> -> memref<1x80xi32, #tpu.memory_space<vmem>>
        %dma_start3A_218 = tpu.memref_squeeze %dma_start3A_217 : memref<1x80xi32, #tpu.memory_space<vmem>> -> memref<80xi32, #tpu.memory_space<vmem>>
        %dma_start3A_219 = arith.constant 0 : i32
        %dma_start3A_220 = arith.constant 0 : i32
        %dma_start3A_221 = tpu.memref_slice %arg8[%dma_start3A_219, %dma_start3A_220] : memref<10240x128xf32, #tpu.memory_space<vmem_shared>> -> memref<10240x128xf32, #tpu.memory_space<vmem_shared>>
        tpu.enqueue_indirect_dma source(%arg10 : memref<80x128xf32, #tpu.memory_space<vmem>>) target(%dma_start3A_221 : memref<10240x128xf32, #tpu.memory_space<vmem_shared>>) offsets(%dma_start3A_218 : memref<80xi32, #tpu.memory_space<vmem>>) semaphore(%arg12 : memref<!tpu.dma_semaphore, #tpu.memory_space<semaphore_mem>>) {add = true}
        %mul3A_222 = arith.constant 25 : i32
        %mul3A_223 = arith.muli %mul3A_222, %scan3A_181 : i32
        %add3A_224 = arith.constant 4 : i32
        %add3A_225 = arith.addi %mul3A_223, %add3A_224 : i32
        %dma_start3A_226 = arith.constant 0 : i32
        %dma_start3A_227 = tpu.memref_slice %arg9[%add3A_225, %dma_start3A_226] : memref<125x80xi32, #tpu.memory_space<vmem>> -> memref<1x80xi32, #tpu.memory_space<vmem>>
        %dma_start3A_228 = tpu.memref_squeeze %dma_start3A_227 : memref<1x80xi32, #tpu.memory_space<vmem>> -> memref<80xi32, #tpu.memory_space<vmem>>
        %dma_start3A_229 = arith.constant 0 : i32
        %dma_start3A_230 = arith.constant 0 : i32
        %dma_start3A_231 = tpu.memref_slice %arg8[%dma_start3A_229, %dma_start3A_230] : memref<10240x128xf32, #tpu.memory_space<vmem_shared>> -> memref<10240x128xf32, #tpu.memory_space<vmem_shared>>
        tpu.enqueue_indirect_dma source(%arg10 : memref<80x128xf32, #tpu.memory_space<vmem>>) target(%dma_start3A_231 : memref<10240x128xf32, #tpu.memory_space<vmem_shared>>) offsets(%dma_start3A_228 : memref<80xi32, #tpu.memory_space<vmem>>) semaphore(%arg12 : memref<!tpu.dma_semaphore, #tpu.memory_space<semaphore_mem>>) {add = true}
        %mul3A_232 = arith.constant 25 : i32
        %mul3A_233 = arith.muli %mul3A_232, %scan3A_181 : i32
        %add3A_234 = arith.constant 5 : i32
        %add3A_235 = arith.addi %mul3A_233, %add3A_234 : i32
        %dma_start3A_236 = arith.constant 0 : i32
        %dma_start3A_237 = tpu.memref_slice %arg9[%add3A_235, %dma_start3A_236] : memref<125x80xi32, #tpu.memory_space<vmem>> -> memref<1x80xi32, #tpu.memory_space<vmem>>
        %dma_start3A_238 = tpu.memref_squeeze %dma_start3A_237 : memref<1x80xi32, #tpu.memory_space<vmem>> -> memref<80xi32, #tpu.memory_space<vmem>>
        %dma_start3A_239 = arith.constant 0 : i32
        %dma_start3A_240 = arith.constant 0 : i32
        %dma_start3A_241 = tpu.memref_slice %arg8[%dma_start3A_239, %dma_start3A_240] : memref<10240x128xf32, #tpu.memory_space<vmem_shared>> -> memref<10240x128xf32, #tpu.memory_space<vmem_shared>>
        tpu.enqueue_indirect_dma source(%arg10 : memref<80x128xf32, #tpu.memory_space<vmem>>) target(%dma_start3A_241 : memref<10240x128xf32, #tpu.memory_space<vmem_shared>>) offsets(%dma_start3A_238 : memref<80xi32, #tpu.memory_space<vmem>>) semaphore(%arg12 : memref<!tpu.dma_semaphore, #tpu.memory_space<semaphore_mem>>) {add = true}
        %mul3A_242 = arith.constant 25 : i32
        %mul3A_243 = arith.muli %mul3A_242, %scan3A_181 : i32
        %add3A_244 = arith.constant 6 : i32
        %add3A_245 = arith.addi %mul3A_243, %add3A_244 : i32
        %dma_start3A_246 = arith.constant 0 : i32
        %dma_start3A_247 = tpu.memref_slice %arg9[%add3A_245, %dma_start3A_246] : memref<125x80xi32, #tpu.memory_space<vmem>> -> memref<1x80xi32, #tpu.memory_space<vmem>>
        %dma_start3A_248 = tpu.memref_squeeze %dma_start3A_247 : memref<1x80xi32, #tpu.memory_space<vmem>> -> memref<80xi32, #tpu.memory_space<vmem>>
        %dma_start3A_249 = arith.constant 0 : i32
        %dma_start3A_250 = arith.constant 0 : i32
        %dma_start3A_251 = tpu.memref_slice %arg8[%dma_start3A_249, %dma_start3A_250] : memref<10240x128xf32, #tpu.memory_space<vmem_shared>> -> memref<10240x128xf32, #tpu.memory_space<vmem_shared>>
        tpu.enqueue_indirect_dma source(%arg10 : memref<80x128xf32, #tpu.memory_space<vmem>>) target(%dma_start3A_251 : memref<10240x128xf32, #tpu.memory_space<vmem_shared>>) offsets(%dma_start3A_248 : memref<80xi32, #tpu.memory_space<vmem>>) semaphore(%arg12 : memref<!tpu.dma_semaphore, #tpu.memory_space<semaphore_mem>>) {add = true}
        %mul3A_252 = arith.constant 25 : i32
        %mul3A_253 = arith.muli %mul3A_252, %scan3A_181 : i32
        %add3A_254 = arith.constant 7 : i32
        %add3A_255 = arith.addi %mul3A_253, %add3A_254 : i32
        %dma_start3A_256 = arith.constant 0 : i32
        %dma_start3A_257 = tpu.memref_slice %arg9[%add3A_255, %dma_start3A_256] : memref<125x80xi32, #tpu.memory_space<vmem>> -> memref<1x80xi32, #tpu.memory_space<vmem>>
        %dma_start3A_258 = tpu.memref_squeeze %dma_start3A_257 : memref<1x80xi32, #tpu.memory_space<vmem>> -> memref<80xi32, #tpu.memory_space<vmem>>
        %dma_start3A_259 = arith.constant 0 : i32
        %dma_start3A_260 = arith.constant 0 : i32
        %dma_start3A_261 = tpu.memref_slice %arg8[%dma_start3A_259, %dma_start3A_260] : memref<10240x128xf32, #tpu.memory_space<vmem_shared>> -> memref<10240x128xf32, #tpu.memory_space<vmem_shared>>
        tpu.enqueue_indirect_dma source(%arg10 : memref<80x128xf32, #tpu.memory_space<vmem>>) target(%dma_start3A_261 : memref<10240x128xf32, #tpu.memory_space<vmem_shared>>) offsets(%dma_start3A_258 : memref<80xi32, #tpu.memory_space<vmem>>) semaphore(%arg12 : memref<!tpu.dma_semaphore, #tpu.memory_space<semaphore_mem>>) {add = true}
        %mul3A_262 = arith.constant 25 : i32
        %mul3A_263 = arith.muli %mul3A_262, %scan3A_181 : i32
        %add3A_264 = arith.constant 8 : i32
        %add3A_265 = arith.addi %mul3A_263, %add3A_264 : i32
        %dma_start3A_266 = arith.constant 0 : i32
        %dma_start3A_267 = tpu.memref_slice %arg9[%add3A_265, %dma_start3A_266] : memref<125x80xi32, #tpu.memory_space<vmem>> -> memref<1x80xi32, #tpu.memory_space<vmem>>
        %dma_start3A_268 = tpu.memref_squeeze %dma_start3A_267 : memref<1x80xi32, #tpu.memory_space<vmem>> -> memref<80xi32, #tpu.memory_space<vmem>>
        %dma_start3A_269 = arith.constant 0 : i32
        %dma_start3A_270 = arith.constant 0 : i32
        %dma_start3A_271 = tpu.memref_slice %arg8[%dma_start3A_269, %dma_start3A_270] : memref<10240x128xf32, #tpu.memory_space<vmem_shared>> -> memref<10240x128xf32, #tpu.memory_space<vmem_shared>>
        tpu.enqueue_indirect_dma source(%arg10 : memref<80x128xf32, #tpu.memory_space<vmem>>) target(%dma_start3A_271 : memref<10240x128xf32, #tpu.memory_space<vmem_shared>>) offsets(%dma_start3A_268 : memref<80xi32, #tpu.memory_space<vmem>>) semaphore(%arg12 : memref<!tpu.dma_semaphore, #tpu.memory_space<semaphore_mem>>) {add = true}
        %mul3A_272 = arith.constant 25 : i32
        %mul3A_273 = arith.muli %mul3A_272, %scan3A_181 : i32
        %add3A_274 = arith.constant 9 : i32
        %add3A_275 = arith.addi %mul3A_273, %add3A_274 : i32
        %dma_start3A_276 = arith.constant 0 : i32
        %dma_start3A_277 = tpu.memref_slice %arg9[%add3A_275, %dma_start3A_276] : memref<125x80xi32, #tpu.memory_space<vmem>> -> memref<1x80xi32, #tpu.memory_space<vmem>>
        %dma_start3A_278 = tpu.memref_squeeze %dma_start3A_277 : memref<1x80xi32, #tpu.memory_space<vmem>> -> memref<80xi32, #tpu.memory_space<vmem>>
        %dma_start3A_279 = arith.constant 0 : i32
        %dma_start3A_280 = arith.constant 0 : i32
        %dma_start3A_281 = tpu.memref_slice %arg8[%dma_start3A_279, %dma_start3A_280] : memref<10240x128xf32, #tpu.memory_space<vmem_shared>> -> memref<10240x128xf32, #tpu.memory_space<vmem_shared>>
        tpu.enqueue_indirect_dma source(%arg10 : memref<80x128xf32, #tpu.memory_space<vmem>>) target(%dma_start3A_281 : memref<10240x128xf32, #tpu.memory_space<vmem_shared>>) offsets(%dma_start3A_278 : memref<80xi32, #tpu.memory_space<vmem>>) semaphore(%arg12 : memref<!tpu.dma_semaphore, #tpu.memory_space<semaphore_mem>>) {add = true}
        %mul3A_282 = arith.constant 25 : i32
        %mul3A_283 = arith.muli %mul3A_282, %scan3A_181 : i32
        %add3A_284 = arith.constant 10 : i32
        %add3A_285 = arith.addi %mul3A_283, %add3A_284 : i32
        %dma_start3A_286 = arith.constant 0 : i32
        %dma_start3A_287 = tpu.memref_slice %arg9[%add3A_285, %dma_start3A_286] : memref<125x80xi32, #tpu.memory_space<vmem>> -> memref<1x80xi32, #tpu.memory_space<vmem>>
        %dma_start3A_288 = tpu.memref_squeeze %dma_start3A_287 : memref<1x80xi32, #tpu.memory_space<vmem>> -> memref<80xi32, #tpu.memory_space<vmem>>
        %dma_start3A_289 = arith.constant 0 : i32
        %dma_start3A_290 = arith.constant 0 : i32
        %dma_start3A_291 = tpu.memref_slice %arg8[%dma_start3A_289, %dma_start3A_290] : memref<10240x128xf32, #tpu.memory_space<vmem_shared>> -> memref<10240x128xf32, #tpu.memory_space<vmem_shared>>
        tpu.enqueue_indirect_dma source(%arg10 : memref<80x128xf32, #tpu.memory_space<vmem>>) target(%dma_start3A_291 : memref<10240x128xf32, #tpu.memory_space<vmem_shared>>) offsets(%dma_start3A_288 : memref<80xi32, #tpu.memory_space<vmem>>) semaphore(%arg12 : memref<!tpu.dma_semaphore, #tpu.memory_space<semaphore_mem>>) {add = true}
        %mul3A_292 = arith.constant 25 : i32
        %mul3A_293 = arith.muli %mul3A_292, %scan3A_181 : i32
        %add3A_294 = arith.constant 11 : i32
        %add3A_295 = arith.addi %mul3A_293, %add3A_294 : i32
        %dma_start3A_296 = arith.constant 0 : i32
        %dma_start3A_297 = tpu.memref_slice %arg9[%add3A_295, %dma_start3A_296] : memref<125x80xi32, #tpu.memory_space<vmem>> -> memref<1x80xi32, #tpu.memory_space<vmem>>
        %dma_start3A_298 = tpu.memref_squeeze %dma_start3A_297 : memref<1x80xi32, #tpu.memory_space<vmem>> -> memref<80xi32, #tpu.memory_space<vmem>>
        %dma_start3A_299 = arith.constant 0 : i32
        %dma_start3A_300 = arith.constant 0 : i32
        %dma_start3A_301 = tpu.memref_slice %arg8[%dma_start3A_299, %dma_start3A_300] : memref<10240x128xf32, #tpu.memory_space<vmem_shared>> -> memref<10240x128xf32, #tpu.memory_space<vmem_shared>>
        tpu.enqueue_indirect_dma source(%arg10 : memref<80x128xf32, #tpu.memory_space<vmem>>) target(%dma_start3A_301 : memref<10240x128xf32, #tpu.memory_space<vmem_shared>>) offsets(%dma_start3A_298 : memref<80xi32, #tpu.memory_space<vmem>>) semaphore(%arg12 : memref<!tpu.dma_semaphore, #tpu.memory_space<semaphore_mem>>) {add = true}
        %mul3A_302 = arith.constant 25 : i32
        %mul3A_303 = arith.muli %mul3A_302, %scan3A_181 : i32
        %add3A_304 = arith.constant 12 : i32
        %add3A_305 = arith.addi %mul3A_303, %add3A_304 : i32
        %dma_start3A_306 = arith.constant 0 : i32
        %dma_start3A_307 = tpu.memref_slice %arg9[%add3A_305, %dma_start3A_306] : memref<125x80xi32, #tpu.memory_space<vmem>> -> memref<1x80xi32, #tpu.memory_space<vmem>>
        %dma_start3A_308 = tpu.memref_squeeze %dma_start3A_307 : memref<1x80xi32, #tpu.memory_space<vmem>> -> memref<80xi32, #tpu.memory_space<vmem>>
        %dma_start3A_309 = arith.constant 0 : i32
        %dma_start3A_310 = arith.constant 0 : i32
        %dma_start3A_311 = tpu.memref_slice %arg8[%dma_start3A_309, %dma_start3A_310] : memref<10240x128xf32, #tpu.memory_space<vmem_shared>> -> memref<10240x128xf32, #tpu.memory_space<vmem_shared>>
        tpu.enqueue_indirect_dma source(%arg10 : memref<80x128xf32, #tpu.memory_space<vmem>>) target(%dma_start3A_311 : memref<10240x128xf32, #tpu.memory_space<vmem_shared>>) offsets(%dma_start3A_308 : memref<80xi32, #tpu.memory_space<vmem>>) semaphore(%arg12 : memref<!tpu.dma_semaphore, #tpu.memory_space<semaphore_mem>>) {add = true}
        %mul3A_312 = arith.constant 25 : i32
        %mul3A_313 = arith.muli %mul3A_312, %scan3A_181 : i32
        %add3A_314 = arith.constant 13 : i32
        %add3A_315 = arith.addi %mul3A_313, %add3A_314 : i32
        %dma_start3A_316 = arith.constant 0 : i32
        %dma_start3A_317 = tpu.memref_slice %arg9[%add3A_315, %dma_start3A_316] : memref<125x80xi32, #tpu.memory_space<vmem>> -> memref<1x80xi32, #tpu.memory_space<vmem>>
        %dma_start3A_318 = tpu.memref_squeeze %dma_start3A_317 : memref<1x80xi32, #tpu.memory_space<vmem>> -> memref<80xi32, #tpu.memory_space<vmem>>
        %dma_start3A_319 = arith.constant 0 : i32
        %dma_start3A_320 = arith.constant 0 : i32
        %dma_start3A_321 = tpu.memref_slice %arg8[%dma_start3A_319, %dma_start3A_320] : memref<10240x128xf32, #tpu.memory_space<vmem_shared>> -> memref<10240x128xf32, #tpu.memory_space<vmem_shared>>
        tpu.enqueue_indirect_dma source(%arg10 : memref<80x128xf32, #tpu.memory_space<vmem>>) target(%dma_start3A_321 : memref<10240x128xf32, #tpu.memory_space<vmem_shared>>) offsets(%dma_start3A_318 : memref<80xi32, #tpu.memory_space<vmem>>) semaphore(%arg12 : memref<!tpu.dma_semaphore, #tpu.memory_space<semaphore_mem>>) {add = true}
        %mul3A_322 = arith.constant 25 : i32
        %mul3A_323 = arith.muli %mul3A_322, %scan3A_181 : i32
        %add3A_324 = arith.constant 14 : i32
        %add3A_325 = arith.addi %mul3A_323, %add3A_324 : i32
        %dma_start3A_326 = arith.constant 0 : i32
        %dma_start3A_327 = tpu.memref_slice %arg9[%add3A_325, %dma_start3A_326] : memref<125x80xi32, #tpu.memory_space<vmem>> -> memref<1x80xi32, #tpu.memory_space<vmem>>
        %dma_start3A_328 = tpu.memref_squeeze %dma_start3A_327 : memref<1x80xi32, #tpu.memory_space<vmem>> -> memref<80xi32, #tpu.memory_space<vmem>>
        %dma_start3A_329 = arith.constant 0 : i32
        %dma_start3A_330 = arith.constant 0 : i32
        %dma_start3A_331 = tpu.memref_slice %arg8[%dma_start3A_329, %dma_start3A_330] : memref<10240x128xf32, #tpu.memory_space<vmem_shared>> -> memref<10240x128xf32, #tpu.memory_space<vmem_shared>>
        tpu.enqueue_indirect_dma source(%arg10 : memref<80x128xf32, #tpu.memory_space<vmem>>) target(%dma_start3A_331 : memref<10240x128xf32, #tpu.memory_space<vmem_shared>>) offsets(%dma_start3A_328 : memref<80xi32, #tpu.memory_space<vmem>>) semaphore(%arg12 : memref<!tpu.dma_semaphore, #tpu.memory_space<semaphore_mem>>) {add = true}
        %mul3A_332 = arith.constant 25 : i32
        %mul3A_333 = arith.muli %mul3A_332, %scan3A_181 : i32
        %add3A_334 = arith.constant 15 : i32
        %add3A_335 = arith.addi %mul3A_333, %add3A_334 : i32
        %dma_start3A_336 = arith.constant 0 : i32
        %dma_start3A_337 = tpu.memref_slice %arg9[%add3A_335, %dma_start3A_336] : memref<125x80xi32, #tpu.memory_space<vmem>> -> memref<1x80xi32, #tpu.memory_space<vmem>>
        %dma_start3A_338 = tpu.memref_squeeze %dma_start3A_337 : memref<1x80xi32, #tpu.memory_space<vmem>> -> memref<80xi32, #tpu.memory_space<vmem>>
        %dma_start3A_339 = arith.constant 0 : i32
        %dma_start3A_340 = arith.constant 0 : i32
        %dma_start3A_341 = tpu.memref_slice %arg8[%dma_start3A_339, %dma_start3A_340] : memref<10240x128xf32, #tpu.memory_space<vmem_shared>> -> memref<10240x128xf32, #tpu.memory_space<vmem_shared>>
        tpu.enqueue_indirect_dma source(%arg10 : memref<80x128xf32, #tpu.memory_space<vmem>>) target(%dma_start3A_341 : memref<10240x128xf32, #tpu.memory_space<vmem_shared>>) offsets(%dma_start3A_338 : memref<80xi32, #tpu.memory_space<vmem>>) semaphore(%arg12 : memref<!tpu.dma_semaphore, #tpu.memory_space<semaphore_mem>>) {add = true}
        %mul3A_342 = arith.constant 25 : i32
        %mul3A_343 = arith.muli %mul3A_342, %scan3A_181 : i32
        %add3A_344 = arith.constant 16 : i32
        %add3A_345 = arith.addi %mul3A_343, %add3A_344 : i32
        %dma_start3A_346 = arith.constant 0 : i32
        %dma_start3A_347 = tpu.memref_slice %arg9[%add3A_345, %dma_start3A_346] : memref<125x80xi32, #tpu.memory_space<vmem>> -> memref<1x80xi32, #tpu.memory_space<vmem>>
        %dma_start3A_348 = tpu.memref_squeeze %dma_start3A_347 : memref<1x80xi32, #tpu.memory_space<vmem>> -> memref<80xi32, #tpu.memory_space<vmem>>
        %dma_start3A_349 = arith.constant 0 : i32
        %dma_start3A_350 = arith.constant 0 : i32
        %dma_start3A_351 = tpu.memref_slice %arg8[%dma_start3A_349, %dma_start3A_350] : memref<10240x128xf32, #tpu.memory_space<vmem_shared>> -> memref<10240x128xf32, #tpu.memory_space<vmem_shared>>
        tpu.enqueue_indirect_dma source(%arg10 : memref<80x128xf32, #tpu.memory_space<vmem>>) target(%dma_start3A_351 : memref<10240x128xf32, #tpu.memory_space<vmem_shared>>) offsets(%dma_start3A_348 : memref<80xi32, #tpu.memory_space<vmem>>) semaphore(%arg12 : memref<!tpu.dma_semaphore, #tpu.memory_space<semaphore_mem>>) {add = true}
        %mul3A_352 = arith.constant 25 : i32
        %mul3A_353 = arith.muli %mul3A_352, %scan3A_181 : i32
        %add3A_354 = arith.constant 17 : i32
        %add3A_355 = arith.addi %mul3A_353, %add3A_354 : i32
        %dma_start3A_356 = arith.constant 0 : i32
        %dma_start3A_357 = tpu.memref_slice %arg9[%add3A_355, %dma_start3A_356] : memref<125x80xi32, #tpu.memory_space<vmem>> -> memref<1x80xi32, #tpu.memory_space<vmem>>
        %dma_start3A_358 = tpu.memref_squeeze %dma_start3A_357 : memref<1x80xi32, #tpu.memory_space<vmem>> -> memref<80xi32, #tpu.memory_space<vmem>>
        %dma_start3A_359 = arith.constant 0 : i32
        %dma_start3A_360 = arith.constant 0 : i32
        %dma_start3A_361 = tpu.memref_slice %arg8[%dma_start3A_359, %dma_start3A_360] : memref<10240x128xf32, #tpu.memory_space<vmem_shared>> -> memref<10240x128xf32, #tpu.memory_space<vmem_shared>>
        tpu.enqueue_indirect_dma source(%arg10 : memref<80x128xf32, #tpu.memory_space<vmem>>) target(%dma_start3A_361 : memref<10240x128xf32, #tpu.memory_space<vmem_shared>>) offsets(%dma_start3A_358 : memref<80xi32, #tpu.memory_space<vmem>>) semaphore(%arg12 : memref<!tpu.dma_semaphore, #tpu.memory_space<semaphore_mem>>) {add = true}
        %mul3A_362 = arith.constant 25 : i32
        %mul3A_363 = arith.muli %mul3A_362, %scan3A_181 : i32
        %add3A_364 = arith.constant 18 : i32
        %add3A_365 = arith.addi %mul3A_363, %add3A_364 : i32
        %dma_start3A_366 = arith.constant 0 : i32
        %dma_start3A_367 = tpu.memref_slice %arg9[%add3A_365, %dma_start3A_366] : memref<125x80xi32, #tpu.memory_space<vmem>> -> memref<1x80xi32, #tpu.memory_space<vmem>>
        %dma_start3A_368 = tpu.memref_squeeze %dma_start3A_367 : memref<1x80xi32, #tpu.memory_space<vmem>> -> memref<80xi32, #tpu.memory_space<vmem>>
        %dma_start3A_369 = arith.constant 0 : i32
        %dma_start3A_370 = arith.constant 0 : i32
        %dma_start3A_371 = tpu.memref_slice %arg8[%dma_start3A_369, %dma_start3A_370] : memref<10240x128xf32, #tpu.memory_space<vmem_shared>> -> memref<10240x128xf32, #tpu.memory_space<vmem_shared>>
        tpu.enqueue_indirect_dma source(%arg10 : memref<80x128xf32, #tpu.memory_space<vmem>>) target(%dma_start3A_371 : memref<10240x128xf32, #tpu.memory_space<vmem_shared>>) offsets(%dma_start3A_368 : memref<80xi32, #tpu.memory_space<vmem>>) semaphore(%arg12 : memref<!tpu.dma_semaphore, #tpu.memory_space<semaphore_mem>>) {add = true}
        %mul3A_372 = arith.constant 25 : i32
        %mul3A_373 = arith.muli %mul3A_372, %scan3A_181 : i32
        %add3A_374 = arith.constant 19 : i32
        %add3A_375 = arith.addi %mul3A_373, %add3A_374 : i32
        %dma_start3A_376 = arith.constant 0 : i32
        %dma_start3A_377 = tpu.memref_slice %arg9[%add3A_375, %dma_start3A_376] : memref<125x80xi32, #tpu.memory_space<vmem>> -> memref<1x80xi32, #tpu.memory_space<vmem>>
        %dma_start3A_378 = tpu.memref_squeeze %dma_start3A_377 : memref<1x80xi32, #tpu.memory_space<vmem>> -> memref<80xi32, #tpu.memory_space<vmem>>
        %dma_start3A_379 = arith.constant 0 : i32
        %dma_start3A_380 = arith.constant 0 : i32
        %dma_start3A_381 = tpu.memref_slice %arg8[%dma_start3A_379, %dma_start3A_380] : memref<10240x128xf32, #tpu.memory_space<vmem_shared>> -> memref<10240x128xf32, #tpu.memory_space<vmem_shared>>
        tpu.enqueue_indirect_dma source(%arg10 : memref<80x128xf32, #tpu.memory_space<vmem>>) target(%dma_start3A_381 : memref<10240x128xf32, #tpu.memory_space<vmem_shared>>) offsets(%dma_start3A_378 : memref<80xi32, #tpu.memory_space<vmem>>) semaphore(%arg12 : memref<!tpu.dma_semaphore, #tpu.memory_space<semaphore_mem>>) {add = true}
        %mul3A_382 = arith.constant 25 : i32
        %mul3A_383 = arith.muli %mul3A_382, %scan3A_181 : i32
        %add3A_384 = arith.constant 20 : i32
        %add3A_385 = arith.addi %mul3A_383, %add3A_384 : i32
        %dma_start3A_386 = arith.constant 0 : i32
        %dma_start3A_387 = tpu.memref_slice %arg9[%add3A_385, %dma_start3A_386] : memref<125x80xi32, #tpu.memory_space<vmem>> -> memref<1x80xi32, #tpu.memory_space<vmem>>
        %dma_start3A_388 = tpu.memref_squeeze %dma_start3A_387 : memref<1x80xi32, #tpu.memory_space<vmem>> -> memref<80xi32, #tpu.memory_space<vmem>>
        %dma_start3A_389 = arith.constant 0 : i32
        %dma_start3A_390 = arith.constant 0 : i32
        %dma_start3A_391 = tpu.memref_slice %arg8[%dma_start3A_389, %dma_start3A_390] : memref<10240x128xf32, #tpu.memory_space<vmem_shared>> -> memref<10240x128xf32, #tpu.memory_space<vmem_shared>>
        tpu.enqueue_indirect_dma source(%arg10 : memref<80x128xf32, #tpu.memory_space<vmem>>) target(%dma_start3A_391 : memref<10240x128xf32, #tpu.memory_space<vmem_shared>>) offsets(%dma_start3A_388 : memref<80xi32, #tpu.memory_space<vmem>>) semaphore(%arg12 : memref<!tpu.dma_semaphore, #tpu.memory_space<semaphore_mem>>) {add = true}
        %mul3A_392 = arith.constant 25 : i32
        %mul3A_393 = arith.muli %mul3A_392, %scan3A_181 : i32
        %add3A_394 = arith.constant 21 : i32
        %add3A_395 = arith.addi %mul3A_393, %add3A_394 : i32
        %dma_start3A_396 = arith.constant 0 : i32
        %dma_start3A_397 = tpu.memref_slice %arg9[%add3A_395, %dma_start3A_396] : memref<125x80xi32, #tpu.memory_space<vmem>> -> memref<1x80xi32, #tpu.memory_space<vmem>>
        %dma_start3A_398 = tpu.memref_squeeze %dma_start3A_397 : memref<1x80xi32, #tpu.memory_space<vmem>> -> memref<80xi32, #tpu.memory_space<vmem>>
        %dma_start3A_399 = arith.constant 0 : i32
        %dma_start3A_400 = arith.constant 0 : i32
        %dma_start3A_401 = tpu.memref_slice %arg8[%dma_start3A_399, %dma_start3A_400] : memref<10240x128xf32, #tpu.memory_space<vmem_shared>> -> memref<10240x128xf32, #tpu.memory_space<vmem_shared>>
        tpu.enqueue_indirect_dma source(%arg10 : memref<80x128xf32, #tpu.memory_space<vmem>>) target(%dma_start3A_401 : memref<10240x128xf32, #tpu.memory_space<vmem_shared>>) offsets(%dma_start3A_398 : memref<80xi32, #tpu.memory_space<vmem>>) semaphore(%arg12 : memref<!tpu.dma_semaphore, #tpu.memory_space<semaphore_mem>>) {add = true}
        %mul3A_402 = arith.constant 25 : i32
        %mul3A_403 = arith.muli %mul3A_402, %scan3A_181 : i32
        %add3A_404 = arith.constant 22 : i32
        %add3A_405 = arith.addi %mul3A_403, %add3A_404 : i32
        %dma_start3A_406 = arith.constant 0 : i32
        %dma_start3A_407 = tpu.memref_slice %arg9[%add3A_405, %dma_start3A_406] : memref<125x80xi32, #tpu.memory_space<vmem>> -> memref<1x80xi32, #tpu.memory_space<vmem>>
        %dma_start3A_408 = tpu.memref_squeeze %dma_start3A_407 : memref<1x80xi32, #tpu.memory_space<vmem>> -> memref<80xi32, #tpu.memory_space<vmem>>
        %dma_start3A_409 = arith.constant 0 : i32
        %dma_start3A_410 = arith.constant 0 : i32
        %dma_start3A_411 = tpu.memref_slice %arg8[%dma_start3A_409, %dma_start3A_410] : memref<10240x128xf32, #tpu.memory_space<vmem_shared>> -> memref<10240x128xf32, #tpu.memory_space<vmem_shared>>
        tpu.enqueue_indirect_dma source(%arg10 : memref<80x128xf32, #tpu.memory_space<vmem>>) target(%dma_start3A_411 : memref<10240x128xf32, #tpu.memory_space<vmem_shared>>) offsets(%dma_start3A_408 : memref<80xi32, #tpu.memory_space<vmem>>) semaphore(%arg12 : memref<!tpu.dma_semaphore, #tpu.memory_space<semaphore_mem>>) {add = true}
        %mul3A_412 = arith.constant 25 : i32
        %mul3A_413 = arith.muli %mul3A_412, %scan3A_181 : i32
        %add3A_414 = arith.constant 23 : i32
        %add3A_415 = arith.addi %mul3A_413, %add3A_414 : i32
        %dma_start3A_416 = arith.constant 0 : i32
        %dma_start3A_417 = tpu.memref_slice %arg9[%add3A_415, %dma_start3A_416] : memref<125x80xi32, #tpu.memory_space<vmem>> -> memref<1x80xi32, #tpu.memory_space<vmem>>
        %dma_start3A_418 = tpu.memref_squeeze %dma_start3A_417 : memref<1x80xi32, #tpu.memory_space<vmem>> -> memref<80xi32, #tpu.memory_space<vmem>>
        %dma_start3A_419 = arith.constant 0 : i32
        %dma_start3A_420 = arith.constant 0 : i32
        %dma_start3A_421 = tpu.memref_slice %arg8[%dma_start3A_419, %dma_start3A_420] : memref<10240x128xf32, #tpu.memory_space<vmem_shared>> -> memref<10240x128xf32, #tpu.memory_space<vmem_shared>>
        tpu.enqueue_indirect_dma source(%arg10 : memref<80x128xf32, #tpu.memory_space<vmem>>) target(%dma_start3A_421 : memref<10240x128xf32, #tpu.memory_space<vmem_shared>>) offsets(%dma_start3A_418 : memref<80xi32, #tpu.memory_space<vmem>>) semaphore(%arg12 : memref<!tpu.dma_semaphore, #tpu.memory_space<semaphore_mem>>) {add = true}
        %mul3A_422 = arith.constant 25 : i32
        %mul3A_423 = arith.muli %mul3A_422, %scan3A_181 : i32
        %add3A_424 = arith.constant 24 : i32
        %add3A_425 = arith.addi %mul3A_423, %add3A_424 : i32
        %dma_start3A_426 = arith.constant 0 : i32
        %dma_start3A_427 = tpu.memref_slice %arg9[%add3A_425, %dma_start3A_426] : memref<125x80xi32, #tpu.memory_space<vmem>> -> memref<1x80xi32, #tpu.memory_space<vmem>>
        %dma_start3A_428 = tpu.memref_squeeze %dma_start3A_427 : memref<1x80xi32, #tpu.memory_space<vmem>> -> memref<80xi32, #tpu.memory_space<vmem>>
        %dma_start3A_429 = arith.constant 0 : i32
        %dma_start3A_430 = arith.constant 0 : i32
        %dma_start3A_431 = tpu.memref_slice %arg8[%dma_start3A_429, %dma_start3A_430] : memref<10240x128xf32, #tpu.memory_space<vmem_shared>> -> memref<10240x128xf32, #tpu.memory_space<vmem_shared>>
        tpu.enqueue_indirect_dma source(%arg10 : memref<80x128xf32, #tpu.memory_space<vmem>>) target(%dma_start3A_431 : memref<10240x128xf32, #tpu.memory_space<vmem_shared>>) offsets(%dma_start3A_428 : memref<80xi32, #tpu.memory_space<vmem>>) semaphore(%arg12 : memref<!tpu.dma_semaphore, #tpu.memory_space<semaphore_mem>>) {add = true}
        %mul3A_432 = arith.constant 25 : i32
        %mul3A_433 = arith.muli %mul3A_432, %scan3A_181 : i32
        %dma_wait3A_434 = arith.constant 0 : i32
        %dma_wait3A_435 = tpu.memref_slice %arg9[%mul3A_433, %dma_wait3A_434] : memref<125x80xi32, #tpu.memory_space<vmem>> -> memref<1x80xi32, #tpu.memory_space<vmem>>
        %dma_wait3A_436 = tpu.memref_squeeze %dma_wait3A_435 : memref<1x80xi32, #tpu.memory_space<vmem>> -> memref<80xi32, #tpu.memory_space<vmem>>
        %dma_wait3A_437 = arith.constant 0 : i32
        %dma_wait3A_438 = arith.constant 0 : i32
        %dma_wait3A_439 = tpu.memref_slice %arg8[%dma_wait3A_437, %dma_wait3A_438] : memref<10240x128xf32, #tpu.memory_space<vmem_shared>> -> memref<10240x128xf32, #tpu.memory_space<vmem_shared>>
        tpu.wait_indirect_dma semaphore(%arg12 : memref<!tpu.dma_semaphore, #tpu.memory_space<semaphore_mem>>) src(%arg10 : memref<80x128xf32, #tpu.memory_space<vmem>>) dst(%dma_wait3A_439 : memref<10240x128xf32, #tpu.memory_space<vmem_shared>>)
        %mul3A_440 = arith.constant 25 : i32
        %mul3A_441 = arith.muli %mul3A_440, %scan3A_181 : i32
        %dma_wait3A_442 = arith.constant 0 : i32
        %dma_wait3A_443 = tpu.memref_slice %arg9[%mul3A_441, %dma_wait3A_442] : memref<125x80xi32, #tpu.memory_space<vmem>> -> memref<1x80xi32, #tpu.memory_space<vmem>>
        %dma_wait3A_444 = tpu.memref_squeeze %dma_wait3A_443 : memref<1x80xi32, #tpu.memory_space<vmem>> -> memref<80xi32, #tpu.memory_space<vmem>>
        %dma_wait3A_445 = arith.constant 0 : i32
        %dma_wait3A_446 = arith.constant 0 : i32
        %dma_wait3A_447 = tpu.memref_slice %arg8[%dma_wait3A_445, %dma_wait3A_446] : memref<10240x128xf32, #tpu.memory_space<vmem_shared>> -> memref<10240x128xf32, #tpu.memory_space<vmem_shared>>
        tpu.wait_indirect_dma semaphore(%arg12 : memref<!tpu.dma_semaphore, #tpu.memory_space<semaphore_mem>>) src(%arg10 : memref<80x128xf32, #tpu.memory_space<vmem>>) dst(%dma_wait3A_447 : memref<10240x128xf32, #tpu.memory_space<vmem_shared>>)
        %mul3A_448 = arith.constant 25 : i32
        %mul3A_449 = arith.muli %mul3A_448, %scan3A_181 : i32
        %dma_wait3A_450 = arith.constant 0 : i32
        %dma_wait3A_451 = tpu.memref_slice %arg9[%mul3A_449, %dma_wait3A_450] : memref<125x80xi32, #tpu.memory_space<vmem>> -> memref<1x80xi32, #tpu.memory_space<vmem>>
        %dma_wait3A_452 = tpu.memref_squeeze %dma_wait3A_451 : memref<1x80xi32, #tpu.memory_space<vmem>> -> memref<80xi32, #tpu.memory_space<vmem>>
        %dma_wait3A_453 = arith.constant 0 : i32
        %dma_wait3A_454 = arith.constant 0 : i32
        %dma_wait3A_455 = tpu.memref_slice %arg8[%dma_wait3A_453, %dma_wait3A_454] : memref<10240x128xf32, #tpu.memory_space<vmem_shared>> -> memref<10240x128xf32, #tpu.memory_space<vmem_shared>>
        tpu.wait_indirect_dma semaphore(%arg12 : memref<!tpu.dma_semaphore, #tpu.memory_space<semaphore_mem>>) src(%arg10 : memref<80x128xf32, #tpu.memory_space<vmem>>) dst(%dma_wait3A_455 : memref<10240x128xf32, #tpu.memory_space<vmem_shared>>)
        %mul3A_456 = arith.constant 25 : i32
        %mul3A_457 = arith.muli %mul3A_456, %scan3A_181 : i32
        %dma_wait3A_458 = arith.constant 0 : i32
        %dma_wait3A_459 = tpu.memref_slice %arg9[%mul3A_457, %dma_wait3A_458] : memref<125x80xi32, #tpu.memory_space<vmem>> -> memref<1x80xi32, #tpu.memory_space<vmem>>
        %dma_wait3A_460 = tpu.memref_squeeze %dma_wait3A_459 : memref<1x80xi32, #tpu.memory_space<vmem>> -> memref<80xi32, #tpu.memory_space<vmem>>
        %dma_wait3A_461 = arith.constant 0 : i32
        %dma_wait3A_462 = arith.constant 0 : i32
        %dma_wait3A_463 = tpu.memref_slice %arg8[%dma_wait3A_461, %dma_wait3A_462] : memref<10240x128xf32, #tpu.memory_space<vmem_shared>> -> memref<10240x128xf32, #tpu.memory_space<vmem_shared>>
        tpu.wait_indirect_dma semaphore(%arg12 : memref<!tpu.dma_semaphore, #tpu.memory_space<semaphore_mem>>) src(%arg10 : memref<80x128xf32, #tpu.memory_space<vmem>>) dst(%dma_wait3A_463 : memref<10240x128xf32, #tpu.memory_space<vmem_shared>>)
        %mul3A_464 = arith.constant 25 : i32
        %mul3A_465 = arith.muli %mul3A_464, %scan3A_181 : i32
        %dma_wait3A_466 = arith.constant 0 : i32
        %dma_wait3A_467 = tpu.memref_slice %arg9[%mul3A_465, %dma_wait3A_466] : memref<125x80xi32, #tpu.memory_space<vmem>> -> memref<1x80xi32, #tpu.memory_space<vmem>>
        %dma_wait3A_468 = tpu.memref_squeeze %dma_wait3A_467 : memref<1x80xi32, #tpu.memory_space<vmem>> -> memref<80xi32, #tpu.memory_space<vmem>>
        %dma_wait3A_469 = arith.constant 0 : i32
        %dma_wait3A_470 = arith.constant 0 : i32
        %dma_wait3A_471 = tpu.memref_slice %arg8[%dma_wait3A_469, %dma_wait3A_470] : memref<10240x128xf32, #tpu.memory_space<vmem_shared>> -> memref<10240x128xf32, #tpu.memory_space<vmem_shared>>
        tpu.wait_indirect_dma semaphore(%arg12 : memref<!tpu.dma_semaphore, #tpu.memory_space<semaphore_mem>>) src(%arg10 : memref<80x128xf32, #tpu.memory_space<vmem>>) dst(%dma_wait3A_471 : memref<10240x128xf32, #tpu.memory_space<vmem_shared>>)
        %mul3A_472 = arith.constant 25 : i32
        %mul3A_473 = arith.muli %mul3A_472, %scan3A_181 : i32
        %dma_wait3A_474 = arith.constant 0 : i32
        %dma_wait3A_475 = tpu.memref_slice %arg9[%mul3A_473, %dma_wait3A_474] : memref<125x80xi32, #tpu.memory_space<vmem>> -> memref<1x80xi32, #tpu.memory_space<vmem>>
        %dma_wait3A_476 = tpu.memref_squeeze %dma_wait3A_475 : memref<1x80xi32, #tpu.memory_space<vmem>> -> memref<80xi32, #tpu.memory_space<vmem>>
        %dma_wait3A_477 = arith.constant 0 : i32
        %dma_wait3A_478 = arith.constant 0 : i32
        %dma_wait3A_479 = tpu.memref_slice %arg8[%dma_wait3A_477, %dma_wait3A_478] : memref<10240x128xf32, #tpu.memory_space<vmem_shared>> -> memref<10240x128xf32, #tpu.memory_space<vmem_shared>>
        tpu.wait_indirect_dma semaphore(%arg12 : memref<!tpu.dma_semaphore, #tpu.memory_space<semaphore_mem>>) src(%arg10 : memref<80x128xf32, #tpu.memory_space<vmem>>) dst(%dma_wait3A_479 : memref<10240x128xf32, #tpu.memory_space<vmem_shared>>)
        %mul3A_480 = arith.constant 25 : i32
        %mul3A_481 = arith.muli %mul3A_480, %scan3A_181 : i32
        %dma_wait3A_482 = arith.constant 0 : i32
        %dma_wait3A_483 = tpu.memref_slice %arg9[%mul3A_481, %dma_wait3A_482] : memref<125x80xi32, #tpu.memory_space<vmem>> -> memref<1x80xi32, #tpu.memory_space<vmem>>
        %dma_wait3A_484 = tpu.memref_squeeze %dma_wait3A_483 : memref<1x80xi32, #tpu.memory_space<vmem>> -> memref<80xi32, #tpu.memory_space<vmem>>
        %dma_wait3A_485 = arith.constant 0 : i32
        %dma_wait3A_486 = arith.constant 0 : i32
        %dma_wait3A_487 = tpu.memref_slice %arg8[%dma_wait3A_485, %dma_wait3A_486] : memref<10240x128xf32, #tpu.memory_space<vmem_shared>> -> memref<10240x128xf32, #tpu.memory_space<vmem_shared>>
        tpu.wait_indirect_dma semaphore(%arg12 : memref<!tpu.dma_semaphore, #tpu.memory_space<semaphore_mem>>) src(%arg10 : memref<80x128xf32, #tpu.memory_space<vmem>>) dst(%dma_wait3A_487 : memref<10240x128xf32, #tpu.memory_space<vmem_shared>>)
        %mul3A_488 = arith.constant 25 : i32
        %mul3A_489 = arith.muli %mul3A_488, %scan3A_181 : i32
        %dma_wait3A_490 = arith.constant 0 : i32
        %dma_wait3A_491 = tpu.memref_slice %arg9[%mul3A_489, %dma_wait3A_490] : memref<125x80xi32, #tpu.memory_space<vmem>> -> memref<1x80xi32, #tpu.memory_space<vmem>>
        %dma_wait3A_492 = tpu.memref_squeeze %dma_wait3A_491 : memref<1x80xi32, #tpu.memory_space<vmem>> -> memref<80xi32, #tpu.memory_space<vmem>>
        %dma_wait3A_493 = arith.constant 0 : i32
        %dma_wait3A_494 = arith.constant 0 : i32
        %dma_wait3A_495 = tpu.memref_slice %arg8[%dma_wait3A_493, %dma_wait3A_494] : memref<10240x128xf32, #tpu.memory_space<vmem_shared>> -> memref<10240x128xf32, #tpu.memory_space<vmem_shared>>
        tpu.wait_indirect_dma semaphore(%arg12 : memref<!tpu.dma_semaphore, #tpu.memory_space<semaphore_mem>>) src(%arg10 : memref<80x128xf32, #tpu.memory_space<vmem>>) dst(%dma_wait3A_495 : memref<10240x128xf32, #tpu.memory_space<vmem_shared>>)
        %mul3A_496 = arith.constant 25 : i32
        %mul3A_497 = arith.muli %mul3A_496, %scan3A_181 : i32
        %dma_wait3A_498 = arith.constant 0 : i32
        %dma_wait3A_499 = tpu.memref_slice %arg9[%mul3A_497, %dma_wait3A_498] : memref<125x80xi32, #tpu.memory_space<vmem>> -> memref<1x80xi32, #tpu.memory_space<vmem>>
        %dma_wait3A_500 = tpu.memref_squeeze %dma_wait3A_499 : memref<1x80xi32, #tpu.memory_space<vmem>> -> memref<80xi32, #tpu.memory_space<vmem>>
        %dma_wait3A_501 = arith.constant 0 : i32
        %dma_wait3A_502 = arith.constant 0 : i32
        %dma_wait3A_503 = tpu.memref_slice %arg8[%dma_wait3A_501, %dma_wait3A_502] : memref<10240x128xf32, #tpu.memory_space<vmem_shared>> -> memref<10240x128xf32, #tpu.memory_space<vmem_shared>>
        tpu.wait_indirect_dma semaphore(%arg12 : memref<!tpu.dma_semaphore, #tpu.memory_space<semaphore_mem>>) src(%arg10 : memref<80x128xf32, #tpu.memory_space<vmem>>) dst(%dma_wait3A_503 : memref<10240x128xf32, #tpu.memory_space<vmem_shared>>)
        %mul3A_504 = arith.constant 25 : i32
        %mul3A_505 = arith.muli %mul3A_504, %scan3A_181 : i32
        %dma_wait3A_506 = arith.constant 0 : i32
        %dma_wait3A_507 = tpu.memref_slice %arg9[%mul3A_505, %dma_wait3A_506] : memref<125x80xi32, #tpu.memory_space<vmem>> -> memref<1x80xi32, #tpu.memory_space<vmem>>
        %dma_wait3A_508 = tpu.memref_squeeze %dma_wait3A_507 : memref<1x80xi32, #tpu.memory_space<vmem>> -> memref<80xi32, #tpu.memory_space<vmem>>
        %dma_wait3A_509 = arith.constant 0 : i32
        %dma_wait3A_510 = arith.constant 0 : i32
        %dma_wait3A_511 = tpu.memref_slice %arg8[%dma_wait3A_509, %dma_wait3A_510] : memref<10240x128xf32, #tpu.memory_space<vmem_shared>> -> memref<10240x128xf32, #tpu.memory_space<vmem_shared>>
        tpu.wait_indirect_dma semaphore(%arg12 : memref<!tpu.dma_semaphore, #tpu.memory_space<semaphore_mem>>) src(%arg10 : memref<80x128xf32, #tpu.memory_space<vmem>>) dst(%dma_wait3A_511 : memref<10240x128xf32, #tpu.memory_space<vmem_shared>>)
        %mul3A_512 = arith.constant 25 : i32
        %mul3A_513 = arith.muli %mul3A_512, %scan3A_181 : i32
        %dma_wait3A_514 = arith.constant 0 : i32
        %dma_wait3A_515 = tpu.memref_slice %arg9[%mul3A_513, %dma_wait3A_514] : memref<125x80xi32, #tpu.memory_space<vmem>> -> memref<1x80xi32, #tpu.memory_space<vmem>>
        %dma_wait3A_516 = tpu.memref_squeeze %dma_wait3A_515 : memref<1x80xi32, #tpu.memory_space<vmem>> -> memref<80xi32, #tpu.memory_space<vmem>>
        %dma_wait3A_517 = arith.constant 0 : i32
        %dma_wait3A_518 = arith.constant 0 : i32
        %dma_wait3A_519 = tpu.memref_slice %arg8[%dma_wait3A_517, %dma_wait3A_518] : memref<10240x128xf32, #tpu.memory_space<vmem_shared>> -> memref<10240x128xf32, #tpu.memory_space<vmem_shared>>
        tpu.wait_indirect_dma semaphore(%arg12 : memref<!tpu.dma_semaphore, #tpu.memory_space<semaphore_mem>>) src(%arg10 : memref<80x128xf32, #tpu.memory_space<vmem>>) dst(%dma_wait3A_519 : memref<10240x128xf32, #tpu.memory_space<vmem_shared>>)
        %mul3A_520 = arith.constant 25 : i32
        %mul3A_521 = arith.muli %mul3A_520, %scan3A_181 : i32
        %dma_wait3A_522 = arith.constant 0 : i32
        %dma_wait3A_523 = tpu.memref_slice %arg9[%mul3A_521, %dma_wait3A_522] : memref<125x80xi32, #tpu.memory_space<vmem>> -> memref<1x80xi32, #tpu.memory_space<vmem>>
        %dma_wait3A_524 = tpu.memref_squeeze %dma_wait3A_523 : memref<1x80xi32, #tpu.memory_space<vmem>> -> memref<80xi32, #tpu.memory_space<vmem>>
        %dma_wait3A_525 = arith.constant 0 : i32
        %dma_wait3A_526 = arith.constant 0 : i32
        %dma_wait3A_527 = tpu.memref_slice %arg8[%dma_wait3A_525, %dma_wait3A_526] : memref<10240x128xf32, #tpu.memory_space<vmem_shared>> -> memref<10240x128xf32, #tpu.memory_space<vmem_shared>>
        tpu.wait_indirect_dma semaphore(%arg12 : memref<!tpu.dma_semaphore, #tpu.memory_space<semaphore_mem>>) src(%arg10 : memref<80x128xf32, #tpu.memory_space<vmem>>) dst(%dma_wait3A_527 : memref<10240x128xf32, #tpu.memory_space<vmem_shared>>)
        %mul3A_528 = arith.constant 25 : i32
        %mul3A_529 = arith.muli %mul3A_528, %scan3A_181 : i32
        %dma_wait3A_530 = arith.constant 0 : i32
        %dma_wait3A_531 = tpu.memref_slice %arg9[%mul3A_529, %dma_wait3A_530] : memref<125x80xi32, #tpu.memory_space<vmem>> -> memref<1x80xi32, #tpu.memory_space<vmem>>
        %dma_wait3A_532 = tpu.memref_squeeze %dma_wait3A_531 : memref<1x80xi32, #tpu.memory_space<vmem>> -> memref<80xi32, #tpu.memory_space<vmem>>
        %dma_wait3A_533 = arith.constant 0 : i32
        %dma_wait3A_534 = arith.constant 0 : i32
        %dma_wait3A_535 = tpu.memref_slice %arg8[%dma_wait3A_533, %dma_wait3A_534] : memref<10240x128xf32, #tpu.memory_space<vmem_shared>> -> memref<10240x128xf32, #tpu.memory_space<vmem_shared>>
        tpu.wait_indirect_dma semaphore(%arg12 : memref<!tpu.dma_semaphore, #tpu.memory_space<semaphore_mem>>) src(%arg10 : memref<80x128xf32, #tpu.memory_space<vmem>>) dst(%dma_wait3A_535 : memref<10240x128xf32, #tpu.memory_space<vmem_shared>>)
        %mul3A_536 = arith.constant 25 : i32
        %mul3A_537 = arith.muli %mul3A_536, %scan3A_181 : i32
        %dma_wait3A_538 = arith.constant 0 : i32
        %dma_wait3A_539 = tpu.memref_slice %arg9[%mul3A_537, %dma_wait3A_538] : memref<125x80xi32, #tpu.memory_space<vmem>> -> memref<1x80xi32, #tpu.memory_space<vmem>>
        %dma_wait3A_540 = tpu.memref_squeeze %dma_wait3A_539 : memref<1x80xi32, #tpu.memory_space<vmem>> -> memref<80xi32, #tpu.memory_space<vmem>>
        %dma_wait3A_541 = arith.constant 0 : i32
        %dma_wait3A_542 = arith.constant 0 : i32
        %dma_wait3A_543 = tpu.memref_slice %arg8[%dma_wait3A_541, %dma_wait3A_542] : memref<10240x128xf32, #tpu.memory_space<vmem_shared>> -> memref<10240x128xf32, #tpu.memory_space<vmem_shared>>
        tpu.wait_indirect_dma semaphore(%arg12 : memref<!tpu.dma_semaphore, #tpu.memory_space<semaphore_mem>>) src(%arg10 : memref<80x128xf32, #tpu.memory_space<vmem>>) dst(%dma_wait3A_543 : memref<10240x128xf32, #tpu.memory_space<vmem_shared>>)
        %mul3A_544 = arith.constant 25 : i32
        %mul3A_545 = arith.muli %mul3A_544, %scan3A_181 : i32
        %dma_wait3A_546 = arith.constant 0 : i32
        %dma_wait3A_547 = tpu.memref_slice %arg9[%mul3A_545, %dma_wait3A_546] : memref<125x80xi32, #tpu.memory_space<vmem>> -> memref<1x80xi32, #tpu.memory_space<vmem>>
        %dma_wait3A_548 = tpu.memref_squeeze %dma_wait3A_547 : memref<1x80xi32, #tpu.memory_space<vmem>> -> memref<80xi32, #tpu.memory_space<vmem>>
        %dma_wait3A_549 = arith.constant 0 : i32
        %dma_wait3A_550 = arith.constant 0 : i32
        %dma_wait3A_551 = tpu.memref_slice %arg8[%dma_wait3A_549, %dma_wait3A_550] : memref<10240x128xf32, #tpu.memory_space<vmem_shared>> -> memref<10240x128xf32, #tpu.memory_space<vmem_shared>>
        tpu.wait_indirect_dma semaphore(%arg12 : memref<!tpu.dma_semaphore, #tpu.memory_space<semaphore_mem>>) src(%arg10 : memref<80x128xf32, #tpu.memory_space<vmem>>) dst(%dma_wait3A_551 : memref<10240x128xf32, #tpu.memory_space<vmem_shared>>)
        %mul3A_552 = arith.constant 25 : i32
        %mul3A_553 = arith.muli %mul3A_552, %scan3A_181 : i32
        %dma_wait3A_554 = arith.constant 0 : i32
        %dma_wait3A_555 = tpu.memref_slice %arg9[%mul3A_553, %dma_wait3A_554] : memref<125x80xi32, #tpu.memory_space<vmem>> -> memref<1x80xi32, #tpu.memory_space<vmem>>
        %dma_wait3A_556 = tpu.memref_squeeze %dma_wait3A_555 : memref<1x80xi32, #tpu.memory_space<vmem>> -> memref<80xi32, #tpu.memory_space<vmem>>
        %dma_wait3A_557 = arith.constant 0 : i32
        %dma_wait3A_558 = arith.constant 0 : i32
        %dma_wait3A_559 = tpu.memref_slice %arg8[%dma_wait3A_557, %dma_wait3A_558] : memref<10240x128xf32, #tpu.memory_space<vmem_shared>> -> memref<10240x128xf32, #tpu.memory_space<vmem_shared>>
        tpu.wait_indirect_dma semaphore(%arg12 : memref<!tpu.dma_semaphore, #tpu.memory_space<semaphore_mem>>) src(%arg10 : memref<80x128xf32, #tpu.memory_space<vmem>>) dst(%dma_wait3A_559 : memref<10240x128xf32, #tpu.memory_space<vmem_shared>>)
        %mul3A_560 = arith.constant 25 : i32
        %mul3A_561 = arith.muli %mul3A_560, %scan3A_181 : i32
        %dma_wait3A_562 = arith.constant 0 : i32
        %dma_wait3A_563 = tpu.memref_slice %arg9[%mul3A_561, %dma_wait3A_562] : memref<125x80xi32, #tpu.memory_space<vmem>> -> memref<1x80xi32, #tpu.memory_space<vmem>>
        %dma_wait3A_564 = tpu.memref_squeeze %dma_wait3A_563 : memref<1x80xi32, #tpu.memory_space<vmem>> -> memref<80xi32, #tpu.memory_space<vmem>>
        %dma_wait3A_565 = arith.constant 0 : i32
        %dma_wait3A_566 = arith.constant 0 : i32
        %dma_wait3A_567 = tpu.memref_slice %arg8[%dma_wait3A_565, %dma_wait3A_566] : memref<10240x128xf32, #tpu.memory_space<vmem_shared>> -> memref<10240x128xf32, #tpu.memory_space<vmem_shared>>
        tpu.wait_indirect_dma semaphore(%arg12 : memref<!tpu.dma_semaphore, #tpu.memory_space<semaphore_mem>>) src(%arg10 : memref<80x128xf32, #tpu.memory_space<vmem>>) dst(%dma_wait3A_567 : memref<10240x128xf32, #tpu.memory_space<vmem_shared>>)
        %mul3A_568 = arith.constant 25 : i32
        %mul3A_569 = arith.muli %mul3A_568, %scan3A_181 : i32
        %dma_wait3A_570 = arith.constant 0 : i32
        %dma_wait3A_571 = tpu.memref_slice %arg9[%mul3A_569, %dma_wait3A_570] : memref<125x80xi32, #tpu.memory_space<vmem>> -> memref<1x80xi32, #tpu.memory_space<vmem>>
        %dma_wait3A_572 = tpu.memref_squeeze %dma_wait3A_571 : memref<1x80xi32, #tpu.memory_space<vmem>> -> memref<80xi32, #tpu.memory_space<vmem>>
        %dma_wait3A_573 = arith.constant 0 : i32
        %dma_wait3A_574 = arith.constant 0 : i32
        %dma_wait3A_575 = tpu.memref_slice %arg8[%dma_wait3A_573, %dma_wait3A_574] : memref<10240x128xf32, #tpu.memory_space<vmem_shared>> -> memref<10240x128xf32, #tpu.memory_space<vmem_shared>>
        tpu.wait_indirect_dma semaphore(%arg12 : memref<!tpu.dma_semaphore, #tpu.memory_space<semaphore_mem>>) src(%arg10 : memref<80x128xf32, #tpu.memory_space<vmem>>) dst(%dma_wait3A_575 : memref<10240x128xf32, #tpu.memory_space<vmem_shared>>)
        %mul3A_576 = arith.constant 25 : i32
        %mul3A_577 = arith.muli %mul3A_576, %scan3A_181 : i32
        %dma_wait3A_578 = arith.constant 0 : i32
        %dma_wait3A_579 = tpu.memref_slice %arg9[%mul3A_577, %dma_wait3A_578] : memref<125x80xi32, #tpu.memory_space<vmem>> -> memref<1x80xi32, #tpu.memory_space<vmem>>
        %dma_wait3A_580 = tpu.memref_squeeze %dma_wait3A_579 : memref<1x80xi32, #tpu.memory_space<vmem>> -> memref<80xi32, #tpu.memory_space<vmem>>
        %dma_wait3A_581 = arith.constant 0 : i32
        %dma_wait3A_582 = arith.constant 0 : i32
        %dma_wait3A_583 = tpu.memref_slice %arg8[%dma_wait3A_581, %dma_wait3A_582] : memref<10240x128xf32, #tpu.memory_space<vmem_shared>> -> memref<10240x128xf32, #tpu.memory_space<vmem_shared>>
        tpu.wait_indirect_dma semaphore(%arg12 : memref<!tpu.dma_semaphore, #tpu.memory_space<semaphore_mem>>) src(%arg10 : memref<80x128xf32, #tpu.memory_space<vmem>>) dst(%dma_wait3A_583 : memref<10240x128xf32, #tpu.memory_space<vmem_shared>>)
        %mul3A_584 = arith.constant 25 : i32
        %mul3A_585 = arith.muli %mul3A_584, %scan3A_181 : i32
        %dma_wait3A_586 = arith.constant 0 : i32
        %dma_wait3A_587 = tpu.memref_slice %arg9[%mul3A_585, %dma_wait3A_586] : memref<125x80xi32, #tpu.memory_space<vmem>> -> memref<1x80xi32, #tpu.memory_space<vmem>>
        %dma_wait3A_588 = tpu.memref_squeeze %dma_wait3A_587 : memref<1x80xi32, #tpu.memory_space<vmem>> -> memref<80xi32, #tpu.memory_space<vmem>>
        %dma_wait3A_589 = arith.constant 0 : i32
        %dma_wait3A_590 = arith.constant 0 : i32
        %dma_wait3A_591 = tpu.memref_slice %arg8[%dma_wait3A_589, %dma_wait3A_590] : memref<10240x128xf32, #tpu.memory_space<vmem_shared>> -> memref<10240x128xf32, #tpu.memory_space<vmem_shared>>
        tpu.wait_indirect_dma semaphore(%arg12 : memref<!tpu.dma_semaphore, #tpu.memory_space<semaphore_mem>>) src(%arg10 : memref<80x128xf32, #tpu.memory_space<vmem>>) dst(%dma_wait3A_591 : memref<10240x128xf32, #tpu.memory_space<vmem_shared>>)
        %mul3A_592 = arith.constant 25 : i32
        %mul3A_593 = arith.muli %mul3A_592, %scan3A_181 : i32
        %dma_wait3A_594 = arith.constant 0 : i32
        %dma_wait3A_595 = tpu.memref_slice %arg9[%mul3A_593, %dma_wait3A_594] : memref<125x80xi32, #tpu.memory_space<vmem>> -> memref<1x80xi32, #tpu.memory_space<vmem>>
        %dma_wait3A_596 = tpu.memref_squeeze %dma_wait3A_595 : memref<1x80xi32, #tpu.memory_space<vmem>> -> memref<80xi32, #tpu.memory_space<vmem>>
        %dma_wait3A_597 = arith.constant 0 : i32
        %dma_wait3A_598 = arith.constant 0 : i32
        %dma_wait3A_599 = tpu.memref_slice %arg8[%dma_wait3A_597, %dma_wait3A_598] : memref<10240x128xf32, #tpu.memory_space<vmem_shared>> -> memref<10240x128xf32, #tpu.memory_space<vmem_shared>>
        tpu.wait_indirect_dma semaphore(%arg12 : memref<!tpu.dma_semaphore, #tpu.memory_space<semaphore_mem>>) src(%arg10 : memref<80x128xf32, #tpu.memory_space<vmem>>) dst(%dma_wait3A_599 : memref<10240x128xf32, #tpu.memory_space<vmem_shared>>)
        %mul3A_600 = arith.constant 25 : i32
        %mul3A_601 = arith.muli %mul3A_600, %scan3A_181 : i32
        %dma_wait3A_602 = arith.constant 0 : i32
        %dma_wait3A_603 = tpu.memref_slice %arg9[%mul3A_601, %dma_wait3A_602] : memref<125x80xi32, #tpu.memory_space<vmem>> -> memref<1x80xi32, #tpu.memory_space<vmem>>
        %dma_wait3A_604 = tpu.memref_squeeze %dma_wait3A_603 : memref<1x80xi32, #tpu.memory_space<vmem>> -> memref<80xi32, #tpu.memory_space<vmem>>
        %dma_wait3A_605 = arith.constant 0 : i32
        %dma_wait3A_606 = arith.constant 0 : i32
        %dma_wait3A_607 = tpu.memref_slice %arg8[%dma_wait3A_605, %dma_wait3A_606] : memref<10240x128xf32, #tpu.memory_space<vmem_shared>> -> memref<10240x128xf32, #tpu.memory_space<vmem_shared>>
        tpu.wait_indirect_dma semaphore(%arg12 : memref<!tpu.dma_semaphore, #tpu.memory_space<semaphore_mem>>) src(%arg10 : memref<80x128xf32, #tpu.memory_space<vmem>>) dst(%dma_wait3A_607 : memref<10240x128xf32, #tpu.memory_space<vmem_shared>>)
        %mul3A_608 = arith.constant 25 : i32
        %mul3A_609 = arith.muli %mul3A_608, %scan3A_181 : i32
        %dma_wait3A_610 = arith.constant 0 : i32
        %dma_wait3A_611 = tpu.memref_slice %arg9[%mul3A_609, %dma_wait3A_610] : memref<125x80xi32, #tpu.memory_space<vmem>> -> memref<1x80xi32, #tpu.memory_space<vmem>>
        %dma_wait3A_612 = tpu.memref_squeeze %dma_wait3A_611 : memref<1x80xi32, #tpu.memory_space<vmem>> -> memref<80xi32, #tpu.memory_space<vmem>>
        %dma_wait3A_613 = arith.constant 0 : i32
        %dma_wait3A_614 = arith.constant 0 : i32
        %dma_wait3A_615 = tpu.memref_slice %arg8[%dma_wait3A_613, %dma_wait3A_614] : memref<10240x128xf32, #tpu.memory_space<vmem_shared>> -> memref<10240x128xf32, #tpu.memory_space<vmem_shared>>
        tpu.wait_indirect_dma semaphore(%arg12 : memref<!tpu.dma_semaphore, #tpu.memory_space<semaphore_mem>>) src(%arg10 : memref<80x128xf32, #tpu.memory_space<vmem>>) dst(%dma_wait3A_615 : memref<10240x128xf32, #tpu.memory_space<vmem_shared>>)
        %mul3A_616 = arith.constant 25 : i32
        %mul3A_617 = arith.muli %mul3A_616, %scan3A_181 : i32
        %dma_wait3A_618 = arith.constant 0 : i32
        %dma_wait3A_619 = tpu.memref_slice %arg9[%mul3A_617, %dma_wait3A_618] : memref<125x80xi32, #tpu.memory_space<vmem>> -> memref<1x80xi32, #tpu.memory_space<vmem>>
        %dma_wait3A_620 = tpu.memref_squeeze %dma_wait3A_619 : memref<1x80xi32, #tpu.memory_space<vmem>> -> memref<80xi32, #tpu.memory_space<vmem>>
        %dma_wait3A_621 = arith.constant 0 : i32
        %dma_wait3A_622 = arith.constant 0 : i32
        %dma_wait3A_623 = tpu.memref_slice %arg8[%dma_wait3A_621, %dma_wait3A_622] : memref<10240x128xf32, #tpu.memory_space<vmem_shared>> -> memref<10240x128xf32, #tpu.memory_space<vmem_shared>>
        tpu.wait_indirect_dma semaphore(%arg12 : memref<!tpu.dma_semaphore, #tpu.memory_space<semaphore_mem>>) src(%arg10 : memref<80x128xf32, #tpu.memory_space<vmem>>) dst(%dma_wait3A_623 : memref<10240x128xf32, #tpu.memory_space<vmem_shared>>)
        %mul3A_624 = arith.constant 25 : i32
        %mul3A_625 = arith.muli %mul3A_624, %scan3A_181 : i32
        %dma_wait3A_626 = arith.constant 0 : i32
        %dma_wait3A_627 = tpu.memref_slice %arg9[%mul3A_625, %dma_wait3A_626] : memref<125x80xi32, #tpu.memory_space<vmem>> -> memref<1x80xi32, #tpu.memory_space<vmem>>
        %dma_wait3A_628 = tpu.memref_squeeze %dma_wait3A_627 : memref<1x80xi32, #tpu.memory_space<vmem>> -> memref<80xi32, #tpu.memory_space<vmem>>
        %dma_wait3A_629 = arith.constant 0 : i32
        %dma_wait3A_630 = arith.constant 0 : i32
        %dma_wait3A_631 = tpu.memref_slice %arg8[%dma_wait3A_629, %dma_wait3A_630] : memref<10240x128xf32, #tpu.memory_space<vmem_shared>> -> memref<10240x128xf32, #tpu.memory_space<vmem_shared>>
        tpu.wait_indirect_dma semaphore(%arg12 : memref<!tpu.dma_semaphore, #tpu.memory_space<semaphore_mem>>) src(%arg10 : memref<80x128xf32, #tpu.memory_space<vmem>>) dst(%dma_wait3A_631 : memref<10240x128xf32, #tpu.memory_space<vmem_shared>>)
      }
      %scan3A_180 = arith.constant 5 : i32
    } else {
    }
    %barrier3A_165 = arith.constant 0 : index
    tpu.barrier barrier_id(%barrier3A_165)
    %eq3A_166 = arith.constant 0 : i32
    %eq3A_167 = arith.cmpi eq, %arg0, %eq3A_166 : i32
    %convert_element_type3A_168 = arith.extui %eq3A_167 : i1 to i32
    %cond3A_169 = arith.constant 0 : i32
    %cond3A_170 = arith.cmpi ne, %convert_element_type3A_168, %cond3A_169 : i32
    scf.if %cond3A_170 {
      %scan3A = arith.constant 0 : i32
      %scan3A_176 = arith.constant 0 : i32
      %scan3A_177 = arith.constant 16 : i32
      %scan3A_178 = arith.addi %scan3A_176, %scan3A_177 : i32
      %scan3A_179 = arith.constant 1 : i32
      scf.for %scan3A_181 = %scan3A_176 to %scan3A_178 step %scan3A_179  : i32 {
        %mul3A_182 = arith.constant 40 : i32
        %mul3A_183 = arith.muli %scan3A_181, %mul3A_182 : i32
        %add3A_184 = arith.addi %mul3A_0, %mul3A_183 : i32
        "tpu.region"() ({
          %run_scoped3A = tpu.sem_alloc : memref<!tpu.dma_semaphore, #tpu.memory_space<semaphore_mem>>
          %dma_start3A_185 = arith.constant 0 : i32
          %dma_start3A_186 = tpu.memref_slice %arg8[%add3A_184, %dma_start3A_185] : memref<10240x128xf32, #tpu.memory_space<vmem_shared>> -> memref<40x128xf32, #tpu.memory_space<vmem_shared>>
          %dma_start3A_187 = arith.constant 0 : i32
          %dma_start3A_188 = tpu.memref_slice %arg8[%add3A_184, %dma_start3A_187] : memref<10240x128xf32, #tpu.memory_space<vmem_shared>> -> memref<40x128xf32, #tpu.memory_space<vmem_shared>>
          tpu.enqueue_dma source(%dma_start3A_188 : memref<40x128xf32, #tpu.memory_space<vmem_shared>>) target(%arg11 : memref<40x128xf32, #tpu.memory_space<vmem>>) target_semaphore(%run_scoped3A : memref<!tpu.dma_semaphore, #tpu.memory_space<semaphore_mem>>)
          %dma_wait3A_189 = arith.constant 0 : i32
          %dma_wait3A_190 = tpu.memref_slice %arg8[%add3A_184, %dma_wait3A_189] : memref<10240x128xf32, #tpu.memory_space<vmem_shared>> -> memref<40x128xf32, #tpu.memory_space<vmem_shared>>
          %dma_wait3A_191 = arith.constant 0 : i32
          %dma_wait3A_192 = tpu.memref_slice %arg8[%add3A_184, %dma_wait3A_191] : memref<10240x128xf32, #tpu.memory_space<vmem_shared>> -> memref<40x128xf32, #tpu.memory_space<vmem_shared>>
          tpu.wait_dma2 semaphore(%run_scoped3A : memref<!tpu.dma_semaphore, #tpu.memory_space<semaphore_mem>>) src(%dma_wait3A_192 : memref<40x128xf32, #tpu.memory_space<vmem_shared>>) dst(%arg11 : memref<40x128xf32, #tpu.memory_space<vmem>>)
          tpu.yield
        }) : () -> ()
        "tpu.region"() ({
          %run_scoped3A = tpu.sem_alloc : memref<!tpu.dma_semaphore, #tpu.memory_space<semaphore_mem>>
          %dma_start3A_185 = arith.constant 0 : i32
          %dma_start3A_186 = tpu.memref_slice %arg6[%add3A_184, %dma_start3A_185] : memref<10240x128xf32, #tpu.memory_space<hbm>> -> memref<40x128xf32, #tpu.memory_space<hbm>>
          %dma_start3A_187 = arith.constant 0 : i32
          %dma_start3A_188 = tpu.memref_slice %arg6[%add3A_184, %dma_start3A_187] : memref<10240x128xf32, #tpu.memory_space<hbm>> -> memref<40x128xf32, #tpu.memory_space<hbm>>
          tpu.enqueue_dma source(%arg11 : memref<40x128xf32, #tpu.memory_space<vmem>>) target(%dma_start3A_188 : memref<40x128xf32, #tpu.memory_space<hbm>>) target_semaphore(%run_scoped3A : memref<!tpu.dma_semaphore, #tpu.memory_space<semaphore_mem>>)
          %dma_wait3A_189 = arith.constant 0 : i32
          %dma_wait3A_190 = tpu.memref_slice %arg6[%add3A_184, %dma_wait3A_189] : memref<10240x128xf32, #tpu.memory_space<hbm>> -> memref<40x128xf32, #tpu.memory_space<hbm>>
          %dma_wait3A_191 = arith.constant 0 : i32
          %dma_wait3A_192 = tpu.memref_slice %arg6[%add3A_184, %dma_wait3A_191] : memref<10240x128xf32, #tpu.memory_space<hbm>> -> memref<40x128xf32, #tpu.memory_space<hbm>>
          tpu.wait_dma2 semaphore(%run_scoped3A : memref<!tpu.dma_semaphore, #tpu.memory_space<semaphore_mem>>) src(%arg11 : memref<40x128xf32, #tpu.memory_space<vmem>>) dst(%dma_wait3A_192 : memref<40x128xf32, #tpu.memory_space<hbm>>)
          tpu.yield
        }) : () -> ()
      }
      %scan3A_180 = arith.constant 16 : i32
    } else {
    }
    %eq3A_171 = arith.constant 1 : i32
    %eq3A_172 = arith.cmpi eq, %arg0, %eq3A_171 : i32
    %convert_element_type3A_173 = arith.extui %eq3A_172 : i1 to i32
    %cond3A_174 = arith.constant 0 : i32
    %cond3A_175 = arith.cmpi ne, %convert_element_type3A_173, %cond3A_174 : i32
    scf.if %cond3A_175 {
      %scan3A = arith.constant 0 : i32
      %scan3A_176 = arith.constant 0 : i32
      %scan3A_177 = arith.constant 16 : i32
      %scan3A_178 = arith.addi %scan3A_176, %scan3A_177 : i32
      %scan3A_179 = arith.constant 1 : i32
      scf.for %scan3A_181 = %scan3A_176 to %scan3A_178 step %scan3A_179  : i32 {
        %mul3A_182 = arith.constant 40 : i32
        %mul3A_183 = arith.muli %scan3A_181, %mul3A_182 : i32
        %add3A_184 = arith.addi %mul3A_0, %mul3A_183 : i32
        "tpu.region"() ({
          %run_scoped3A = tpu.sem_alloc : memref<!tpu.dma_semaphore, #tpu.memory_space<semaphore_mem>>
          %dma_start3A_185 = arith.constant 0 : i32
          %dma_start3A_186 = tpu.memref_slice %arg8[%add3A_184, %dma_start3A_185] : memref<10240x128xf32, #tpu.memory_space<vmem_shared>> -> memref<40x128xf32, #tpu.memory_space<vmem_shared>>
          %dma_start3A_187 = arith.constant 0 : i32
          %dma_start3A_188 = tpu.memref_slice %arg8[%add3A_184, %dma_start3A_187] : memref<10240x128xf32, #tpu.memory_space<vmem_shared>> -> memref<40x128xf32, #tpu.memory_space<vmem_shared>>
          tpu.enqueue_dma source(%dma_start3A_188 : memref<40x128xf32, #tpu.memory_space<vmem_shared>>) target(%arg11 : memref<40x128xf32, #tpu.memory_space<vmem>>) target_semaphore(%run_scoped3A : memref<!tpu.dma_semaphore, #tpu.memory_space<semaphore_mem>>)
          %dma_wait3A_189 = arith.constant 0 : i32
          %dma_wait3A_190 = tpu.memref_slice %arg8[%add3A_184, %dma_wait3A_189] : memref<10240x128xf32, #tpu.memory_space<vmem_shared>> -> memref<40x128xf32, #tpu.memory_space<vmem_shared>>
          %dma_wait3A_191 = arith.constant 0 : i32
          %dma_wait3A_192 = tpu.memref_slice %arg8[%add3A_184, %dma_wait3A_191] : memref<10240x128xf32, #tpu.memory_space<vmem_shared>> -> memref<40x128xf32, #tpu.memory_space<vmem_shared>>
          tpu.wait_dma2 semaphore(%run_scoped3A : memref<!tpu.dma_semaphore, #tpu.memory_space<semaphore_mem>>) src(%dma_wait3A_192 : memref<40x128xf32, #tpu.memory_space<vmem_shared>>) dst(%arg11 : memref<40x128xf32, #tpu.memory_space<vmem>>)
          tpu.yield
        }) : () -> ()
        "tpu.region"() ({
          %run_scoped3A = tpu.sem_alloc : memref<!tpu.dma_semaphore, #tpu.memory_space<semaphore_mem>>
          %dma_start3A_185 = arith.constant 0 : i32
          %dma_start3A_186 = tpu.memref_slice %arg7[%add3A_184, %dma_start3A_185] : memref<10240x128xf32, #tpu.memory_space<hbm>> -> memref<40x128xf32, #tpu.memory_space<hbm>>
          %dma_start3A_187 = arith.constant 0 : i32
          %dma_start3A_188 = tpu.memref_slice %arg7[%add3A_184, %dma_start3A_187] : memref<10240x128xf32, #tpu.memory_space<hbm>> -> memref<40x128xf32, #tpu.memory_space<hbm>>
          tpu.enqueue_dma source(%arg11 : memref<40x128xf32, #tpu.memory_space<vmem>>) target(%dma_start3A_188 : memref<40x128xf32, #tpu.memory_space<hbm>>) target_semaphore(%run_scoped3A : memref<!tpu.dma_semaphore, #tpu.memory_space<semaphore_mem>>)
          %dma_wait3A_189 = arith.constant 0 : i32
          %dma_wait3A_190 = tpu.memref_slice %arg7[%add3A_184, %dma_wait3A_189] : memref<10240x128xf32, #tpu.memory_space<hbm>> -> memref<40x128xf32, #tpu.memory_space<hbm>>
          %dma_wait3A_191 = arith.constant 0 : i32
          %dma_wait3A_192 = tpu.memref_slice %arg7[%add3A_184, %dma_wait3A_191] : memref<10240x128xf32, #tpu.memory_space<hbm>> -> memref<40x128xf32, #tpu.memory_space<hbm>>
          tpu.wait_dma2 semaphore(%run_scoped3A : memref<!tpu.dma_semaphore, #tpu.memory_space<semaphore_mem>>) src(%arg11 : memref<40x128xf32, #tpu.memory_space<vmem>>) dst(%dma_wait3A_192 : memref<40x128xf32, #tpu.memory_space<hbm>>)
          tpu.yield
        }) : () -> ()
      }
      %scan3A_180 = arith.constant 16 : i32
    } else {
    }
    return
  }
}

module attributes {stable_mosaic.version = 14 : i64} {
  func.func @_tc_matmul_stats(%arg0: i32, %arg1: memref<400x128xf32, #tpu.memory_space<vmem>>, %arg2: memref<400x128xf32, #tpu.memory_space<vmem>>, %arg3: memref<400x128xf32, #tpu.memory_space<vmem>>, %arg4: memref<400x128xf32, #tpu.memory_space<vmem>>, %arg5: memref<400x128xf32, #tpu.memory_space<vmem>>, %arg6: memref<400x128xf32, #tpu.memory_space<vmem>>, %arg7: memref<256x128xf32, #tpu.memory_space<vmem>>, %arg8: memref<256x128xf32, #tpu.memory_space<vmem>>, %arg9: memref<256x128xf32, #tpu.memory_space<vmem>>, %arg10: memref<256x128xf32, #tpu.memory_space<vmem>>, %arg11: memref<400x256xf32, #tpu.memory_space<vmem>>, %arg12: memref<8x256xf32, #tpu.memory_space<vmem>>) attributes {dimension_semantics = [#tpu.dimension_semantics<arbitrary>], iteration_bounds = array<i64: 25>, scalar_prefetch = 0 : i64, scratch_operands = 0 : i64, tpu.core_type = #tpu.core_type<tc>, window_params = [{transform_indices = @transform_0, window_bounds = array<i64: 400, 128>}, {transform_indices = @transform_1, window_bounds = array<i64: 400, 128>}, {transform_indices = @transform_2, window_bounds = array<i64: 400, 128>}, {transform_indices = @transform_3, window_bounds = array<i64: 400, 128>}, {transform_indices = @transform_4, window_bounds = array<i64: 400, 128>}, {transform_indices = @transform_5, window_bounds = array<i64: 400, 128>}, {pipeline_mode = #tpu.pipeline_mode<synchronous>, transform_indices = @transform_6, window_bounds = array<i64: 256, 128>}, {pipeline_mode = #tpu.pipeline_mode<synchronous>, transform_indices = @transform_7, window_bounds = array<i64: 256, 128>}, {pipeline_mode = #tpu.pipeline_mode<synchronous>, transform_indices = @transform_8, window_bounds = array<i64: 256, 128>}, {pipeline_mode = #tpu.pipeline_mode<synchronous>, transform_indices = @transform_9, window_bounds = array<i64: 256, 128>}, {transform_indices = @transform_10, window_bounds = array<i64: 400, 256>}, {pipeline_mode = #tpu.pipeline_mode<synchronous>, transform_indices = @transform_11, window_bounds = array<i64: 8, 256>}]} {
    %get3A = arith.constant 0 : index
    %get3A_0 = arith.constant 0 : index
    %get3A_1 = vector.load %arg5[%get3A, %get3A_0] : memref<400x128xf32, #tpu.memory_space<vmem>>, vector<400x128xf32>
    %slice3A = vector.extract_strided_slice %get3A_1 {offsets = [0, 0], sizes = [400, 1], strides = [1, 1]} : vector<400x128xf32> to vector<400x1xf32>
    %max3A = arith.constant 1.000000e+00 : f32
    %max3A_2 = vector.broadcast %max3A : f32 to vector<400x1xf32>
    %max3A_3 = arith.maximumf %slice3A, %max3A_2 : vector<400x1xf32>
    %div3A = arith.constant 1.000000e+00 : f32
    %div3A_4 = vector.broadcast %div3A : f32 to vector<400x1xf32>
    %div3A_5 = arith.divf %div3A_4, %max3A_3 : vector<400x1xf32>
    %get3A_6 = arith.constant 0 : index
    %get3A_7 = arith.constant 0 : index
    %get3A_8 = vector.load %arg6[%get3A_6, %get3A_7] : memref<400x128xf32, #tpu.memory_space<vmem>>, vector<400x128xf32>
    %slice3A_9 = vector.extract_strided_slice %get3A_8 {offsets = [0, 0], sizes = [400, 1], strides = [1, 1]} : vector<400x128xf32> to vector<400x1xf32>
    %max3A_10 = arith.constant 1.000000e+00 : f32
    %max3A_11 = vector.broadcast %max3A_10 : f32 to vector<400x1xf32>
    %max3A_12 = arith.maximumf %slice3A_9, %max3A_11 : vector<400x1xf32>
    %div3A_13 = arith.constant 1.000000e+00 : f32
    %div3A_14 = vector.broadcast %div3A_13 : f32 to vector<400x1xf32>
    %div3A_15 = arith.divf %div3A_14, %max3A_12 : vector<400x1xf32>
    %get3A_16 = arith.constant 0 : index
    %get3A_17 = arith.constant 0 : index
    %get3A_18 = vector.load %arg1[%get3A_16, %get3A_17] : memref<400x128xf32, #tpu.memory_space<vmem>>, vector<400x128xf32>
    %mul3A = vector.broadcast %div3A_5 : vector<400x1xf32> to vector<400x128xf32>
    %mul3A_19 = arith.mulf %get3A_18, %mul3A : vector<400x128xf32>
    %get3A_20 = arith.constant 0 : index
    %get3A_21 = arith.constant 0 : index
    %get3A_22 = vector.load %arg7[%get3A_20, %get3A_21] : memref<256x128xf32, #tpu.memory_space<vmem>>, vector<256x128xf32>
    %dot_general3A = arith.constant dense<0.000000e+00> : vector<400x256xf32>
    %dot_general3A_23 = tpu.matmul %mul3A_19, %get3A_22, %dot_general3A {dimension_numbers = #tpu.dot_dimension_numbers<[1], [1], [0], [0], [0, 0, 1, 0], [], []>, transpose_lhs_hint = false} : vector<400x128xf32>, vector<256x128xf32>, vector<400x256xf32> -> vector<400x256xf32>
    %get3A_24 = arith.constant 0 : index
    %get3A_25 = arith.constant 0 : index
    %get3A_26 = vector.load %arg2[%get3A_24, %get3A_25] : memref<400x128xf32, #tpu.memory_space<vmem>>, vector<400x128xf32>
    %mul3A_27 = vector.broadcast %div3A_5 : vector<400x1xf32> to vector<400x128xf32>
    %mul3A_28 = arith.mulf %get3A_26, %mul3A_27 : vector<400x128xf32>
    %get3A_29 = arith.constant 0 : index
    %get3A_30 = arith.constant 0 : index
    %get3A_31 = vector.load %arg8[%get3A_29, %get3A_30] : memref<256x128xf32, #tpu.memory_space<vmem>>, vector<256x128xf32>
    %dot_general3A_32 = arith.constant dense<0.000000e+00> : vector<400x256xf32>
    %dot_general3A_33 = tpu.matmul %mul3A_28, %get3A_31, %dot_general3A_32 {dimension_numbers = #tpu.dot_dimension_numbers<[1], [1], [0], [0], [0, 0, 1, 0], [], []>, transpose_lhs_hint = false} : vector<400x128xf32>, vector<256x128xf32>, vector<400x256xf32> -> vector<400x256xf32>
    %add3A = arith.addf %dot_general3A_23, %dot_general3A_33 : vector<400x256xf32>
    %get3A_34 = arith.constant 0 : index
    %get3A_35 = arith.constant 0 : index
    %get3A_36 = vector.load %arg3[%get3A_34, %get3A_35] : memref<400x128xf32, #tpu.memory_space<vmem>>, vector<400x128xf32>
    %mul3A_37 = vector.broadcast %div3A_15 : vector<400x1xf32> to vector<400x128xf32>
    %mul3A_38 = arith.mulf %get3A_36, %mul3A_37 : vector<400x128xf32>
    %get3A_39 = arith.constant 0 : index
    %get3A_40 = arith.constant 0 : index
    %get3A_41 = vector.load %arg9[%get3A_39, %get3A_40] : memref<256x128xf32, #tpu.memory_space<vmem>>, vector<256x128xf32>
    %dot_general3A_42 = arith.constant dense<0.000000e+00> : vector<400x256xf32>
    %dot_general3A_43 = tpu.matmul %mul3A_38, %get3A_41, %dot_general3A_42 {dimension_numbers = #tpu.dot_dimension_numbers<[1], [1], [0], [0], [0, 0, 1, 0], [], []>, transpose_lhs_hint = false} : vector<400x128xf32>, vector<256x128xf32>, vector<400x256xf32> -> vector<400x256xf32>
    %add3A_44 = arith.addf %add3A, %dot_general3A_43 : vector<400x256xf32>
    %get3A_45 = arith.constant 0 : index
    %get3A_46 = arith.constant 0 : index
    %get3A_47 = vector.load %arg4[%get3A_45, %get3A_46] : memref<400x128xf32, #tpu.memory_space<vmem>>, vector<400x128xf32>
    %mul3A_48 = vector.broadcast %div3A_15 : vector<400x1xf32> to vector<400x128xf32>
    %mul3A_49 = arith.mulf %get3A_47, %mul3A_48 : vector<400x128xf32>
    %get3A_50 = arith.constant 0 : index
    %get3A_51 = arith.constant 0 : index
    %get3A_52 = vector.load %arg10[%get3A_50, %get3A_51] : memref<256x128xf32, #tpu.memory_space<vmem>>, vector<256x128xf32>
    %dot_general3A_53 = arith.constant dense<0.000000e+00> : vector<400x256xf32>
    %dot_general3A_54 = tpu.matmul %mul3A_49, %get3A_52, %dot_general3A_53 {dimension_numbers = #tpu.dot_dimension_numbers<[1], [1], [0], [0], [0, 0, 1, 0], [], []>, transpose_lhs_hint = false} : vector<400x128xf32>, vector<256x128xf32>, vector<400x256xf32> -> vector<400x256xf32>
    %add3A_55 = arith.addf %add3A_44, %dot_general3A_54 : vector<400x256xf32>
    %swap3A = arith.constant 0 : index
    %swap3A_56 = arith.constant 0 : index
    %swap3A_57 = vector.load %arg11[%swap3A, %swap3A_56] : memref<400x256xf32, #tpu.memory_space<vmem>>, vector<400x256xf32>
    tpu.vector_store %arg11[%swap3A, %swap3A_56], %add3A_55 {strides = array<i32>} : memref<400x256xf32, #tpu.memory_space<vmem>>, vector<400x256xf32>,
    %eq3A = arith.constant 0 : i32
    %eq3A_58 = arith.cmpi eq, %arg0, %eq3A : i32
    %convert_element_type3A = arith.extui %eq3A_58 : i1 to i32
    %cond3A = arith.constant 0 : i32
    %cond3A_59 = arith.cmpi ne, %convert_element_type3A, %cond3A : i32
    scf.if %cond3A_59 {
      %broadcast_in_dim3A_79 = arith.constant 0.000000e+00 : f32
      %broadcast_in_dim3A_80 = vector.broadcast %broadcast_in_dim3A_79 : f32 to vector<8x256xf32>
      %swap3A_81 = arith.constant 0 : index
      %swap3A_82 = arith.constant 0 : index
      %swap3A_83 = vector.load %arg12[%swap3A_81, %swap3A_82] : memref<8x256xf32, #tpu.memory_space<vmem>>, vector<8x256xf32>
      tpu.vector_store %arg12[%swap3A_81, %swap3A_82], %broadcast_in_dim3A_80 {strides = array<i32>} : memref<8x256xf32, #tpu.memory_space<vmem>>, vector<8x256xf32>,
    } else {
    }
    %get3A_60 = arith.constant 0 : index
    %get3A_61 = arith.constant 0 : index
    %get3A_62 = vector.load %arg12[%get3A_60, %get3A_61] : memref<8x256xf32, #tpu.memory_space<vmem>>, vector<1x256xf32>
    %reduce_sum3A = arith.constant dense<0.000000e+00> : vector<256xf32>
    %reduce_sum3A_63 = vector.multi_reduction <add>, %add3A_55, %reduce_sum3A [0] : vector<400x256xf32> to vector<256xf32>
    %broadcast_in_dim3A = vector.shape_cast %reduce_sum3A_63 : vector<256xf32> to vector<1x256xf32>
    %add3A_64 = arith.addf %get3A_62, %broadcast_in_dim3A : vector<1x256xf32>
    %swap3A_65 = arith.constant 0 : index
    %swap3A_66 = arith.constant 0 : index
    %swap3A_67 = vector.load %arg12[%swap3A_65, %swap3A_66] : memref<8x256xf32, #tpu.memory_space<vmem>>, vector<1x256xf32>
    tpu.vector_store %arg12[%swap3A_65, %swap3A_66], %add3A_64 {strides = array<i32>} : memref<8x256xf32, #tpu.memory_space<vmem>>, vector<1x256xf32>,
    %get3A_68 = arith.constant 1 : index
    %get3A_69 = arith.constant 0 : index
    %get3A_70 = vector.load %arg12[%get3A_68, %get3A_69] : memref<8x256xf32, #tpu.memory_space<vmem>>, vector<1x256xf32>
    %mul3A_71 = arith.mulf %add3A_55, %add3A_55 : vector<400x256xf32>
    %reduce_sum3A_72 = arith.constant dense<0.000000e+00> : vector<256xf32>
    %reduce_sum3A_73 = vector.multi_reduction <add>, %mul3A_71, %reduce_sum3A_72 [0] : vector<400x256xf32> to vector<256xf32>
    %broadcast_in_dim3A_74 = vector.shape_cast %reduce_sum3A_73 : vector<256xf32> to vector<1x256xf32>
    %add3A_75 = arith.addf %get3A_70, %broadcast_in_dim3A_74 : vector<1x256xf32>
    %swap3A_76 = arith.constant 1 : index
    %swap3A_77 = arith.constant 0 : index
    %swap3A_78 = vector.load %arg12[%swap3A_76, %swap3A_77] : memref<8x256xf32, #tpu.memory_space<vmem>>, vector<1x256xf32>
    tpu.vector_store %arg12[%swap3A_76, %swap3A_77], %add3A_75 {strides = array<i32>} : memref<8x256xf32, #tpu.memory_space<vmem>>, vector<1x256xf32>,
    return
  }
  func.func @transform_0(%arg0: i32) -> (i32, i32) {
    %c0_i32 = arith.constant 0 : i32
    %c0_i32_0 = arith.constant 0 : i32
    return %arg0, %c0_i32 : i32, i32
  }
  func.func @transform_1(%arg0: i32) -> (i32, i32) {
    %c0_i32 = arith.constant 0 : i32
    %c0_i32_0 = arith.constant 0 : i32
    return %arg0, %c0_i32 : i32, i32
  }
  func.func @transform_2(%arg0: i32) -> (i32, i32) {
    %c0_i32 = arith.constant 0 : i32
    %c0_i32_0 = arith.constant 0 : i32
    return %arg0, %c0_i32 : i32, i32
  }
  func.func @transform_3(%arg0: i32) -> (i32, i32) {
    %c0_i32 = arith.constant 0 : i32
    %c0_i32_0 = arith.constant 0 : i32
    return %arg0, %c0_i32 : i32, i32
  }
  func.func @transform_4(%arg0: i32) -> (i32, i32) {
    %c0_i32 = arith.constant 0 : i32
    %c0_i32_0 = arith.constant 0 : i32
    return %arg0, %c0_i32 : i32, i32
  }
  func.func @transform_5(%arg0: i32) -> (i32, i32) {
    %c0_i32 = arith.constant 0 : i32
    %c0_i32_0 = arith.constant 0 : i32
    return %arg0, %c0_i32 : i32, i32
  }
  func.func @transform_6(%arg0: i32) -> (i32, i32) {
    %c0_i32 = arith.constant 0 : i32
    %c0_i32_0 = arith.constant 0 : i32
    %c0_i32_1 = arith.constant 0 : i32
    return %c0_i32, %c0_i32_0 : i32, i32
  }
  func.func @transform_7(%arg0: i32) -> (i32, i32) {
    %c0_i32 = arith.constant 0 : i32
    %c0_i32_0 = arith.constant 0 : i32
    %c0_i32_1 = arith.constant 0 : i32
    return %c0_i32, %c0_i32_0 : i32, i32
  }
  func.func @transform_8(%arg0: i32) -> (i32, i32) {
    %c0_i32 = arith.constant 0 : i32
    %c0_i32_0 = arith.constant 0 : i32
    %c0_i32_1 = arith.constant 0 : i32
    return %c0_i32, %c0_i32_0 : i32, i32
  }
  func.func @transform_9(%arg0: i32) -> (i32, i32) {
    %c0_i32 = arith.constant 0 : i32
    %c0_i32_0 = arith.constant 0 : i32
    %c0_i32_1 = arith.constant 0 : i32
    return %c0_i32, %c0_i32_0 : i32, i32
  }
  func.func @transform_10(%arg0: i32) -> (i32, i32) {
    %c0_i32 = arith.constant 0 : i32
    %c0_i32_0 = arith.constant 0 : i32
    return %arg0, %c0_i32 : i32, i32
  }
  func.func @transform_11(%arg0: i32) -> (i32, i32) {
    %c0_i32 = arith.constant 0 : i32
    %c0_i32_0 = arith.constant 0 : i32
    %c0_i32_1 = arith.constant 0 : i32
    return %c0_i32, %c0_i32_0 : i32, i32
  }
}

module attributes {stable_mosaic.version = 14 : i64} {
  func.func @_tc_norm_residual(%arg0: i32, %arg1: memref<400x256xf32, #tpu.memory_space<vmem>>, %arg2: memref<400x256xf32, #tpu.memory_space<vmem>>, %arg3: memref<8x256xf32, #tpu.memory_space<vmem>>, %arg4: memref<1x256xf32, #tpu.memory_space<vmem>>, %arg5: memref<1x256xf32, #tpu.memory_space<vmem>>, %arg6: memref<400x256xf32, #tpu.memory_space<vmem>>) attributes {dimension_semantics = [#tpu.dimension_semantics<arbitrary>], iteration_bounds = array<i64: 25>, scalar_prefetch = 0 : i64, scratch_operands = 0 : i64, tpu.core_type = #tpu.core_type<tc>, window_params = [{transform_indices = @transform_0, window_bounds = array<i64: 400, 256>}, {transform_indices = @transform_1, window_bounds = array<i64: 400, 256>}, {pipeline_mode = #tpu.pipeline_mode<synchronous>, transform_indices = @transform_2, window_bounds = array<i64: 8, 256>}, {pipeline_mode = #tpu.pipeline_mode<synchronous>, transform_indices = @transform_3, window_bounds = array<i64: 1, 256>}, {pipeline_mode = #tpu.pipeline_mode<synchronous>, transform_indices = @transform_4, window_bounds = array<i64: 1, 256>}, {transform_indices = @transform_5, window_bounds = array<i64: 400, 256>}]} {
    %get3A = arith.constant 0 : index
    %get3A_0 = arith.constant 0 : index
    %get3A_1 = vector.load %arg3[%get3A, %get3A_0] : memref<8x256xf32, #tpu.memory_space<vmem>>, vector<1x256xf32>
    %div3A = arith.constant 1.000000e+04 : f32
    %div3A_2 = vector.broadcast %div3A : f32 to vector<1x256xf32>
    %div3A_3 = arith.divf %get3A_1, %div3A_2 : vector<1x256xf32>
    %get3A_4 = arith.constant 1 : index
    %get3A_5 = arith.constant 0 : index
    %get3A_6 = vector.load %arg3[%get3A_4, %get3A_5] : memref<8x256xf32, #tpu.memory_space<vmem>>, vector<1x256xf32>
    %div3A_7 = arith.constant 1.000000e+04 : f32
    %div3A_8 = vector.broadcast %div3A_7 : f32 to vector<1x256xf32>
    %div3A_9 = arith.divf %get3A_6, %div3A_8 : vector<1x256xf32>
    %mul3A = arith.mulf %div3A_3, %div3A_3 : vector<1x256xf32>
    %sub3A = arith.subf %div3A_9, %mul3A : vector<1x256xf32>
    %get3A_10 = arith.constant 0 : index
    %get3A_11 = arith.constant 0 : index
    %get3A_12 = vector.load %arg4[%get3A_10, %get3A_11] : memref<1x256xf32, #tpu.memory_space<vmem>>, vector<1x256xf32>
    %add3A = arith.constant 9.99999974E-6 : f32
    %add3A_13 = vector.broadcast %add3A : f32 to vector<1x256xf32>
    %add3A_14 = arith.addf %sub3A, %add3A_13 : vector<1x256xf32>
    %rsqrt3A = math.rsqrt %add3A_14 : vector<1x256xf32>
    %mul3A_15 = arith.mulf %get3A_12, %rsqrt3A : vector<1x256xf32>
    %get3A_16 = arith.constant 0 : index
    %get3A_17 = arith.constant 0 : index
    %get3A_18 = vector.load %arg1[%get3A_16, %get3A_17] : memref<400x256xf32, #tpu.memory_space<vmem>>, vector<400x256xf32>
    %sub3A_19 = vector.broadcast %div3A_3 : vector<1x256xf32> to vector<400x256xf32>
    %sub3A_20 = arith.subf %get3A_18, %sub3A_19 : vector<400x256xf32>
    %mul3A_21 = vector.broadcast %mul3A_15 : vector<1x256xf32> to vector<400x256xf32>
    %mul3A_22 = arith.mulf %sub3A_20, %mul3A_21 : vector<400x256xf32>
    %get3A_23 = arith.constant 0 : index
    %get3A_24 = arith.constant 0 : index
    %get3A_25 = vector.load %arg5[%get3A_23, %get3A_24] : memref<1x256xf32, #tpu.memory_space<vmem>>, vector<1x256xf32>
    %add3A_26 = vector.broadcast %get3A_25 : vector<1x256xf32> to vector<400x256xf32>
    %add3A_27 = arith.addf %mul3A_22, %add3A_26 : vector<400x256xf32>
    %get3A_28 = arith.constant 0 : index
    %get3A_29 = arith.constant 0 : index
    %get3A_30 = vector.load %arg2[%get3A_28, %get3A_29] : memref<400x256xf32, #tpu.memory_space<vmem>>, vector<400x256xf32>
    %add3A_31 = arith.addf %add3A_27, %get3A_30 : vector<400x256xf32>
    %swap3A = arith.constant 0 : index
    %swap3A_32 = arith.constant 0 : index
    %swap3A_33 = vector.load %arg6[%swap3A, %swap3A_32] : memref<400x256xf32, #tpu.memory_space<vmem>>, vector<400x256xf32>
    tpu.vector_store %arg6[%swap3A, %swap3A_32], %add3A_31 {strides = array<i32>} : memref<400x256xf32, #tpu.memory_space<vmem>>, vector<400x256xf32>,
    return
  }
  func.func @transform_0(%arg0: i32) -> (i32, i32) {
    %c0_i32 = arith.constant 0 : i32
    %c0_i32_0 = arith.constant 0 : i32
    return %arg0, %c0_i32 : i32, i32
  }
  func.func @transform_1(%arg0: i32) -> (i32, i32) {
    %c0_i32 = arith.constant 0 : i32
    %c0_i32_0 = arith.constant 0 : i32
    return %arg0, %c0_i32 : i32, i32
  }
  func.func @transform_2(%arg0: i32) -> (i32, i32) {
    %c0_i32 = arith.constant 0 : i32
    %c0_i32_0 = arith.constant 0 : i32
    %c0_i32_1 = arith.constant 0 : i32
    return %c0_i32, %c0_i32_0 : i32, i32
  }
  func.func @transform_3(%arg0: i32) -> (i32, i32) {
    %c0_i32 = arith.constant 0 : i32
    %c0_i32_0 = arith.constant 0 : i32
    %c0_i32_1 = arith.constant 0 : i32
    return %c0_i32, %c0_i32_0 : i32, i32
  }
  func.func @transform_4(%arg0: i32) -> (i32, i32) {
    %c0_i32 = arith.constant 0 : i32
    %c0_i32_0 = arith.constant 0 : i32
    %c0_i32_1 = arith.constant 0 : i32
    return %c0_i32, %c0_i32_0 : i32, i32
  }
  func.func @transform_5(%arg0: i32) -> (i32, i32) {
    %c0_i32 = arith.constant 0 : i32
    %c0_i32_0 = arith.constant 0 : i32
    return %arg0, %c0_i32 : i32, i32
  }
}

</mosaic_0001>

<sc_bundles>
// kernel: kernel.6.cloned.1.call-start
scs
__scs_entry_jumppad:
0x0: {  	(pc) =	sbr.rel $0x88, $3  }
0x1: {  	(tag) =	ssettag $0x0;
	lr =	simm.s32 $0x1  }
0x2: {  	[smem:$0x3F9A] =	sst lr;
	_ =	strace $0xD0000000  }
0x3: {  	_ = 	snop  }
0x4: {  	_ = 	snop  }
0x5: {  	_ = 	snop  }
0x6: {  	_ = 	snop  }
0x7: {  	_ = 	snop  }
__scs_overlays_trampoline_lowered:
0x8: {  	[smem:$0x3FA9] =	sst s0  }
0x9: {  	[smem:$0x3FAA] =	sst s1  }
0xa: {  	[smem:$0x3FAB] =	sst s2  }
0xb: {  	[smem:$0x3FAC] =	sst s3  }
0xc: {  	[smem:$0x3FAD] =	sst s4  }
0xd: {  	[smem:$0x3FAE] =	sst s5  }
0xe: {  	[smem:$0x3FAF] =	sst s6  }
0xf: {  	[smem:$0x3FB0] =	sst s7  }
0x10: {  	[smem:$0x3FB1] =	sst s8  }
0x11: {  	[smem:$0x3FB2] =	sst s9;
	s0 =	simm.s32 @!p0 $0x0  }
0x12: {  	s1 =	sld [smem:$0x3F98];
	s0 =	simm.s32 @p0 $0x1  }
0x13: {  	[smem:$0x3FB3] =	sst s0;
	s0 =	simm.s32 @!p1 $0x0  }
0x14: {  	s2 =	sld [smem:$0x3F97];
	s0 =	simm.s32 @p1 $0x1  }
0x15: {  	[smem:$0x3FB4] =	sst s0;
	s0 =	simm.s32 @!p2 $0x0  }
0x16: {  	s3 =	sld [smem:$0x3FDB];
	s0 =	simm.s32 @p2 $0x1  }
0x17: {  	s4 =	simm.s32 $0x1BF5;
	[smem:$0x3FB6] =	sst s0  }
0x18: {  	s0 =	sld [smem:$0x3F99];
	_ =	swait.ge [sflag:s4], $0x0  }
0x19: {  	s7 =	sld [smem:$0x3F9A]  }
0x1a: {  	s8 =	sadd.s32 $0xFFFFE003, lr  }
0x1b: {  	s9 =	sadd.s32 $0xFFFFFEF7, lr;
	s5 =	simm.s32 $0xFFFFFFFF;
	p2 =	slt.u32 s8, $0xFFFFF086  }
0x1c: {  	p1 =	slt.u32 s9, $0xF7A;
	s5 =	simm.s32 @!p2 $0x0  }
0x1d: {  	s5 =	simm.s32 @p1 $0x1;
	p0 =	seq.s32 s7, s2  }
0x1e: {  	s7 =	smul.u32 @!p0 $0xF7A, s2;
	p2 =	seq.s32 @!p0 s5, $0x0  }
0x1f: {  	s9 =	smul.u32 $0xF7A, s1;
	s8 =	simm.s32 @!p0 $0x1BF5;
	p2 =	por !p2, p0  }
0x20: {  	[sflag:s8] =	ssyncset.s32 @!p0 $0xFFFFF086;
	s6 =	sadd.s32 @!p0 s3, s7;
	s7 =	simm.s32 @!p0 $0x108  }
0x21: {  	s3 =	sadd.s32 s3, s9;
	s6 =	sadd.s32 @!p0 $0x88, s6;
	s7 =	simm.s32 @p2 $0x1082  }
0x22: {  	[simem:s7], [sflag:s8] =	dma.local @!p0 [hbm:s6], $0xF7A  }
0x23: {  	s9 =	sor.u32 $0xD0000000, s2;
	s6 =	simm.s32 $0x108;
	_ =	swait.ge @!p0 [sflag:s8], $0x0  }
0x24: {  	s3 =	sadd.s32 $0x88, s3;
	s6 =	simm.s32 @!p1 $0x1082;
	[sflag:s4] =	ssyncset.s32 $0xFFFFF086  }
0x25: {  	[simem:s6], [sflag:s4] =	dma.local [hbm:s3], $0xF7A  }
0x26: {  	[smem:$0x3F9A] =	sst s1;
	(tag) =	ssettag s2;
	_ =	strace s9  }
0x27: {  	s1 =	sld [smem:$0x3FAA]  }
0x28: {  	s2 =	sld [smem:$0x3FAB]  }
0x29: {  	s4 =	sld [smem:$0x3FAD]  }
0x2a: {  	p0 =	seq.s32 s5, $0x0;
	s5 =	sld [smem:$0x3FAE]  }
0x2b: {  	s6 =	sld [smem:$0x3FAF]  }
0x2c: {  	s7 =	sld [smem:$0x3FB0]  }
0x2d: {  	s3 =	simm.s32 $0x108;
	s8 =	sld [smem:$0x3FB1]  }
0x2e: {  	s3 =	simm.s32 @!p0 $0x1082;
	s9 =	sld [smem:$0x3FB2]  }
0x2f: {  	lr =	sadd.s32 s0, s3;
	s0 =	sld [smem:$0x3FA9]  }
0x30: {  	s3 =	sld [smem:$0x3FAC]  }
0x31: {  	[smem:$0x3FB5] =	sst s10  }
0x32: {  	s10 =	sld [smem:$0x3FB3];
	_ =	sdelay $0x3  }
0x33: {  	p0 =	seq.s32 s10, $0x1;
	s10 =	sld [smem:$0x3FB5];
	_ =	sdelay $0x3  }
0x34: {  	[smem:$0x3FB5] =	sst s10  }
0x35: {  	s10 =	sld [smem:$0x3FB4];
	_ =	sdelay $0x3  }
0x36: {  	p1 =	seq.s32 s10, $0x1;
	s10 =	sld [smem:$0x3FB5];
	_ =	sdelay $0x3  }
0x37: {  	[smem:$0x3FB5] =	sst s10  }
0x38: {  	s10 =	sld [smem:$0x3FB6]  }
0x39: {  	_ = 	snop;
	(pc) =	sbr.ind lr, $3  }
0x3a: {  	_ = 	snop  }
0x3b: {  	_ = 	snop  }
0x3c: {  	p2 =	seq.s32 s10, $0x1;
	s10 =	sld [smem:$0x3FB5]  }
0x3d: {  	_ =	shalt  }
0x3e: {  	_ =	shalt  }
0x3f: {  	_ =	shalt  }
0x40: {  	_ =	shalt  }
0x41: {  	_ =	shalt  }
0x42: {  	_ =	shalt  }
0x43: {  	_ =	shalt  }
0x44: {  	_ =	shalt  }
0x45: {  	_ =	shalt  }
0x46: {  	_ =	shalt  }
0x47: {  	_ =	shalt  }
0x48: {  	_ =	shalt  }
0x49: {  	_ =	shalt  }
0x4a: {  	_ =	shalt  }
0x4b: {  	_ =	shalt  }
0x4c: {  	_ =	shalt  }
0x4d: {  	_ =	shalt  }
0x4e: {  	_ =	shalt  }
0x4f: {  	_ =	shalt  }
0x50: {  	_ =	shalt  }
0x51: {  	_ =	shalt  }
0x52: {  	_ =	shalt  }
0x53: {  	_ =	shalt  }
0x54: {  	_ =	shalt  }
0x55: {  	_ =	shalt  }
0x56: {  	_ =	shalt  }
0x57: {  	_ =	shalt  }
0x58: {  	_ =	shalt  }
0x59: {  	_ =	shalt  }
0x5a: {  	_ =	shalt  }
0x5b: {  	_ =	shalt  }
0x5c: {  	_ =	shalt  }
0x5d: {  	_ =	shalt  }
0x5e: {  	_ =	shalt  }
0x5f: {  	_ =	shalt  }
0x60: {  	_ =	shalt  }
0x61: {  	_ =	shalt  }
0x62: {  	_ =	shalt  }
0x63: {  	_ =	shalt  }
0x64: {  	_ =	shalt  }
0x65: {  	_ =	shalt  }
0x66: {  	_ =	shalt  }
0x67: {  	_ =	shalt  }
0x68: {  	_ =	shalt  }
0x69: {  	_ =	shalt  }
0x6a: {  	_ =	shalt  }
0x6b: {  	_ =	shalt  }
0x6c: {  	_ =	shalt  }
0x6d: {  	_ =	shalt  }
0x6e: {  	_ =	shalt  }
0x6f: {  	_ =	shalt  }
0x70: {  	_ =	shalt  }
0x71: {  	_ =	shalt  }
0x72: {  	_ =	shalt  }
0x73: {  	_ =	shalt  }
0x74: {  	_ =	shalt  }
0x75: {  	_ =	shalt  }
0x76: {  	_ =	shalt  }
0x77: {  	_ =	shalt  }
0x78: {  	_ =	shalt  }
0x79: {  	_ =	shalt  }
0x7a: {  	_ =	shalt  }
0x7b: {  	_ =	shalt  }
0x7c: {  	_ =	shalt  }
0x7d: {  	_ =	shalt  }
0x7e: {  	_ =	shalt  }
0x7f: {  	_ =	shalt  }
0x80: {  	_ =	shalt  }
0x81: {  	_ =	shalt  }
0x82: {  	_ =	shalt  }
0x83: {  	_ =	shalt  }
0x84: {  	_ =	shalt  }
0x85: {  	_ =	shalt  }
0x86: {  	_ =	shalt  }
0x87: {  	_ =	shalt  }
.Lfunc_end0:
.L_simem_size_0:
called_computation_lowered:
.L_overlay_start_0:
0x88: {  	s2 =	sld [smem:$0x3FD9]  }
0x89: {  	s3 =	sld [smem:$0x3FFE];
	_ =	sdelay $0x1  }
0x8a: {  	s1 =	srdreg.scid  }
0x8b: {  	s0 =	sand.u32 $0x1, s1  }
0x8c: {  	s17 =	sshll.u32 s0, $0xA;
	s2 =	sadd.s32 s3, s2  }
0x8d: {  	s2 =	sadd.s32 s2, s17  }
0x8e: {  	[smem:$0x3FC1] =	sst s2  }
0x8f: {  	_ = 	snop  }
0x90: {  	s2 =	sld [smem:$0x3FD0];
	(tm) =	ssettm $0x1  }
0x91: {  	s18 =	sld [smem:$0x3FFB];
	_ =	sdelay $0x3  }
0x92: {  	_ =	strace s18  }
0x93: {  	s3 =	sld [smem:$0x3FFC];
	_ =	sdelay $0x3  }
0x94: {  	_ =	strace s3  }
0x95: {  	s3 =	sld [smem:$0x3FFD];
	_ =	sdelay $0x3  }
0x96: {  	_ =	strace s3  }
0x97: {  	_ =	strace $0x8FFFFFFF  }
0x98: {  	s19 =	sld [smem:$0x3FDB];
	_ =	sdelay $0x1  }
0x99: {  	s4 =	simm.s32 $_scs_section_size  }
0x9a: {  	s5 =	simm.s32 $_size__tile_overlayer_lowered;
	s6 =	simm.s32 $_tile_overlayer_lowered  }
0x9b: {  	s22 =	simm.s32 $0x1BFF;
	s21 =	sshll.u32 s6, $0x1;
	s3 =	sadd.s32 s4, s19  }
0x9c: {  	s7 =	simm.s32 $0x0;
	s20 =	sshll.u32 s5, $0x1;
	s5 =	sadd.s32 s21, s3  }
0x9d: {  	[timem:s7], [sflag:s22] =	dma.local [hbm:s5], s20  }
0x9e: {  	_ =	swait.ge [sflag:s22], s20  }
0x9f: {  	s4 =	ssub.s32 $0x0, s20;
	[sflag:s22] =	ssyncset.done $0x0  }
0xa0: {  	[sflag:s22] =	ssyncadd.s32 s4;
	_ =	sdelay $0x1  }
0xa1: {  	s23 =	simm.s32 $0x1B8B  }
0xa2: {  	_ =	swait.ge [sflag:s23], $0x1  }
0xa3: {  	[sflag:s23] =	ssyncset.done $0x0  }
0xa4: {  	s25 =	simm.s32 $0x1B8E;
	s24 =	sld [smem:$0x3FFE];
	[sflag:s23] =	ssyncadd.s32 $0xFFFFFFFF  }
0xa5: {  	s26 =	simm.s32 $execute0_lowered;
	[smem:$0x3FD2] =	sst s25  }
0xa6: {  	s5 =	sshll.u32 s26, $0x1;
	_ =	strace $0x80000046;
	[dreg:$0x1] =	wrdreg $0xFFFFFFFF  }
0xa7: {  	s28 =	simm.s32 $_size_execute0_lowered;
	s3 =	sadd.s32 s3, s5;
	[dreg:$0x0] =	wrdreg $0x0  }
0xa8: {  	s5 =	sshll.u32 s28, $0x1;
	[dreg:$0x2] =	wrdreg s3  }
0xa9: {  	[dreg:$0x3] =	wrdreg s5  }
0xaa: {  	[dreg:$0x4] =	wrdreg $0xC0  }
0xab: {  	_ =	task [dreg:s7], $0x5FFFF  }
0xac: {  	[dreg:$0x1] =	wrdreg $0xFFFFFFFF  }
0xad: {  	[dreg:$0x0] =	wrdreg $0x60  }
0xae: {  	[dreg:$0x2] =	wrdreg s24  }
0xaf: {  	[dreg:$0x3] =	wrdreg s2  }
0xb0: {  	[dreg:$0x4] =	wrdreg $0x0  }
0xb1: {  	[dreg:$0x5] =	wrdreg $0x9  }
0xb2: {  	_ =	task.clear_ibuf [dreg:s7], $0x6FFFF;
	_ =	strace $0x90000046  }
0xb3: {  	s29 =	simm.s32 $0x9;
	_ =	strace $0x80000048  }
0xb4: {  	_ =	swait.ge [sflag:s29], $0x1  }
0xb5: {  	[sflag:s29] =	ssyncadd.s32 $0xFFFFFFFF  }
0xb6: {  	_ =	strace $0x90000048  }
0xb7: {  	_ =	sfence  }
0xb8: {  	s30 =	sld [smem:$0x0];
	_ =	sdelay $0x2  }
0xb9: {  	s31 =	sshll.u32 s1, $0xD;
	s1 =	sshrl.u32 s1, $0x2  }
0xba: {  	s3 =	sand.u32 $0x4000, s31;
	s1 =	sadd.s32 s1, s30  }
0xbb: {  	s0 =	sor.u32 s3, s0;
	s1 =	sshll.u32 s1, $0x11  }
0xbc: {  	s0 =	sor.u32 s1, s0  }
0xbd: {  	s0 =	sadd.s32 $0x8F2B, s0  }
0xbe: {  	[sflag:s0] =	ssyncadd.remote.s32 $0x1  }
0xbf: {  	_ =	sfence.sel $0xFFFF  }
0xc0: {  	[dreg:$0x0] =	wrdreg $0xFFFFFFFF;
	(pc) =	sbr.abs _section_cstart, $3  }
0xc1: {  	[dreg:$0x1] =	wrdreg $0xFFFFFFFF  }
0xc2: {  	_ =	task.clear_ibuf [dreg:s7], $0x2FFFF;
	_ =	strace $0x9FFFFFFF  }
0xc3: {  	(tm) =	ssettm $0x7FFFFFFF  }
tec
execute0_lowered:
.L_overlay_start_1:
0x0: {  	(tag) =	ssettag $0x1  }
0x1: {  	s0 =	rddreg [dreg:$0x0]  }
0x2: {  	s25 =	stileid.u32;
	s3 =	rddreg [dreg:$0x1]  }
0x3: {  	s1 =	simm.s32 $0x0;
	s7 =	srdreg.scid;
	s2 =	sshrl.u32 s25, $0x3  }
0x4: {  	[smem:$0x7FF] =	sst s1;
	s24 =	sshll.u32 s25, $0x7;
	s5 =	sadd.s32 $0x39400, s0  }
0x5: {  	s7 =	sand.u32 $0x1, s7;
	s8 =	sadd.s32 $0x6AC00, s0;
	s9 =	smul.u32 $0x280, s25  }
0x6: {  	s10 =	sadd.s32 $0x92C00, s0;
	s11 =	sadd.s32 $0xBAC00, s0;
	s4 =	smul.u32 $0x13C00, s2  }
0x7: {  	s6 =	sand.u32 $0x380, s24;
	s2 =	sadd.s32 $0x12200, s0;
	s26 =	ssub.s32 $0x2, s7  }
0x8: {  	p0 =	seq.s32 s7, $0x0;
	s7 =	smul.u32 $0x2800, s25;
	s12 =	sshrl.u32 s26, $0x1  }
0x9: {  	s13 =	sadd.s32 $0xA0, s9;
	s14 =	sadd.s32 $0xF0, s9;
	s15 =	sadd.s32 $0x140, s9  }
0xa: {  	s16 =	sadd.s32 $0x190, s9;
	s17 =	sadd.s32 $0x1E0, s9;
	s8 =	smov.u32 @p0 s3  }
0xb: {  	s2 =	smov.u32 @p0 s5;
	s11 =	smov.u32 @p0 s10;
	s6 =	sor.u32 s6, s4  }
0xc: {  	s4 =	ssub.s32 s26, s12;
	s12 =	sor.u32 $0x50, s9;
	s9 =	sadd.s32 $0x230, s9  }
0xd: {  	s19 =	sshll.u32 s13, $0x4;
	s20 =	sshll.u32 s14, $0x4;
	s21 =	sshll.u32 s15, $0x4  }
0xe: {  	s22 =	sshll.u32 s16, $0x4;
	s23 =	sshll.u32 s17, $0x4;
	s3 =	sadd.s32 s8, s7  }
0xf: {  	s13 =	sshll.u32 s13, $0x7;
	[dreg:$0x4] =	wrdreg s3;
	s26 =	sadd.s32 s8, s19  }
0x10: {  	s14 =	sshll.u32 s14, $0x7;
	s10 =	sadd.s32 s8, s21;
	[dreg:$0x6] =	wrdreg s26  }
0x11: {  	s15 =	sshll.u32 s15, $0x7;
	s19 =	sadd.s32 s11, s19;
	[dreg:$0x8] =	wrdreg s10  }
0x12: {  	s16 =	sshll.u32 s16, $0x7;
	s21 =	sadd.s32 s11, s21;
	[dreg:$0xe] =	wrdreg s19  }
0x13: {  	s18 =	sshll.u32 s12, $0x4;
	s24 =	sshll.u32 s9, $0x4;
	[dreg:$0x10] =	wrdreg s21  }
0x14: {  	s12 =	sshll.u32 s12, $0x7;
	s5 =	sadd.s32 s8, s18;
	s19 =	rddreg [dreg:$0x2]  }
0x15: {  	s4 =	smax.u32 s4, $0x1;
	s26 =	sadd.s32 s8, s22;
	[dreg:$0x5] =	wrdreg s5  }
0x16: {  	s10 =	sadd.s32 s11, s7;
	s18 =	sadd.s32 s11, s18;
	[dreg:$0x9] =	wrdreg s26  }
0x17: {  	s7 =	sadd.s32 s11, s24;
	s21 =	sadd.s32 $0x6A600, s0;
	[dreg:$0xc] =	wrdreg s10  }
0x18: {  	s5 =	sadd.s32 s8, s20;
	[dreg:$0xd] =	wrdreg s18;
	s20 =	sadd.s32 s11, s20  }
0x19: {  	s26 =	sadd.s32 s11, s22;
	[dreg:$0x13] =	wrdreg s7;
	s10 =	sshrl.u32 s6, $0x3  }
0x1a: {  	s18 =	sshll.u32 s17, $0x7;
	s28 =	sadd.s32 s16, s19;
	s7 =	simm.s32 $0x14000  }
0x1b: {  	s16 =	simm.s32 $0x1A580;
	s17 =	simm.s32 $0x0;
	[dreg:$0x7] =	wrdreg s5  }
0x1c: {  	s5 =	sadd.s32 s8, s23;
	s8 =	sadd.s32 s8, s24;
	[dreg:$0xf] =	wrdreg s20  }
0x1d: {  	[dreg:$0x11] =	wrdreg s26;
	s24 =	sadd.s32 s13, s19;
	s26 =	sadd.s32 s15, s19  }
0x1e: {  	s29 =	sadd.s32 s18, s19;
	s20 =	sshll.u32 s9, $0x7;
	s9 =	simm.s32 $0x1A780  }
0x1f: {  	s13 =	simm.s32 $0x50;
	s15 =	simm.s32 $0x1CF80;
	[dreg:$0xa] =	wrdreg s5  }
0x20: {  	[dreg:$0xb] =	wrdreg s8;
	s5 =	sadd.s32 s11, s23;
	s8 =	smul.u32 $0x50000, s25  }
0x21: {  	s11 =	sshll.u32 s25, $0xB;
	s23 =	sadd.s32 s12, s19;
	s25 =	sadd.s32 s14, s19  }
0x22: {  	s30 =	sadd.s32 s20, s19;
	s12 =	simm.s32 $0x2;
	[dreg:$0x12] =	wrdreg s5  }
0x23: {  	s5 =	sadd.s32 s10, s0;
	s6 =	sadd.s32 s11, s0;
	s10 =	simm.s32 $0x3  }
0x24: {  	s11 =	simm.s32 $0x1;
	_ =	strace $0x80000047;
	s3 =	sshrl.u32 s8, $0x2  }
0x25: {  	s31 =	sadd.s32 $0x60600, s5;
	s14 =	sadd.s32 $0x65600, s5;
	s0 =	sadd.s32 $0x2200, s6  }
0x26: {  	s8 =	simm.s32 $0x16780;
	s22 =	sadd.s32 s3, s19;
	s3 =	sadd.s32 $0xA200, s6  }
.LBB2_1:
0x27: {  	s5 =	simm.s32 $0x80;
	s6 =	simm.s32 $0x400  }
0x28: {  	[tilespmem:s7], [sflag:$0x2] =	stream.strided.gather [hbm4b:s31+s5], $0x2780, s6, s5, $0x38;
	[tilespmem:$0x1F780] =	vst v63  }
0x29: {  	_ = 	snop  }
0x2a: {  	[tilespmem:s8], [sflag:$0x2] =	stream.linear.gather [hbm4b:s0+s1], $0x3E80, $0x38;
	[tilespmem:$0x1F780] =	vst v63  }
0x2b: {  	_ = 	snop  }
0x2c: {  	[tilespmem:s9], [sflag:$0x3] =	stream.linear.gather [hbm4b:s21+s1], $0x2800, $0x38;
	[tilespmem:$0x1F780] =	vst v63  }
0x2d: {  	_ =	swait.ge [sflag:s10], $0x2800  }
0x2e: {  	[sflag:s10] =	ssyncset.done $0x0  }
0x2f: {  	[sflag:s10] =	ssyncadd.s32 $0xFFFFD800  }
0x30: {  	[spmem:s22] =	stream.linear.scatter [tilespmem:s9], [sflag:$0x1], $0x2800, $0x38;
	[tilespmem:$0x1F780] =	vst v63  }
0x31: {  	_ = 	snop  }
0x32: {  	[spmem:s23] =	stream.linear.scatter [tilespmem:s9], [sflag:$0x1], $0x2800, $0x38;
	[tilespmem:$0x1F780] =	vst v63  }
0x33: {  	_ = 	snop  }
0x34: {  	[spmem:s24] =	stream.linear.scatter [tilespmem:s9], [sflag:$0x1], $0x2800, $0x38;
	[tilespmem:$0x1F780] =	vst v63  }
0x35: {  	_ = 	snop  }
0x36: {  	[spmem:s25] =	stream.linear.scatter [tilespmem:s9], [sflag:$0x1], $0x2800, $0x38;
	[tilespmem:$0x1F780] =	vst v63  }
0x37: {  	_ = 	snop  }
0x38: {  	[spmem:s26] =	stream.linear.scatter [tilespmem:s9], [sflag:$0x1], $0x2800, $0x38;
	[tilespmem:$0x1F780] =	vst v63  }
0x39: {  	_ = 	snop  }
0x3a: {  	[spmem:s28] =	stream.linear.scatter [tilespmem:s9], [sflag:$0x1], $0x2800, $0x38;
	[tilespmem:$0x1F780] =	vst v63  }
0x3b: {  	_ = 	snop  }
0x3c: {  	[spmem:s29] =	stream.linear.scatter [tilespmem:s9], [sflag:$0x1], $0x2800, $0x38;
	[tilespmem:$0x1F780] =	vst v63  }
0x3d: {  	_ = 	snop  }
0x3e: {  	[spmem:s30] =	stream.linear.scatter [tilespmem:s9], [sflag:$0x1], $0x2800, $0x38;
	[tilespmem:$0x1F780] =	vst v63  }
0x3f: {  	_ =	swait.ge [sflag:s11], $0x2800  }
0x40: {  	[sflag:s11] =	ssyncset.done $0x0  }
0x41: {  	[sflag:s11] =	ssyncadd.s32 $0xFFFFD800  }
0x42: {  	_ =	swait.ge [sflag:s11], $0x2800  }
0x43: {  	[sflag:s11] =	ssyncset.done $0x0  }
0x44: {  	[sflag:s11] =	ssyncadd.s32 $0xFFFFD800  }
0x45: {  	_ =	swait.ge [sflag:s11], $0x2800  }
0x46: {  	[sflag:s11] =	ssyncset.done $0x0  }
0x47: {  	[sflag:s11] =	ssyncadd.s32 $0xFFFFD800  }
0x48: {  	_ =	swait.ge [sflag:s11], $0x2800  }
0x49: {  	[sflag:s11] =	ssyncset.done $0x0  }
0x4a: {  	[sflag:s11] =	ssyncadd.s32 $0xFFFFD800  }
0x4b: {  	_ =	swait.ge [sflag:s11], $0x2800  }
0x4c: {  	[sflag:s11] =	ssyncset.done $0x0  }
0x4d: {  	[sflag:s11] =	ssyncadd.s32 $0xFFFFD800  }
0x4e: {  	_ =	swait.ge [sflag:s11], $0x2800  }
0x4f: {  	[sflag:s11] =	ssyncset.done $0x0  }
0x50: {  	[sflag:s11] =	ssyncadd.s32 $0xFFFFD800  }
0x51: {  	_ =	swait.ge [sflag:s11], $0x2800  }
0x52: {  	[sflag:s11] =	ssyncset.done $0x0  }
0x53: {  	[sflag:s11] =	ssyncadd.s32 $0xFFFFD800  }
0x54: {  	_ =	swait.ge [sflag:s11], $0x2800  }
0x55: {  	[sflag:s11] =	ssyncset.done $0x0  }
0x56: {  	[sflag:s11] =	ssyncadd.s32 $0xFFFFD800  }
0x57: {  	_ =	swait.ge [sflag:s12], $0x2780  }
0x58: {  	[sflag:s12] =	ssyncset.done $0x0  }
0x59: {  	[sflag:s12] =	ssyncadd.s32 $0xFFFFD880  }
0x5a: {  	_ =	swait.ge [sflag:s12], $0x3E80  }
0x5b: {  	[sflag:s12] =	ssyncset.done $0x0  }
0x5c: {  	[sflag:s12] =	ssyncadd.s32 $0xFFFFC180  }
0x5d: {  	[bflag:$0x0] =	sbarrier.arrive $0xFFFF  }
0x5e: {  	[tilespmem:s9], [sflag:$0x1] =	stream.indirect.gather [hbm4b:s2+s13], $0x80, s7, s13, $0xb8;
	[tilespmem:$0x1F780] =	vst v63  }
0x5f: {  	_ =	swait.ge [sflag:s11], $0x2800  }
0x60: {  	[sflag:s11] =	ssyncset.done $0x0  }
0x61: {  	s18 =	simm.s32 $0x14050;
	[sflag:s11] =	ssyncadd.s32 $0xFFFFD800  }
0x62: {  	[tilespmem:s15], [sflag:$0x2] =	stream.indirect.gather [hbm4b:s2+s13], $0x80, s18, s13, $0xb8;
	[tilespmem:$0x1F780] =	vst v63  }
0x63: {  	s20 =	simm.s32 $0x16780  }
0x64: {  	[spmem:s19] =	stream.indirect.scatter.add.f32 [tilespmem:s9], [sflag:$0x3], $0x80, s20, s13, $0xb8;
	[tilespmem:$0x1F780] =	vst v63  }
0x65: {  	_ =	swait.ge [sflag:s10], $0x2800  }
0x66: {  	[sflag:s10] =	ssyncset.done $0x0  }
0x67: {  	[sflag:s10] =	ssyncadd.s32 $0xFFFFD800  }
0x68: {  	_ =	swait.ge [sflag:s12], $0x2800  }
0x69: {  	[sflag:s12] =	ssyncset.done $0x0  }
0x6a: {  	s18 =	simm.s32 $0x140A0;
	[sflag:s12] =	ssyncadd.s32 $0xFFFFD800  }
0x6b: {  	[tilespmem:s9], [sflag:$0x1] =	stream.indirect.gather [hbm4b:s2+s13], $0x80, s18, s13, $0xb8;
	[tilespmem:$0x1F780] =	vst v63  }
0x6c: {  	s20 =	simm.s32 $0x16800  }
0x6d: {  	[spmem:s19] =	stream.indirect.scatter.add.f32 [tilespmem:s15], [sflag:$0x3], $0x80, s20, s13, $0xb8;
	[tilespmem:$0x1F780] =	vst v63  }
0x6e: {  	_ =	swait.ge [sflag:s10], $0x2800  }
0x6f: {  	s20 =	simm.s32 $0x400;
	[sflag:s10] =	ssyncset.done $0x0  }
.LBB2_2:
0x70: {  	p0 =	sne.s32 s20, $0xF400;
	[sflag:s10] =	ssyncadd.s32 $0xFFFFD800;
	s18 =	sadd.s32 $0xA0, s18  }
0x71: {  	s5 =	smov.u32 s20;
	s20 =	sadd.s32 $0x400, s20  }
0x72: {  	_ =	swait.ge [sflag:s11], $0x2800  }
0x73: {  	[sflag:s11] =	ssyncset.done $0x0  }
0x74: {  	s6 =	sadd.s32 $0xFFFFFFB0, s18;
	s5 =	sshra.s32 s5, $0x2;
	[sflag:s11] =	ssyncadd.s32 $0xFFFFD800  }
0x75: {  	[tilespmem:s15], [sflag:$0x2] =	stream.indirect.gather [hbm4b:s2+s13], $0x80, s6, s13, $0xb8;
	[tilespmem:$0x1F780] =	vst v63  }
0x76: {  	s6 =	sadd.s32 $0x16780, s5  }
0x77: {  	[spmem:s19] =	stream.indirect.scatter.add.f32 [tilespmem:s9], [sflag:$0x3], $0x80, s6, s13, $0xb8;
	[tilespmem:$0x1F780] =	vst v63  }
0x78: {  	_ =	swait.ge [sflag:s10], $0x2800  }
0x79: {  	[sflag:s10] =	ssyncset.done $0x0  }
0x7a: {  	[sflag:s10] =	ssyncadd.s32 $0xFFFFD800  }
0x7b: {  	_ =	swait.ge [sflag:s12], $0x2800  }
0x7c: {  	[sflag:s12] =	ssyncset.done $0x0  }
0x7d: {  	[sflag:s12] =	ssyncadd.s32 $0xFFFFD800  }
0x7e: {  	[tilespmem:s9], [sflag:$0x1] =	stream.indirect.gather [hbm4b:s2+s13], $0x80, s18, s13, $0xb8;
	[tilespmem:$0x1F780] =	vst v63  }
.Ltmp0:
0x7f: {  	_ = 	snop;
	(pc) =	sbr.rel @p0 .LBB2_2-.Ltmp0, $4  }
0x80: {  	s5 =	sadd.s32 $0x16800, s5  }
0x81: {  	[spmem:s19] =	stream.indirect.scatter.add.f32 [tilespmem:s15], [sflag:$0x3], $0x80, s5, s13, $0xb8;
	[tilespmem:$0x1F780] =	vst v63  }
0x82: {  	_ =	swait.ge [sflag:s10], $0x2800  }
0x83: {  	[sflag:s10] =	ssyncset.done $0x0  }
0x84: {  	[sflag:s10] =	ssyncadd.s32 $0xFFFFD800  }
0x85: {  	_ =	swait.ge [sflag:s11], $0x2800  }
0x86: {  	[sflag:s11] =	ssyncset.done $0x0  }
0x87: {  	[sflag:s11] =	ssyncadd.s32 $0xFFFFD800  }
0x88: {  	[spmem:s19] =	stream.indirect.scatter.add.f32 [tilespmem:s9], [sflag:$0x3], $0x80, s16, s13, $0xb8;
	[tilespmem:$0x1F780] =	vst v63  }
0x89: {  	_ =	swait.ge [sflag:s10], $0x2800  }
0x8a: {  	[sflag:s10] =	ssyncset.done $0x0  }
0x8b: {  	[sflag:s10] =	ssyncadd.s32 $0xFFFFD800  }
0x8c: {  	[bflag:$0x0] =	sbarrier.arrive $0xFFFF  }
0x8d: {  	[tilespmem:s9], [sflag:$0x1] =	stream.linear.gather [spmem:s22], $0x2800, $0x38;
	[tilespmem:$0x1F780] =	vst v63  }
0x8e: {  	_ =	swait.ge [sflag:s11], $0x2800  }
0x8f: {  	[sflag:s11] =	ssyncset.done $0x0  }
0x90: {  	s18 =	simm.s32 $0x0;
	s5 =	rddreg [dreg:$0x4];
	[sflag:s11] =	ssyncadd.s32 $0xFFFFD800  }
0x91: {  	[hbm4b:s5+s18] =	stream.linear.scatter [tilespmem:s9], [sflag:$0x2], $0x2800, $0x38;
	[tilespmem:$0x1F780] =	vst v63  }
0x92: {  	_ = 	snop  }
0x93: {  	[tilespmem:s15], [sflag:$0x1] =	stream.linear.gather [spmem:s23], $0x2800, $0x38;
	[tilespmem:$0x1F780] =	vst v63  }
0x94: {  	_ =	swait.ge [sflag:s11], $0x2800  }
0x95: {  	[sflag:s11] =	ssyncset.done $0x0  }
0x96: {  	s6 =	rddreg [dreg:$0x5];
	[sflag:s11] =	ssyncadd.s32 $0xFFFFD800  }
0x97: {  	[hbm4b:s6+s18] =	stream.linear.scatter [tilespmem:s15], [sflag:$0x2], $0x2800, $0x38;
	[tilespmem:$0x1F780] =	vst v63  }
0x98: {  	_ = 	snop  }
0x99: {  	[tilespmem:s9], [sflag:$0x1] =	stream.linear.gather [spmem:s24], $0x2800, $0x38;
	[tilespmem:$0x1F780] =	vst v63  }
0x9a: {  	_ =	swait.ge [sflag:s11], $0x2800  }
0x9b: {  	[sflag:s11] =	ssyncset.done $0x0  }
0x9c: {  	[sflag:s11] =	ssyncadd.s32 $0xFFFFD800  }
0x9d: {  	_ =	swait.ge [sflag:s12], $0x2800  }
0x9e: {  	[sflag:s12] =	ssyncset.done $0x0  }
0x9f: {  	s20 =	rddreg [dreg:$0x6];
	[sflag:s12] =	ssyncadd.s32 $0xFFFFD800  }
0xa0: {  	[hbm4b:s20+s18] =	stream.linear.scatter [tilespmem:s9], [sflag:$0x2], $0x2800, $0x38;
	[tilespmem:$0x1F780] =	vst v63  }
0xa1: {  	_ = 	snop  }
0xa2: {  	[tilespmem:s15], [sflag:$0x1] =	stream.linear.gather [spmem:s25], $0x2800, $0x38;
	[tilespmem:$0x1F780] =	vst v63  }
0xa3: {  	_ =	swait.ge [sflag:s11], $0x2800  }
0xa4: {  	[sflag:s11] =	ssyncset.done $0x0  }
0xa5: {  	[sflag:s11] =	ssyncadd.s32 $0xFFFFD800  }
0xa6: {  	_ =	swait.ge [sflag:s12], $0x2800  }
0xa7: {  	[sflag:s12] =	ssyncset.done $0x0  }
0xa8: {  	s6 =	rddreg [dreg:$0x7];
	[sflag:s12] =	ssyncadd.s32 $0xFFFFD800  }
0xa9: {  	[hbm4b:s6+s18] =	stream.linear.scatter [tilespmem:s15], [sflag:$0x2], $0x2800, $0x38;
	[tilespmem:$0x1F780] =	vst v63  }
0xaa: {  	_ = 	snop  }
0xab: {  	[tilespmem:s9], [sflag:$0x1] =	stream.linear.gather [spmem:s26], $0x2800, $0x38;
	[tilespmem:$0x1F780] =	vst v63  }
0xac: {  	_ =	swait.ge [sflag:s11], $0x2800  }
0xad: {  	[sflag:s11] =	ssyncset.done $0x0  }
0xae: {  	[sflag:s11] =	ssyncadd.s32 $0xFFFFD800  }
0xaf: {  	_ =	swait.ge [sflag:s12], $0x2800  }
0xb0: {  	[sflag:s12] =	ssyncset.done $0x0  }
0xb1: {  	s20 =	rddreg [dreg:$0x8];
	[sflag:s12] =	ssyncadd.s32 $0xFFFFD800  }
0xb2: {  	[hbm4b:s20+s18] =	stream.linear.scatter [tilespmem:s9], [sflag:$0x2], $0x2800, $0x38;
	[tilespmem:$0x1F780] =	vst v63  }
0xb3: {  	_ = 	snop  }
0xb4: {  	[tilespmem:s15], [sflag:$0x1] =	stream.linear.gather [spmem:s28], $0x2800, $0x38;
	[tilespmem:$0x1F780] =	vst v63  }
0xb5: {  	_ =	swait.ge [sflag:s11], $0x2800  }
0xb6: {  	[sflag:s11] =	ssyncset.done $0x0  }
0xb7: {  	[sflag:s11] =	ssyncadd.s32 $0xFFFFD800  }
0xb8: {  	_ =	swait.ge [sflag:s12], $0x2800  }
0xb9: {  	[sflag:s12] =	ssyncset.done $0x0  }
0xba: {  	s6 =	rddreg [dreg:$0x9];
	[sflag:s12] =	ssyncadd.s32 $0xFFFFD800  }
0xbb: {  	[hbm4b:s6+s18] =	stream.linear.scatter [tilespmem:s15], [sflag:$0x2], $0x2800, $0x38;
	[tilespmem:$0x1F780] =	vst v63  }
0xbc: {  	_ = 	snop  }
0xbd: {  	[tilespmem:s9], [sflag:$0x1] =	stream.linear.gather [spmem:s29], $0x2800, $0x38;
	[tilespmem:$0x1F780] =	vst v63  }
0xbe: {  	_ =	swait.ge [sflag:s11], $0x2800  }
0xbf: {  	[sflag:s11] =	ssyncset.done $0x0  }
0xc0: {  	[sflag:s11] =	ssyncadd.s32 $0xFFFFD800  }
0xc1: {  	_ =	swait.ge [sflag:s12], $0x2800  }
0xc2: {  	[sflag:s12] =	ssyncset.done $0x0  }
0xc3: {  	s20 =	rddreg [dreg:$0xa];
	[sflag:s12] =	ssyncadd.s32 $0xFFFFD800  }
0xc4: {  	[hbm4b:s20+s18] =	stream.linear.scatter [tilespmem:s9], [sflag:$0x2], $0x2800, $0x38;
	[tilespmem:$0x1F780] =	vst v63  }
0xc5: {  	_ = 	snop  }
0xc6: {  	[tilespmem:s15], [sflag:$0x1] =	stream.linear.gather [spmem:s30], $0x2800, $0x38;
	[tilespmem:$0x1F780] =	vst v63  }
0xc7: {  	_ =	swait.ge [sflag:s11], $0x2800  }
0xc8: {  	[sflag:s11] =	ssyncset.done $0x0  }
0xc9: {  	[sflag:s11] =	ssyncadd.s32 $0xFFFFD800  }
0xca: {  	_ =	swait.ge [sflag:s12], $0x2800  }
0xcb: {  	[sflag:s12] =	ssyncset.done $0x0  }
0xcc: {  	s6 =	rddreg [dreg:$0xb];
	[sflag:s12] =	ssyncadd.s32 $0xFFFFD800  }
0xcd: {  	[hbm4b:s6+s18] =	stream.linear.scatter [tilespmem:s15], [sflag:$0x2], $0x2800, $0x38;
	[tilespmem:$0x1F780] =	vst v63  }
0xce: {  	_ =	swait.ge [sflag:s12], $0x2800  }
0xcf: {  	[sflag:s12] =	ssyncset.done $0x0  }
0xd0: {  	[sflag:s12] =	ssyncadd.s32 $0xFFFFD800  }
0xd1: {  	_ =	swait.ge [sflag:s12], $0x2800  }
0xd2: {  	[sflag:s12] =	ssyncset.done $0x0  }
0xd3: {  	[sflag:s12] =	ssyncadd.s32 $0xFFFFD800  }
0xd4: {  	s20 =	simm.s32 $0x80;
	s6 =	simm.s32 $0x400;
	[bflag:$0x0] =	sbarrier.arrive $0xFFFF  }
0xd5: {  	[tilespmem:s7], [sflag:$0x2] =	stream.strided.gather [hbm4b:s14+s20], $0x2780, s6, s20, $0x38;
	[tilespmem:$0x1F780] =	vst v63  }
0xd6: {  	_ = 	snop  }
0xd7: {  	[tilespmem:s8], [sflag:$0x2] =	stream.linear.gather [hbm4b:s3+s18], $0x3E80, $0x38;
	[tilespmem:$0x1F780] =	vst v63  }
0xd8: {  	_ = 	snop  }
0xd9: {  	[tilespmem:s9], [sflag:$0x3] =	stream.linear.gather [hbm4b:s21+s18], $0x2800, $0x38;
	[tilespmem:$0x1F780] =	vst v63  }
0xda: {  	_ =	swait.ge [sflag:s10], $0x2800  }
0xdb: {  	[sflag:s10] =	ssyncset.done $0x0  }
0xdc: {  	[sflag:s10] =	ssyncadd.s32 $0xFFFFD800  }
0xdd: {  	[spmem:s22] =	stream.linear.scatter [tilespmem:s9], [sflag:$0x1], $0x2800, $0x38;
	[tilespmem:$0x1F780] =	vst v63  }
0xde: {  	_ = 	snop  }
0xdf: {  	[spmem:s23] =	stream.linear.scatter [tilespmem:s9], [sflag:$0x1], $0x2800, $0x38;
	[tilespmem:$0x1F780] =	vst v63  }
0xe0: {  	_ = 	snop  }
0xe1: {  	[spmem:s24] =	stream.linear.scatter [tilespmem:s9], [sflag:$0x1], $0x2800, $0x38;
	[tilespmem:$0x1F780] =	vst v63  }
0xe2: {  	_ = 	snop  }
0xe3: {  	[spmem:s25] =	stream.linear.scatter [tilespmem:s9], [sflag:$0x1], $0x2800, $0x38;
	[tilespmem:$0x1F780] =	vst v63  }
0xe4: {  	_ = 	snop  }
0xe5: {  	[spmem:s26] =	stream.linear.scatter [tilespmem:s9], [sflag:$0x1], $0x2800, $0x38;
	[tilespmem:$0x1F780] =	vst v63  }
0xe6: {  	_ = 	snop  }
0xe7: {  	[spmem:s28] =	stream.linear.scatter [tilespmem:s9], [sflag:$0x1], $0x2800, $0x38;
	[tilespmem:$0x1F780] =	vst v63  }
0xe8: {  	_ = 	snop  }
0xe9: {  	[spmem:s29] =	stream.linear.scatter [tilespmem:s9], [sflag:$0x1], $0x2800, $0x38;
	[tilespmem:$0x1F780] =	vst v63  }
0xea: {  	_ = 	snop  }
0xeb: {  	[spmem:s30] =	stream.linear.scatter [tilespmem:s9], [sflag:$0x1], $0x2800, $0x38;
	[tilespmem:$0x1F780] =	vst v63  }
0xec: {  	_ =	swait.ge [sflag:s11], $0x2800  }
0xed: {  	[sflag:s11] =	ssyncset.done $0x0  }
0xee: {  	[sflag:s11] =	ssyncadd.s32 $0xFFFFD800  }
0xef: {  	_ =	swait.ge [sflag:s11], $0x2800  }
0xf0: {  	[sflag:s11] =	ssyncset.done $0x0  }
0xf1: {  	[sflag:s11] =	ssyncadd.s32 $0xFFFFD800  }
0xf2: {  	_ =	swait.ge [sflag:s11], $0x2800  }
0xf3: {  	[sflag:s11] =	ssyncset.done $0x0  }
0xf4: {  	[sflag:s11] =	ssyncadd.s32 $0xFFFFD800  }
0xf5: {  	_ =	swait.ge [sflag:s11], $0x2800  }
0xf6: {  	[sflag:s11] =	ssyncset.done $0x0  }
0xf7: {  	[sflag:s11] =	ssyncadd.s32 $0xFFFFD800  }
0xf8: {  	_ =	swait.ge [sflag:s11], $0x2800  }
0xf9: {  	[sflag:s11] =	ssyncset.done $0x0  }
0xfa: {  	[sflag:s11] =	ssyncadd.s32 $0xFFFFD800  }
0xfb: {  	_ =	swait.ge [sflag:s11], $0x2800  }
0xfc: {  	[sflag:s11] =	ssyncset.done $0x0  }
0xfd: {  	[sflag:s11] =	ssyncadd.s32 $0xFFFFD800  }
0xfe: {  	_ =	swait.ge [sflag:s11], $0x2800  }
0xff: {  	[sflag:s11] =	ssyncset.done $0x0  }
0x100: {  	[sflag:s11] =	ssyncadd.s32 $0xFFFFD800  }
0x101: {  	_ =	swait.ge [sflag:s11], $0x2800  }
0x102: {  	[sflag:s11] =	ssyncset.done $0x0  }
0x103: {  	[sflag:s11] =	ssyncadd.s32 $0xFFFFD800  }
0x104: {  	_ =	swait.ge [sflag:s12], $0x2780  }
0x105: {  	[sflag:s12] =	ssyncset.done $0x0  }
0x106: {  	[sflag:s12] =	ssyncadd.s32 $0xFFFFD880  }
0x107: {  	_ =	swait.ge [sflag:s12], $0x3E80  }
0x108: {  	[sflag:s12] =	ssyncset.done $0x0  }
0x109: {  	[sflag:s12] =	ssyncadd.s32 $0xFFFFC180  }
0x10a: {  	[bflag:$0x0] =	sbarrier.arrive $0xFFFF  }
0x10b: {  	[tilespmem:s9], [sflag:$0x1] =	stream.indirect.gather [hbm4b:s2+s13], $0x80, s7, s13, $0xb8;
	[tilespmem:$0x1F780] =	vst v63  }
0x10c: {  	_ =	swait.ge [sflag:s11], $0x2800  }
0x10d: {  	[sflag:s11] =	ssyncset.done $0x0  }
0x10e: {  	s6 =	simm.s32 $0x14050;
	[sflag:s11] =	ssyncadd.s32 $0xFFFFD800  }
0x10f: {  	[tilespmem:s15], [sflag:$0x2] =	stream.indirect.gather [hbm4b:s2+s13], $0x80, s6, s13, $0xb8;
	[tilespmem:$0x1F780] =	vst v63  }
0x110: {  	s18 =	simm.s32 $0x16780  }
0x111: {  	[spmem:s19] =	stream.indirect.scatter.add.f32 [tilespmem:s9], [sflag:$0x3], $0x80, s18, s13, $0xb8;
	[tilespmem:$0x1F780] =	vst v63  }
0x112: {  	_ =	swait.ge [sflag:s10], $0x2800  }
0x113: {  	[sflag:s10] =	ssyncset.done $0x0  }
0x114: {  	[sflag:s10] =	ssyncadd.s32 $0xFFFFD800  }
0x115: {  	_ =	swait.ge [sflag:s12], $0x2800  }
0x116: {  	[sflag:s12] =	ssyncset.done $0x0  }
0x117: {  	s18 =	simm.s32 $0x140A0;
	[sflag:s12] =	ssyncadd.s32 $0xFFFFD800  }
0x118: {  	[tilespmem:s9], [sflag:$0x1] =	stream.indirect.gather [hbm4b:s2+s13], $0x80, s18, s13, $0xb8;
	[tilespmem:$0x1F780] =	vst v63  }
0x119: {  	s20 =	simm.s32 $0x16800  }
0x11a: {  	[spmem:s19] =	stream.indirect.scatter.add.f32 [tilespmem:s15], [sflag:$0x3], $0x80, s20, s13, $0xb8;
	[tilespmem:$0x1F780] =	vst v63  }
0x11b: {  	_ =	swait.ge [sflag:s10], $0x2800  }
0x11c: {  	s20 =	simm.s32 $0x400;
	[sflag:s10] =	ssyncset.done $0x0  }
.LBB2_4:
0x11d: {  	p0 =	sne.s32 s20, $0xF400;
	[sflag:s10] =	ssyncadd.s32 $0xFFFFD800;
	s18 =	sadd.s32 $0xA0, s18  }
0x11e: {  	s5 =	smov.u32 s20;
	s20 =	sadd.s32 $0x400, s20  }
0x11f: {  	_ =	swait.ge [sflag:s11], $0x2800  }
0x120: {  	[sflag:s11] =	ssyncset.done $0x0  }
0x121: {  	s6 =	sadd.s32 $0xFFFFFFB0, s18;
	s5 =	sshra.s32 s5, $0x2;
	[sflag:s11] =	ssyncadd.s32 $0xFFFFD800  }
0x122: {  	[tilespmem:s15], [sflag:$0x2] =	stream.indirect.gather [hbm4b:s2+s13], $0x80, s6, s13, $0xb8;
	[tilespmem:$0x1F780] =	vst v63  }
0x123: {  	s6 =	sadd.s32 $0x16780, s5  }
0x124: {  	[spmem:s19] =	stream.indirect.scatter.add.f32 [tilespmem:s9], [sflag:$0x3], $0x80, s6, s13, $0xb8;
	[tilespmem:$0x1F780] =	vst v63  }
0x125: {  	_ =	swait.ge [sflag:s10], $0x2800  }
0x126: {  	[sflag:s10] =	ssyncset.done $0x0  }
0x127: {  	[sflag:s10] =	ssyncadd.s32 $0xFFFFD800  }
0x128: {  	_ =	swait.ge [sflag:s12], $0x2800  }
0x129: {  	[sflag:s12] =	ssyncset.done $0x0  }
0x12a: {  	[sflag:s12] =	ssyncadd.s32 $0xFFFFD800  }
0x12b: {  	[tilespmem:s9], [sflag:$0x1] =	stream.indirect.gather [hbm4b:s2+s13], $0x80, s18, s13, $0xb8;
	[tilespmem:$0x1F780] =	vst v63  }
.Ltmp1:
0x12c: {  	_ = 	snop;
	(pc) =	sbr.rel @p0 .LBB2_4-.Ltmp1, $4  }
0x12d: {  	s5 =	sadd.s32 $0x16800, s5  }
0x12e: {  	[spmem:s19] =	stream.indirect.scatter.add.f32 [tilespmem:s15], [sflag:$0x3], $0x80, s5, s13, $0xb8;
	[tilespmem:$0x1F780] =	vst v63  }
0x12f: {  	_ =	swait.ge [sflag:s10], $0x2800  }
0x130: {  	[sflag:s10] =	ssyncset.done $0x0  }
0x131: {  	[sflag:s10] =	ssyncadd.s32 $0xFFFFD800  }
0x132: {  	_ =	swait.ge [sflag:s11], $0x2800  }
0x133: {  	[sflag:s11] =	ssyncset.done $0x0  }
0x134: {  	[sflag:s11] =	ssyncadd.s32 $0xFFFFD800  }
0x135: {  	[spmem:s19] =	stream.indirect.scatter.add.f32 [tilespmem:s9], [sflag:$0x3], $0x80, s16, s13, $0xb8;
	[tilespmem:$0x1F780] =	vst v63  }
0x136: {  	_ =	swait.ge [sflag:s10], $0x2800  }
0x137: {  	[sflag:s10] =	ssyncset.done $0x0  }
0x138: {  	[sflag:s10] =	ssyncadd.s32 $0xFFFFD800  }
0x139: {  	[bflag:$0x0] =	sbarrier.arrive $0xFFFF  }
0x13a: {  	[tilespmem:s9], [sflag:$0x1] =	stream.linear.gather [spmem:s22], $0x2800, $0x38;
	[tilespmem:$0x1F780] =	vst v63  }
0x13b: {  	_ =	swait.ge [sflag:s11], $0x2800  }
0x13c: {  	[sflag:s11] =	ssyncset.done $0x0  }
0x13d: {  	s5 =	rddreg [dreg:$0xc];
	[sflag:s11] =	ssyncadd.s32 $0xFFFFD800  }
0x13e: {  	[hbm4b:s5+s1] =	stream.linear.scatter [tilespmem:s9], [sflag:$0x2], $0x2800, $0x38;
	[tilespmem:$0x1F780] =	vst v63  }
0x13f: {  	_ = 	snop  }
0x140: {  	[tilespmem:s15], [sflag:$0x1] =	stream.linear.gather [spmem:s23], $0x2800, $0x38;
	[tilespmem:$0x1F780] =	vst v63  }
0x141: {  	_ =	swait.ge [sflag:s11], $0x2800  }
0x142: {  	[sflag:s11] =	ssyncset.done $0x0  }
0x143: {  	s20 =	rddreg [dreg:$0xd];
	[sflag:s11] =	ssyncadd.s32 $0xFFFFD800  }
0x144: {  	[hbm4b:s20+s1] =	stream.linear.scatter [tilespmem:s15], [sflag:$0x2], $0x2800, $0x38;
	[tilespmem:$0x1F780] =	vst v63  }
0x145: {  	_ = 	snop  }
0x146: {  	[tilespmem:s9], [sflag:$0x1] =	stream.linear.gather [spmem:s24], $0x2800, $0x38;
	[tilespmem:$0x1F780] =	vst v63  }
0x147: {  	_ =	swait.ge [sflag:s11], $0x2800  }
0x148: {  	[sflag:s11] =	ssyncset.done $0x0  }
0x149: {  	[sflag:s11] =	ssyncadd.s32 $0xFFFFD800  }
0x14a: {  	_ =	swait.ge [sflag:s12], $0x2800  }
0x14b: {  	[sflag:s12] =	ssyncset.done $0x0  }
0x14c: {  	s6 =	rddreg [dreg:$0xe];
	[sflag:s12] =	ssyncadd.s32 $0xFFFFD800  }
0x14d: {  	[hbm4b:s6+s1] =	stream.linear.scatter [tilespmem:s9], [sflag:$0x2], $0x2800, $0x38;
	[tilespmem:$0x1F780] =	vst v63  }
0x14e: {  	_ = 	snop  }
0x14f: {  	[tilespmem:s15], [sflag:$0x1] =	stream.linear.gather [spmem:s25], $0x2800, $0x38;
	[tilespmem:$0x1F780] =	vst v63  }
0x150: {  	_ =	swait.ge [sflag:s11], $0x2800  }
0x151: {  	[sflag:s11] =	ssyncset.done $0x0  }
0x152: {  	[sflag:s11] =	ssyncadd.s32 $0xFFFFD800  }
0x153: {  	_ =	swait.ge [sflag:s12], $0x2800  }
0x154: {  	[sflag:s12] =	ssyncset.done $0x0  }
0x155: {  	s18 =	rddreg [dreg:$0xf];
	[sflag:s12] =	ssyncadd.s32 $0xFFFFD800  }
0x156: {  	[hbm4b:s18+s1] =	stream.linear.scatter [tilespmem:s15], [sflag:$0x2], $0x2800, $0x38;
	[tilespmem:$0x1F780] =	vst v63  }
0x157: {  	_ = 	snop  }
0x158: {  	[tilespmem:s9], [sflag:$0x1] =	stream.linear.gather [spmem:s26], $0x2800, $0x38;
	[tilespmem:$0x1F780] =	vst v63  }
0x159: {  	_ =	swait.ge [sflag:s11], $0x2800  }
0x15a: {  	[sflag:s11] =	ssyncset.done $0x0  }
0x15b: {  	[sflag:s11] =	ssyncadd.s32 $0xFFFFD800  }
0x15c: {  	_ =	swait.ge [sflag:s12], $0x2800  }
0x15d: {  	[sflag:s12] =	ssyncset.done $0x0  }
0x15e: {  	s20 =	rddreg [dreg:$0x10];
	[sflag:s12] =	ssyncadd.s32 $0xFFFFD800  }
0x15f: {  	[hbm4b:s20+s1] =	stream.linear.scatter [tilespmem:s9], [sflag:$0x2], $0x2800, $0x38;
	[tilespmem:$0x1F780] =	vst v63  }
0x160: {  	_ = 	snop  }
0x161: {  	[tilespmem:s15], [sflag:$0x1] =	stream.linear.gather [spmem:s28], $0x2800, $0x38;
	[tilespmem:$0x1F780] =	vst v63  }
0x162: {  	_ =	swait.ge [sflag:s11], $0x2800  }
0x163: {  	[sflag:s11] =	ssyncset.done $0x0  }
0x164: {  	[sflag:s11] =	ssyncadd.s32 $0xFFFFD800  }
0x165: {  	_ =	swait.ge [sflag:s12], $0x2800  }
0x166: {  	[sflag:s12] =	ssyncset.done $0x0  }
0x167: {  	s6 =	rddreg [dreg:$0x11];
	[sflag:s12] =	ssyncadd.s32 $0xFFFFD800  }
0x168: {  	[hbm4b:s6+s1] =	stream.linear.scatter [tilespmem:s15], [sflag:$0x2], $0x2800, $0x38;
	[tilespmem:$0x1F780] =	vst v63  }
0x169: {  	_ = 	snop  }
0x16a: {  	[tilespmem:s9], [sflag:$0x1] =	stream.linear.gather [spmem:s29], $0x2800, $0x38;
	[tilespmem:$0x1F780] =	vst v63  }
0x16b: {  	_ =	swait.ge [sflag:s11], $0x2800  }
0x16c: {  	[sflag:s11] =	ssyncset.done $0x0  }
0x16d: {  	[sflag:s11] =	ssyncadd.s32 $0xFFFFD800  }
0x16e: {  	_ =	swait.ge [sflag:s12], $0x2800  }
0x16f: {  	[sflag:s12] =	ssyncset.done $0x0  }
0x170: {  	s18 =	rddreg [dreg:$0x12];
	[sflag:s12] =	ssyncadd.s32 $0xFFFFD800  }
0x171: {  	[hbm4b:s18+s1] =	stream.linear.scatter [tilespmem:s9], [sflag:$0x2], $0x2800, $0x38;
	[tilespmem:$0x1F780] =	vst v63  }
0x172: {  	_ = 	snop  }
0x173: {  	[tilespmem:s15], [sflag:$0x1] =	stream.linear.gather [spmem:s30], $0x2800, $0x38;
	[tilespmem:$0x1F780] =	vst v63  }
0x174: {  	_ =	swait.ge [sflag:s11], $0x2800  }
0x175: {  	[sflag:s11] =	ssyncset.done $0x0  }
0x176: {  	[sflag:s11] =	ssyncadd.s32 $0xFFFFD800  }
0x177: {  	_ =	swait.ge [sflag:s12], $0x2800  }
0x178: {  	[sflag:s12] =	ssyncset.done $0x0  }
0x179: {  	s20 =	rddreg [dreg:$0x13];
	[sflag:s12] =	ssyncadd.s32 $0xFFFFD800  }
0x17a: {  	[hbm4b:s20+s1] =	stream.linear.scatter [tilespmem:s15], [sflag:$0x2], $0x2800, $0x38;
	[tilespmem:$0x1F780] =	vst v63  }
0x17b: {  	_ =	swait.ge [sflag:s12], $0x2800  }
0x17c: {  	s17 =	sadd.s32 $0x1, s17;
	[sflag:s12] =	ssyncset.done $0x0  }
0x17d: {  	p0 =	sne.s32 s17, s4;
	[sflag:s12] =	ssyncadd.s32 $0xFFFFD800  }
.Ltmp2:
0x17e: {  	_ =	swait.ge [sflag:s12], $0x2800;
	(pc) =	sbr.rel @p0 .LBB2_1-.Ltmp2, $3  }
0x17f: {  	[sflag:s12] =	ssyncset.done $0x0  }
0x180: {  	[sflag:s12] =	ssyncadd.s32 $0xFFFFD800  }
0x181: {  	[bflag:$0x0] =	sbarrier.arrive $0xFFFF;
	_ =	sdelay $0x1  }
0x182: {  	_ =	sfence.sel $0x180000  }
0x183: {  	[bflag:$0x0] =	sbarrier.arrive $0xFFFF  }
0x184: {  	_ =	strace $0x90000047  }
0x185: {  	s0 =	stileid.u32;
	[bflag:$0x2] =	sbarrier.arrive $0xFFFF  }
0x186: {  	p0 =	sne.s32 s0, $0x0;
	s0 =	rddreg [dreg:$0x3]  }
0x187: {  	s0 =	sadd.s32 @!p0 $0x100000, s0  }
0x188: {  	[sflag:s0] =	ssyncadd.tile.s32 @!p0 $0x1;
	_ =	shalt  }
.Lfunc_end2:
_tile_overlayer_lowered:
.L_overlay_start_2:
0x189: {  	(tag) =	ssettag $0x2  }
0x18a: {  	s0 =	rddreg [dreg:$0x0];
	s2 =	stileid.u32  }
0x18b: {  	s1 =	rddreg [dreg:$0x1];
	p0 =	sne.s32 s2, $0x0  }
0x18c: {  	s3 =	rddreg [dreg:$0x2];
	[bflag:$0x3] =	sbarrier.arrive $0xFFFF;
	s2 =	simm.s32 @!p0 $0x1C03  }
0x18d: {  	[timem:s3], [sflag:s2] =	dma.local @!p0 [hbm:s0], s1  }
0x18e: {  	s0 =	simm.s32 @!p0 $0x3  }
0x18f: {  	_ =	swait.ge @!p0 [sflag:s0], s1  }
0x190: {  	s1 =	ssub.s32 @!p0 $0x0, s1;
	[sflag:s0] =	ssyncset.done @!p0 $0x0  }
0x191: {  	[sflag:s0] =	ssyncadd.s32 @!p0 s1  }
0x192: {  	[bflag:$0x3] =	sbarrier.arrive $0xFFFF  }
0x193: {  	_ =	shalt  }

// kernel: kernel.9.cloned.1.call-start
scs
__scs_entry_jumppad:
0x0: {  	(pc) =	sbr.rel $0x88, $3  }
0x1: {  	(tag) =	ssettag $0x0;
	lr =	simm.s32 $0x1  }
0x2: {  	[smem:$0x3F9A] =	sst lr;
	_ =	strace $0xD0000000  }
0x3: {  	_ = 	snop  }
0x4: {  	_ = 	snop  }
0x5: {  	_ = 	snop  }
0x6: {  	_ = 	snop  }
0x7: {  	_ = 	snop  }
__scs_overlays_trampoline_lowered:
0x8: {  	[smem:$0x3FA9] =	sst s0  }
0x9: {  	[smem:$0x3FAA] =	sst s1  }
0xa: {  	[smem:$0x3FAB] =	sst s2  }
0xb: {  	[smem:$0x3FAC] =	sst s3  }
0xc: {  	[smem:$0x3FAD] =	sst s4  }
0xd: {  	[smem:$0x3FAE] =	sst s5  }
0xe: {  	[smem:$0x3FAF] =	sst s6  }
0xf: {  	[smem:$0x3FB0] =	sst s7  }
0x10: {  	[smem:$0x3FB1] =	sst s8  }
0x11: {  	[smem:$0x3FB2] =	sst s9;
	s0 =	simm.s32 @!p0 $0x0  }
0x12: {  	s1 =	sld [smem:$0x3F98];
	s0 =	simm.s32 @p0 $0x1  }
0x13: {  	[smem:$0x3FB3] =	sst s0;
	s0 =	simm.s32 @!p1 $0x0  }
0x14: {  	s2 =	sld [smem:$0x3F97];
	s0 =	simm.s32 @p1 $0x1  }
0x15: {  	[smem:$0x3FB4] =	sst s0;
	s0 =	simm.s32 @!p2 $0x0  }
0x16: {  	s3 =	sld [smem:$0x3FDB];
	s0 =	simm.s32 @p2 $0x1  }
0x17: {  	s4 =	simm.s32 $0x1BF5;
	[smem:$0x3FB6] =	sst s0  }
0x18: {  	s0 =	sld [smem:$0x3F99];
	_ =	swait.ge [sflag:s4], $0x0  }
0x19: {  	s7 =	sld [smem:$0x3F9A]  }
0x1a: {  	s8 =	sadd.s32 $0xFFFFE003, lr  }
0x1b: {  	s9 =	sadd.s32 $0xFFFFFEF7, lr;
	s5 =	simm.s32 $0xFFFFFFFF;
	p2 =	slt.u32 s8, $0xFFFFF086  }
0x1c: {  	p1 =	slt.u32 s9, $0xF7A;
	s5 =	simm.s32 @!p2 $0x0  }
0x1d: {  	s5 =	simm.s32 @p1 $0x1;
	p0 =	seq.s32 s7, s2  }
0x1e: {  	s7 =	smul.u32 @!p0 $0xF7A, s2;
	p2 =	seq.s32 @!p0 s5, $0x0  }
0x1f: {  	s9 =	smul.u32 $0xF7A, s1;
	s8 =	simm.s32 @!p0 $0x1BF5;
	p2 =	por !p2, p0  }
0x20: {  	[sflag:s8] =	ssyncset.s32 @!p0 $0xFFFFF086;
	s6 =	sadd.s32 @!p0 s3, s7;
	s7 =	simm.s32 @!p0 $0x108  }
0x21: {  	s3 =	sadd.s32 s3, s9;
	s6 =	sadd.s32 @!p0 $0x88, s6;
	s7 =	simm.s32 @p2 $0x1082  }
0x22: {  	[simem:s7], [sflag:s8] =	dma.local @!p0 [hbm:s6], $0xF7A  }
0x23: {  	s9 =	sor.u32 $0xD0000000, s2;
	s6 =	simm.s32 $0x108;
	_ =	swait.ge @!p0 [sflag:s8], $0x0  }
0x24: {  	s3 =	sadd.s32 $0x88, s3;
	s6 =	simm.s32 @!p1 $0x1082;
	[sflag:s4] =	ssyncset.s32 $0xFFFFF086  }
0x25: {  	[simem:s6], [sflag:s4] =	dma.local [hbm:s3], $0xF7A  }
0x26: {  	[smem:$0x3F9A] =	sst s1;
	(tag) =	ssettag s2;
	_ =	strace s9  }
0x27: {  	s1 =	sld [smem:$0x3FAA]  }
0x28: {  	s2 =	sld [smem:$0x3FAB]  }
0x29: {  	s4 =	sld [smem:$0x3FAD]  }
0x2a: {  	p0 =	seq.s32 s5, $0x0;
	s5 =	sld [smem:$0x3FAE]  }
0x2b: {  	s6 =	sld [smem:$0x3FAF]  }
0x2c: {  	s7 =	sld [smem:$0x3FB0]  }
0x2d: {  	s3 =	simm.s32 $0x108;
	s8 =	sld [smem:$0x3FB1]  }
0x2e: {  	s3 =	simm.s32 @!p0 $0x1082;
	s9 =	sld [smem:$0x3FB2]  }
0x2f: {  	lr =	sadd.s32 s0, s3;
	s0 =	sld [smem:$0x3FA9]  }
0x30: {  	s3 =	sld [smem:$0x3FAC]  }
0x31: {  	[smem:$0x3FB5] =	sst s10  }
0x32: {  	s10 =	sld [smem:$0x3FB3];
	_ =	sdelay $0x3  }
0x33: {  	p0 =	seq.s32 s10, $0x1;
	s10 =	sld [smem:$0x3FB5];
	_ =	sdelay $0x3  }
0x34: {  	[smem:$0x3FB5] =	sst s10  }
0x35: {  	s10 =	sld [smem:$0x3FB4];
	_ =	sdelay $0x3  }
0x36: {  	p1 =	seq.s32 s10, $0x1;
	s10 =	sld [smem:$0x3FB5];
	_ =	sdelay $0x3  }
0x37: {  	[smem:$0x3FB5] =	sst s10  }
0x38: {  	s10 =	sld [smem:$0x3FB6]  }
0x39: {  	_ = 	snop;
	(pc) =	sbr.ind lr, $3  }
0x3a: {  	_ = 	snop  }
0x3b: {  	_ = 	snop  }
0x3c: {  	p2 =	seq.s32 s10, $0x1;
	s10 =	sld [smem:$0x3FB5]  }
0x3d: {  	_ =	shalt  }
0x3e: {  	_ =	shalt  }
0x3f: {  	_ =	shalt  }
0x40: {  	_ =	shalt  }
0x41: {  	_ =	shalt  }
0x42: {  	_ =	shalt  }
0x43: {  	_ =	shalt  }
0x44: {  	_ =	shalt  }
0x45: {  	_ =	shalt  }
0x46: {  	_ =	shalt  }
0x47: {  	_ =	shalt  }
0x48: {  	_ =	shalt  }
0x49: {  	_ =	shalt  }
0x4a: {  	_ =	shalt  }
0x4b: {  	_ =	shalt  }
0x4c: {  	_ =	shalt  }
0x4d: {  	_ =	shalt  }
0x4e: {  	_ =	shalt  }
0x4f: {  	_ =	shalt  }
0x50: {  	_ =	shalt  }
0x51: {  	_ =	shalt  }
0x52: {  	_ =	shalt  }
0x53: {  	_ =	shalt  }
0x54: {  	_ =	shalt  }
0x55: {  	_ =	shalt  }
0x56: {  	_ =	shalt  }
0x57: {  	_ =	shalt  }
0x58: {  	_ =	shalt  }
0x59: {  	_ =	shalt  }
0x5a: {  	_ =	shalt  }
0x5b: {  	_ =	shalt  }
0x5c: {  	_ =	shalt  }
0x5d: {  	_ =	shalt  }
0x5e: {  	_ =	shalt  }
0x5f: {  	_ =	shalt  }
0x60: {  	_ =	shalt  }
0x61: {  	_ =	shalt  }
0x62: {  	_ =	shalt  }
0x63: {  	_ =	shalt  }
0x64: {  	_ =	shalt  }
0x65: {  	_ =	shalt  }
0x66: {  	_ =	shalt  }
0x67: {  	_ =	shalt  }
0x68: {  	_ =	shalt  }
0x69: {  	_ =	shalt  }
0x6a: {  	_ =	shalt  }
0x6b: {  	_ =	shalt  }
0x6c: {  	_ =	shalt  }
0x6d: {  	_ =	shalt  }
0x6e: {  	_ =	shalt  }
0x6f: {  	_ =	shalt  }
0x70: {  	_ =	shalt  }
0x71: {  	_ =	shalt  }
0x72: {  	_ =	shalt  }
0x73: {  	_ =	shalt  }
0x74: {  	_ =	shalt  }
0x75: {  	_ =	shalt  }
0x76: {  	_ =	shalt  }
0x77: {  	_ =	shalt  }
0x78: {  	_ =	shalt  }
0x79: {  	_ =	shalt  }
0x7a: {  	_ =	shalt  }
0x7b: {  	_ =	shalt  }
0x7c: {  	_ =	shalt  }
0x7d: {  	_ =	shalt  }
0x7e: {  	_ =	shalt  }
0x7f: {  	_ =	shalt  }
0x80: {  	_ =	shalt  }
0x81: {  	_ =	shalt  }
0x82: {  	_ =	shalt  }
0x83: {  	_ =	shalt  }
0x84: {  	_ =	shalt  }
0x85: {  	_ =	shalt  }
0x86: {  	_ =	shalt  }
0x87: {  	_ =	shalt  }
.Lfunc_end0:
.L_simem_size_0:
called_computation.1_lowered:
.L_overlay_start_0:
0x88: {  	s2 =	sld [smem:$0x3FD9]  }
0x89: {  	s3 =	sld [smem:$0x3FFE];
	_ =	sdelay $0x1  }
0x8a: {  	s1 =	srdreg.scid  }
0x8b: {  	s0 =	sand.u32 $0x1, s1  }
0x8c: {  	s17 =	sshll.u32 s0, $0xA;
	s2 =	sadd.s32 s3, s2  }
0x8d: {  	s2 =	sadd.s32 s2, s17  }
0x8e: {  	[smem:$0x3FC1] =	sst s2  }
0x8f: {  	_ = 	snop  }
0x90: {  	(tm) =	ssettm $0x1  }
0x91: {  	s18 =	sld [smem:$0x3FFB];
	_ =	sdelay $0x3  }
0x92: {  	_ =	strace s18  }
0x93: {  	s2 =	sld [smem:$0x3FFC];
	_ =	sdelay $0x3  }
0x94: {  	_ =	strace s2  }
0x95: {  	s2 =	sld [smem:$0x3FFD];
	_ =	sdelay $0x3  }
0x96: {  	_ =	strace s2  }
0x97: {  	_ =	strace $0x8FFFFFFF  }
0x98: {  	s19 =	sld [smem:$0x3FDB];
	_ =	sdelay $0x1  }
0x99: {  	s20 =	simm.s32 $_scs_section_size  }
0x9a: {  	s4 =	simm.s32 $_size__tile_overlayer_lowered;
	s5 =	simm.s32 $_tile_overlayer_lowered  }
0x9b: {  	s6 =	simm.s32 $0x1BFF;
	s21 =	sshll.u32 s5, $0x1;
	s3 =	sadd.s32 s20, s19  }
0x9c: {  	s22 =	simm.s32 $0x0;
	s4 =	sshll.u32 s4, $0x1;
	s5 =	sadd.s32 s21, s3  }
0x9d: {  	[timem:s22], [sflag:s6] =	dma.local [hbm:s5], s4  }
0x9e: {  	_ =	swait.ge [sflag:s6], s4  }
0x9f: {  	s4 =	ssub.s32 $0x0, s4;
	[sflag:s6] =	ssyncset.done $0x0  }
0xa0: {  	[sflag:s6] =	ssyncadd.s32 s4;
	_ =	sdelay $0x1  }
0xa1: {  	s23 =	simm.s32 $0x1B8B  }
0xa2: {  	_ =	swait.ge [sflag:s23], $0x1  }
0xa3: {  	[sflag:s23] =	ssyncset.done $0x0  }
0xa4: {  	[sflag:s23] =	ssyncadd.s32 $0xFFFFFFFF  }
0xa5: {  	s4 =	sld [smem:$0x0]  }
0xa6: {  	s5 =	sand.u32 $0xFFFFFFFE, s1  }
0xa7: {  	p0 =	sne.s32 s1, s5  }
0xa8: {  	s5 =	sshll.u32 @p0 s5, $0xE  }
0xa9: {  	s5 =	sadd.s32 @p0 $0x11B8D, s5;
	s6 =	sshll.u32 @p0 s4, $0x11  }
0xaa: {  	s5 =	sor.u32 @p0 s6, s5  }
0xab: {  	[sflag:s5] =	ssyncadd.remote.s32 @p0 $0x1;
	_ =	sdelay $0x1  }
0xac: {  	s5 =	simm.s32 @p0 $0x1B8D  }
0xad: {  	_ =	swait.eq @p0 [sflag:s5], $0x1  }
0xae: {  	[sflag:s5] =	ssyncadd.s32 @p0 $0xFFFFFFFF  }
0xaf: {  	s6 =	sshll.u32 @!p0 s1, $0xE  }
0xb0: {  	s6 =	sor.u32 @!p0 $0x4000, s6;
	s5 =	simm.s32 @!p0 $0x1B8D  }
0xb1: {  	s4 =	sshll.u32 @!p0 s4, $0x11;
	s6 =	sadd.s32 @!p0 $0x11B8D, s6;
	_ =	swait.eq @!p0 [sflag:s5], $0x1  }
0xb2: {  	s4 =	sor.u32 @!p0 s4, s6;
	[sflag:s5] =	ssyncadd.s32 @!p0 $0xFFFFFFFF  }
0xb3: {  	s25 =	simm.s32 $0x1B8E;
	s24 =	sld [smem:$0x3FFE];
	[sflag:s4] =	ssyncadd.remote.s32 @!p0 $0x1  }
0xb4: {  	s26 =	simm.s32 $execute0_lowered;
	[smem:$0x3FD2] =	sst s25  }
0xb5: {  	s5 =	sshll.u32 s26, $0x1;
	_ =	strace $0x80000049;
	[dreg:$0x1] =	wrdreg $0xFFFFFFFF  }
0xb6: {  	s28 =	simm.s32 $_size_execute0_lowered;
	s3 =	sadd.s32 s3, s5;
	[dreg:$0x0] =	wrdreg $0x0  }
0xb7: {  	s5 =	sshll.u32 s28, $0x1;
	[dreg:$0x2] =	wrdreg s3  }
0xb8: {  	[dreg:$0x3] =	wrdreg s5  }
0xb9: {  	[dreg:$0x4] =	wrdreg $0xC0  }
0xba: {  	_ =	task [dreg:s22], $0x5FFFF  }
0xbb: {  	[dreg:$0x1] =	wrdreg $0xFFFFFFFF  }
0xbc: {  	[dreg:$0x0] =	wrdreg $0x60  }
0xbd: {  	[dreg:$0x2] =	wrdreg s24  }
0xbe: {  	[dreg:$0x3] =	wrdreg $0x0  }
0xbf: {  	[dreg:$0x4] =	wrdreg $0xA  }
0xc0: {  	_ =	task.clear_ibuf [dreg:s22], $0x5FFFF;
	_ =	strace $0x90000049  }
0xc1: {  	s29 =	simm.s32 $0xA;
	_ =	strace $0x8000004B  }
0xc2: {  	_ =	swait.ge [sflag:s29], $0x1  }
0xc3: {  	[sflag:s29] =	ssyncadd.s32 $0xFFFFFFFF  }
0xc4: {  	_ =	strace $0x9000004B  }
0xc5: {  	_ =	sfence  }
0xc6: {  	s30 =	sld [smem:$0x0];
	_ =	sdelay $0x2  }
0xc7: {  	s31 =	sshll.u32 s1, $0xD;
	s1 =	sshrl.u32 s1, $0x2  }
0xc8: {  	s4 =	sand.u32 $0x4000, s31;
	s1 =	sadd.s32 s1, s30  }
0xc9: {  	s0 =	sor.u32 s4, s0;
	s1 =	sshll.u32 s1, $0x11  }
0xca: {  	s0 =	sor.u32 s1, s0  }
0xcb: {  	s0 =	sadd.s32 $0x8F2B, s0  }
0xcc: {  	[sflag:s0] =	ssyncadd.remote.s32 $0x1  }
0xcd: {  	_ =	sfence.sel $0xFFFF  }
0xce: {  	[dreg:$0x0] =	wrdreg $0xFFFFFFFF;
	(pc) =	sbr.abs _section_cstart, $3  }
0xcf: {  	[dreg:$0x1] =	wrdreg $0xFFFFFFFF  }
0xd0: {  	_ =	task.clear_ibuf [dreg:s22], $0x2FFFF;
	_ =	strace $0x9FFFFFFF  }
0xd1: {  	(tm) =	ssettm $0x7FFFFFFF  }
tec
execute0_lowered:
.L_overlay_start_1:
0x0: {  	(tag) =	ssettag $0x1  }
0x1: {  	s0 =	rddreg [dreg:$0x0]  }
0x2: {  	s1 =	rddreg [dreg:$0x1]  }
0x3: {  	s3 =	simm.s32 $0x0;
	s6 =	stileid.u32;
	s4 =	srdreg.scid  }
0x4: {  	s28 =	simm.s32 $0x18000;
	s29 =	simm.s32 $0x2;
	s30 =	simm.s32 $0x1A800  }
0x5: {  	s31 =	simm.s32 $0x1;
	[smem:$0x7FF] =	sst s3;
	s2 =	sshll.u32 s6, $0xB  }
0x6: {  	s5 =	smul.u32 $0x50000, s6;
	s7 =	sadd.s32 $0xE3200, s0;
	s4 =	sand.u32 $0x1, s4  }
0x7: {  	s22 =	smul.u32 $0x2800, s6;
	s23 =	sadd.s32 $0xE2C00, s0;
	_ =	strace $0x8000004A  }
0x8: {  	s2 =	sadd.s32 s2, s0;
	[dreg:$0x3] =	wrdreg s7;
	s8 =	ssub.s32 $0x2, s4  }
0x9: {  	[dreg:$0x4] =	wrdreg s23;
	p0 =	sne.s32 s4, $0x0;
	s5 =	sshrl.u32 s5, $0x2  }
0xa: {  	s9 =	sshrl.u32 s8, $0x1;
	s0 =	sadd.s32 s22, s0;
	s26 =	sadd.s32 $0xA200, s2  }
0xb: {  	s2 =	sadd.s32 $0x2200, s2;
	s6 =	sadd.s32 s5, s1;
	[dreg:$0x6] =	wrdreg s26  }
0xc: {  	s24 =	ssub.s32 s8, s9;
	[dreg:$0x7] =	wrdreg s2;
	s2 =	simm.s32 $0x50  }
0xd: {  	s25 =	sadd.s32 $0x1400, s6;
	s8 =	sadd.s32 $0x2800, s6;
	s9 =	sadd.s32 $0x3C00, s6  }
0xe: {  	s10 =	sadd.s32 $0x5000, s6;
	s11 =	sadd.s32 $0x6400, s6;
	s12 =	sadd.s32 $0x7800, s6  }
.Ltmp0:
0xf: {  	s13 =	sadd.s32 $0x8C00, s6;
	s14 =	sadd.s32 $0xA000, s6;
	(pc) =	sbr.rel .LBB2_1-.Ltmp0, $4  }
0x10: {  	s15 =	sadd.s32 $0xB400, s6;
	s16 =	sadd.s32 $0xC800, s6;
	s17 =	sadd.s32 $0xDC00, s6  }
0x11: {  	s18 =	sadd.s32 $0xF000, s6;
	s19 =	sadd.s32 $0x10400, s6;
	s20 =	sadd.s32 $0x11800, s6  }
0x12: {  	s23 =	smax.u32 s24, $0x1;
	s24 =	sadd.s32 $0x10B600, s0;
	s26 =	sadd.s32 $0x12C00, s6  }
0x13: {  	[dreg:$0x5] =	wrdreg s25;
	s25 =	sadd.s32 $0xE3600, s0;
	s0 =	simm.s32 $0x0  }
.LBB2_11:
0x14: {  	[sflag:s29] =	ssyncadd.s32 $0xFFFFEC00  }
.LBB2_12:
0x15: {  	s0 =	sadd.s32 $0x1, s0  }
0x16: {  	p1 =	sne.s32 s0, s23  }
.Ltmp1:
0x17: {  	_ = 	snop;
	(pc) =	sbr.rel @!p1 .LBB2_13-.Ltmp1, $1  }
0x18: {  	_ =	sdelay $0x3  }
.LBB2_1:
0x19: {  	s4 =	rddreg [dreg:$0x4]  }
0x1a: {  	[tilespmem:s28], [sflag:$0x2] =	stream.linear.gather [hbm4b:s4+s3], $0x2800, $0x38;
	[tilespmem:$0x1BC00] =	vst v63  }
0x1b: {  	_ =	swait.ge [sflag:s29], $0x2800  }
0x1c: {  	[sflag:s29] =	ssyncset.done $0x0  }
0x1d: {  	s21 =	rddreg [dreg:$0x3];
	[sflag:s29] =	ssyncadd.s32 $0xFFFFD800  }
0x1e: {  	[tilespmem:s30], [sflag:$0x2] =	stream.linear.gather [hbm4b:s21+s3], $0x1400, $0x38;
	[tilespmem:$0x1BC00] =	vst v63  }
0x1f: {  	_ =	swait.ge [sflag:s29], $0x1400  }
0x20: {  	[sflag:s29] =	ssyncset.done $0x0  }
0x21: {  	[sflag:s29] =	ssyncadd.s32 $0xFFFFEC00  }
0x22: {  	[spmem:s6] =	stream.linear.scatter [tilespmem:s30], [sflag:$0x1], $0x1400, $0x38;
	[tilespmem:$0x1BC00] =	vst v63  }
0x23: {  	s22 =	rddreg [dreg:$0x5]  }
0x24: {  	[spmem:s22] =	stream.linear.scatter [tilespmem:s30], [sflag:$0x1], $0x1400, $0x38;
	[tilespmem:$0x1BC00] =	vst v63  }
0x25: {  	_ = 	snop  }
0x26: {  	[spmem:s8] =	stream.linear.scatter [tilespmem:s30], [sflag:$0x1], $0x1400, $0x38;
	[tilespmem:$0x1BC00] =	vst v63  }
0x27: {  	_ = 	snop  }
0x28: {  	[spmem:s9] =	stream.linear.scatter [tilespmem:s30], [sflag:$0x1], $0x1400, $0x38;
	[tilespmem:$0x1BC00] =	vst v63  }
0x29: {  	_ = 	snop  }
0x2a: {  	[spmem:s10] =	stream.linear.scatter [tilespmem:s30], [sflag:$0x1], $0x1400, $0x38;
	[tilespmem:$0x1BC00] =	vst v63  }
0x2b: {  	_ = 	snop  }
0x2c: {  	[spmem:s11] =	stream.linear.scatter [tilespmem:s30], [sflag:$0x1], $0x1400, $0x38;
	[tilespmem:$0x1BC00] =	vst v63  }
0x2d: {  	_ = 	snop  }
0x2e: {  	[spmem:s12] =	stream.linear.scatter [tilespmem:s30], [sflag:$0x1], $0x1400, $0x38;
	[tilespmem:$0x1BC00] =	vst v63  }
0x2f: {  	_ = 	snop  }
0x30: {  	[spmem:s13] =	stream.linear.scatter [tilespmem:s30], [sflag:$0x1], $0x1400, $0x38;
	[tilespmem:$0x1BC00] =	vst v63  }
0x31: {  	_ = 	snop  }
0x32: {  	[spmem:s14] =	stream.linear.scatter [tilespmem:s30], [sflag:$0x1], $0x1400, $0x38;
	[tilespmem:$0x1BC00] =	vst v63  }
0x33: {  	_ = 	snop  }
0x34: {  	[spmem:s15] =	stream.linear.scatter [tilespmem:s30], [sflag:$0x1], $0x1400, $0x38;
	[tilespmem:$0x1BC00] =	vst v63  }
0x35: {  	_ = 	snop  }
0x36: {  	[spmem:s16] =	stream.linear.scatter [tilespmem:s30], [sflag:$0x1], $0x1400, $0x38;
	[tilespmem:$0x1BC00] =	vst v63  }
0x37: {  	_ = 	snop  }
0x38: {  	[spmem:s17] =	stream.linear.scatter [tilespmem:s30], [sflag:$0x1], $0x1400, $0x38;
	[tilespmem:$0x1BC00] =	vst v63  }
0x39: {  	_ = 	snop  }
0x3a: {  	[spmem:s18] =	stream.linear.scatter [tilespmem:s30], [sflag:$0x1], $0x1400, $0x38;
	[tilespmem:$0x1BC00] =	vst v63  }
0x3b: {  	_ = 	snop  }
0x3c: {  	[spmem:s19] =	stream.linear.scatter [tilespmem:s30], [sflag:$0x1], $0x1400, $0x38;
	[tilespmem:$0x1BC00] =	vst v63  }
0x3d: {  	_ = 	snop  }
0x3e: {  	[spmem:s20] =	stream.linear.scatter [tilespmem:s30], [sflag:$0x1], $0x1400, $0x38;
	[tilespmem:$0x1BC00] =	vst v63  }
0x3f: {  	_ = 	snop  }
0x40: {  	[spmem:s26] =	stream.linear.scatter [tilespmem:s30], [sflag:$0x1], $0x1400, $0x38;
	[tilespmem:$0x1BC00] =	vst v63  }
0x41: {  	_ =	swait.ge [sflag:s31], $0x1400  }
0x42: {  	[sflag:s31] =	ssyncset.done $0x0  }
0x43: {  	[sflag:s31] =	ssyncadd.s32 $0xFFFFEC00  }
0x44: {  	_ =	swait.ge [sflag:s31], $0x1400  }
0x45: {  	[sflag:s31] =	ssyncset.done $0x0  }
0x46: {  	[sflag:s31] =	ssyncadd.s32 $0xFFFFEC00  }
0x47: {  	_ =	swait.ge [sflag:s31], $0x1400  }
0x48: {  	[sflag:s31] =	ssyncset.done $0x0  }
0x49: {  	[sflag:s31] =	ssyncadd.s32 $0xFFFFEC00  }
0x4a: {  	_ =	swait.ge [sflag:s31], $0x1400  }
0x4b: {  	[sflag:s31] =	ssyncset.done $0x0  }
0x4c: {  	[sflag:s31] =	ssyncadd.s32 $0xFFFFEC00  }
0x4d: {  	_ =	swait.ge [sflag:s31], $0x1400  }
0x4e: {  	[sflag:s31] =	ssyncset.done $0x0  }
0x4f: {  	[sflag:s31] =	ssyncadd.s32 $0xFFFFEC00  }
0x50: {  	_ =	swait.ge [sflag:s31], $0x1400  }
0x51: {  	[sflag:s31] =	ssyncset.done $0x0  }
0x52: {  	[sflag:s31] =	ssyncadd.s32 $0xFFFFEC00  }
0x53: {  	_ =	swait.ge [sflag:s31], $0x1400  }
0x54: {  	[sflag:s31] =	ssyncset.done $0x0  }
0x55: {  	[sflag:s31] =	ssyncadd.s32 $0xFFFFEC00  }
0x56: {  	_ =	swait.ge [sflag:s31], $0x1400  }
0x57: {  	[sflag:s31] =	ssyncset.done $0x0  }
0x58: {  	[sflag:s31] =	ssyncadd.s32 $0xFFFFEC00  }
0x59: {  	_ =	swait.ge [sflag:s31], $0x1400  }
0x5a: {  	[sflag:s31] =	ssyncset.done $0x0  }
0x5b: {  	[sflag:s31] =	ssyncadd.s32 $0xFFFFEC00  }
0x5c: {  	_ =	swait.ge [sflag:s31], $0x1400  }
0x5d: {  	[sflag:s31] =	ssyncset.done $0x0  }
0x5e: {  	[sflag:s31] =	ssyncadd.s32 $0xFFFFEC00  }
0x5f: {  	_ =	swait.ge [sflag:s31], $0x1400  }
0x60: {  	[sflag:s31] =	ssyncset.done $0x0  }
0x61: {  	[sflag:s31] =	ssyncadd.s32 $0xFFFFEC00  }
0x62: {  	_ =	swait.ge [sflag:s31], $0x1400  }
0x63: {  	[sflag:s31] =	ssyncset.done $0x0  }
0x64: {  	[sflag:s31] =	ssyncadd.s32 $0xFFFFEC00  }
0x65: {  	_ =	swait.ge [sflag:s31], $0x1400  }
0x66: {  	[sflag:s31] =	ssyncset.done $0x0  }
0x67: {  	[sflag:s31] =	ssyncadd.s32 $0xFFFFEC00  }
0x68: {  	_ =	swait.ge [sflag:s31], $0x1400  }
0x69: {  	[sflag:s31] =	ssyncset.done $0x0  }
0x6a: {  	[sflag:s31] =	ssyncadd.s32 $0xFFFFEC00  }
0x6b: {  	_ =	swait.ge [sflag:s31], $0x1400  }
0x6c: {  	[sflag:s31] =	ssyncset.done $0x0  }
0x6d: {  	[sflag:s31] =	ssyncadd.s32 $0xFFFFEC00  }
.Ltmp2:
0x6e: {  	_ =	swait.ge [sflag:s31], $0x1400;
	(pc) =	sbr.rel @p0 .LBB2_7-.Ltmp2, $4  }
0x6f: {  	[sflag:s31] =	ssyncset.done $0x0  }
0x70: {  	[sflag:s31] =	ssyncadd.s32 $0xFFFFEC00  }
0x71: {  	[bflag:$0x0] =	sbarrier.arrive $0xFFFF  }
0x72: {  	s4 =	simm.s32 $0x0  }
0x73: {  	s5 =	rddreg [dreg:$0x7];
	s7 =	simm.s32 $0x14000  }
0x74: {  	[tilespmem:s7], [sflag:$0x2] =	stream.linear.gather [hbm4b:s5+s4], $0x3E80, $0x38;
	[tilespmem:$0x1BC00] =	vst v63  }
0x75: {  	_ =	swait.ge [sflag:s29], $0x3E80  }
0x76: {  	[sflag:s29] =	ssyncset.done $0x0  }
0x77: {  	s22 =	simm.s32 $0x14000;
	[sflag:s29] =	ssyncadd.s32 $0xFFFFC180  }
0x78: {  	[spmem:s1] =	stream.indirect.scatter.add.f32 [tilespmem:s28], [sflag:$0x1], $0x80, s22, s2, $0xb8;
	[tilespmem:$0x1BC00] =	vst v63  }
0x79: {  	s5 =	simm.s32 $0x14080  }
0x7a: {  	[spmem:s1] =	stream.indirect.scatter.add.f32 [tilespmem:s28], [sflag:$0x1], $0x80, s5, s2, $0xb8;
	[tilespmem:$0x1BC00] =	vst v63  }
0x7b: {  	s7 =	simm.s32 $0x14100  }
0x7c: {  	[spmem:s1] =	stream.indirect.scatter.add.f32 [tilespmem:s28], [sflag:$0x1], $0x80, s7, s2, $0xb8;
	[tilespmem:$0x1BC00] =	vst v63  }
0x7d: {  	s21 =	simm.s32 $0x14180  }
0x7e: {  	[spmem:s1] =	stream.indirect.scatter.add.f32 [tilespmem:s28], [sflag:$0x1], $0x80, s21, s2, $0xb8;
	[tilespmem:$0x1BC00] =	vst v63  }
0x7f: {  	s22 =	simm.s32 $0x14200  }
0x80: {  	[spmem:s1] =	stream.indirect.scatter.add.f32 [tilespmem:s28], [sflag:$0x1], $0x80, s22, s2, $0xb8;
	[tilespmem:$0x1BC00] =	vst v63  }
0x81: {  	s5 =	simm.s32 $0x14280  }
0x82: {  	[spmem:s1] =	stream.indirect.scatter.add.f32 [tilespmem:s28], [sflag:$0x1], $0x80, s5, s2, $0xb8;
	[tilespmem:$0x1BC00] =	vst v63  }
0x83: {  	s7 =	simm.s32 $0x14300  }
0x84: {  	[spmem:s1] =	stream.indirect.scatter.add.f32 [tilespmem:s28], [sflag:$0x1], $0x80, s7, s2, $0xb8;
	[tilespmem:$0x1BC00] =	vst v63  }
0x85: {  	s21 =	simm.s32 $0x14380  }
0x86: {  	[spmem:s1] =	stream.indirect.scatter.add.f32 [tilespmem:s28], [sflag:$0x1], $0x80, s21, s2, $0xb8;
	[tilespmem:$0x1BC00] =	vst v63  }
0x87: {  	s22 =	simm.s32 $0x14400  }
0x88: {  	[spmem:s1] =	stream.indirect.scatter.add.f32 [tilespmem:s28], [sflag:$0x1], $0x80, s22, s2, $0xb8;
	[tilespmem:$0x1BC00] =	vst v63  }
0x89: {  	s5 =	simm.s32 $0x14480  }
0x8a: {  	[spmem:s1] =	stream.indirect.scatter.add.f32 [tilespmem:s28], [sflag:$0x1], $0x80, s5, s2, $0xb8;
	[tilespmem:$0x1BC00] =	vst v63  }
0x8b: {  	s7 =	simm.s32 $0x14500  }
0x8c: {  	[spmem:s1] =	stream.indirect.scatter.add.f32 [tilespmem:s28], [sflag:$0x1], $0x80, s7, s2, $0xb8;
	[tilespmem:$0x1BC00] =	vst v63  }
0x8d: {  	s21 =	simm.s32 $0x14580  }
0x8e: {  	[spmem:s1] =	stream.indirect.scatter.add.f32 [tilespmem:s28], [sflag:$0x1], $0x80, s21, s2, $0xb8;
	[tilespmem:$0x1BC00] =	vst v63  }
0x8f: {  	s22 =	simm.s32 $0x14600  }
0x90: {  	[spmem:s1] =	stream.indirect.scatter.add.f32 [tilespmem:s28], [sflag:$0x1], $0x80, s22, s2, $0xb8;
	[tilespmem:$0x1BC00] =	vst v63  }
0x91: {  	s5 =	simm.s32 $0x14680  }
0x92: {  	[spmem:s1] =	stream.indirect.scatter.add.f32 [tilespmem:s28], [sflag:$0x1], $0x80, s5, s2, $0xb8;
	[tilespmem:$0x1BC00] =	vst v63  }
0x93: {  	s7 =	simm.s32 $0x14700  }
0x94: {  	[spmem:s1] =	stream.indirect.scatter.add.f32 [tilespmem:s28], [sflag:$0x1], $0x80, s7, s2, $0xb8;
	[tilespmem:$0x1BC00] =	vst v63  }
0x95: {  	s21 =	simm.s32 $0x14780  }
0x96: {  	[spmem:s1] =	stream.indirect.scatter.add.f32 [tilespmem:s28], [sflag:$0x1], $0x80, s21, s2, $0xb8;
	[tilespmem:$0x1BC00] =	vst v63  }
0x97: {  	s22 =	simm.s32 $0x14800  }
0x98: {  	[spmem:s1] =	stream.indirect.scatter.add.f32 [tilespmem:s28], [sflag:$0x1], $0x80, s22, s2, $0xb8;
	[tilespmem:$0x1BC00] =	vst v63  }
0x99: {  	s5 =	simm.s32 $0x14880  }
0x9a: {  	[spmem:s1] =	stream.indirect.scatter.add.f32 [tilespmem:s28], [sflag:$0x1], $0x80, s5, s2, $0xb8;
	[tilespmem:$0x1BC00] =	vst v63  }
0x9b: {  	s7 =	simm.s32 $0x14900  }
0x9c: {  	[spmem:s1] =	stream.indirect.scatter.add.f32 [tilespmem:s28], [sflag:$0x1], $0x80, s7, s2, $0xb8;
	[tilespmem:$0x1BC00] =	vst v63  }
0x9d: {  	s21 =	simm.s32 $0x14980  }
0x9e: {  	[spmem:s1] =	stream.indirect.scatter.add.f32 [tilespmem:s28], [sflag:$0x1], $0x80, s21, s2, $0xb8;
	[tilespmem:$0x1BC00] =	vst v63  }
0x9f: {  	s22 =	simm.s32 $0x14A00  }
0xa0: {  	[spmem:s1] =	stream.indirect.scatter.add.f32 [tilespmem:s28], [sflag:$0x1], $0x80, s22, s2, $0xb8;
	[tilespmem:$0x1BC00] =	vst v63  }
0xa1: {  	s5 =	simm.s32 $0x14A80  }
0xa2: {  	[spmem:s1] =	stream.indirect.scatter.add.f32 [tilespmem:s28], [sflag:$0x1], $0x80, s5, s2, $0xb8;
	[tilespmem:$0x1BC00] =	vst v63  }
0xa3: {  	s7 =	simm.s32 $0x14B00  }
0xa4: {  	[spmem:s1] =	stream.indirect.scatter.add.f32 [tilespmem:s28], [sflag:$0x1], $0x80, s7, s2, $0xb8;
	[tilespmem:$0x1BC00] =	vst v63  }
0xa5: {  	s21 =	simm.s32 $0x14B80  }
0xa6: {  	[spmem:s1] =	stream.indirect.scatter.add.f32 [tilespmem:s28], [sflag:$0x1], $0x80, s21, s2, $0xb8;
	[tilespmem:$0x1BC00] =	vst v63  }
0xa7: {  	s22 =	simm.s32 $0x14C00  }
0xa8: {  	[spmem:s1] =	stream.indirect.scatter.add.f32 [tilespmem:s28], [sflag:$0x1], $0x80, s22, s2, $0xb8;
	[tilespmem:$0x1BC00] =	vst v63  }
0xa9: {  	_ =	swait.ge [sflag:s31], $0x2800  }
0xaa: {  	[sflag:s31] =	ssyncset.done $0x0  }
0xab: {  	[sflag:s31] =	ssyncadd.s32 $0xFFFFD800  }
0xac: {  	_ =	swait.ge [sflag:s31], $0x2800  }
0xad: {  	[sflag:s31] =	ssyncset.done $0x0  }
0xae: {  	[sflag:s31] =	ssyncadd.s32 $0xFFFFD800  }
0xaf: {  	_ =	swait.ge [sflag:s31], $0x2800  }
0xb0: {  	[sflag:s31] =	ssyncset.done $0x0  }
0xb1: {  	[sflag:s31] =	ssyncadd.s32 $0xFFFFD800  }
0xb2: {  	_ =	swait.ge [sflag:s31], $0x2800  }
0xb3: {  	[sflag:s31] =	ssyncset.done $0x0  }
0xb4: {  	[sflag:s31] =	ssyncadd.s32 $0xFFFFD800  }
0xb5: {  	_ =	swait.ge [sflag:s31], $0x2800  }
0xb6: {  	[sflag:s31] =	ssyncset.done $0x0  }
0xb7: {  	[sflag:s31] =	ssyncadd.s32 $0xFFFFD800  }
0xb8: {  	_ =	swait.ge [sflag:s31], $0x2800  }
0xb9: {  	[sflag:s31] =	ssyncset.done $0x0  }
0xba: {  	[sflag:s31] =	ssyncadd.s32 $0xFFFFD800  }
0xbb: {  	_ =	swait.ge [sflag:s31], $0x2800  }
0xbc: {  	[sflag:s31] =	ssyncset.done $0x0  }
0xbd: {  	[sflag:s31] =	ssyncadd.s32 $0xFFFFD800  }
0xbe: {  	_ =	swait.ge [sflag:s31], $0x2800  }
0xbf: {  	[sflag:s31] =	ssyncset.done $0x0  }
0xc0: {  	[sflag:s31] =	ssyncadd.s32 $0xFFFFD800  }
0xc1: {  	_ =	swait.ge [sflag:s31], $0x2800  }
0xc2: {  	[sflag:s31] =	ssyncset.done $0x0  }
0xc3: {  	[sflag:s31] =	ssyncadd.s32 $0xFFFFD800  }
0xc4: {  	_ =	swait.ge [sflag:s31], $0x2800  }
0xc5: {  	[sflag:s31] =	ssyncset.done $0x0  }
0xc6: {  	[sflag:s31] =	ssyncadd.s32 $0xFFFFD800  }
0xc7: {  	_ =	swait.ge [sflag:s31], $0x2800  }
0xc8: {  	[sflag:s31] =	ssyncset.done $0x0  }
0xc9: {  	[sflag:s31] =	ssyncadd.s32 $0xFFFFD800  }
0xca: {  	_ =	swait.ge [sflag:s31], $0x2800  }
0xcb: {  	[sflag:s31] =	ssyncset.done $0x0  }
0xcc: {  	[sflag:s31] =	ssyncadd.s32 $0xFFFFD800  }
0xcd: {  	_ =	swait.ge [sflag:s31], $0x2800  }
0xce: {  	[sflag:s31] =	ssyncset.done $0x0  }
0xcf: {  	[sflag:s31] =	ssyncadd.s32 $0xFFFFD800  }
0xd0: {  	_ =	swait.ge [sflag:s31], $0x2800  }
0xd1: {  	[sflag:s31] =	ssyncset.done $0x0  }
0xd2: {  	[sflag:s31] =	ssyncadd.s32 $0xFFFFD800  }
0xd3: {  	_ =	swait.ge [sflag:s31], $0x2800  }
0xd4: {  	[sflag:s31] =	ssyncset.done $0x0  }
0xd5: {  	[sflag:s31] =	ssyncadd.s32 $0xFFFFD800  }
0xd6: {  	_ =	swait.ge [sflag:s31], $0x2800  }
0xd7: {  	[sflag:s31] =	ssyncset.done $0x0  }
0xd8: {  	[sflag:s31] =	ssyncadd.s32 $0xFFFFD800  }
0xd9: {  	_ =	swait.ge [sflag:s31], $0x2800  }
0xda: {  	[sflag:s31] =	ssyncset.done $0x0  }
0xdb: {  	[sflag:s31] =	ssyncadd.s32 $0xFFFFD800  }
0xdc: {  	_ =	swait.ge [sflag:s31], $0x2800  }
0xdd: {  	[sflag:s31] =	ssyncset.done $0x0  }
0xde: {  	[sflag:s31] =	ssyncadd.s32 $0xFFFFD800  }
0xdf: {  	_ =	swait.ge [sflag:s31], $0x2800  }
0xe0: {  	[sflag:s31] =	ssyncset.done $0x0  }
0xe1: {  	[sflag:s31] =	ssyncadd.s32 $0xFFFFD800  }
0xe2: {  	_ =	swait.ge [sflag:s31], $0x2800  }
0xe3: {  	[sflag:s31] =	ssyncset.done $0x0  }
0xe4: {  	[sflag:s31] =	ssyncadd.s32 $0xFFFFD800  }
0xe5: {  	_ =	swait.ge [sflag:s31], $0x2800  }
0xe6: {  	[sflag:s31] =	ssyncset.done $0x0  }
0xe7: {  	[sflag:s31] =	ssyncadd.s32 $0xFFFFD800  }
0xe8: {  	_ =	swait.ge [sflag:s31], $0x2800  }
0xe9: {  	[sflag:s31] =	ssyncset.done $0x0  }
0xea: {  	[sflag:s31] =	ssyncadd.s32 $0xFFFFD800  }
0xeb: {  	_ =	swait.ge [sflag:s31], $0x2800  }
0xec: {  	[sflag:s31] =	ssyncset.done $0x0  }
0xed: {  	[sflag:s31] =	ssyncadd.s32 $0xFFFFD800  }
0xee: {  	_ =	swait.ge [sflag:s31], $0x2800  }
0xef: {  	[sflag:s31] =	ssyncset.done $0x0  }
0xf0: {  	[sflag:s31] =	ssyncadd.s32 $0xFFFFD800  }
0xf1: {  	_ =	swait.ge [sflag:s31], $0x2800  }
0xf2: {  	s4 =	simm.s32 $0xC80;
	s21 =	simm.s32 $0x6400;
	[sflag:s31] =	ssyncset.done $0x0  }
.LBB2_3:
0xf3: {  	s7 =	sadd.s32 $0x14000, s4  }
0xf4: {  	[sflag:s31] =	ssyncadd.s32 $0xFFFFD800;
	s22 =	smov.u32 s21;
	s5 =	sadd.s32 $0x3200, s21  }
0xf5: {  	[spmem:s1] =	stream.indirect.scatter.add.f32 [tilespmem:s28], [sflag:$0x1], $0x80, s7, s2, $0xb8;
	[tilespmem:$0x1BC00] =	vst v63  }
0xf6: {  	p1 =	seq.s32 s21, $0xC800;
	s7 =	sadd.s32 $0x14080, s4  }
0xf7: {  	[spmem:s1] =	stream.indirect.scatter.add.f32 [tilespmem:s28], [sflag:$0x1], $0x80, s7, s2, $0xb8;
	[tilespmem:$0x1BC00] =	vst v63  }
0xf8: {  	s7 =	sadd.s32 $0x14100, s4  }
0xf9: {  	[spmem:s1] =	stream.indirect.scatter.add.f32 [tilespmem:s28], [sflag:$0x1], $0x80, s7, s2, $0xb8;
	[tilespmem:$0x1BC00] =	vst v63  }
0xfa: {  	s7 =	sadd.s32 $0x14180, s4  }
0xfb: {  	[spmem:s1] =	stream.indirect.scatter.add.f32 [tilespmem:s28], [sflag:$0x1], $0x80, s7, s2, $0xb8;
	[tilespmem:$0x1BC00] =	vst v63  }
0xfc: {  	s7 =	sadd.s32 $0x14200, s4  }
0xfd: {  	[spmem:s1] =	stream.indirect.scatter.add.f32 [tilespmem:s28], [sflag:$0x1], $0x80, s7, s2, $0xb8;
	[tilespmem:$0x1BC00] =	vst v63  }
0xfe: {  	s7 =	sadd.s32 $0x14280, s4  }
0xff: {  	[spmem:s1] =	stream.indirect.scatter.add.f32 [tilespmem:s28], [sflag:$0x1], $0x80, s7, s2, $0xb8;
	[tilespmem:$0x1BC00] =	vst v63  }
0x100: {  	s7 =	sadd.s32 $0x14300, s4  }
0x101: {  	[spmem:s1] =	stream.indirect.scatter.add.f32 [tilespmem:s28], [sflag:$0x1], $0x80, s7, s2, $0xb8;
	[tilespmem:$0x1BC00] =	vst v63  }
0x102: {  	s7 =	sadd.s32 $0x14380, s4  }
0x103: {  	[spmem:s1] =	stream.indirect.scatter.add.f32 [tilespmem:s28], [sflag:$0x1], $0x80, s7, s2, $0xb8;
	[tilespmem:$0x1BC00] =	vst v63  }
0x104: {  	s7 =	sadd.s32 $0x14400, s4  }
0x105: {  	[spmem:s1] =	stream.indirect.scatter.add.f32 [tilespmem:s28], [sflag:$0x1], $0x80, s7, s2, $0xb8;
	[tilespmem:$0x1BC00] =	vst v63  }
0x106: {  	s7 =	sadd.s32 $0x14480, s4  }
0x107: {  	[spmem:s1] =	stream.indirect.scatter.add.f32 [tilespmem:s28], [sflag:$0x1], $0x80, s7, s2, $0xb8;
	[tilespmem:$0x1BC00] =	vst v63  }
0x108: {  	s7 =	sadd.s32 $0x14500, s4  }
0x109: {  	[spmem:s1] =	stream.indirect.scatter.add.f32 [tilespmem:s28], [sflag:$0x1], $0x80, s7, s2, $0xb8;
	[tilespmem:$0x1BC00] =	vst v63  }
0x10a: {  	s7 =	sadd.s32 $0x14580, s4  }
0x10b: {  	[spmem:s1] =	stream.indirect.scatter.add.f32 [tilespmem:s28], [sflag:$0x1], $0x80, s7, s2, $0xb8;
	[tilespmem:$0x1BC00] =	vst v63  }
0x10c: {  	s7 =	sadd.s32 $0x14600, s4  }
0x10d: {  	[spmem:s1] =	stream.indirect.scatter.add.f32 [tilespmem:s28], [sflag:$0x1], $0x80, s7, s2, $0xb8;
	[tilespmem:$0x1BC00] =	vst v63  }
0x10e: {  	s7 =	sadd.s32 $0x14680, s4  }
0x10f: {  	[spmem:s1] =	stream.indirect.scatter.add.f32 [tilespmem:s28], [sflag:$0x1], $0x80, s7, s2, $0xb8;
	[tilespmem:$0x1BC00] =	vst v63  }
0x110: {  	s7 =	sadd.s32 $0x14700, s4  }
0x111: {  	[spmem:s1] =	stream.indirect.scatter.add.f32 [tilespmem:s28], [sflag:$0x1], $0x80, s7, s2, $0xb8;
	[tilespmem:$0x1BC00] =	vst v63  }
0x112: {  	s7 =	sadd.s32 $0x14780, s4  }
0x113: {  	[spmem:s1] =	stream.indirect.scatter.add.f32 [tilespmem:s28], [sflag:$0x1], $0x80, s7, s2, $0xb8;
	[tilespmem:$0x1BC00] =	vst v63  }
0x114: {  	s7 =	sadd.s32 $0x14800, s4  }
0x115: {  	[spmem:s1] =	stream.indirect.scatter.add.f32 [tilespmem:s28], [sflag:$0x1], $0x80, s7, s2, $0xb8;
	[tilespmem:$0x1BC00] =	vst v63  }
0x116: {  	s7 =	sadd.s32 $0x14880, s4  }
0x117: {  	[spmem:s1] =	stream.indirect.scatter.add.f32 [tilespmem:s28], [sflag:$0x1], $0x80, s7, s2, $0xb8;
	[tilespmem:$0x1BC00] =	vst v63  }
0x118: {  	s7 =	sadd.s32 $0x14900, s4  }
0x119: {  	[spmem:s1] =	stream.indirect.scatter.add.f32 [tilespmem:s28], [sflag:$0x1], $0x80, s7, s2, $0xb8;
	[tilespmem:$0x1BC00] =	vst v63  }
0x11a: {  	s7 =	sadd.s32 $0x14980, s4  }
0x11b: {  	[spmem:s1] =	stream.indirect.scatter.add.f32 [tilespmem:s28], [sflag:$0x1], $0x80, s7, s2, $0xb8;
	[tilespmem:$0x1BC00] =	vst v63  }
0x11c: {  	s7 =	sadd.s32 $0x14A00, s4  }
0x11d: {  	[spmem:s1] =	stream.indirect.scatter.add.f32 [tilespmem:s28], [sflag:$0x1], $0x80, s7, s2, $0xb8;
	[tilespmem:$0x1BC00] =	vst v63  }
0x11e: {  	s7 =	sadd.s32 $0x14A80, s4  }
0x11f: {  	[spmem:s1] =	stream.indirect.scatter.add.f32 [tilespmem:s28], [sflag:$0x1], $0x80, s7, s2, $0xb8;
	[tilespmem:$0x1BC00] =	vst v63  }
0x120: {  	s7 =	sadd.s32 $0x14B00, s4  }
0x121: {  	[spmem:s1] =	stream.indirect.scatter.add.f32 [tilespmem:s28], [sflag:$0x1], $0x80, s7, s2, $0xb8;
	[tilespmem:$0x1BC00] =	vst v63  }
0x122: {  	s7 =	sadd.s32 $0x14B80, s4  }
0x123: {  	[spmem:s1] =	stream.indirect.scatter.add.f32 [tilespmem:s28], [sflag:$0x1], $0x80, s7, s2, $0xb8;
	[tilespmem:$0x1BC00] =	vst v63  }
0x124: {  	s4 =	sadd.s32 $0x14C00, s4  }
0x125: {  	[spmem:s1] =	stream.indirect.scatter.add.f32 [tilespmem:s28], [sflag:$0x1], $0x80, s4, s2, $0xb8;
	[tilespmem:$0x1BC00] =	vst v63  }
0x126: {  	_ =	swait.ge [sflag:s31], $0x2800  }
0x127: {  	[sflag:s31] =	ssyncset.done $0x0  }
0x128: {  	[sflag:s31] =	ssyncadd.s32 $0xFFFFD800  }
0x129: {  	_ =	swait.ge [sflag:s31], $0x2800  }
0x12a: {  	[sflag:s31] =	ssyncset.done $0x0  }
0x12b: {  	[sflag:s31] =	ssyncadd.s32 $0xFFFFD800  }
0x12c: {  	_ =	swait.ge [sflag:s31], $0x2800  }
0x12d: {  	[sflag:s31] =	ssyncset.done $0x0  }
0x12e: {  	[sflag:s31] =	ssyncadd.s32 $0xFFFFD800  }
0x12f: {  	_ =	swait.ge [sflag:s31], $0x2800  }
0x130: {  	[sflag:s31] =	ssyncset.done $0x0  }
0x131: {  	[sflag:s31] =	ssyncadd.s32 $0xFFFFD800  }
0x132: {  	_ =	swait.ge [sflag:s31], $0x2800  }
0x133: {  	[sflag:s31] =	ssyncset.done $0x0  }
0x134: {  	[sflag:s31] =	ssyncadd.s32 $0xFFFFD800  }
0x135: {  	_ =	swait.ge [sflag:s31], $0x2800  }
0x136: {  	[sflag:s31] =	ssyncset.done $0x0  }
0x137: {  	[sflag:s31] =	ssyncadd.s32 $0xFFFFD800  }
0x138: {  	_ =	swait.ge [sflag:s31], $0x2800  }
0x139: {  	[sflag:s31] =	ssyncset.done $0x0  }
0x13a: {  	[sflag:s31] =	ssyncadd.s32 $0xFFFFD800  }
0x13b: {  	_ =	swait.ge [sflag:s31], $0x2800  }
0x13c: {  	[sflag:s31] =	ssyncset.done $0x0  }
0x13d: {  	[sflag:s31] =	ssyncadd.s32 $0xFFFFD800  }
0x13e: {  	_ =	swait.ge [sflag:s31], $0x2800  }
0x13f: {  	[sflag:s31] =	ssyncset.done $0x0  }
0x140: {  	[sflag:s31] =	ssyncadd.s32 $0xFFFFD800  }
0x141: {  	_ =	swait.ge [sflag:s31], $0x2800  }
0x142: {  	[sflag:s31] =	ssyncset.done $0x0  }
0x143: {  	[sflag:s31] =	ssyncadd.s32 $0xFFFFD800  }
0x144: {  	_ =	swait.ge [sflag:s31], $0x2800  }
0x145: {  	[sflag:s31] =	ssyncset.done $0x0  }
0x146: {  	[sflag:s31] =	ssyncadd.s32 $0xFFFFD800  }
0x147: {  	_ =	swait.ge [sflag:s31], $0x2800  }
0x148: {  	[sflag:s31] =	ssyncset.done $0x0  }
0x149: {  	[sflag:s31] =	ssyncadd.s32 $0xFFFFD800  }
0x14a: {  	_ =	swait.ge [sflag:s31], $0x2800  }
0x14b: {  	[sflag:s31] =	ssyncset.done $0x0  }
0x14c: {  	[sflag:s31] =	ssyncadd.s32 $0xFFFFD800  }
0x14d: {  	_ =	swait.ge [sflag:s31], $0x2800  }
0x14e: {  	[sflag:s31] =	ssyncset.done $0x0  }
0x14f: {  	[sflag:s31] =	ssyncadd.s32 $0xFFFFD800  }
0x150: {  	_ =	swait.ge [sflag:s31], $0x2800  }
0x151: {  	[sflag:s31] =	ssyncset.done $0x0  }
0x152: {  	[sflag:s31] =	ssyncadd.s32 $0xFFFFD800  }
0x153: {  	_ =	swait.ge [sflag:s31], $0x2800  }
0x154: {  	[sflag:s31] =	ssyncset.done $0x0  }
0x155: {  	[sflag:s31] =	ssyncadd.s32 $0xFFFFD800  }
0x156: {  	_ =	swait.ge [sflag:s31], $0x2800  }
0x157: {  	[sflag:s31] =	ssyncset.done $0x0  }
0x158: {  	[sflag:s31] =	ssyncadd.s32 $0xFFFFD800  }
0x159: {  	_ =	swait.ge [sflag:s31], $0x2800  }
0x15a: {  	[sflag:s31] =	ssyncset.done $0x0  }
0x15b: {  	[sflag:s31] =	ssyncadd.s32 $0xFFFFD800  }
0x15c: {  	_ =	swait.ge [sflag:s31], $0x2800  }
0x15d: {  	[sflag:s31] =	ssyncset.done $0x0  }
0x15e: {  	[sflag:s31] =	ssyncadd.s32 $0xFFFFD800  }
0x15f: {  	_ =	swait.ge [sflag:s31], $0x2800  }
0x160: {  	[sflag:s31] =	ssyncset.done $0x0  }
0x161: {  	[sflag:s31] =	ssyncadd.s32 $0xFFFFD800  }
0x162: {  	_ =	swait.ge [sflag:s31], $0x2800  }
0x163: {  	[sflag:s31] =	ssyncset.done $0x0  }
0x164: {  	[sflag:s31] =	ssyncadd.s32 $0xFFFFD800  }
0x165: {  	_ =	swait.ge [sflag:s31], $0x2800  }
0x166: {  	[sflag:s31] =	ssyncset.done $0x0  }
0x167: {  	[sflag:s31] =	ssyncadd.s32 $0xFFFFD800  }
0x168: {  	_ =	swait.ge [sflag:s31], $0x2800  }
0x169: {  	[sflag:s31] =	ssyncset.done $0x0  }
0x16a: {  	[sflag:s31] =	ssyncadd.s32 $0xFFFFD800  }
.Ltmp3:
0x16b: {  	_ =	swait.ge [sflag:s31], $0x2800;
	(pc) =	sbr.rel @!p1 .LBB2_3-.Ltmp3, $4  }
0x16c: {  	[sflag:s31] =	ssyncset.done $0x0  }
0x16d: {  	[sflag:s31] =	ssyncadd.s32 $0xFFFFD800  }
0x16e: {  	_ =	swait.ge [sflag:s31], $0x2800  }
0x16f: {  	s21 =	smov.u32 s5;
	s4 =	sshra.s32 s22, $0x2;
	[sflag:s31] =	ssyncset.done $0x0  }
0x170: {  	s5 =	sadd.s32 $0x14000, s4;
	[sflag:s31] =	ssyncadd.s32 $0xFFFFD800  }
0x171: {  	[spmem:s1] =	stream.indirect.scatter.add.f32 [tilespmem:s28], [sflag:$0x1], $0x80, s5, s2, $0xb8;
	[tilespmem:$0x1BC00] =	vst v63  }
0x172: {  	s22 =	sadd.s32 $0x14080, s4  }
0x173: {  	[spmem:s1] =	stream.indirect.scatter.add.f32 [tilespmem:s28], [sflag:$0x1], $0x80, s22, s2, $0xb8;
	[tilespmem:$0x1BC00] =	vst v63  }
0x174: {  	s7 =	sadd.s32 $0x14100, s4  }
0x175: {  	[spmem:s1] =	stream.indirect.scatter.add.f32 [tilespmem:s28], [sflag:$0x1], $0x80, s7, s2, $0xb8;
	[tilespmem:$0x1BC00] =	vst v63  }
0x176: {  	s21 =	sadd.s32 $0x14180, s4  }
0x177: {  	[spmem:s1] =	stream.indirect.scatter.add.f32 [tilespmem:s28], [sflag:$0x1], $0x80, s21, s2, $0xb8;
	[tilespmem:$0x1BC00] =	vst v63  }
0x178: {  	s22 =	sadd.s32 $0x14200, s4  }
0x179: {  	[spmem:s1] =	stream.indirect.scatter.add.f32 [tilespmem:s28], [sflag:$0x1], $0x80, s22, s2, $0xb8;
	[tilespmem:$0x1BC00] =	vst v63  }
0x17a: {  	s7 =	sadd.s32 $0x14280, s4  }
0x17b: {  	[spmem:s1] =	stream.indirect.scatter.add.f32 [tilespmem:s28], [sflag:$0x1], $0x80, s7, s2, $0xb8;
	[tilespmem:$0x1BC00] =	vst v63  }
0x17c: {  	s21 =	sadd.s32 $0x14300, s4  }
0x17d: {  	[spmem:s1] =	stream.indirect.scatter.add.f32 [tilespmem:s28], [sflag:$0x1], $0x80, s21, s2, $0xb8;
	[tilespmem:$0x1BC00] =	vst v63  }
0x17e: {  	s22 =	sadd.s32 $0x14380, s4  }
0x17f: {  	[spmem:s1] =	stream.indirect.scatter.add.f32 [tilespmem:s28], [sflag:$0x1], $0x80, s22, s2, $0xb8;
	[tilespmem:$0x1BC00] =	vst v63  }
0x180: {  	s7 =	sadd.s32 $0x14400, s4  }
0x181: {  	[spmem:s1] =	stream.indirect.scatter.add.f32 [tilespmem:s28], [sflag:$0x1], $0x80, s7, s2, $0xb8;
	[tilespmem:$0x1BC00] =	vst v63  }
0x182: {  	s21 =	sadd.s32 $0x14480, s4  }
0x183: {  	[spmem:s1] =	stream.indirect.scatter.add.f32 [tilespmem:s28], [sflag:$0x1], $0x80, s21, s2, $0xb8;
	[tilespmem:$0x1BC00] =	vst v63  }
0x184: {  	s22 =	sadd.s32 $0x14500, s4  }
0x185: {  	[spmem:s1] =	stream.indirect.scatter.add.f32 [tilespmem:s28], [sflag:$0x1], $0x80, s22, s2, $0xb8;
	[tilespmem:$0x1BC00] =	vst v63  }
0x186: {  	s7 =	sadd.s32 $0x14580, s4  }
0x187: {  	[spmem:s1] =	stream.indirect.scatter.add.f32 [tilespmem:s28], [sflag:$0x1], $0x80, s7, s2, $0xb8;
	[tilespmem:$0x1BC00] =	vst v63  }
0x188: {  	s21 =	sadd.s32 $0x14600, s4  }
0x189: {  	[spmem:s1] =	stream.indirect.scatter.add.f32 [tilespmem:s28], [sflag:$0x1], $0x80, s21, s2, $0xb8;
	[tilespmem:$0x1BC00] =	vst v63  }
0x18a: {  	s22 =	sadd.s32 $0x14680, s4  }
0x18b: {  	[spmem:s1] =	stream.indirect.scatter.add.f32 [tilespmem:s28], [sflag:$0x1], $0x80, s22, s2, $0xb8;
	[tilespmem:$0x1BC00] =	vst v63  }
0x18c: {  	s7 =	sadd.s32 $0x14700, s4  }
0x18d: {  	[spmem:s1] =	stream.indirect.scatter.add.f32 [tilespmem:s28], [sflag:$0x1], $0x80, s7, s2, $0xb8;
	[tilespmem:$0x1BC00] =	vst v63  }
0x18e: {  	s21 =	sadd.s32 $0x14780, s4  }
0x18f: {  	[spmem:s1] =	stream.indirect.scatter.add.f32 [tilespmem:s28], [sflag:$0x1], $0x80, s21, s2, $0xb8;
	[tilespmem:$0x1BC00] =	vst v63  }
0x190: {  	s22 =	sadd.s32 $0x14800, s4  }
0x191: {  	[spmem:s1] =	stream.indirect.scatter.add.f32 [tilespmem:s28], [sflag:$0x1], $0x80, s22, s2, $0xb8;
	[tilespmem:$0x1BC00] =	vst v63  }
0x192: {  	s7 =	sadd.s32 $0x14880, s4  }
0x193: {  	[spmem:s1] =	stream.indirect.scatter.add.f32 [tilespmem:s28], [sflag:$0x1], $0x80, s7, s2, $0xb8;
	[tilespmem:$0x1BC00] =	vst v63  }
0x194: {  	s21 =	sadd.s32 $0x14900, s4  }
0x195: {  	[spmem:s1] =	stream.indirect.scatter.add.f32 [tilespmem:s28], [sflag:$0x1], $0x80, s21, s2, $0xb8;
	[tilespmem:$0x1BC00] =	vst v63  }
0x196: {  	s22 =	sadd.s32 $0x14980, s4  }
0x197: {  	[spmem:s1] =	stream.indirect.scatter.add.f32 [tilespmem:s28], [sflag:$0x1], $0x80, s22, s2, $0xb8;
	[tilespmem:$0x1BC00] =	vst v63  }
0x198: {  	s7 =	sadd.s32 $0x14A00, s4  }
0x199: {  	[spmem:s1] =	stream.indirect.scatter.add.f32 [tilespmem:s28], [sflag:$0x1], $0x80, s7, s2, $0xb8;
	[tilespmem:$0x1BC00] =	vst v63  }
0x19a: {  	s21 =	sadd.s32 $0x14A80, s4  }
0x19b: {  	[spmem:s1] =	stream.indirect.scatter.add.f32 [tilespmem:s28], [sflag:$0x1], $0x80, s21, s2, $0xb8;
	[tilespmem:$0x1BC00] =	vst v63  }
0x19c: {  	s22 =	sadd.s32 $0x14B00, s4  }
0x19d: {  	[spmem:s1] =	stream.indirect.scatter.add.f32 [tilespmem:s28], [sflag:$0x1], $0x80, s22, s2, $0xb8;
	[tilespmem:$0x1BC00] =	vst v63  }
0x19e: {  	s7 =	sadd.s32 $0x14B80, s4  }
0x19f: {  	[spmem:s1] =	stream.indirect.scatter.add.f32 [tilespmem:s28], [sflag:$0x1], $0x80, s7, s2, $0xb8;
	[tilespmem:$0x1BC00] =	vst v63  }
0x1a0: {  	s21 =	sadd.s32 $0x14C00, s4  }
0x1a1: {  	[spmem:s1] =	stream.indirect.scatter.add.f32 [tilespmem:s28], [sflag:$0x1], $0x80, s21, s2, $0xb8;
	[tilespmem:$0x1BC00] =	vst v63  }
0x1a2: {  	_ =	swait.ge [sflag:s31], $0x2800  }
0x1a3: {  	[sflag:s31] =	ssyncset.done $0x0  }
0x1a4: {  	[sflag:s31] =	ssyncadd.s32 $0xFFFFD800  }
0x1a5: {  	_ =	swait.ge [sflag:s31], $0x2800  }
0x1a6: {  	[sflag:s31] =	ssyncset.done $0x0  }
0x1a7: {  	[sflag:s31] =	ssyncadd.s32 $0xFFFFD800  }
0x1a8: {  	_ =	swait.ge [sflag:s31], $0x2800  }
0x1a9: {  	[sflag:s31] =	ssyncset.done $0x0  }
0x1aa: {  	[sflag:s31] =	ssyncadd.s32 $0xFFFFD800  }
0x1ab: {  	_ =	swait.ge [sflag:s31], $0x2800  }
0x1ac: {  	[sflag:s31] =	ssyncset.done $0x0  }
0x1ad: {  	[sflag:s31] =	ssyncadd.s32 $0xFFFFD800  }
0x1ae: {  	_ =	swait.ge [sflag:s31], $0x2800  }
0x1af: {  	[sflag:s31] =	ssyncset.done $0x0  }
0x1b0: {  	[sflag:s31] =	ssyncadd.s32 $0xFFFFD800  }
0x1b1: {  	_ =	swait.ge [sflag:s31], $0x2800  }
0x1b2: {  	[sflag:s31] =	ssyncset.done $0x0  }
0x1b3: {  	[sflag:s31] =	ssyncadd.s32 $0xFFFFD800  }
0x1b4: {  	_ =	swait.ge [sflag:s31], $0x2800  }
0x1b5: {  	[sflag:s31] =	ssyncset.done $0x0  }
0x1b6: {  	[sflag:s31] =	ssyncadd.s32 $0xFFFFD800  }
0x1b7: {  	_ =	swait.ge [sflag:s31], $0x2800  }
0x1b8: {  	[sflag:s31] =	ssyncset.done $0x0  }
0x1b9: {  	[sflag:s31] =	ssyncadd.s32 $0xFFFFD800  }
0x1ba: {  	_ =	swait.ge [sflag:s31], $0x2800  }
0x1bb: {  	[sflag:s31] =	ssyncset.done $0x0  }
0x1bc: {  	[sflag:s31] =	ssyncadd.s32 $0xFFFFD800  }
0x1bd: {  	_ =	swait.ge [sflag:s31], $0x2800  }
0x1be: {  	[sflag:s31] =	ssyncset.done $0x0  }
0x1bf: {  	[sflag:s31] =	ssyncadd.s32 $0xFFFFD800  }
0x1c0: {  	_ =	swait.ge [sflag:s31], $0x2800  }
0x1c1: {  	[sflag:s31] =	ssyncset.done $0x0  }
0x1c2: {  	[sflag:s31] =	ssyncadd.s32 $0xFFFFD800  }
0x1c3: {  	_ =	swait.ge [sflag:s31], $0x2800  }
0x1c4: {  	[sflag:s31] =	ssyncset.done $0x0  }
0x1c5: {  	[sflag:s31] =	ssyncadd.s32 $0xFFFFD800  }
0x1c6: {  	_ =	swait.ge [sflag:s31], $0x2800  }
0x1c7: {  	[sflag:s31] =	ssyncset.done $0x0  }
0x1c8: {  	[sflag:s31] =	ssyncadd.s32 $0xFFFFD800  }
0x1c9: {  	_ =	swait.ge [sflag:s31], $0x2800  }
0x1ca: {  	[sflag:s31] =	ssyncset.done $0x0  }
0x1cb: {  	[sflag:s31] =	ssyncadd.s32 $0xFFFFD800  }
0x1cc: {  	_ =	swait.ge [sflag:s31], $0x2800  }
0x1cd: {  	[sflag:s31] =	ssyncset.done $0x0  }
0x1ce: {  	[sflag:s31] =	ssyncadd.s32 $0xFFFFD800  }
0x1cf: {  	_ =	swait.ge [sflag:s31], $0x2800  }
0x1d0: {  	[sflag:s31] =	ssyncset.done $0x0  }
0x1d1: {  	[sflag:s31] =	ssyncadd.s32 $0xFFFFD800  }
0x1d2: {  	_ =	swait.ge [sflag:s31], $0x2800  }
0x1d3: {  	[sflag:s31] =	ssyncset.done $0x0  }
0x1d4: {  	[sflag:s31] =	ssyncadd.s32 $0xFFFFD800  }
0x1d5: {  	_ =	swait.ge [sflag:s31], $0x2800  }
0x1d6: {  	[sflag:s31] =	ssyncset.done $0x0  }
0x1d7: {  	[sflag:s31] =	ssyncadd.s32 $0xFFFFD800  }
0x1d8: {  	_ =	swait.ge [sflag:s31], $0x2800  }
0x1d9: {  	[sflag:s31] =	ssyncset.done $0x0  }
0x1da: {  	[sflag:s31] =	ssyncadd.s32 $0xFFFFD800  }
0x1db: {  	_ =	swait.ge [sflag:s31], $0x2800  }
0x1dc: {  	[sflag:s31] =	ssyncset.done $0x0  }
0x1dd: {  	[sflag:s31] =	ssyncadd.s32 $0xFFFFD800  }
0x1de: {  	_ =	swait.ge [sflag:s31], $0x2800  }
0x1df: {  	[sflag:s31] =	ssyncset.done $0x0  }
0x1e0: {  	[sflag:s31] =	ssyncadd.s32 $0xFFFFD800  }
0x1e1: {  	_ =	swait.ge [sflag:s31], $0x2800  }
0x1e2: {  	[sflag:s31] =	ssyncset.done $0x0  }
0x1e3: {  	[sflag:s31] =	ssyncadd.s32 $0xFFFFD800  }
0x1e4: {  	_ =	swait.ge [sflag:s31], $0x2800  }
0x1e5: {  	[sflag:s31] =	ssyncset.done $0x0  }
0x1e6: {  	[sflag:s31] =	ssyncadd.s32 $0xFFFFD800  }
0x1e7: {  	_ =	swait.ge [sflag:s31], $0x2800  }
0x1e8: {  	[sflag:s31] =	ssyncset.done $0x0  }
0x1e9: {  	[sflag:s31] =	ssyncadd.s32 $0xFFFFD800  }
0x1ea: {  	_ =	swait.ge [sflag:s31], $0x2800  }
0x1eb: {  	[sflag:s31] =	ssyncset.done $0x0  }
0x1ec: {  	[sflag:s31] =	ssyncadd.s32 $0xFFFFD800  }
0x1ed: {  	[bflag:$0x0] =	sbarrier.arrive $0xFFFF  }
0x1ee: {  	[tilespmem:s30], [sflag:$0x2] =	stream.linear.gather [spmem:s6], $0x1400, $0x38;
	[tilespmem:$0x1BC00] =	vst v63  }
0x1ef: {  	_ =	swait.ge [sflag:s29], $0x1400  }
0x1f0: {  	[sflag:s29] =	ssyncset.done $0x0  }
0x1f1: {  	s22 =	sadd.s32 $0x0, s25;
	[sflag:s29] =	ssyncadd.s32 $0xFFFFEC00  }
0x1f2: {  	[hbm4b:s22+s3] =	stream.linear.scatter [tilespmem:s30], [sflag:$0x2], $0x1400, $0x38;
	[tilespmem:$0x1BC00] =	vst v63  }
0x1f3: {  	_ =	swait.ge [sflag:s29], $0x1400  }
0x1f4: {  	s4 =	simm.s32 $0x280;
	s21 =	smov.u32 s6;
	[sflag:s29] =	ssyncset.done $0x0  }
.LBB2_5:
0x1f5: {  	p1 =	seq.s32 s4, $0x2580;
	[sflag:s29] =	ssyncadd.s32 $0xFFFFEC00;
	s21 =	sadd.s32 $0x1400, s21  }
0x1f6: {  	[tilespmem:s30], [sflag:$0x2] =	stream.linear.gather [spmem:s21], $0x1400, $0x38;
	[tilespmem:$0x1BC00] =	vst v63  }
0x1f7: {  	s5 =	smov.u32 s4;
	s4 =	sadd.s32 $0x280, s4;
	_ =	swait.ge [sflag:s29], $0x1400  }
.Ltmp4:
0x1f8: {  	[sflag:s29] =	ssyncset.done $0x0;
	(pc) =	sbr.rel @!p1 .LBB2_5-.Ltmp4, $4  }
0x1f9: {  	s5 =	sadd.s32 s5, s25;
	[sflag:s29] =	ssyncadd.s32 $0xFFFFEC00  }
0x1fa: {  	[hbm4b:s5+s3] =	stream.linear.scatter [tilespmem:s30], [sflag:$0x2], $0x1400, $0x38;
	[tilespmem:$0x1BC00] =	vst v63  }
0x1fb: {  	_ =	swait.ge [sflag:s29], $0x1400  }
0x1fc: {  	[sflag:s29] =	ssyncset.done $0x0  }
.Ltmp5:
0x1fd: {  	(pc) =	sbr.rel .LBB2_12-.Ltmp5, $2  }
0x1fe: {  	_ =	sdelay $0x2  }
0x1ff: {  	[sflag:s29] =	ssyncadd.s32 $0xFFFFEC00  }
.LBB2_7:
0x200: {  	s5 =	rddreg [dreg:$0x6];
	s7 =	simm.s32 $0x14000  }
0x201: {  	[tilespmem:s7], [sflag:$0x2] =	stream.linear.gather [hbm4b:s5+s4], $0x3E80, $0x38;
	[tilespmem:$0x1BC00] =	vst v63  }
0x202: {  	_ =	swait.ge [sflag:s29], $0x3E80  }
0x203: {  	[sflag:s29] =	ssyncset.done $0x0  }
0x204: {  	s22 =	simm.s32 $0x14000;
	[sflag:s29] =	ssyncadd.s32 $0xFFFFC180  }
0x205: {  	[spmem:s1] =	stream.indirect.scatter.add.f32 [tilespmem:s28], [sflag:$0x1], $0x80, s22, s2, $0xb8;
	[tilespmem:$0x1BC00] =	vst v63  }
0x206: {  	s5 =	simm.s32 $0x14080  }
0x207: {  	[spmem:s1] =	stream.indirect.scatter.add.f32 [tilespmem:s28], [sflag:$0x1], $0x80, s5, s2, $0xb8;
	[tilespmem:$0x1BC00] =	vst v63  }
0x208: {  	s7 =	simm.s32 $0x14100  }
0x209: {  	[spmem:s1] =	stream.indirect.scatter.add.f32 [tilespmem:s28], [sflag:$0x1], $0x80, s7, s2, $0xb8;
	[tilespmem:$0x1BC00] =	vst v63  }
0x20a: {  	s21 =	simm.s32 $0x14180  }
0x20b: {  	[spmem:s1] =	stream.indirect.scatter.add.f32 [tilespmem:s28], [sflag:$0x1], $0x80, s21, s2, $0xb8;
	[tilespmem:$0x1BC00] =	vst v63  }
0x20c: {  	s22 =	simm.s32 $0x14200  }
0x20d: {  	[spmem:s1] =	stream.indirect.scatter.add.f32 [tilespmem:s28], [sflag:$0x1], $0x80, s22, s2, $0xb8;
	[tilespmem:$0x1BC00] =	vst v63  }
0x20e: {  	s5 =	simm.s32 $0x14280  }
0x20f: {  	[spmem:s1] =	stream.indirect.scatter.add.f32 [tilespmem:s28], [sflag:$0x1], $0x80, s5, s2, $0xb8;
	[tilespmem:$0x1BC00] =	vst v63  }
0x210: {  	s7 =	simm.s32 $0x14300  }
0x211: {  	[spmem:s1] =	stream.indirect.scatter.add.f32 [tilespmem:s28], [sflag:$0x1], $0x80, s7, s2, $0xb8;
	[tilespmem:$0x1BC00] =	vst v63  }
0x212: {  	s21 =	simm.s32 $0x14380  }
0x213: {  	[spmem:s1] =	stream.indirect.scatter.add.f32 [tilespmem:s28], [sflag:$0x1], $0x80, s21, s2, $0xb8;
	[tilespmem:$0x1BC00] =	vst v63  }
0x214: {  	s22 =	simm.s32 $0x14400  }
0x215: {  	[spmem:s1] =	stream.indirect.scatter.add.f32 [tilespmem:s28], [sflag:$0x1], $0x80, s22, s2, $0xb8;
	[tilespmem:$0x1BC00] =	vst v63  }
0x216: {  	s5 =	simm.s32 $0x14480  }
0x217: {  	[spmem:s1] =	stream.indirect.scatter.add.f32 [tilespmem:s28], [sflag:$0x1], $0x80, s5, s2, $0xb8;
	[tilespmem:$0x1BC00] =	vst v63  }
0x218: {  	s7 =	simm.s32 $0x14500  }
0x219: {  	[spmem:s1] =	stream.indirect.scatter.add.f32 [tilespmem:s28], [sflag:$0x1], $0x80, s7, s2, $0xb8;
	[tilespmem:$0x1BC00] =	vst v63  }
0x21a: {  	s21 =	simm.s32 $0x14580  }
0x21b: {  	[spmem:s1] =	stream.indirect.scatter.add.f32 [tilespmem:s28], [sflag:$0x1], $0x80, s21, s2, $0xb8;
	[tilespmem:$0x1BC00] =	vst v63  }
0x21c: {  	s22 =	simm.s32 $0x14600  }
0x21d: {  	[spmem:s1] =	stream.indirect.scatter.add.f32 [tilespmem:s28], [sflag:$0x1], $0x80, s22, s2, $0xb8;
	[tilespmem:$0x1BC00] =	vst v63  }
0x21e: {  	s5 =	simm.s32 $0x14680  }
0x21f: {  	[spmem:s1] =	stream.indirect.scatter.add.f32 [tilespmem:s28], [sflag:$0x1], $0x80, s5, s2, $0xb8;
	[tilespmem:$0x1BC00] =	vst v63  }
0x220: {  	s7 =	simm.s32 $0x14700  }
0x221: {  	[spmem:s1] =	stream.indirect.scatter.add.f32 [tilespmem:s28], [sflag:$0x1], $0x80, s7, s2, $0xb8;
	[tilespmem:$0x1BC00] =	vst v63  }
0x222: {  	s21 =	simm.s32 $0x14780  }
0x223: {  	[spmem:s1] =	stream.indirect.scatter.add.f32 [tilespmem:s28], [sflag:$0x1], $0x80, s21, s2, $0xb8;
	[tilespmem:$0x1BC00] =	vst v63  }
0x224: {  	s22 =	simm.s32 $0x14800  }
0x225: {  	[spmem:s1] =	stream.indirect.scatter.add.f32 [tilespmem:s28], [sflag:$0x1], $0x80, s22, s2, $0xb8;
	[tilespmem:$0x1BC00] =	vst v63  }
0x226: {  	s5 =	simm.s32 $0x14880  }
0x227: {  	[spmem:s1] =	stream.indirect.scatter.add.f32 [tilespmem:s28], [sflag:$0x1], $0x80, s5, s2, $0xb8;
	[tilespmem:$0x1BC00] =	vst v63  }
0x228: {  	s7 =	simm.s32 $0x14900  }
0x229: {  	[spmem:s1] =	stream.indirect.scatter.add.f32 [tilespmem:s28], [sflag:$0x1], $0x80, s7, s2, $0xb8;
	[tilespmem:$0x1BC00] =	vst v63  }
0x22a: {  	s21 =	simm.s32 $0x14980  }
0x22b: {  	[spmem:s1] =	stream.indirect.scatter.add.f32 [tilespmem:s28], [sflag:$0x1], $0x80, s21, s2, $0xb8;
	[tilespmem:$0x1BC00] =	vst v63  }
0x22c: {  	s22 =	simm.s32 $0x14A00  }
0x22d: {  	[spmem:s1] =	stream.indirect.scatter.add.f32 [tilespmem:s28], [sflag:$0x1], $0x80, s22, s2, $0xb8;
	[tilespmem:$0x1BC00] =	vst v63  }
0x22e: {  	s5 =	simm.s32 $0x14A80  }
0x22f: {  	[spmem:s1] =	stream.indirect.scatter.add.f32 [tilespmem:s28], [sflag:$0x1], $0x80, s5, s2, $0xb8;
	[tilespmem:$0x1BC00] =	vst v63  }
0x230: {  	s7 =	simm.s32 $0x14B00  }
0x231: {  	[spmem:s1] =	stream.indirect.scatter.add.f32 [tilespmem:s28], [sflag:$0x1], $0x80, s7, s2, $0xb8;
	[tilespmem:$0x1BC00] =	vst v63  }
0x232: {  	s21 =	simm.s32 $0x14B80  }
0x233: {  	[spmem:s1] =	stream.indirect.scatter.add.f32 [tilespmem:s28], [sflag:$0x1], $0x80, s21, s2, $0xb8;
	[tilespmem:$0x1BC00] =	vst v63  }
0x234: {  	s22 =	simm.s32 $0x14C00  }
0x235: {  	[spmem:s1] =	stream.indirect.scatter.add.f32 [tilespmem:s28], [sflag:$0x1], $0x80, s22, s2, $0xb8;
	[tilespmem:$0x1BC00] =	vst v63  }
0x236: {  	_ =	swait.ge [sflag:s31], $0x2800  }
0x237: {  	[sflag:s31] =	ssyncset.done $0x0  }
0x238: {  	[sflag:s31] =	ssyncadd.s32 $0xFFFFD800  }
0x239: {  	_ =	swait.ge [sflag:s31], $0x2800  }
0x23a: {  	[sflag:s31] =	ssyncset.done $0x0  }
0x23b: {  	[sflag:s31] =	ssyncadd.s32 $0xFFFFD800  }
0x23c: {  	_ =	swait.ge [sflag:s31], $0x2800  }
0x23d: {  	[sflag:s31] =	ssyncset.done $0x0  }
0x23e: {  	[sflag:s31] =	ssyncadd.s32 $0xFFFFD800  }
0x23f: {  	_ =	swait.ge [sflag:s31], $0x2800  }
0x240: {  	[sflag:s31] =	ssyncset.done $0x0  }
0x241: {  	[sflag:s31] =	ssyncadd.s32 $0xFFFFD800  }
0x242: {  	_ =	swait.ge [sflag:s31], $0x2800  }
0x243: {  	[sflag:s31] =	ssyncset.done $0x0  }
0x244: {  	[sflag:s31] =	ssyncadd.s32 $0xFFFFD800  }
0x245: {  	_ =	swait.ge [sflag:s31], $0x2800  }
0x246: {  	[sflag:s31] =	ssyncset.done $0x0  }
0x247: {  	[sflag:s31] =	ssyncadd.s32 $0xFFFFD800  }
0x248: {  	_ =	swait.ge [sflag:s31], $0x2800  }
0x249: {  	[sflag:s31] =	ssyncset.done $0x0  }
0x24a: {  	[sflag:s31] =	ssyncadd.s32 $0xFFFFD800  }
0x24b: {  	_ =	swait.ge [sflag:s31], $0x2800  }
0x24c: {  	[sflag:s31] =	ssyncset.done $0x0  }
0x24d: {  	[sflag:s31] =	ssyncadd.s32 $0xFFFFD800  }
0x24e: {  	_ =	swait.ge [sflag:s31], $0x2800  }
0x24f: {  	[sflag:s31] =	ssyncset.done $0x0  }
0x250: {  	[sflag:s31] =	ssyncadd.s32 $0xFFFFD800  }
0x251: {  	_ =	swait.ge [sflag:s31], $0x2800  }
0x252: {  	[sflag:s31] =	ssyncset.done $0x0  }
0x253: {  	[sflag:s31] =	ssyncadd.s32 $0xFFFFD800  }
0x254: {  	_ =	swait.ge [sflag:s31], $0x2800  }
0x255: {  	[sflag:s31] =	ssyncset.done $0x0  }
0x256: {  	[sflag:s31] =	ssyncadd.s32 $0xFFFFD800  }
0x257: {  	_ =	swait.ge [sflag:s31], $0x2800  }
0x258: {  	[sflag:s31] =	ssyncset.done $0x0  }
0x259: {  	[sflag:s31] =	ssyncadd.s32 $0xFFFFD800  }
0x25a: {  	_ =	swait.ge [sflag:s31], $0x2800  }
0x25b: {  	[sflag:s31] =	ssyncset.done $0x0  }
0x25c: {  	[sflag:s31] =	ssyncadd.s32 $0xFFFFD800  }
0x25d: {  	_ =	swait.ge [sflag:s31], $0x2800  }
0x25e: {  	[sflag:s31] =	ssyncset.done $0x0  }
0x25f: {  	[sflag:s31] =	ssyncadd.s32 $0xFFFFD800  }
0x260: {  	_ =	swait.ge [sflag:s31], $0x2800  }
0x261: {  	[sflag:s31] =	ssyncset.done $0x0  }
0x262: {  	[sflag:s31] =	ssyncadd.s32 $0xFFFFD800  }
0x263: {  	_ =	swait.ge [sflag:s31], $0x2800  }
0x264: {  	[sflag:s31] =	ssyncset.done $0x0  }
0x265: {  	[sflag:s31] =	ssyncadd.s32 $0xFFFFD800  }
0x266: {  	_ =	swait.ge [sflag:s31], $0x2800  }
0x267: {  	[sflag:s31] =	ssyncset.done $0x0  }
0x268: {  	[sflag:s31] =	ssyncadd.s32 $0xFFFFD800  }
0x269: {  	_ =	swait.ge [sflag:s31], $0x2800  }
0x26a: {  	[sflag:s31] =	ssyncset.done $0x0  }
0x26b: {  	[sflag:s31] =	ssyncadd.s32 $0xFFFFD800  }
0x26c: {  	_ =	swait.ge [sflag:s31], $0x2800  }
0x26d: {  	[sflag:s31] =	ssyncset.done $0x0  }
0x26e: {  	[sflag:s31] =	ssyncadd.s32 $0xFFFFD800  }
0x26f: {  	_ =	swait.ge [sflag:s31], $0x2800  }
0x270: {  	[sflag:s31] =	ssyncset.done $0x0  }
0x271: {  	[sflag:s31] =	ssyncadd.s32 $0xFFFFD800  }
0x272: {  	_ =	swait.ge [sflag:s31], $0x2800  }
0x273: {  	[sflag:s31] =	ssyncset.done $0x0  }
0x274: {  	[sflag:s31] =	ssyncadd.s32 $0xFFFFD800  }
0x275: {  	_ =	swait.ge [sflag:s31], $0x2800  }
0x276: {  	[sflag:s31] =	ssyncset.done $0x0  }
0x277: {  	[sflag:s31] =	ssyncadd.s32 $0xFFFFD800  }
0x278: {  	_ =	swait.ge [sflag:s31], $0x2800  }
0x279: {  	[sflag:s31] =	ssyncset.done $0x0  }
0x27a: {  	[sflag:s31] =	ssyncadd.s32 $0xFFFFD800  }
0x27b: {  	_ =	swait.ge [sflag:s31], $0x2800  }
0x27c: {  	[sflag:s31] =	ssyncset.done $0x0  }
0x27d: {  	[sflag:s31] =	ssyncadd.s32 $0xFFFFD800  }
0x27e: {  	_ =	swait.ge [sflag:s31], $0x2800  }
0x27f: {  	s4 =	simm.s32 $0xC80;
	s5 =	simm.s32 $0x6400;
	[sflag:s31] =	ssyncset.done $0x0  }
.LBB2_8:
0x280: {  	s7 =	sadd.s32 $0x14000, s4  }
0x281: {  	[sflag:s31] =	ssyncadd.s32 $0xFFFFD800;
	s22 =	smov.u32 s5;
	s21 =	sadd.s32 $0x3200, s5  }
0x282: {  	[spmem:s1] =	stream.indirect.scatter.add.f32 [tilespmem:s28], [sflag:$0x1], $0x80, s7, s2, $0xb8;
	[tilespmem:$0x1BC00] =	vst v63  }
0x283: {  	p1 =	seq.s32 s5, $0xC800;
	s5 =	sadd.s32 $0x14080, s4  }
0x284: {  	[spmem:s1] =	stream.indirect.scatter.add.f32 [tilespmem:s28], [sflag:$0x1], $0x80, s5, s2, $0xb8;
	[tilespmem:$0x1BC00] =	vst v63  }
0x285: {  	s5 =	sadd.s32 $0x14100, s4  }
0x286: {  	[spmem:s1] =	stream.indirect.scatter.add.f32 [tilespmem:s28], [sflag:$0x1], $0x80, s5, s2, $0xb8;
	[tilespmem:$0x1BC00] =	vst v63  }
0x287: {  	s5 =	sadd.s32 $0x14180, s4  }
0x288: {  	[spmem:s1] =	stream.indirect.scatter.add.f32 [tilespmem:s28], [sflag:$0x1], $0x80, s5, s2, $0xb8;
	[tilespmem:$0x1BC00] =	vst v63  }
0x289: {  	s5 =	sadd.s32 $0x14200, s4  }
0x28a: {  	[spmem:s1] =	stream.indirect.scatter.add.f32 [tilespmem:s28], [sflag:$0x1], $0x80, s5, s2, $0xb8;
	[tilespmem:$0x1BC00] =	vst v63  }
0x28b: {  	s5 =	sadd.s32 $0x14280, s4  }
0x28c: {  	[spmem:s1] =	stream.indirect.scatter.add.f32 [tilespmem:s28], [sflag:$0x1], $0x80, s5, s2, $0xb8;
	[tilespmem:$0x1BC00] =	vst v63  }
0x28d: {  	s5 =	sadd.s32 $0x14300, s4  }
0x28e: {  	[spmem:s1] =	stream.indirect.scatter.add.f32 [tilespmem:s28], [sflag:$0x1], $0x80, s5, s2, $0xb8;
	[tilespmem:$0x1BC00] =	vst v63  }
0x28f: {  	s5 =	sadd.s32 $0x14380, s4  }
0x290: {  	[spmem:s1] =	stream.indirect.scatter.add.f32 [tilespmem:s28], [sflag:$0x1], $0x80, s5, s2, $0xb8;
	[tilespmem:$0x1BC00] =	vst v63  }
0x291: {  	s5 =	sadd.s32 $0x14400, s4  }
0x292: {  	[spmem:s1] =	stream.indirect.scatter.add.f32 [tilespmem:s28], [sflag:$0x1], $0x80, s5, s2, $0xb8;
	[tilespmem:$0x1BC00] =	vst v63  }
0x293: {  	s5 =	sadd.s32 $0x14480, s4  }
0x294: {  	[spmem:s1] =	stream.indirect.scatter.add.f32 [tilespmem:s28], [sflag:$0x1], $0x80, s5, s2, $0xb8;
	[tilespmem:$0x1BC00] =	vst v63  }
0x295: {  	s5 =	sadd.s32 $0x14500, s4  }
0x296: {  	[spmem:s1] =	stream.indirect.scatter.add.f32 [tilespmem:s28], [sflag:$0x1], $0x80, s5, s2, $0xb8;
	[tilespmem:$0x1BC00] =	vst v63  }
0x297: {  	s5 =	sadd.s32 $0x14580, s4  }
0x298: {  	[spmem:s1] =	stream.indirect.scatter.add.f32 [tilespmem:s28], [sflag:$0x1], $0x80, s5, s2, $0xb8;
	[tilespmem:$0x1BC00] =	vst v63  }
0x299: {  	s5 =	sadd.s32 $0x14600, s4  }
0x29a: {  	[spmem:s1] =	stream.indirect.scatter.add.f32 [tilespmem:s28], [sflag:$0x1], $0x80, s5, s2, $0xb8;
	[tilespmem:$0x1BC00] =	vst v63  }
0x29b: {  	s5 =	sadd.s32 $0x14680, s4  }
0x29c: {  	[spmem:s1] =	stream.indirect.scatter.add.f32 [tilespmem:s28], [sflag:$0x1], $0x80, s5, s2, $0xb8;
	[tilespmem:$0x1BC00] =	vst v63  }
0x29d: {  	s5 =	sadd.s32 $0x14700, s4  }
0x29e: {  	[spmem:s1] =	stream.indirect.scatter.add.f32 [tilespmem:s28], [sflag:$0x1], $0x80, s5, s2, $0xb8;
	[tilespmem:$0x1BC00] =	vst v63  }
0x29f: {  	s5 =	sadd.s32 $0x14780, s4  }
0x2a0: {  	[spmem:s1] =	stream.indirect.scatter.add.f32 [tilespmem:s28], [sflag:$0x1], $0x80, s5, s2, $0xb8;
	[tilespmem:$0x1BC00] =	vst v63  }
0x2a1: {  	s5 =	sadd.s32 $0x14800, s4  }
0x2a2: {  	[spmem:s1] =	stream.indirect.scatter.add.f32 [tilespmem:s28], [sflag:$0x1], $0x80, s5, s2, $0xb8;
	[tilespmem:$0x1BC00] =	vst v63  }
0x2a3: {  	s5 =	sadd.s32 $0x14880, s4  }
0x2a4: {  	[spmem:s1] =	stream.indirect.scatter.add.f32 [tilespmem:s28], [sflag:$0x1], $0x80, s5, s2, $0xb8;
	[tilespmem:$0x1BC00] =	vst v63  }
0x2a5: {  	s5 =	sadd.s32 $0x14900, s4  }
0x2a6: {  	[spmem:s1] =	stream.indirect.scatter.add.f32 [tilespmem:s28], [sflag:$0x1], $0x80, s5, s2, $0xb8;
	[tilespmem:$0x1BC00] =	vst v63  }
0x2a7: {  	s5 =	sadd.s32 $0x14980, s4  }
0x2a8: {  	[spmem:s1] =	stream.indirect.scatter.add.f32 [tilespmem:s28], [sflag:$0x1], $0x80, s5, s2, $0xb8;
	[tilespmem:$0x1BC00] =	vst v63  }
0x2a9: {  	s5 =	sadd.s32 $0x14A00, s4  }
0x2aa: {  	[spmem:s1] =	stream.indirect.scatter.add.f32 [tilespmem:s28], [sflag:$0x1], $0x80, s5, s2, $0xb8;
	[tilespmem:$0x1BC00] =	vst v63  }
0x2ab: {  	s5 =	sadd.s32 $0x14A80, s4  }
0x2ac: {  	[spmem:s1] =	stream.indirect.scatter.add.f32 [tilespmem:s28], [sflag:$0x1], $0x80, s5, s2, $0xb8;
	[tilespmem:$0x1BC00] =	vst v63  }
0x2ad: {  	s5 =	sadd.s32 $0x14B00, s4  }
0x2ae: {  	[spmem:s1] =	stream.indirect.scatter.add.f32 [tilespmem:s28], [sflag:$0x1], $0x80, s5, s2, $0xb8;
	[tilespmem:$0x1BC00] =	vst v63  }
0x2af: {  	s5 =	sadd.s32 $0x14B80, s4  }
0x2b0: {  	[spmem:s1] =	stream.indirect.scatter.add.f32 [tilespmem:s28], [sflag:$0x1], $0x80, s5, s2, $0xb8;
	[tilespmem:$0x1BC00] =	vst v63  }
0x2b1: {  	s4 =	sadd.s32 $0x14C00, s4  }
0x2b2: {  	[spmem:s1] =	stream.indirect.scatter.add.f32 [tilespmem:s28], [sflag:$0x1], $0x80, s4, s2, $0xb8;
	[tilespmem:$0x1BC00] =	vst v63  }
0x2b3: {  	_ =	swait.ge [sflag:s31], $0x2800  }
0x2b4: {  	[sflag:s31] =	ssyncset.done $0x0  }
0x2b5: {  	[sflag:s31] =	ssyncadd.s32 $0xFFFFD800  }
0x2b6: {  	_ =	swait.ge [sflag:s31], $0x2800  }
0x2b7: {  	[sflag:s31] =	ssyncset.done $0x0  }
0x2b8: {  	[sflag:s31] =	ssyncadd.s32 $0xFFFFD800  }
0x2b9: {  	_ =	swait.ge [sflag:s31], $0x2800  }
0x2ba: {  	[sflag:s31] =	ssyncset.done $0x0  }
0x2bb: {  	[sflag:s31] =	ssyncadd.s32 $0xFFFFD800  }
0x2bc: {  	_ =	swait.ge [sflag:s31], $0x2800  }
0x2bd: {  	[sflag:s31] =	ssyncset.done $0x0  }
0x2be: {  	[sflag:s31] =	ssyncadd.s32 $0xFFFFD800  }
0x2bf: {  	_ =	swait.ge [sflag:s31], $0x2800  }
0x2c0: {  	[sflag:s31] =	ssyncset.done $0x0  }
0x2c1: {  	[sflag:s31] =	ssyncadd.s32 $0xFFFFD800  }
0x2c2: {  	_ =	swait.ge [sflag:s31], $0x2800  }
0x2c3: {  	[sflag:s31] =	ssyncset.done $0x0  }
0x2c4: {  	[sflag:s31] =	ssyncadd.s32 $0xFFFFD800  }
0x2c5: {  	_ =	swait.ge [sflag:s31], $0x2800  }
0x2c6: {  	[sflag:s31] =	ssyncset.done $0x0  }
0x2c7: {  	[sflag:s31] =	ssyncadd.s32 $0xFFFFD800  }
0x2c8: {  	_ =	swait.ge [sflag:s31], $0x2800  }
0x2c9: {  	[sflag:s31] =	ssyncset.done $0x0  }
0x2ca: {  	[sflag:s31] =	ssyncadd.s32 $0xFFFFD800  }
0x2cb: {  	_ =	swait.ge [sflag:s31], $0x2800  }
0x2cc: {  	[sflag:s31] =	ssyncset.done $0x0  }
0x2cd: {  	[sflag:s31] =	ssyncadd.s32 $0xFFFFD800  }
0x2ce: {  	_ =	swait.ge [sflag:s31], $0x2800  }
0x2cf: {  	[sflag:s31] =	ssyncset.done $0x0  }
0x2d0: {  	[sflag:s31] =	ssyncadd.s32 $0xFFFFD800  }
0x2d1: {  	_ =	swait.ge [sflag:s31], $0x2800  }
0x2d2: {  	[sflag:s31] =	ssyncset.done $0x0  }
0x2d3: {  	[sflag:s31] =	ssyncadd.s32 $0xFFFFD800  }
0x2d4: {  	_ =	swait.ge [sflag:s31], $0x2800  }
0x2d5: {  	[sflag:s31] =	ssyncset.done $0x0  }
0x2d6: {  	[sflag:s31] =	ssyncadd.s32 $0xFFFFD800  }
0x2d7: {  	_ =	swait.ge [sflag:s31], $0x2800  }
0x2d8: {  	[sflag:s31] =	ssyncset.done $0x0  }
0x2d9: {  	[sflag:s31] =	ssyncadd.s32 $0xFFFFD800  }
0x2da: {  	_ =	swait.ge [sflag:s31], $0x2800  }
0x2db: {  	[sflag:s31] =	ssyncset.done $0x0  }
0x2dc: {  	[sflag:s31] =	ssyncadd.s32 $0xFFFFD800  }
0x2dd: {  	_ =	swait.ge [sflag:s31], $0x2800  }
0x2de: {  	[sflag:s31] =	ssyncset.done $0x0  }
0x2df: {  	[sflag:s31] =	ssyncadd.s32 $0xFFFFD800  }
0x2e0: {  	_ =	swait.ge [sflag:s31], $0x2800  }
0x2e1: {  	[sflag:s31] =	ssyncset.done $0x0  }
0x2e2: {  	[sflag:s31] =	ssyncadd.s32 $0xFFFFD800  }
0x2e3: {  	_ =	swait.ge [sflag:s31], $0x2800  }
0x2e4: {  	[sflag:s31] =	ssyncset.done $0x0  }
0x2e5: {  	[sflag:s31] =	ssyncadd.s32 $0xFFFFD800  }
0x2e6: {  	_ =	swait.ge [sflag:s31], $0x2800  }
0x2e7: {  	[sflag:s31] =	ssyncset.done $0x0  }
0x2e8: {  	[sflag:s31] =	ssyncadd.s32 $0xFFFFD800  }
0x2e9: {  	_ =	swait.ge [sflag:s31], $0x2800  }
0x2ea: {  	[sflag:s31] =	ssyncset.done $0x0  }
0x2eb: {  	[sflag:s31] =	ssyncadd.s32 $0xFFFFD800  }
0x2ec: {  	_ =	swait.ge [sflag:s31], $0x2800  }
0x2ed: {  	[sflag:s31] =	ssyncset.done $0x0  }
0x2ee: {  	[sflag:s31] =	ssyncadd.s32 $0xFFFFD800  }
0x2ef: {  	_ =	swait.ge [sflag:s31], $0x2800  }
0x2f0: {  	[sflag:s31] =	ssyncset.done $0x0  }
0x2f1: {  	[sflag:s31] =	ssyncadd.s32 $0xFFFFD800  }
0x2f2: {  	_ =	swait.ge [sflag:s31], $0x2800  }
0x2f3: {  	[sflag:s31] =	ssyncset.done $0x0  }
0x2f4: {  	[sflag:s31] =	ssyncadd.s32 $0xFFFFD800  }
0x2f5: {  	_ =	swait.ge [sflag:s31], $0x2800  }
0x2f6: {  	[sflag:s31] =	ssyncset.done $0x0  }
0x2f7: {  	[sflag:s31] =	ssyncadd.s32 $0xFFFFD800  }
.Ltmp6:
0x2f8: {  	_ =	swait.ge [sflag:s31], $0x2800;
	(pc) =	sbr.rel @!p1 .LBB2_8-.Ltmp6, $4  }
0x2f9: {  	[sflag:s31] =	ssyncset.done $0x0  }
0x2fa: {  	[sflag:s31] =	ssyncadd.s32 $0xFFFFD800  }
0x2fb: {  	_ =	swait.ge [sflag:s31], $0x2800  }
0x2fc: {  	s5 =	smov.u32 s21;
	s4 =	sshra.s32 s22, $0x2;
	[sflag:s31] =	ssyncset.done $0x0  }
0x2fd: {  	s5 =	sadd.s32 $0x14000, s4;
	[sflag:s31] =	ssyncadd.s32 $0xFFFFD800  }
0x2fe: {  	[spmem:s1] =	stream.indirect.scatter.add.f32 [tilespmem:s28], [sflag:$0x1], $0x80, s5, s2, $0xb8;
	[tilespmem:$0x1BC00] =	vst v63  }
0x2ff: {  	s22 =	sadd.s32 $0x14080, s4  }
0x300: {  	[spmem:s1] =	stream.indirect.scatter.add.f32 [tilespmem:s28], [sflag:$0x1], $0x80, s22, s2, $0xb8;
	[tilespmem:$0x1BC00] =	vst v63  }
0x301: {  	s7 =	sadd.s32 $0x14100, s4  }
0x302: {  	[spmem:s1] =	stream.indirect.scatter.add.f32 [tilespmem:s28], [sflag:$0x1], $0x80, s7, s2, $0xb8;
	[tilespmem:$0x1BC00] =	vst v63  }
0x303: {  	s21 =	sadd.s32 $0x14180, s4  }
0x304: {  	[spmem:s1] =	stream.indirect.scatter.add.f32 [tilespmem:s28], [sflag:$0x1], $0x80, s21, s2, $0xb8;
	[tilespmem:$0x1BC00] =	vst v63  }
0x305: {  	s22 =	sadd.s32 $0x14200, s4  }
0x306: {  	[spmem:s1] =	stream.indirect.scatter.add.f32 [tilespmem:s28], [sflag:$0x1], $0x80, s22, s2, $0xb8;
	[tilespmem:$0x1BC00] =	vst v63  }
0x307: {  	s7 =	sadd.s32 $0x14280, s4  }
0x308: {  	[spmem:s1] =	stream.indirect.scatter.add.f32 [tilespmem:s28], [sflag:$0x1], $0x80, s7, s2, $0xb8;
	[tilespmem:$0x1BC00] =	vst v63  }
0x309: {  	s21 =	sadd.s32 $0x14300, s4  }
0x30a: {  	[spmem:s1] =	stream.indirect.scatter.add.f32 [tilespmem:s28], [sflag:$0x1], $0x80, s21, s2, $0xb8;
	[tilespmem:$0x1BC00] =	vst v63  }
0x30b: {  	s22 =	sadd.s32 $0x14380, s4  }
0x30c: {  	[spmem:s1] =	stream.indirect.scatter.add.f32 [tilespmem:s28], [sflag:$0x1], $0x80, s22, s2, $0xb8;
	[tilespmem:$0x1BC00] =	vst v63  }
0x30d: {  	s7 =	sadd.s32 $0x14400, s4  }
0x30e: {  	[spmem:s1] =	stream.indirect.scatter.add.f32 [tilespmem:s28], [sflag:$0x1], $0x80, s7, s2, $0xb8;
	[tilespmem:$0x1BC00] =	vst v63  }
0x30f: {  	s21 =	sadd.s32 $0x14480, s4  }
0x310: {  	[spmem:s1] =	stream.indirect.scatter.add.f32 [tilespmem:s28], [sflag:$0x1], $0x80, s21, s2, $0xb8;
	[tilespmem:$0x1BC00] =	vst v63  }
0x311: {  	s22 =	sadd.s32 $0x14500, s4  }
0x312: {  	[spmem:s1] =	stream.indirect.scatter.add.f32 [tilespmem:s28], [sflag:$0x1], $0x80, s22, s2, $0xb8;
	[tilespmem:$0x1BC00] =	vst v63  }
0x313: {  	s7 =	sadd.s32 $0x14580, s4  }
0x314: {  	[spmem:s1] =	stream.indirect.scatter.add.f32 [tilespmem:s28], [sflag:$0x1], $0x80, s7, s2, $0xb8;
	[tilespmem:$0x1BC00] =	vst v63  }
0x315: {  	s21 =	sadd.s32 $0x14600, s4  }
0x316: {  	[spmem:s1] =	stream.indirect.scatter.add.f32 [tilespmem:s28], [sflag:$0x1], $0x80, s21, s2, $0xb8;
	[tilespmem:$0x1BC00] =	vst v63  }
0x317: {  	s22 =	sadd.s32 $0x14680, s4  }
0x318: {  	[spmem:s1] =	stream.indirect.scatter.add.f32 [tilespmem:s28], [sflag:$0x1], $0x80, s22, s2, $0xb8;
	[tilespmem:$0x1BC00] =	vst v63  }
0x319: {  	s7 =	sadd.s32 $0x14700, s4  }
0x31a: {  	[spmem:s1] =	stream.indirect.scatter.add.f32 [tilespmem:s28], [sflag:$0x1], $0x80, s7, s2, $0xb8;
	[tilespmem:$0x1BC00] =	vst v63  }
0x31b: {  	s21 =	sadd.s32 $0x14780, s4  }
0x31c: {  	[spmem:s1] =	stream.indirect.scatter.add.f32 [tilespmem:s28], [sflag:$0x1], $0x80, s21, s2, $0xb8;
	[tilespmem:$0x1BC00] =	vst v63  }
0x31d: {  	s22 =	sadd.s32 $0x14800, s4  }
0x31e: {  	[spmem:s1] =	stream.indirect.scatter.add.f32 [tilespmem:s28], [sflag:$0x1], $0x80, s22, s2, $0xb8;
	[tilespmem:$0x1BC00] =	vst v63  }
0x31f: {  	s7 =	sadd.s32 $0x14880, s4  }
0x320: {  	[spmem:s1] =	stream.indirect.scatter.add.f32 [tilespmem:s28], [sflag:$0x1], $0x80, s7, s2, $0xb8;
	[tilespmem:$0x1BC00] =	vst v63  }
0x321: {  	s21 =	sadd.s32 $0x14900, s4  }
0x322: {  	[spmem:s1] =	stream.indirect.scatter.add.f32 [tilespmem:s28], [sflag:$0x1], $0x80, s21, s2, $0xb8;
	[tilespmem:$0x1BC00] =	vst v63  }
0x323: {  	s22 =	sadd.s32 $0x14980, s4  }
0x324: {  	[spmem:s1] =	stream.indirect.scatter.add.f32 [tilespmem:s28], [sflag:$0x1], $0x80, s22, s2, $0xb8;
	[tilespmem:$0x1BC00] =	vst v63  }
0x325: {  	s7 =	sadd.s32 $0x14A00, s4  }
0x326: {  	[spmem:s1] =	stream.indirect.scatter.add.f32 [tilespmem:s28], [sflag:$0x1], $0x80, s7, s2, $0xb8;
	[tilespmem:$0x1BC00] =	vst v63  }
0x327: {  	s21 =	sadd.s32 $0x14A80, s4  }
0x328: {  	[spmem:s1] =	stream.indirect.scatter.add.f32 [tilespmem:s28], [sflag:$0x1], $0x80, s21, s2, $0xb8;
	[tilespmem:$0x1BC00] =	vst v63  }
0x329: {  	s22 =	sadd.s32 $0x14B00, s4  }
0x32a: {  	[spmem:s1] =	stream.indirect.scatter.add.f32 [tilespmem:s28], [sflag:$0x1], $0x80, s22, s2, $0xb8;
	[tilespmem:$0x1BC00] =	vst v63  }
0x32b: {  	s7 =	sadd.s32 $0x14B80, s4  }
0x32c: {  	[spmem:s1] =	stream.indirect.scatter.add.f32 [tilespmem:s28], [sflag:$0x1], $0x80, s7, s2, $0xb8;
	[tilespmem:$0x1BC00] =	vst v63  }
0x32d: {  	s21 =	sadd.s32 $0x14C00, s4  }
0x32e: {  	[spmem:s1] =	stream.indirect.scatter.add.f32 [tilespmem:s28], [sflag:$0x1], $0x80, s21, s2, $0xb8;
	[tilespmem:$0x1BC00] =	vst v63  }
0x32f: {  	_ =	swait.ge [sflag:s31], $0x2800  }
0x330: {  	[sflag:s31] =	ssyncset.done $0x0  }
0x331: {  	[sflag:s31] =	ssyncadd.s32 $0xFFFFD800  }
0x332: {  	_ =	swait.ge [sflag:s31], $0x2800  }
0x333: {  	[sflag:s31] =	ssyncset.done $0x0  }
0x334: {  	[sflag:s31] =	ssyncadd.s32 $0xFFFFD800  }
0x335: {  	_ =	swait.ge [sflag:s31], $0x2800  }
0x336: {  	[sflag:s31] =	ssyncset.done $0x0  }
0x337: {  	[sflag:s31] =	ssyncadd.s32 $0xFFFFD800  }
0x338: {  	_ =	swait.ge [sflag:s31], $0x2800  }
0x339: {  	[sflag:s31] =	ssyncset.done $0x0  }
0x33a: {  	[sflag:s31] =	ssyncadd.s32 $0xFFFFD800  }
0x33b: {  	_ =	swait.ge [sflag:s31], $0x2800  }
0x33c: {  	[sflag:s31] =	ssyncset.done $0x0  }
0x33d: {  	[sflag:s31] =	ssyncadd.s32 $0xFFFFD800  }
0x33e: {  	_ =	swait.ge [sflag:s31], $0x2800  }
0x33f: {  	[sflag:s31] =	ssyncset.done $0x0  }
0x340: {  	[sflag:s31] =	ssyncadd.s32 $0xFFFFD800  }
0x341: {  	_ =	swait.ge [sflag:s31], $0x2800  }
0x342: {  	[sflag:s31] =	ssyncset.done $0x0  }
0x343: {  	[sflag:s31] =	ssyncadd.s32 $0xFFFFD800  }
0x344: {  	_ =	swait.ge [sflag:s31], $0x2800  }
0x345: {  	[sflag:s31] =	ssyncset.done $0x0  }
0x346: {  	[sflag:s31] =	ssyncadd.s32 $0xFFFFD800  }
0x347: {  	_ =	swait.ge [sflag:s31], $0x2800  }
0x348: {  	[sflag:s31] =	ssyncset.done $0x0  }
0x349: {  	[sflag:s31] =	ssyncadd.s32 $0xFFFFD800  }
0x34a: {  	_ =	swait.ge [sflag:s31], $0x2800  }
0x34b: {  	[sflag:s31] =	ssyncset.done $0x0  }
0x34c: {  	[sflag:s31] =	ssyncadd.s32 $0xFFFFD800  }
0x34d: {  	_ =	swait.ge [sflag:s31], $0x2800  }
0x34e: {  	[sflag:s31] =	ssyncset.done $0x0  }
0x34f: {  	[sflag:s31] =	ssyncadd.s32 $0xFFFFD800  }
0x350: {  	_ =	swait.ge [sflag:s31], $0x2800  }
0x351: {  	[sflag:s31] =	ssyncset.done $0x0  }
0x352: {  	[sflag:s31] =	ssyncadd.s32 $0xFFFFD800  }
0x353: {  	_ =	swait.ge [sflag:s31], $0x2800  }
0x354: {  	[sflag:s31] =	ssyncset.done $0x0  }
0x355: {  	[sflag:s31] =	ssyncadd.s32 $0xFFFFD800  }
0x356: {  	_ =	swait.ge [sflag:s31], $0x2800  }
0x357: {  	[sflag:s31] =	ssyncset.done $0x0  }
0x358: {  	[sflag:s31] =	ssyncadd.s32 $0xFFFFD800  }
0x359: {  	_ =	swait.ge [sflag:s31], $0x2800  }
0x35a: {  	[sflag:s31] =	ssyncset.done $0x0  }
0x35b: {  	[sflag:s31] =	ssyncadd.s32 $0xFFFFD800  }
0x35c: {  	_ =	swait.ge [sflag:s31], $0x2800  }
0x35d: {  	[sflag:s31] =	ssyncset.done $0x0  }
0x35e: {  	[sflag:s31] =	ssyncadd.s32 $0xFFFFD800  }
0x35f: {  	_ =	swait.ge [sflag:s31], $0x2800  }
0x360: {  	[sflag:s31] =	ssyncset.done $0x0  }
0x361: {  	[sflag:s31] =	ssyncadd.s32 $0xFFFFD800  }
0x362: {  	_ =	swait.ge [sflag:s31], $0x2800  }
0x363: {  	[sflag:s31] =	ssyncset.done $0x0  }
0x364: {  	[sflag:s31] =	ssyncadd.s32 $0xFFFFD800  }
0x365: {  	_ =	swait.ge [sflag:s31], $0x2800  }
0x366: {  	[sflag:s31] =	ssyncset.done $0x0  }
0x367: {  	[sflag:s31] =	ssyncadd.s32 $0xFFFFD800  }
0x368: {  	_ =	swait.ge [sflag:s31], $0x2800  }
0x369: {  	[sflag:s31] =	ssyncset.done $0x0  }
0x36a: {  	[sflag:s31] =	ssyncadd.s32 $0xFFFFD800  }
0x36b: {  	_ =	swait.ge [sflag:s31], $0x2800  }
0x36c: {  	[sflag:s31] =	ssyncset.done $0x0  }
0x36d: {  	[sflag:s31] =	ssyncadd.s32 $0xFFFFD800  }
0x36e: {  	_ =	swait.ge [sflag:s31], $0x2800  }
0x36f: {  	[sflag:s31] =	ssyncset.done $0x0  }
0x370: {  	[sflag:s31] =	ssyncadd.s32 $0xFFFFD800  }
0x371: {  	_ =	swait.ge [sflag:s31], $0x2800  }
0x372: {  	[sflag:s31] =	ssyncset.done $0x0  }
0x373: {  	[sflag:s31] =	ssyncadd.s32 $0xFFFFD800  }
0x374: {  	_ =	swait.ge [sflag:s31], $0x2800  }
0x375: {  	[sflag:s31] =	ssyncset.done $0x0  }
0x376: {  	[sflag:s31] =	ssyncadd.s32 $0xFFFFD800  }
0x377: {  	_ =	swait.ge [sflag:s31], $0x2800  }
0x378: {  	[sflag:s31] =	ssyncset.done $0x0  }
0x379: {  	[sflag:s31] =	ssyncadd.s32 $0xFFFFD800  }
0x37a: {  	[bflag:$0x0] =	sbarrier.arrive $0xFFFF  }
0x37b: {  	[tilespmem:s30], [sflag:$0x2] =	stream.linear.gather [spmem:s6], $0x1400, $0x38;
	[tilespmem:$0x1BC00] =	vst v63  }
0x37c: {  	_ =	swait.ge [sflag:s29], $0x1400  }
0x37d: {  	[sflag:s29] =	ssyncset.done $0x0  }
0x37e: {  	s22 =	sadd.s32 $0x0, s24;
	[sflag:s29] =	ssyncadd.s32 $0xFFFFEC00  }
0x37f: {  	[hbm4b:s22+s3] =	stream.linear.scatter [tilespmem:s30], [sflag:$0x2], $0x1400, $0x38;
	[tilespmem:$0x1BC00] =	vst v63  }
0x380: {  	_ =	swait.ge [sflag:s29], $0x1400  }
0x381: {  	s4 =	simm.s32 $0x280;
	s21 =	smov.u32 s6;
	[sflag:s29] =	ssyncset.done $0x0  }
.LBB2_10:
0x382: {  	p1 =	sne.s32 s4, $0x2580;
	[sflag:s29] =	ssyncadd.s32 $0xFFFFEC00;
	s21 =	sadd.s32 $0x1400, s21  }
0x383: {  	[tilespmem:s30], [sflag:$0x2] =	stream.linear.gather [spmem:s21], $0x1400, $0x38;
	[tilespmem:$0x1BC00] =	vst v63  }
0x384: {  	s5 =	smov.u32 s4;
	s4 =	sadd.s32 $0x280, s4;
	_ =	swait.ge [sflag:s29], $0x1400  }
.Ltmp7:
0x385: {  	[sflag:s29] =	ssyncset.done $0x0;
	(pc) =	sbr.rel @p1 .LBB2_10-.Ltmp7, $4  }
0x386: {  	s5 =	sadd.s32 s5, s24;
	[sflag:s29] =	ssyncadd.s32 $0xFFFFEC00  }
0x387: {  	[hbm4b:s5+s3] =	stream.linear.scatter [tilespmem:s30], [sflag:$0x2], $0x1400, $0x38;
	[tilespmem:$0x1BC00] =	vst v63  }
0x388: {  	_ =	swait.ge [sflag:s29], $0x1400  }
0x389: {  	[sflag:s29] =	ssyncset.done $0x0  }
.Ltmp8:
0x38a: {  	_ = 	snop;
	(pc) =	sbr.rel .LBB2_11-.Ltmp8, $1  }
0x38b: {  	_ =	sdelay $0x3  }
.LBB2_13:
0x38c: {  	_ =	sfence.sel $0x180000  }
0x38d: {  	[bflag:$0x0] =	sbarrier.arrive $0xFFFF  }
0x38e: {  	_ =	strace $0x9000004A  }
0x38f: {  	s0 =	stileid.u32;
	[bflag:$0x2] =	sbarrier.arrive $0xFFFF  }
0x390: {  	p0 =	sne.s32 s0, $0x0;
	s0 =	rddreg [dreg:$0x2]  }
0x391: {  	s0 =	sadd.s32 @!p0 $0x100000, s0  }
0x392: {  	[sflag:s0] =	ssyncadd.tile.s32 @!p0 $0x1;
	_ =	shalt  }
.Lfunc_end2:
_tile_overlayer_lowered:
.L_overlay_start_2:
0x393: {  	(tag) =	ssettag $0x2  }
0x394: {  	s0 =	rddreg [dreg:$0x0];
	s2 =	stileid.u32  }
0x395: {  	s1 =	rddreg [dreg:$0x1];
	p0 =	sne.s32 s2, $0x0  }
0x396: {  	s3 =	rddreg [dreg:$0x2];
	[bflag:$0x3] =	sbarrier.arrive $0xFFFF;
	s2 =	simm.s32 @!p0 $0x1C02  }
0x397: {  	[timem:s3], [sflag:s2] =	dma.local @!p0 [hbm:s0], s1  }
0x398: {  	s0 =	simm.s32 @!p0 $0x2  }
0x399: {  	_ =	swait.ge @!p0 [sflag:s0], s1  }
0x39a: {  	s1 =	ssub.s32 @!p0 $0x0, s1;
	[sflag:s0] =	ssyncset.done @!p0 $0x0  }
0x39b: {  	[sflag:s0] =	ssyncadd.s32 @!p0 s1  }
0x39c: {  	[bflag:$0x3] =	sbarrier.arrive $0xFFFF  }
0x39d: {  	_ =	shalt  }

</sc_bundles>
